<compile_context>
chip_gen: v7x
topology: tpu7x:2x2x1
jax: 0.10.2.dev20260603
libtpu: 0.0.44.dev20260713+nightly
codegen_flags: <defaults>
</compile_context>

<pallas_src>
import functools

import numpy as np
import jax
import jax.numpy as jnp
from jax import lax
from jax.experimental import pallas as pl
from jax.experimental.pallas import tpu as pltpu
from jax.experimental.pallas import tpu_sc as plsc

_NS = 48
_NV = 10
_OUT_W = _NS + 3 * _NV + 5 * _NV


def _repeat_mat(nv, w):
    r = np.zeros((nv, nv * w), np.float32)
    for v in range(nv):
        r[v, v * w:(v + 1) * w] = 1.0
    return r


def _tile_mat(w, nv):
    s = np.zeros((w, nv * w), np.float32)
    for v in range(nv):
        for j in range(w):
            s[j, v * w + j] = 1.0
    return s


def _blockdiag(a, b):
    out = np.zeros((a.shape[0] + b.shape[0], a.shape[1] + b.shape[1]), np.float32)
    out[:a.shape[0], :a.shape[1]] = a
    out[a.shape[0]:, a.shape[1]:] = b
    return out


_RCAT = _blockdiag(_repeat_mat(_NV, 3), _repeat_mat(_NV, 5))
_SCAT = _blockdiag(_tile_mat(3, _NV), _tile_mat(5, _NV))


@functools.lru_cache(maxsize=None)
def _make_gather(n, e, ns):
    info = plsc.get_sparse_core_info()
    nc, nsub = info.num_cores, info.num_subcores
    nw = nc * nsub
    epw = e // nw
    k = 1000
    iters = epw // k
    assert epw * nw == e and iters * k == epw and (epw % 8) == 0

    mesh = plsc.VectorSubcoreMesh(core_axis_name="c", subcore_axis_name="s")

    @functools.partial(
        pl.kernel,
        mesh=mesh,
        compiler_params=pltpu.CompilerParams(use_tc_tiling_on_sc=False),
        out_type=jax.ShapeDtypeStruct((e, 128), jnp.float32),
        scratch_types=[
            pltpu.VMEM((k,), jnp.int32),
            pltpu.VMEM((k,), jnp.int32),
            pltpu.VMEM((k, ns), jnp.float32),
            pltpu.VMEM((k, ns), jnp.float32),
            pltpu.SemaphoreType.DMA,
            pltpu.SemaphoreType.DMA,
            pltpu.SemaphoreType.DMA,
        ],
    )
    def gather_k(x_hbm, src_hbm, dst_hbm, xsd_hbm, si_v, di_v, sr_v, dr_v,
                 s_idx, s_g, s_st):
        wid = lax.axis_index("s") * nc + lax.axis_index("c")
        base = wid * epw

        def idx_load(off):
            pltpu.async_copy(src_hbm.at[pl.ds(off, k)], si_v, s_idx)
            pltpu.async_copy(dst_hbm.at[pl.ds(off, k)], di_v, s_idx)

        def idx_wait(off):
            pltpu.make_async_copy(src_hbm.at[pl.ds(off, k)], si_v, s_idx).wait()
            pltpu.make_async_copy(dst_hbm.at[pl.ds(off, k)], di_v, s_idx).wait()

        def st(off):
            pltpu.async_copy(sr_v, xsd_hbm.at[pl.ds(off, k), pl.ds(0, ns)], s_st)
            pltpu.async_copy(dr_v, xsd_hbm.at[pl.ds(off, k), pl.ds(ns, ns)], s_st)

        def st_wait(off):
            pltpu.make_async_copy(
                sr_v, xsd_hbm.at[pl.ds(off, k), pl.ds(0, ns)], s_st).wait()
            pltpu.make_async_copy(
                dr_v, xsd_hbm.at[pl.ds(off, k), pl.ds(ns, ns)], s_st).wait()

        idx_load(base)

        def step(i, carry):
            off = base + i * k

            @pl.when(i > 0)
            def _():
                st_wait(off - k)

            idx_wait(off)
            pltpu.async_copy(x_hbm.at[si_v], sr_v, s_g)
            pltpu.async_copy(x_hbm.at[di_v], dr_v, s_g)
            pltpu.make_async_copy(x_hbm.at[si_v], sr_v, s_g).wait()
            pltpu.make_async_copy(x_hbm.at[di_v], dr_v, s_g).wait()

            @pl.when(i + 1 < iters)
            def _():
                idx_load(off + k)

            st(off)
            return carry

        lax.fori_loop(0, iters, step, 0)
        st_wait(base + (iters - 1) * k)

    return gather_k


@functools.lru_cache(maxsize=None)
def _make_messages(e, eh, ns, nv, half):
    be = 6400 if eh % 6400 == 0 else 3200
    grid = eh // be
    hoff = half * (eh // be)
    assert grid * be == eh and be % 128 == 0

    ng = ns + 2 * nv

    def body(ea, xsd, evt, b1big, w2, b1, b2, rcat, scat, out):
        f32 = jnp.float32
        xsd_b = xsd[...]
        cat = jnp.concatenate([ea[...], xsd_b[:, :ns], xsd_b[:, ns:2 * ns]],
                              axis=1)
        hp = jnp.dot(cat, b1big[...], preferred_element_type=f32)
        h = jax.nn.relu(hp[:, :ns] + b1[...])
        p = hp[:, ns:]
        g = jnp.dot(h, w2[...], preferred_element_type=f32) + b2[...]
        t = g * p
        a12 = jnp.dot(t[:, ns:], rcat[...], preferred_element_type=f32)
        ev = evt[...]
        vx, vy, vz = ev[0:1, :], ev[1:2, :], ev[2:3, :]
        inv = 1.0 / (jnp.sqrt(vx * vx + vy * vy + vz * vz) + 1e-8)
        nx, ny, nz = vx * inv, vy * inv, vz * inv
        sq3, sq15 = np.sqrt(3.0), np.sqrt(15.0)
        shr = jnp.concatenate([
            nx * sq3, ny * sq3, nz * sq3,
            nx * ny * sq15,
            ny * nz * sq15,
            (3.0 * nz * nz - 1.0) / (2.0 * sq3) * sq15,
            nz * nx * sq15,
            (nx * nx - ny * ny) / 2.0 * sq15,
        ], axis=0)
        she = lax.dot_general(shr, scat[...], (((0,), (0,)), ((), ())),
                              preferred_element_type=f32)
        out[...] = jnp.concatenate([t[:, :ns], a12 * she], axis=1)

    def full(shape):
        return pl.BlockSpec(shape, lambda i: (0, 0))

    return pl.pallas_call(
        body,
        grid=(grid,),
        in_specs=[
            pl.BlockSpec((be, ns), lambda i: (i, 0)),
            pl.BlockSpec((be, 128), lambda i: (i + hoff, 0)),
            pl.BlockSpec((3, be), lambda i: (0, i + hoff)),
            full((3 * ns, ns + ng)),
            full((ns, ng)),
            full((1, ns)), full((1, ng)),
            full((2 * nv, 8 * nv)),
            full((8, 8 * nv)),
        ],
        out_specs=pl.BlockSpec((be, _OUT_W), lambda i: (i, 0)),
        out_shape=jax.ShapeDtypeStruct((eh, _OUT_W), jnp.float32),
    )


@functools.lru_cache(maxsize=None)
def _make_scatter(n, eh):
    info = plsc.get_sparse_core_info()
    nc, nsub = info.num_cores, info.num_subcores
    cw = _OUT_W // 8
    rpt = n // nsub
    rco = 625
    k = 1000
    ept = eh // nsub
    iters = ept // k
    dco = 5000
    assert rpt * nsub == n and iters * k == ept and (rpt % rco) == 0
    assert (n % dco) == 0 and (dco % 8) == 0

    mesh = plsc.VectorSubcoreMesh(core_axis_name="c", subcore_axis_name="s")

    @functools.partial(
        pl.kernel,
        mesh=mesh,
        compiler_params=pltpu.CompilerParams(use_tc_tiling_on_sc=False),
        out_type=(jax.ShapeDtypeStruct((n, _OUT_W), jnp.float32),
                  jax.ShapeDtypeStruct((n,), jnp.float32)),
        scratch_types=[
            pltpu.VMEM((k,), jnp.int32),
            pltpu.VMEM((k, cw), jnp.float32),
            pltpu.VMEM((k,), jnp.int32),
            pltpu.VMEM((k, cw), jnp.float32),
            pltpu.VMEM((k,), jnp.float32),
            pltpu.VMEM((rco, cw), jnp.float32),
            pltpu.VMEM((dco,), jnp.float32),
            pltpu.VMEM_SHARED((n, cw), jnp.float32),
            pltpu.VMEM_SHARED((n,), jnp.float32),
            pltpu.SemaphoreType.DMA,
            pltpu.SemaphoreType.DMA,
        ],
    )
    def scatter_k(m_hbm, dst_hbm, z2_hbm, z1_hbm, ones_hbm, osum_hbm, deg_hbm,
                  idx_a, val_a, idx_b, val_b, ones_v, out_v, deg_v,
                  acc_sp, deg_sp, s_a, s_b):
        cid = lax.axis_index("c")
        sid = lax.axis_index("s")
        r0 = sid * rpt
        npairs = iters // 2
        tail = iters - 2 * npairs

        def chunk_work(c, do_deg):
            col = c * cw
            ebase = sid * ept

            def load(off, idx_v, val_v, sem):
                pltpu.async_copy(dst_hbm.at[pl.ds(off, k)], idx_v, sem)
                pltpu.async_copy(
                    m_hbm.at[pl.ds(off, k), pl.ds(col, cw)], val_v, sem)

            def load_wait(off, idx_v, val_v, sem):
                pltpu.make_async_copy(
                    dst_hbm.at[pl.ds(off, k)], idx_v, sem).wait()
                pltpu.make_async_copy(
                    m_hbm.at[pl.ds(off, k), pl.ds(col, cw)], val_v, sem).wait()

            plsc.subcore_barrier()

            @pl.when(sid == 0)
            def _zero():
                pltpu.sync_copy(z2_hbm, acc_sp)

            if do_deg:
                @pl.when(sid == 1)
                def _zero_deg():
                    pltpu.sync_copy(z1_hbm, deg_sp)
                pltpu.sync_copy(ones_hbm, ones_v)

            load(ebase, idx_a, val_a, s_a)
            plsc.subcore_barrier()

            def step(j, carry):
                offa = ebase + 2 * j * k
                offb = offa + k
                load_wait(offa, idx_a, val_a, s_a)
                load(offb, idx_b, val_b, s_b)
                pltpu.sync_copy(val_a, acc_sp.at[idx_a], add=True)
                if do_deg:
                    pltpu.sync_copy(ones_v, deg_sp.at[idx_a], add=True)

                @pl.when(jnp.logical_or(j + 1 < npairs, tail > 0))
                def _():
                    load(offa + 2 * k, idx_a, val_a, s_a)

                load_wait(offb, idx_b, val_b, s_b)
                pltpu.sync_copy(val_b, acc_sp.at[idx_b], add=True)
                if do_deg:
                    pltpu.sync_copy(ones_v, deg_sp.at[idx_b], add=True)
                return carry

            lax.fori_loop(0, npairs, step, 0)
            if tail:
                offt = ebase + (iters - 1) * k
                load_wait(offt, idx_a, val_a, s_a)
                pltpu.sync_copy(val_a, acc_sp.at[idx_a], add=True)
                if do_deg:
                    pltpu.sync_copy(ones_v, deg_sp.at[idx_a], add=True)
            plsc.subcore_barrier()
            for j in range(rpt // rco):
                rr = r0 + j * rco
                pltpu.sync_copy(acc_sp.at[pl.ds(rr, rco)], out_v)
                pltpu.sync_copy(out_v, osum_hbm.at[pl.ds(rr, rco), pl.ds(col, cw)])
            if do_deg:
                @pl.when(sid == 0)
                def _deg_out():
                    def dstep(j, carry):
                        doff = j * dco
                        pltpu.sync_copy(deg_sp.at[pl.ds(doff, dco)], deg_v)
                        pltpu.sync_copy(deg_v, deg_hbm.at[pl.ds(doff, dco)])
                        return carry
                    lax.fori_loop(0, n // dco, dstep, 0)

        @pl.when(cid == 0)
        def _sc0():
            for t in range(4):
                chunk_work(t, t == 0)

        @pl.when(cid == 1)
        def _sc1():
            for t in range(4, 8):
                chunk_work(t, False)

    return scatter_k


@functools.lru_cache(maxsize=None)
def _make_divide(n):
    bn = 2000
    grid = n // bn
    assert grid * bn == n

    def body(osum, deg, out):
        out[...] = osum[...] / jnp.maximum(deg[...], 1.0)

    return pl.pallas_call(
        body,
        grid=(grid,),
        in_specs=[
            pl.BlockSpec((bn, _OUT_W), lambda i: (i, 0)),
            pl.BlockSpec((bn, 1), lambda i: (i, 0)),
        ],
        out_specs=pl.BlockSpec((bn, _OUT_W), lambda i: (i, 0)),
        out_shape=jax.ShapeDtypeStruct((n, _OUT_W), jnp.float32),
    )


def kernel(x, edge_index, edge_attr, edge_vec, W1, b1, W2, b2, P0, P1, P2):
    n, ns = x.shape
    e = edge_index.shape[1]
    nv = P1.shape[1]
    src = edge_index[0]
    dst = edge_index[1]

    xsd = _make_gather(n, e, ns)(x, src, dst)

    evt = edge_vec.T
    ng = ns + 2 * nv
    pp = jnp.concatenate([P0, P1, P2], axis=1)
    zpad = jnp.zeros((ns, ng), jnp.float32)
    b1big = jnp.concatenate([
        jnp.concatenate([W1[:ns], zpad], axis=1),
        jnp.concatenate([W1[ns:2 * ns], pp], axis=1),
        jnp.concatenate([W1[2 * ns:], zpad], axis=1),
    ], axis=0)
    z2 = jnp.zeros((n, _OUT_W // 8), jnp.float32)
    z1 = jnp.zeros((n,), jnp.float32)
    ones = jnp.ones((1000,), jnp.float32)
    m = _make_messages(e, e, ns, nv, 0)(
        edge_attr, xsd, evt, b1big, W2, b1.reshape(1, ns),
        b2.reshape(1, ng), _RCAT, _SCAT)
    osum, deg = _make_scatter(n, e)(m, dst, z2, z1, ones)
    return _make_divide(n)(osum, deg.reshape(n, 1))

# --- scband reference (transcript-rebuilt; emitter-appended) ---
"""Pipeline reference for scband-tensor-product-score-model-all-atom-38242388803825 (READ-ONLY COPY).

The authoritative reference and input builder live on the scoring server;
editing this copy changes nothing except your own understanding.
"""

import jax, jax.numpy as jnp
import numpy as np

N = 50000
E = 800000
NS = 48
NV = 10


def _sph(vec):
    n = vec / (jnp.linalg.norm(vec, axis=-1, keepdims=True) + 1e-8)
    x, y, z = n[:, 0], n[:, 1], n[:, 2]
    sh1 = n * np.sqrt(3.0)
    sh2 = jnp.stack([
        x * y,
        y * z,
        (3.0 * z * z - 1.0) / (2.0 * np.sqrt(3.0)),
        z * x,
        (x * x - y * y) / 2.0,
    ], axis=-1) * np.sqrt(15.0)
    return sh1, sh2


def setup_inputs(seed: int = 0) -> dict:
    key = jax.random.key(seed)
    ks = jax.random.split(key, 11)
    x = jax.random.normal(ks[0], (N, NS), dtype=jnp.float32)
    edge_index = jax.random.randint(ks[1], (2, E), 0, N, dtype=jnp.int32)
    edge_attr = jax.random.normal(ks[2], (E, NS), dtype=jnp.float32)
    edge_vec = jax.random.normal(ks[3], (E, 3), dtype=jnp.float32)
    # learned params: edge-feature MLP producing per-path tensor-product gates,
    # plus per-path linear projections (0e->0e, 0e->1o, 0e->2e)
    W1 = jax.random.normal(ks[4], (3 * NS, NS), dtype=jnp.float32) * 0.05
    b1 = jnp.zeros((NS,), dtype=jnp.float32)
    W2 = jax.random.normal(ks[5], (NS, NS + 2 * NV), dtype=jnp.float32) * 0.05
    b2 = jnp.zeros((NS + 2 * NV,), dtype=jnp.float32)
    P0 = jax.random.normal(ks[6], (NS, NS), dtype=jnp.float32) * 0.05
    P1 = jax.random.normal(ks[7], (NS, NV), dtype=jnp.float32) * 0.05
    P2 = jax.random.normal(ks[8], (NS, NV), dtype=jnp.float32) * 0.05
    return {"x": x, "edge_index": edge_index, "edge_attr": edge_attr,
            "edge_vec": edge_vec, "W1": W1, "b1": b1, "W2": W2, "b2": b2,
            "P0": P0, "P1": P1, "P2": P2}


def reference(x, edge_index, edge_attr, edge_vec, W1, b1, W2, b2, P0, P1, P2):
    src = edge_index[0]
    dst = edge_index[1]
    num_nodes = x.shape[0]
    num_edges = src.shape[0]
    # gather node features at edge endpoints
    x_src = jnp.take(x, src, axis=0)
    x_dst = jnp.take(x, dst, axis=0)
    # edge feature MLP -> tensor-product path gates (TensorProductConvLayer fc)
    ef = jnp.concatenate([edge_attr, x_src, x_dst], axis=-1)
    h = jax.nn.relu(ef @ W1 + b1)
    gates = h @ W2 + b2
    g0 = gates[:, :NS]
    g1 = gates[:, NS:NS + NV]
    g2 = gates[:, NS + NV:]
    # spherical harmonics of edge direction (lmax=2)
    sh1, sh2 = _sph(edge_vec)
    # per-path weighted tensor product messages
    m0 = g0 * (x_src @ P0)                                   # [E, NS]   0e x 0e -> 0e
    m1 = (g1 * (x_src @ P1))[:, :, None] * sh1[:, None, :]   # [E, NV,3] 0e x 1o -> 1o
    m2 = (g2 * (x_src @ P2))[:, :, None] * sh2[:, None, :]   # [E, NV,5] 0e x 2e -> 2e
    # scatter-mean aggregation onto destination nodes
    deg = jax.ops.segment_sum(jnp.ones((num_edges,), x.dtype), dst,
                              num_segments=num_nodes)
    deg = jnp.maximum(deg, 1.0)
    o0 = jax.ops.segment_sum(m0, dst, num_segments=num_nodes) / deg[:, None]
    o1 = jax.ops.segment_sum(m1.reshape(num_edges, NV * 3), dst,
                             num_segments=num_nodes) / deg[:, None]
    o2 = jax.ops.segment_sum(m2.reshape(num_edges, NV * 5), dst,
                             num_segments=num_nodes) / deg[:, None]
    return jnp.concatenate([o0, o1, o2], axis=-1)

if __name__ == "__main__":
    import jax
    _d = setup_inputs()
    print(jax.jit(kernel)(*tuple(_d.values())))

</pallas_src>

<mosaic_0001>
#map = affine_map<(d0, d1) -> (0, 0)>
#map1 = affine_map<(d0, d1) -> (0)>
module attributes {stable_mosaic.version = 14 : i64} {
  func.func @scatter_k(%arg0: i32, %arg1: i32, %arg2: memref<800000x128xf32, #tpu.memory_space<hbm>>, %arg3: memref<800000xi32, #tpu.memory_space<hbm>>, %arg4: memref<50000x16xf32, #tpu.memory_space<hbm>>, %arg5: memref<50000xf32, #tpu.memory_space<hbm>>, %arg6: memref<1000xf32, #tpu.memory_space<hbm>>, %arg7: memref<50000x128xf32, #tpu.memory_space<hbm>>, %arg8: memref<50000xf32, #tpu.memory_space<hbm>>, %arg9: memref<1000xi32, #tpu.memory_space<vmem>>, %arg10: memref<1000x16xf32, #tpu.memory_space<vmem>>, %arg11: memref<1000xi32, #tpu.memory_space<vmem>>, %arg12: memref<1000x16xf32, #tpu.memory_space<vmem>>, %arg13: memref<1000xf32, #tpu.memory_space<vmem>>, %arg14: memref<625x16xf32, #tpu.memory_space<vmem>>, %arg15: memref<5000xf32, #tpu.memory_space<vmem>>, %arg16: memref<50000x16xf32, #tpu.memory_space<vmem_shared>>, %arg17: memref<50000xf32, #tpu.memory_space<vmem_shared>>, %arg18: memref<!tpu.dma_semaphore, #tpu.memory_space<semaphore_mem>>, %arg19: memref<!tpu.dma_semaphore, #tpu.memory_space<semaphore_mem>>) attributes {dimension_semantics = [#tpu.dimension_semantics<core_parallel>, #tpu.dimension_semantics<subcore_parallel>], iteration_bounds = array<i64: 2, 16>, scalar_prefetch = 0 : i64, scratch_operands = 11 : i64, tpu.core_type = #tpu.core_type<sc_vector_subcore>, window_params = [{transform_indices = #map}, {transform_indices = #map1}, {transform_indices = #map}, {transform_indices = #map1}, {transform_indices = #map1}, {transform_indices = #map}, {transform_indices = #map1}]} {
    %mul3A = arith.constant 3125 : i32
    %mul3A_0 = arith.muli %arg1, %mul3A : i32
    %eq3A = arith.constant 0 : i32
    %eq3A_1 = arith.cmpi eq, %arg0, %eq3A : i32
    %convert_element_type3A = arith.extui %eq3A_1 : i1 to i32
    %cond3A = arith.constant 0 : i32
    %cond3A_2 = arith.cmpi ne, %convert_element_type3A, %cond3A : i32
    scf.if %cond3A_2 {
      %mul3A_8 = arith.constant 50000 : i32
      %mul3A_9 = arith.muli %arg1, %mul3A_8 : i32
      %barrier3A = arith.constant 0 : index
      tpu.barrier barrier_id(%barrier3A)
      %eq3A_10 = arith.constant 0 : i32
      %eq3A_11 = arith.cmpi eq, %arg1, %eq3A_10 : i32
      %convert_element_type3A_12 = arith.extui %eq3A_11 : i1 to i32
      %cond3A_13 = arith.constant 0 : i32
      %cond3A_14 = arith.cmpi ne, %convert_element_type3A_12, %cond3A_13 : i32
      scf.if %cond3A_14 {
        "tpu.region"() ({
          %run_scoped3A = tpu.sem_alloc : memref<!tpu.dma_semaphore, #tpu.memory_space<semaphore_mem>>
          tpu.enqueue_dma source(%arg4 : memref<50000x16xf32, #tpu.memory_space<hbm>>) target(%arg16 : memref<50000x16xf32, #tpu.memory_space<vmem_shared>>) target_semaphore(%run_scoped3A : memref<!tpu.dma_semaphore, #tpu.memory_space<semaphore_mem>>)
          tpu.wait_dma2 semaphore(%run_scoped3A : memref<!tpu.dma_semaphore, #tpu.memory_space<semaphore_mem>>) src(%arg4 : memref<50000x16xf32, #tpu.memory_space<hbm>>) dst(%arg16 : memref<50000x16xf32, #tpu.memory_space<vmem_shared>>)
          tpu.yield
        }) : () -> ()
      } else {
      }
      %eq3A_15 = arith.constant 1 : i32
      %eq3A_16 = arith.cmpi eq, %arg1, %eq3A_15 : i32
      %convert_element_type3A_17 = arith.extui %eq3A_16 : i1 to i32
      %cond3A_18 = arith.constant 0 : i32
      %cond3A_19 = arith.cmpi ne, %convert_element_type3A_17, %cond3A_18 : i32
      scf.if %cond3A_19 {
        "tpu.region"() ({
          %run_scoped3A = tpu.sem_alloc : memref<!tpu.dma_semaphore, #tpu.memory_space<semaphore_mem>>
          tpu.enqueue_dma source(%arg5 : memref<50000xf32, #tpu.memory_space<hbm>>) target(%arg17 : memref<50000xf32, #tpu.memory_space<vmem_shared>>) target_semaphore(%run_scoped3A : memref<!tpu.dma_semaphore, #tpu.memory_space<semaphore_mem>>)
          tpu.wait_dma2 semaphore(%run_scoped3A : memref<!tpu.dma_semaphore, #tpu.memory_space<semaphore_mem>>) src(%arg5 : memref<50000xf32, #tpu.memory_space<hbm>>) dst(%arg17 : memref<50000xf32, #tpu.memory_space<vmem_shared>>)
          tpu.yield
        }) : () -> ()
      } else {
      }
      "tpu.region"() ({
        %run_scoped3A = tpu.sem_alloc : memref<!tpu.dma_semaphore, #tpu.memory_space<semaphore_mem>>
        tpu.enqueue_dma source(%arg6 : memref<1000xf32, #tpu.memory_space<hbm>>) target(%arg13 : memref<1000xf32, #tpu.memory_space<vmem>>) target_semaphore(%run_scoped3A : memref<!tpu.dma_semaphore, #tpu.memory_space<semaphore_mem>>)
        tpu.wait_dma2 semaphore(%run_scoped3A : memref<!tpu.dma_semaphore, #tpu.memory_space<semaphore_mem>>) src(%arg6 : memref<1000xf32, #tpu.memory_space<hbm>>) dst(%arg13 : memref<1000xf32, #tpu.memory_space<vmem>>)
        tpu.yield
      }) : () -> ()
      %dma_start3A = tpu.memref_slice %arg3[%mul3A_9] : memref<800000xi32, #tpu.memory_space<hbm>> -> memref<1000xi32, #tpu.memory_space<hbm>>
      %dma_start3A_20 = tpu.memref_slice %arg3[%mul3A_9] : memref<800000xi32, #tpu.memory_space<hbm>> -> memref<1000xi32, #tpu.memory_space<hbm>>
      tpu.enqueue_dma source(%dma_start3A_20 : memref<1000xi32, #tpu.memory_space<hbm>>) target(%arg9 : memref<1000xi32, #tpu.memory_space<vmem>>) target_semaphore(%arg18 : memref<!tpu.dma_semaphore, #tpu.memory_space<semaphore_mem>>)
      %dma_start3A_21 = arith.constant 0 : i32
      %dma_start3A_22 = tpu.memref_slice %arg2[%mul3A_9, %dma_start3A_21] : memref<800000x128xf32, #tpu.memory_space<hbm>> -> memref<1000x16xf32, #tpu.memory_space<hbm>>
      %dma_start3A_23 = arith.constant 0 : i32
      %dma_start3A_24 = tpu.memref_slice %arg2[%mul3A_9, %dma_start3A_23] : memref<800000x128xf32, #tpu.memory_space<hbm>> -> memref<1000x16xf32, #tpu.memory_space<hbm>>
      tpu.enqueue_dma source(%dma_start3A_24 : memref<1000x16xf32, #tpu.memory_space<hbm>>) target(%arg10 : memref<1000x16xf32, #tpu.memory_space<vmem>>) target_semaphore(%arg18 : memref<!tpu.dma_semaphore, #tpu.memory_space<semaphore_mem>>)
      %barrier3A_25 = arith.constant 0 : index
      tpu.barrier barrier_id(%barrier3A_25)
      %scan3A = arith.constant 0 : i32
      %scan3A_26 = arith.constant 0 : i32
      %scan3A_27 = arith.constant 25 : i32
      %scan3A_28 = arith.addi %scan3A_26, %scan3A_27 : i32
      %scan3A_29 = arith.constant 1 : i32
      scf.for %scan3A_142 = %scan3A_26 to %scan3A_28 step %scan3A_29  : i32 {
        %mul3A_143 = arith.constant 2 : i32
        %mul3A_144 = arith.muli %mul3A_143, %scan3A_142 : i32
        %mul3A_145 = arith.constant 1000 : i32
        %mul3A_146 = arith.muli %mul3A_144, %mul3A_145 : i32
        %add3A_147 = arith.addi %mul3A_9, %mul3A_146 : i32
        %add3A_148 = arith.constant 1000 : i32
        %add3A_149 = arith.addi %add3A_147, %add3A_148 : i32
        %dma_wait3A = tpu.memref_slice %arg3[%add3A_147] : memref<800000xi32, #tpu.memory_space<hbm>> -> memref<1000xi32, #tpu.memory_space<hbm>>
        %dma_wait3A_150 = tpu.memref_slice %arg3[%add3A_147] : memref<800000xi32, #tpu.memory_space<hbm>> -> memref<1000xi32, #tpu.memory_space<hbm>>
        tpu.wait_dma2 semaphore(%arg18 : memref<!tpu.dma_semaphore, #tpu.memory_space<semaphore_mem>>) src(%dma_wait3A_150 : memref<1000xi32, #tpu.memory_space<hbm>>) dst(%arg9 : memref<1000xi32, #tpu.memory_space<vmem>>)
        %dma_wait3A_151 = arith.constant 0 : i32
        %dma_wait3A_152 = tpu.memref_slice %arg2[%add3A_147, %dma_wait3A_151] : memref<800000x128xf32, #tpu.memory_space<hbm>> -> memref<1000x16xf32, #tpu.memory_space<hbm>>
        %dma_wait3A_153 = arith.constant 0 : i32
        %dma_wait3A_154 = tpu.memref_slice %arg2[%add3A_147, %dma_wait3A_153] : memref<800000x128xf32, #tpu.memory_space<hbm>> -> memref<1000x16xf32, #tpu.memory_space<hbm>>
        tpu.wait_dma2 semaphore(%arg18 : memref<!tpu.dma_semaphore, #tpu.memory_space<semaphore_mem>>) src(%dma_wait3A_154 : memref<1000x16xf32, #tpu.memory_space<hbm>>) dst(%arg10 : memref<1000x16xf32, #tpu.memory_space<vmem>>)
        %dma_start3A_155 = tpu.memref_slice %arg3[%add3A_149] : memref<800000xi32, #tpu.memory_space<hbm>> -> memref<1000xi32, #tpu.memory_space<hbm>>
        %dma_start3A_156 = tpu.memref_slice %arg3[%add3A_149] : memref<800000xi32, #tpu.memory_space<hbm>> -> memref<1000xi32, #tpu.memory_space<hbm>>
        tpu.enqueue_dma source(%dma_start3A_156 : memref<1000xi32, #tpu.memory_space<hbm>>) target(%arg11 : memref<1000xi32, #tpu.memory_space<vmem>>) target_semaphore(%arg19 : memref<!tpu.dma_semaphore, #tpu.memory_space<semaphore_mem>>)
        %dma_start3A_157 = arith.constant 0 : i32
        %dma_start3A_158 = tpu.memref_slice %arg2[%add3A_149, %dma_start3A_157] : memref<800000x128xf32, #tpu.memory_space<hbm>> -> memref<1000x16xf32, #tpu.memory_space<hbm>>
        %dma_start3A_159 = arith.constant 0 : i32
        %dma_start3A_160 = tpu.memref_slice %arg2[%add3A_149, %dma_start3A_159] : memref<800000x128xf32, #tpu.memory_space<hbm>> -> memref<1000x16xf32, #tpu.memory_space<hbm>>
        tpu.enqueue_dma source(%dma_start3A_160 : memref<1000x16xf32, #tpu.memory_space<hbm>>) target(%arg12 : memref<1000x16xf32, #tpu.memory_space<vmem>>) target_semaphore(%arg19 : memref<!tpu.dma_semaphore, #tpu.memory_space<semaphore_mem>>)
        "tpu.region"() ({
          %run_scoped3A = tpu.sem_alloc : memref<!tpu.dma_semaphore, #tpu.memory_space<semaphore_mem>>
          %dma_start3A_174 = arith.constant 0 : i32
          %dma_start3A_175 = arith.constant 0 : i32
          %dma_start3A_176 = tpu.memref_slice %arg16[%dma_start3A_174, %dma_start3A_175] : memref<50000x16xf32, #tpu.memory_space<vmem_shared>> -> memref<50000x16xf32, #tpu.memory_space<vmem_shared>>
          tpu.enqueue_indirect_dma source(%arg10 : memref<1000x16xf32, #tpu.memory_space<vmem>>) target(%dma_start3A_176 : memref<50000x16xf32, #tpu.memory_space<vmem_shared>>) offsets(%arg9 : memref<1000xi32, #tpu.memory_space<vmem>>) semaphore(%run_scoped3A : memref<!tpu.dma_semaphore, #tpu.memory_space<semaphore_mem>>) {add = true}
          %dma_wait3A_177 = arith.constant 0 : i32
          %dma_wait3A_178 = arith.constant 0 : i32
          %dma_wait3A_179 = tpu.memref_slice %arg16[%dma_wait3A_177, %dma_wait3A_178] : memref<50000x16xf32, #tpu.memory_space<vmem_shared>> -> memref<50000x16xf32, #tpu.memory_space<vmem_shared>>
          tpu.wait_indirect_dma semaphore(%run_scoped3A : memref<!tpu.dma_semaphore, #tpu.memory_space<semaphore_mem>>) src(%arg10 : memref<1000x16xf32, #tpu.memory_space<vmem>>) dst(%dma_wait3A_179 : memref<50000x16xf32, #tpu.memory_space<vmem_shared>>)
          tpu.yield
        }) : () -> ()
        "tpu.region"() ({
          %run_scoped3A = tpu.sem_alloc : memref<!tpu.dma_semaphore, #tpu.memory_space<semaphore_mem>>
          %dma_start3A_174 = arith.constant 0 : i32
          %dma_start3A_175 = tpu.memref_slice %arg17[%dma_start3A_174] : memref<50000xf32, #tpu.memory_space<vmem_shared>> -> memref<50000xf32, #tpu.memory_space<vmem_shared>>
          tpu.enqueue_indirect_dma source(%arg13 : memref<1000xf32, #tpu.memory_space<vmem>>) target(%dma_start3A_175 : memref<50000xf32, #tpu.memory_space<vmem_shared>>) offsets(%arg9 : memref<1000xi32, #tpu.memory_space<vmem>>) semaphore(%run_scoped3A : memref<!tpu.dma_semaphore, #tpu.memory_space<semaphore_mem>>) {add = true}
          %dma_wait3A_176 = arith.constant 0 : i32
          %dma_wait3A_177 = tpu.memref_slice %arg17[%dma_wait3A_176] : memref<50000xf32, #tpu.memory_space<vmem_shared>> -> memref<50000xf32, #tpu.memory_space<vmem_shared>>
          tpu.wait_indirect_dma semaphore(%run_scoped3A : memref<!tpu.dma_semaphore, #tpu.memory_space<semaphore_mem>>) src(%arg13 : memref<1000xf32, #tpu.memory_space<vmem>>) dst(%dma_wait3A_177 : memref<50000xf32, #tpu.memory_space<vmem_shared>>)
          tpu.yield
        }) : () -> ()
        %add3A_161 = arith.constant 1 : i32
        %add3A_162 = arith.addi %scan3A_142, %add3A_161 : i32
        %lt3A = arith.constant 25 : i32
        %lt3A_163 = arith.cmpi slt, %add3A_162, %lt3A : i32
        %or3A = arith.constant false
        %or3A_164 = arith.ori %lt3A_163, %or3A : i1
        %convert_element_type3A_165 = arith.extui %or3A_164 : i1 to i32
        %cond3A_166 = arith.constant 0 : i32
        %cond3A_167 = arith.cmpi ne, %convert_element_type3A_165, %cond3A_166 : i32
        scf.if %cond3A_167 {
          %add3A_174 = arith.constant 2000 : i32
          %add3A_175 = arith.addi %add3A_147, %add3A_174 : i32
          %dma_start3A_176 = tpu.memref_slice %arg3[%add3A_175] : memref<800000xi32, #tpu.memory_space<hbm>> -> memref<1000xi32, #tpu.memory_space<hbm>>
          %dma_start3A_177 = tpu.memref_slice %arg3[%add3A_175] : memref<800000xi32, #tpu.memory_space<hbm>> -> memref<1000xi32, #tpu.memory_space<hbm>>
          tpu.enqueue_dma source(%dma_start3A_177 : memref<1000xi32, #tpu.memory_space<hbm>>) target(%arg9 : memref<1000xi32, #tpu.memory_space<vmem>>) target_semaphore(%arg18 : memref<!tpu.dma_semaphore, #tpu.memory_space<semaphore_mem>>)
          %dma_start3A_178 = arith.constant 0 : i32
          %dma_start3A_179 = tpu.memref_slice %arg2[%add3A_175, %dma_start3A_178] : memref<800000x128xf32, #tpu.memory_space<hbm>> -> memref<1000x16xf32, #tpu.memory_space<hbm>>
          %dma_start3A_180 = arith.constant 0 : i32
          %dma_start3A_181 = tpu.memref_slice %arg2[%add3A_175, %dma_start3A_180] : memref<800000x128xf32, #tpu.memory_space<hbm>> -> memref<1000x16xf32, #tpu.memory_space<hbm>>
          tpu.enqueue_dma source(%dma_start3A_181 : memref<1000x16xf32, #tpu.memory_space<hbm>>) target(%arg10 : memref<1000x16xf32, #tpu.memory_space<vmem>>) target_semaphore(%arg18 : memref<!tpu.dma_semaphore, #tpu.memory_space<semaphore_mem>>)
        } else {
        }
        %dma_wait3A_168 = tpu.memref_slice %arg3[%add3A_149] : memref<800000xi32, #tpu.memory_space<hbm>> -> memref<1000xi32, #tpu.memory_space<hbm>>
        %dma_wait3A_169 = tpu.memref_slice %arg3[%add3A_149] : memref<800000xi32, #tpu.memory_space<hbm>> -> memref<1000xi32, #tpu.memory_space<hbm>>
        tpu.wait_dma2 semaphore(%arg19 : memref<!tpu.dma_semaphore, #tpu.memory_space<semaphore_mem>>) src(%dma_wait3A_169 : memref<1000xi32, #tpu.memory_space<hbm>>) dst(%arg11 : memref<1000xi32, #tpu.memory_space<vmem>>)
        %dma_wait3A_170 = arith.constant 0 : i32
        %dma_wait3A_171 = tpu.memref_slice %arg2[%add3A_149, %dma_wait3A_170] : memref<800000x128xf32, #tpu.memory_space<hbm>> -> memref<1000x16xf32, #tpu.memory_space<hbm>>
        %dma_wait3A_172 = arith.constant 0 : i32
        %dma_wait3A_173 = tpu.memref_slice %arg2[%add3A_149, %dma_wait3A_172] : memref<800000x128xf32, #tpu.memory_space<hbm>> -> memref<1000x16xf32, #tpu.memory_space<hbm>>
        tpu.wait_dma2 semaphore(%arg19 : memref<!tpu.dma_semaphore, #tpu.memory_space<semaphore_mem>>) src(%dma_wait3A_173 : memref<1000x16xf32, #tpu.memory_space<hbm>>) dst(%arg12 : memref<1000x16xf32, #tpu.memory_space<vmem>>)
        "tpu.region"() ({
          %run_scoped3A = tpu.sem_alloc : memref<!tpu.dma_semaphore, #tpu.memory_space<semaphore_mem>>
          %dma_start3A_174 = arith.constant 0 : i32
          %dma_start3A_175 = arith.constant 0 : i32
          %dma_start3A_176 = tpu.memref_slice %arg16[%dma_start3A_174, %dma_start3A_175] : memref<50000x16xf32, #tpu.memory_space<vmem_shared>> -> memref<50000x16xf32, #tpu.memory_space<vmem_shared>>
          tpu.enqueue_indirect_dma source(%arg12 : memref<1000x16xf32, #tpu.memory_space<vmem>>) target(%dma_start3A_176 : memref<50000x16xf32, #tpu.memory_space<vmem_shared>>) offsets(%arg11 : memref<1000xi32, #tpu.memory_space<vmem>>) semaphore(%run_scoped3A : memref<!tpu.dma_semaphore, #tpu.memory_space<semaphore_mem>>) {add = true}
          %dma_wait3A_177 = arith.constant 0 : i32
          %dma_wait3A_178 = arith.constant 0 : i32
          %dma_wait3A_179 = tpu.memref_slice %arg16[%dma_wait3A_177, %dma_wait3A_178] : memref<50000x16xf32, #tpu.memory_space<vmem_shared>> -> memref<50000x16xf32, #tpu.memory_space<vmem_shared>>
          tpu.wait_indirect_dma semaphore(%run_scoped3A : memref<!tpu.dma_semaphore, #tpu.memory_space<semaphore_mem>>) src(%arg12 : memref<1000x16xf32, #tpu.memory_space<vmem>>) dst(%dma_wait3A_179 : memref<50000x16xf32, #tpu.memory_space<vmem_shared>>)
          tpu.yield
        }) : () -> ()
        "tpu.region"() ({
          %run_scoped3A = tpu.sem_alloc : memref<!tpu.dma_semaphore, #tpu.memory_space<semaphore_mem>>
          %dma_start3A_174 = arith.constant 0 : i32
          %dma_start3A_175 = tpu.memref_slice %arg17[%dma_start3A_174] : memref<50000xf32, #tpu.memory_space<vmem_shared>> -> memref<50000xf32, #tpu.memory_space<vmem_shared>>
          tpu.enqueue_indirect_dma source(%arg13 : memref<1000xf32, #tpu.memory_space<vmem>>) target(%dma_start3A_175 : memref<50000xf32, #tpu.memory_space<vmem_shared>>) offsets(%arg11 : memref<1000xi32, #tpu.memory_space<vmem>>) semaphore(%run_scoped3A : memref<!tpu.dma_semaphore, #tpu.memory_space<semaphore_mem>>) {add = true}
          %dma_wait3A_176 = arith.constant 0 : i32
          %dma_wait3A_177 = tpu.memref_slice %arg17[%dma_wait3A_176] : memref<50000xf32, #tpu.memory_space<vmem_shared>> -> memref<50000xf32, #tpu.memory_space<vmem_shared>>
          tpu.wait_indirect_dma semaphore(%run_scoped3A : memref<!tpu.dma_semaphore, #tpu.memory_space<semaphore_mem>>) src(%arg13 : memref<1000xf32, #tpu.memory_space<vmem>>) dst(%dma_wait3A_177 : memref<50000xf32, #tpu.memory_space<vmem_shared>>)
          tpu.yield
        }) : () -> ()
      }
      %scan3A_30 = arith.constant 25 : i32
      %barrier3A_31 = arith.constant 0 : index
      tpu.barrier barrier_id(%barrier3A_31)
      %add3A = arith.constant 0 : i32
      %add3A_32 = arith.addi %mul3A_0, %add3A : i32
      "tpu.region"() ({
        %run_scoped3A = tpu.sem_alloc : memref<!tpu.dma_semaphore, #tpu.memory_space<semaphore_mem>>
        %dma_start3A_142 = arith.constant 0 : i32
        %dma_start3A_143 = tpu.memref_slice %arg16[%add3A_32, %dma_start3A_142] : memref<50000x16xf32, #tpu.memory_space<vmem_shared>> -> memref<625x16xf32, #tpu.memory_space<vmem_shared>>
        %dma_start3A_144 = arith.constant 0 : i32
        %dma_start3A_145 = tpu.memref_slice %arg16[%add3A_32, %dma_start3A_144] : memref<50000x16xf32, #tpu.memory_space<vmem_shared>> -> memref<625x16xf32, #tpu.memory_space<vmem_shared>>
        tpu.enqueue_dma source(%dma_start3A_145 : memref<625x16xf32, #tpu.memory_space<vmem_shared>>) target(%arg14 : memref<625x16xf32, #tpu.memory_space<vmem>>) target_semaphore(%run_scoped3A : memref<!tpu.dma_semaphore, #tpu.memory_space<semaphore_mem>>)
        %dma_wait3A = arith.constant 0 : i32
        %dma_wait3A_146 = tpu.memref_slice %arg16[%add3A_32, %dma_wait3A] : memref<50000x16xf32, #tpu.memory_space<vmem_shared>> -> memref<625x16xf32, #tpu.memory_space<vmem_shared>>
        %dma_wait3A_147 = arith.constant 0 : i32
        %dma_wait3A_148 = tpu.memref_slice %arg16[%add3A_32, %dma_wait3A_147] : memref<50000x16xf32, #tpu.memory_space<vmem_shared>> -> memref<625x16xf32, #tpu.memory_space<vmem_shared>>
        tpu.wait_dma2 semaphore(%run_scoped3A : memref<!tpu.dma_semaphore, #tpu.memory_space<semaphore_mem>>) src(%dma_wait3A_148 : memref<625x16xf32, #tpu.memory_space<vmem_shared>>) dst(%arg14 : memref<625x16xf32, #tpu.memory_space<vmem>>)
        tpu.yield
      }) : () -> ()
      "tpu.region"() ({
        %run_scoped3A = tpu.sem_alloc : memref<!tpu.dma_semaphore, #tpu.memory_space<semaphore_mem>>
        %dma_start3A_142 = arith.constant 0 : i32
        %dma_start3A_143 = tpu.memref_slice %arg7[%add3A_32, %dma_start3A_142] : memref<50000x128xf32, #tpu.memory_space<hbm>> -> memref<625x16xf32, #tpu.memory_space<hbm>>
        %dma_start3A_144 = arith.constant 0 : i32
        %dma_start3A_145 = tpu.memref_slice %arg7[%add3A_32, %dma_start3A_144] : memref<50000x128xf32, #tpu.memory_space<hbm>> -> memref<625x16xf32, #tpu.memory_space<hbm>>
        tpu.enqueue_dma source(%arg14 : memref<625x16xf32, #tpu.memory_space<vmem>>) target(%dma_start3A_145 : memref<625x16xf32, #tpu.memory_space<hbm>>) target_semaphore(%run_scoped3A : memref<!tpu.dma_semaphore, #tpu.memory_space<semaphore_mem>>)
        %dma_wait3A = arith.constant 0 : i32
        %dma_wait3A_146 = tpu.memref_slice %arg7[%add3A_32, %dma_wait3A] : memref<50000x128xf32, #tpu.memory_space<hbm>> -> memref<625x16xf32, #tpu.memory_space<hbm>>
        %dma_wait3A_147 = arith.constant 0 : i32
        %dma_wait3A_148 = tpu.memref_slice %arg7[%add3A_32, %dma_wait3A_147] : memref<50000x128xf32, #tpu.memory_space<hbm>> -> memref<625x16xf32, #tpu.memory_space<hbm>>
        tpu.wait_dma2 semaphore(%run_scoped3A : memref<!tpu.dma_semaphore, #tpu.memory_space<semaphore_mem>>) src(%arg14 : memref<625x16xf32, #tpu.memory_space<vmem>>) dst(%dma_wait3A_148 : memref<625x16xf32, #tpu.memory_space<hbm>>)
        tpu.yield
      }) : () -> ()
      %add3A_33 = arith.constant 625 : i32
      %add3A_34 = arith.addi %mul3A_0, %add3A_33 : i32
      "tpu.region"() ({
        %run_scoped3A = tpu.sem_alloc : memref<!tpu.dma_semaphore, #tpu.memory_space<semaphore_mem>>
        %dma_start3A_142 = arith.constant 0 : i32
        %dma_start3A_143 = tpu.memref_slice %arg16[%add3A_34, %dma_start3A_142] : memref<50000x16xf32, #tpu.memory_space<vmem_shared>> -> memref<625x16xf32, #tpu.memory_space<vmem_shared>>
        %dma_start3A_144 = arith.constant 0 : i32
        %dma_start3A_145 = tpu.memref_slice %arg16[%add3A_34, %dma_start3A_144] : memref<50000x16xf32, #tpu.memory_space<vmem_shared>> -> memref<625x16xf32, #tpu.memory_space<vmem_shared>>
        tpu.enqueue_dma source(%dma_start3A_145 : memref<625x16xf32, #tpu.memory_space<vmem_shared>>) target(%arg14 : memref<625x16xf32, #tpu.memory_space<vmem>>) target_semaphore(%run_scoped3A : memref<!tpu.dma_semaphore, #tpu.memory_space<semaphore_mem>>)
        %dma_wait3A = arith.constant 0 : i32
        %dma_wait3A_146 = tpu.memref_slice %arg16[%add3A_34, %dma_wait3A] : memref<50000x16xf32, #tpu.memory_space<vmem_shared>> -> memref<625x16xf32, #tpu.memory_space<vmem_shared>>
        %dma_wait3A_147 = arith.constant 0 : i32
        %dma_wait3A_148 = tpu.memref_slice %arg16[%add3A_34, %dma_wait3A_147] : memref<50000x16xf32, #tpu.memory_space<vmem_shared>> -> memref<625x16xf32, #tpu.memory_space<vmem_shared>>
        tpu.wait_dma2 semaphore(%run_scoped3A : memref<!tpu.dma_semaphore, #tpu.memory_space<semaphore_mem>>) src(%dma_wait3A_148 : memref<625x16xf32, #tpu.memory_space<vmem_shared>>) dst(%arg14 : memref<625x16xf32, #tpu.memory_space<vmem>>)
        tpu.yield
      }) : () -> ()
      "tpu.region"() ({
        %run_scoped3A = tpu.sem_alloc : memref<!tpu.dma_semaphore, #tpu.memory_space<semaphore_mem>>
        %dma_start3A_142 = arith.constant 0 : i32
        %dma_start3A_143 = tpu.memref_slice %arg7[%add3A_34, %dma_start3A_142] : memref<50000x128xf32, #tpu.memory_space<hbm>> -> memref<625x16xf32, #tpu.memory_space<hbm>>
        %dma_start3A_144 = arith.constant 0 : i32
        %dma_start3A_145 = tpu.memref_slice %arg7[%add3A_34, %dma_start3A_144] : memref<50000x128xf32, #tpu.memory_space<hbm>> -> memref<625x16xf32, #tpu.memory_space<hbm>>
        tpu.enqueue_dma source(%arg14 : memref<625x16xf32, #tpu.memory_space<vmem>>) target(%dma_start3A_145 : memref<625x16xf32, #tpu.memory_space<hbm>>) target_semaphore(%run_scoped3A : memref<!tpu.dma_semaphore, #tpu.memory_space<semaphore_mem>>)
        %dma_wait3A = arith.constant 0 : i32
        %dma_wait3A_146 = tpu.memref_slice %arg7[%add3A_34, %dma_wait3A] : memref<50000x128xf32, #tpu.memory_space<hbm>> -> memref<625x16xf32, #tpu.memory_space<hbm>>
        %dma_wait3A_147 = arith.constant 0 : i32
        %dma_wait3A_148 = tpu.memref_slice %arg7[%add3A_34, %dma_wait3A_147] : memref<50000x128xf32, #tpu.memory_space<hbm>> -> memref<625x16xf32, #tpu.memory_space<hbm>>
        tpu.wait_dma2 semaphore(%run_scoped3A : memref<!tpu.dma_semaphore, #tpu.memory_space<semaphore_mem>>) src(%arg14 : memref<625x16xf32, #tpu.memory_space<vmem>>) dst(%dma_wait3A_148 : memref<625x16xf32, #tpu.memory_space<hbm>>)
        tpu.yield
      }) : () -> ()
      %add3A_35 = arith.constant 1250 : i32
      %add3A_36 = arith.addi %mul3A_0, %add3A_35 : i32
      "tpu.region"() ({
        %run_scoped3A = tpu.sem_alloc : memref<!tpu.dma_semaphore, #tpu.memory_space<semaphore_mem>>
        %dma_start3A_142 = arith.constant 0 : i32
        %dma_start3A_143 = tpu.memref_slice %arg16[%add3A_36, %dma_start3A_142] : memref<50000x16xf32, #tpu.memory_space<vmem_shared>> -> memref<625x16xf32, #tpu.memory_space<vmem_shared>>
        %dma_start3A_144 = arith.constant 0 : i32
        %dma_start3A_145 = tpu.memref_slice %arg16[%add3A_36, %dma_start3A_144] : memref<50000x16xf32, #tpu.memory_space<vmem_shared>> -> memref<625x16xf32, #tpu.memory_space<vmem_shared>>
        tpu.enqueue_dma source(%dma_start3A_145 : memref<625x16xf32, #tpu.memory_space<vmem_shared>>) target(%arg14 : memref<625x16xf32, #tpu.memory_space<vmem>>) target_semaphore(%run_scoped3A : memref<!tpu.dma_semaphore, #tpu.memory_space<semaphore_mem>>)
        %dma_wait3A = arith.constant 0 : i32
        %dma_wait3A_146 = tpu.memref_slice %arg16[%add3A_36, %dma_wait3A] : memref<50000x16xf32, #tpu.memory_space<vmem_shared>> -> memref<625x16xf32, #tpu.memory_space<vmem_shared>>
        %dma_wait3A_147 = arith.constant 0 : i32
        %dma_wait3A_148 = tpu.memref_slice %arg16[%add3A_36, %dma_wait3A_147] : memref<50000x16xf32, #tpu.memory_space<vmem_shared>> -> memref<625x16xf32, #tpu.memory_space<vmem_shared>>
        tpu.wait_dma2 semaphore(%run_scoped3A : memref<!tpu.dma_semaphore, #tpu.memory_space<semaphore_mem>>) src(%dma_wait3A_148 : memref<625x16xf32, #tpu.memory_space<vmem_shared>>) dst(%arg14 : memref<625x16xf32, #tpu.memory_space<vmem>>)
        tpu.yield
      }) : () -> ()
      "tpu.region"() ({
        %run_scoped3A = tpu.sem_alloc : memref<!tpu.dma_semaphore, #tpu.memory_space<semaphore_mem>>
        %dma_start3A_142 = arith.constant 0 : i32
        %dma_start3A_143 = tpu.memref_slice %arg7[%add3A_36, %dma_start3A_142] : memref<50000x128xf32, #tpu.memory_space<hbm>> -> memref<625x16xf32, #tpu.memory_space<hbm>>
        %dma_start3A_144 = arith.constant 0 : i32
        %dma_start3A_145 = tpu.memref_slice %arg7[%add3A_36, %dma_start3A_144] : memref<50000x128xf32, #tpu.memory_space<hbm>> -> memref<625x16xf32, #tpu.memory_space<hbm>>
        tpu.enqueue_dma source(%arg14 : memref<625x16xf32, #tpu.memory_space<vmem>>) target(%dma_start3A_145 : memref<625x16xf32, #tpu.memory_space<hbm>>) target_semaphore(%run_scoped3A : memref<!tpu.dma_semaphore, #tpu.memory_space<semaphore_mem>>)
        %dma_wait3A = arith.constant 0 : i32
        %dma_wait3A_146 = tpu.memref_slice %arg7[%add3A_36, %dma_wait3A] : memref<50000x128xf32, #tpu.memory_space<hbm>> -> memref<625x16xf32, #tpu.memory_space<hbm>>
        %dma_wait3A_147 = arith.constant 0 : i32
        %dma_wait3A_148 = tpu.memref_slice %arg7[%add3A_36, %dma_wait3A_147] : memref<50000x128xf32, #tpu.memory_space<hbm>> -> memref<625x16xf32, #tpu.memory_space<hbm>>
        tpu.wait_dma2 semaphore(%run_scoped3A : memref<!tpu.dma_semaphore, #tpu.memory_space<semaphore_mem>>) src(%arg14 : memref<625x16xf32, #tpu.memory_space<vmem>>) dst(%dma_wait3A_148 : memref<625x16xf32, #tpu.memory_space<hbm>>)
        tpu.yield
      }) : () -> ()
      %add3A_37 = arith.constant 1875 : i32
      %add3A_38 = arith.addi %mul3A_0, %add3A_37 : i32
      "tpu.region"() ({
        %run_scoped3A = tpu.sem_alloc : memref<!tpu.dma_semaphore, #tpu.memory_space<semaphore_mem>>
        %dma_start3A_142 = arith.constant 0 : i32
        %dma_start3A_143 = tpu.memref_slice %arg16[%add3A_38, %dma_start3A_142] : memref<50000x16xf32, #tpu.memory_space<vmem_shared>> -> memref<625x16xf32, #tpu.memory_space<vmem_shared>>
        %dma_start3A_144 = arith.constant 0 : i32
        %dma_start3A_145 = tpu.memref_slice %arg16[%add3A_38, %dma_start3A_144] : memref<50000x16xf32, #tpu.memory_space<vmem_shared>> -> memref<625x16xf32, #tpu.memory_space<vmem_shared>>
        tpu.enqueue_dma source(%dma_start3A_145 : memref<625x16xf32, #tpu.memory_space<vmem_shared>>) target(%arg14 : memref<625x16xf32, #tpu.memory_space<vmem>>) target_semaphore(%run_scoped3A : memref<!tpu.dma_semaphore, #tpu.memory_space<semaphore_mem>>)
        %dma_wait3A = arith.constant 0 : i32
        %dma_wait3A_146 = tpu.memref_slice %arg16[%add3A_38, %dma_wait3A] : memref<50000x16xf32, #tpu.memory_space<vmem_shared>> -> memref<625x16xf32, #tpu.memory_space<vmem_shared>>
        %dma_wait3A_147 = arith.constant 0 : i32
        %dma_wait3A_148 = tpu.memref_slice %arg16[%add3A_38, %dma_wait3A_147] : memref<50000x16xf32, #tpu.memory_space<vmem_shared>> -> memref<625x16xf32, #tpu.memory_space<vmem_shared>>
        tpu.wait_dma2 semaphore(%run_scoped3A : memref<!tpu.dma_semaphore, #tpu.memory_space<semaphore_mem>>) src(%dma_wait3A_148 : memref<625x16xf32, #tpu.memory_space<vmem_shared>>) dst(%arg14 : memref<625x16xf32, #tpu.memory_space<vmem>>)
        tpu.yield
      }) : () -> ()
      "tpu.region"() ({
        %run_scoped3A = tpu.sem_alloc : memref<!tpu.dma_semaphore, #tpu.memory_space<semaphore_mem>>
        %dma_start3A_142 = arith.constant 0 : i32
        %dma_start3A_143 = tpu.memref_slice %arg7[%add3A_38, %dma_start3A_142] : memref<50000x128xf32, #tpu.memory_space<hbm>> -> memref<625x16xf32, #tpu.memory_space<hbm>>
        %dma_start3A_144 = arith.constant 0 : i32
        %dma_start3A_145 = tpu.memref_slice %arg7[%add3A_38, %dma_start3A_144] : memref<50000x128xf32, #tpu.memory_space<hbm>> -> memref<625x16xf32, #tpu.memory_space<hbm>>
        tpu.enqueue_dma source(%arg14 : memref<625x16xf32, #tpu.memory_space<vmem>>) target(%dma_start3A_145 : memref<625x16xf32, #tpu.memory_space<hbm>>) target_semaphore(%run_scoped3A : memref<!tpu.dma_semaphore, #tpu.memory_space<semaphore_mem>>)
        %dma_wait3A = arith.constant 0 : i32
        %dma_wait3A_146 = tpu.memref_slice %arg7[%add3A_38, %dma_wait3A] : memref<50000x128xf32, #tpu.memory_space<hbm>> -> memref<625x16xf32, #tpu.memory_space<hbm>>
        %dma_wait3A_147 = arith.constant 0 : i32
        %dma_wait3A_148 = tpu.memref_slice %arg7[%add3A_38, %dma_wait3A_147] : memref<50000x128xf32, #tpu.memory_space<hbm>> -> memref<625x16xf32, #tpu.memory_space<hbm>>
        tpu.wait_dma2 semaphore(%run_scoped3A : memref<!tpu.dma_semaphore, #tpu.memory_space<semaphore_mem>>) src(%arg14 : memref<625x16xf32, #tpu.memory_space<vmem>>) dst(%dma_wait3A_148 : memref<625x16xf32, #tpu.memory_space<hbm>>)
        tpu.yield
      }) : () -> ()
      %add3A_39 = arith.constant 2500 : i32
      %add3A_40 = arith.addi %mul3A_0, %add3A_39 : i32
      "tpu.region"() ({
        %run_scoped3A = tpu.sem_alloc : memref<!tpu.dma_semaphore, #tpu.memory_space<semaphore_mem>>
        %dma_start3A_142 = arith.constant 0 : i32
        %dma_start3A_143 = tpu.memref_slice %arg16[%add3A_40, %dma_start3A_142] : memref<50000x16xf32, #tpu.memory_space<vmem_shared>> -> memref<625x16xf32, #tpu.memory_space<vmem_shared>>
        %dma_start3A_144 = arith.constant 0 : i32
        %dma_start3A_145 = tpu.memref_slice %arg16[%add3A_40, %dma_start3A_144] : memref<50000x16xf32, #tpu.memory_space<vmem_shared>> -> memref<625x16xf32, #tpu.memory_space<vmem_shared>>
        tpu.enqueue_dma source(%dma_start3A_145 : memref<625x16xf32, #tpu.memory_space<vmem_shared>>) target(%arg14 : memref<625x16xf32, #tpu.memory_space<vmem>>) target_semaphore(%run_scoped3A : memref<!tpu.dma_semaphore, #tpu.memory_space<semaphore_mem>>)
        %dma_wait3A = arith.constant 0 : i32
        %dma_wait3A_146 = tpu.memref_slice %arg16[%add3A_40, %dma_wait3A] : memref<50000x16xf32, #tpu.memory_space<vmem_shared>> -> memref<625x16xf32, #tpu.memory_space<vmem_shared>>
        %dma_wait3A_147 = arith.constant 0 : i32
        %dma_wait3A_148 = tpu.memref_slice %arg16[%add3A_40, %dma_wait3A_147] : memref<50000x16xf32, #tpu.memory_space<vmem_shared>> -> memref<625x16xf32, #tpu.memory_space<vmem_shared>>
        tpu.wait_dma2 semaphore(%run_scoped3A : memref<!tpu.dma_semaphore, #tpu.memory_space<semaphore_mem>>) src(%dma_wait3A_148 : memref<625x16xf32, #tpu.memory_space<vmem_shared>>) dst(%arg14 : memref<625x16xf32, #tpu.memory_space<vmem>>)
        tpu.yield
      }) : () -> ()
      "tpu.region"() ({
        %run_scoped3A = tpu.sem_alloc : memref<!tpu.dma_semaphore, #tpu.memory_space<semaphore_mem>>
        %dma_start3A_142 = arith.constant 0 : i32
        %dma_start3A_143 = tpu.memref_slice %arg7[%add3A_40, %dma_start3A_142] : memref<50000x128xf32, #tpu.memory_space<hbm>> -> memref<625x16xf32, #tpu.memory_space<hbm>>
        %dma_start3A_144 = arith.constant 0 : i32
        %dma_start3A_145 = tpu.memref_slice %arg7[%add3A_40, %dma_start3A_144] : memref<50000x128xf32, #tpu.memory_space<hbm>> -> memref<625x16xf32, #tpu.memory_space<hbm>>
        tpu.enqueue_dma source(%arg14 : memref<625x16xf32, #tpu.memory_space<vmem>>) target(%dma_start3A_145 : memref<625x16xf32, #tpu.memory_space<hbm>>) target_semaphore(%run_scoped3A : memref<!tpu.dma_semaphore, #tpu.memory_space<semaphore_mem>>)
        %dma_wait3A = arith.constant 0 : i32
        %dma_wait3A_146 = tpu.memref_slice %arg7[%add3A_40, %dma_wait3A] : memref<50000x128xf32, #tpu.memory_space<hbm>> -> memref<625x16xf32, #tpu.memory_space<hbm>>
        %dma_wait3A_147 = arith.constant 0 : i32
        %dma_wait3A_148 = tpu.memref_slice %arg7[%add3A_40, %dma_wait3A_147] : memref<50000x128xf32, #tpu.memory_space<hbm>> -> memref<625x16xf32, #tpu.memory_space<hbm>>
        tpu.wait_dma2 semaphore(%run_scoped3A : memref<!tpu.dma_semaphore, #tpu.memory_space<semaphore_mem>>) src(%arg14 : memref<625x16xf32, #tpu.memory_space<vmem>>) dst(%dma_wait3A_148 : memref<625x16xf32, #tpu.memory_space<hbm>>)
        tpu.yield
      }) : () -> ()
      %eq3A_41 = arith.constant 0 : i32
      %eq3A_42 = arith.cmpi eq, %arg1, %eq3A_41 : i32
      %convert_element_type3A_43 = arith.extui %eq3A_42 : i1 to i32
      %cond3A_44 = arith.constant 0 : i32
      %cond3A_45 = arith.cmpi ne, %convert_element_type3A_43, %cond3A_44 : i32
      scf.if %cond3A_45 {
        %scan3A_142 = arith.constant 0 : i32
        %scan3A_143 = arith.constant 0 : i32
        %scan3A_144 = arith.constant 10 : i32
        %scan3A_145 = arith.addi %scan3A_143, %scan3A_144 : i32
        %scan3A_146 = arith.constant 1 : i32
        scf.for %scan3A_148 = %scan3A_143 to %scan3A_145 step %scan3A_146  : i32 {
          %mul3A_149 = arith.constant 5000 : i32
          %mul3A_150 = arith.muli %scan3A_148, %mul3A_149 : i32
          "tpu.region"() ({
            %run_scoped3A = tpu.sem_alloc : memref<!tpu.dma_semaphore, #tpu.memory_space<semaphore_mem>>
            %dma_start3A_151 = tpu.memref_slice %arg17[%mul3A_150] : memref<50000xf32, #tpu.memory_space<vmem_shared>> -> memref<5000xf32, #tpu.memory_space<vmem_shared>>
            %dma_start3A_152 = tpu.memref_slice %arg17[%mul3A_150] : memref<50000xf32, #tpu.memory_space<vmem_shared>> -> memref<5000xf32, #tpu.memory_space<vmem_shared>>
            tpu.enqueue_dma source(%dma_start3A_152 : memref<5000xf32, #tpu.memory_space<vmem_shared>>) target(%arg15 : memref<5000xf32, #tpu.memory_space<vmem>>) target_semaphore(%run_scoped3A : memref<!tpu.dma_semaphore, #tpu.memory_space<semaphore_mem>>)
            %dma_wait3A = tpu.memref_slice %arg17[%mul3A_150] : memref<50000xf32, #tpu.memory_space<vmem_shared>> -> memref<5000xf32, #tpu.memory_space<vmem_shared>>
            %dma_wait3A_153 = tpu.memref_slice %arg17[%mul3A_150] : memref<50000xf32, #tpu.memory_space<vmem_shared>> -> memref<5000xf32, #tpu.memory_space<vmem_shared>>
            tpu.wait_dma2 semaphore(%run_scoped3A : memref<!tpu.dma_semaphore, #tpu.memory_space<semaphore_mem>>) src(%dma_wait3A_153 : memref<5000xf32, #tpu.memory_space<vmem_shared>>) dst(%arg15 : memref<5000xf32, #tpu.memory_space<vmem>>)
            tpu.yield
          }) : () -> ()
          "tpu.region"() ({
            %run_scoped3A = tpu.sem_alloc : memref<!tpu.dma_semaphore, #tpu.memory_space<semaphore_mem>>
            %dma_start3A_151 = tpu.memref_slice %arg8[%mul3A_150] : memref<50000xf32, #tpu.memory_space<hbm>> -> memref<5000xf32, #tpu.memory_space<hbm>>
            %dma_start3A_152 = tpu.memref_slice %arg8[%mul3A_150] : memref<50000xf32, #tpu.memory_space<hbm>> -> memref<5000xf32, #tpu.memory_space<hbm>>
            tpu.enqueue_dma source(%arg15 : memref<5000xf32, #tpu.memory_space<vmem>>) target(%dma_start3A_152 : memref<5000xf32, #tpu.memory_space<hbm>>) target_semaphore(%run_scoped3A : memref<!tpu.dma_semaphore, #tpu.memory_space<semaphore_mem>>)
            %dma_wait3A = tpu.memref_slice %arg8[%mul3A_150] : memref<50000xf32, #tpu.memory_space<hbm>> -> memref<5000xf32, #tpu.memory_space<hbm>>
            %dma_wait3A_153 = tpu.memref_slice %arg8[%mul3A_150] : memref<50000xf32, #tpu.memory_space<hbm>> -> memref<5000xf32, #tpu.memory_space<hbm>>
            tpu.wait_dma2 semaphore(%run_scoped3A : memref<!tpu.dma_semaphore, #tpu.memory_space<semaphore_mem>>) src(%arg15 : memref<5000xf32, #tpu.memory_space<vmem>>) dst(%dma_wait3A_153 : memref<5000xf32, #tpu.memory_space<hbm>>)
            tpu.yield
          }) : () -> ()
        }
        %scan3A_147 = arith.constant 10 : i32
      } else {
      }
      %mul3A_46 = arith.constant 50000 : i32
      %mul3A_47 = arith.muli %arg1, %mul3A_46 : i32
      %barrier3A_48 = arith.constant 0 : index
      tpu.barrier barrier_id(%barrier3A_48)
      %eq3A_49 = arith.constant 0 : i32
      %eq3A_50 = arith.cmpi eq, %arg1, %eq3A_49 : i32
      %convert_element_type3A_51 = arith.extui %eq3A_50 : i1 to i32
      %cond3A_52 = arith.constant 0 : i32
      %cond3A_53 = arith.cmpi ne, %convert_element_type3A_51, %cond3A_52 : i32
      scf.if %cond3A_53 {
        "tpu.region"() ({
          %run_scoped3A = tpu.sem_alloc : memref<!tpu.dma_semaphore, #tpu.memory_space<semaphore_mem>>
          tpu.enqueue_dma source(%arg4 : memref<50000x16xf32, #tpu.memory_space<hbm>>) target(%arg16 : memref<50000x16xf32, #tpu.memory_space<vmem_shared>>) target_semaphore(%run_scoped3A : memref<!tpu.dma_semaphore, #tpu.memory_space<semaphore_mem>>)
          tpu.wait_dma2 semaphore(%run_scoped3A : memref<!tpu.dma_semaphore, #tpu.memory_space<semaphore_mem>>) src(%arg4 : memref<50000x16xf32, #tpu.memory_space<hbm>>) dst(%arg16 : memref<50000x16xf32, #tpu.memory_space<vmem_shared>>)
          tpu.yield
        }) : () -> ()
      } else {
      }
      %dma_start3A_54 = tpu.memref_slice %arg3[%mul3A_47] : memref<800000xi32, #tpu.memory_space<hbm>> -> memref<1000xi32, #tpu.memory_space<hbm>>
      %dma_start3A_55 = tpu.memref_slice %arg3[%mul3A_47] : memref<800000xi32, #tpu.memory_space<hbm>> -> memref<1000xi32, #tpu.memory_space<hbm>>
      tpu.enqueue_dma source(%dma_start3A_55 : memref<1000xi32, #tpu.memory_space<hbm>>) target(%arg9 : memref<1000xi32, #tpu.memory_space<vmem>>) target_semaphore(%arg18 : memref<!tpu.dma_semaphore, #tpu.memory_space<semaphore_mem>>)
      %dma_start3A_56 = arith.constant 16 : i32
      %dma_start3A_57 = tpu.memref_slice %arg2[%mul3A_47, %dma_start3A_56] : memref<800000x128xf32, #tpu.memory_space<hbm>> -> memref<1000x16xf32, #tpu.memory_space<hbm>>
      %dma_start3A_58 = arith.constant 16 : i32
      %dma_start3A_59 = tpu.memref_slice %arg2[%mul3A_47, %dma_start3A_58] : memref<800000x128xf32, #tpu.memory_space<hbm>> -> memref<1000x16xf32, #tpu.memory_space<hbm>>
      tpu.enqueue_dma source(%dma_start3A_59 : memref<1000x16xf32, #tpu.memory_space<hbm>>) target(%arg10 : memref<1000x16xf32, #tpu.memory_space<vmem>>) target_semaphore(%arg18 : memref<!tpu.dma_semaphore, #tpu.memory_space<semaphore_mem>>)
      %barrier3A_60 = arith.constant 0 : index
      tpu.barrier barrier_id(%barrier3A_60)
      %scan3A_61 = arith.constant 0 : i32
      %scan3A_62 = arith.constant 0 : i32
      %scan3A_63 = arith.constant 25 : i32
      %scan3A_64 = arith.addi %scan3A_62, %scan3A_63 : i32
      %scan3A_65 = arith.constant 1 : i32
      scf.for %scan3A_142 = %scan3A_62 to %scan3A_64 step %scan3A_65  : i32 {
        %mul3A_143 = arith.constant 2 : i32
        %mul3A_144 = arith.muli %mul3A_143, %scan3A_142 : i32
        %mul3A_145 = arith.constant 1000 : i32
        %mul3A_146 = arith.muli %mul3A_144, %mul3A_145 : i32
        %add3A_147 = arith.addi %mul3A_47, %mul3A_146 : i32
        %add3A_148 = arith.constant 1000 : i32
        %add3A_149 = arith.addi %add3A_147, %add3A_148 : i32
        %dma_wait3A = tpu.memref_slice %arg3[%add3A_147] : memref<800000xi32, #tpu.memory_space<hbm>> -> memref<1000xi32, #tpu.memory_space<hbm>>
        %dma_wait3A_150 = tpu.memref_slice %arg3[%add3A_147] : memref<800000xi32, #tpu.memory_space<hbm>> -> memref<1000xi32, #tpu.memory_space<hbm>>
        tpu.wait_dma2 semaphore(%arg18 : memref<!tpu.dma_semaphore, #tpu.memory_space<semaphore_mem>>) src(%dma_wait3A_150 : memref<1000xi32, #tpu.memory_space<hbm>>) dst(%arg9 : memref<1000xi32, #tpu.memory_space<vmem>>)
        %dma_wait3A_151 = arith.constant 16 : i32
        %dma_wait3A_152 = tpu.memref_slice %arg2[%add3A_147, %dma_wait3A_151] : memref<800000x128xf32, #tpu.memory_space<hbm>> -> memref<1000x16xf32, #tpu.memory_space<hbm>>
        %dma_wait3A_153 = arith.constant 16 : i32
        %dma_wait3A_154 = tpu.memref_slice %arg2[%add3A_147, %dma_wait3A_153] : memref<800000x128xf32, #tpu.memory_space<hbm>> -> memref<1000x16xf32, #tpu.memory_space<hbm>>
        tpu.wait_dma2 semaphore(%arg18 : memref<!tpu.dma_semaphore, #tpu.memory_space<semaphore_mem>>) src(%dma_wait3A_154 : memref<1000x16xf32, #tpu.memory_space<hbm>>) dst(%arg10 : memref<1000x16xf32, #tpu.memory_space<vmem>>)
        %dma_start3A_155 = tpu.memref_slice %arg3[%add3A_149] : memref<800000xi32, #tpu.memory_space<hbm>> -> memref<1000xi32, #tpu.memory_space<hbm>>
        %dma_start3A_156 = tpu.memref_slice %arg3[%add3A_149] : memref<800000xi32, #tpu.memory_space<hbm>> -> memref<1000xi32, #tpu.memory_space<hbm>>
        tpu.enqueue_dma source(%dma_start3A_156 : memref<1000xi32, #tpu.memory_space<hbm>>) target(%arg11 : memref<1000xi32, #tpu.memory_space<vmem>>) target_semaphore(%arg19 : memref<!tpu.dma_semaphore, #tpu.memory_space<semaphore_mem>>)
        %dma_start3A_157 = arith.constant 16 : i32
        %dma_start3A_158 = tpu.memref_slice %arg2[%add3A_149, %dma_start3A_157] : memref<800000x128xf32, #tpu.memory_space<hbm>> -> memref<1000x16xf32, #tpu.memory_space<hbm>>
        %dma_start3A_159 = arith.constant 16 : i32
        %dma_start3A_160 = tpu.memref_slice %arg2[%add3A_149, %dma_start3A_159] : memref<800000x128xf32, #tpu.memory_space<hbm>> -> memref<1000x16xf32, #tpu.memory_space<hbm>>
        tpu.enqueue_dma source(%dma_start3A_160 : memref<1000x16xf32, #tpu.memory_space<hbm>>) target(%arg12 : memref<1000x16xf32, #tpu.memory_space<vmem>>) target_semaphore(%arg19 : memref<!tpu.dma_semaphore, #tpu.memory_space<semaphore_mem>>)
        "tpu.region"() ({
          %run_scoped3A = tpu.sem_alloc : memref<!tpu.dma_semaphore, #tpu.memory_space<semaphore_mem>>
          %dma_start3A_174 = arith.constant 0 : i32
          %dma_start3A_175 = arith.constant 0 : i32
          %dma_start3A_176 = tpu.memref_slice %arg16[%dma_start3A_174, %dma_start3A_175] : memref<50000x16xf32, #tpu.memory_space<vmem_shared>> -> memref<50000x16xf32, #tpu.memory_space<vmem_shared>>
          tpu.enqueue_indirect_dma source(%arg10 : memref<1000x16xf32, #tpu.memory_space<vmem>>) target(%dma_start3A_176 : memref<50000x16xf32, #tpu.memory_space<vmem_shared>>) offsets(%arg9 : memref<1000xi32, #tpu.memory_space<vmem>>) semaphore(%run_scoped3A : memref<!tpu.dma_semaphore, #tpu.memory_space<semaphore_mem>>) {add = true}
          %dma_wait3A_177 = arith.constant 0 : i32
          %dma_wait3A_178 = arith.constant 0 : i32
          %dma_wait3A_179 = tpu.memref_slice %arg16[%dma_wait3A_177, %dma_wait3A_178] : memref<50000x16xf32, #tpu.memory_space<vmem_shared>> -> memref<50000x16xf32, #tpu.memory_space<vmem_shared>>
          tpu.wait_indirect_dma semaphore(%run_scoped3A : memref<!tpu.dma_semaphore, #tpu.memory_space<semaphore_mem>>) src(%arg10 : memref<1000x16xf32, #tpu.memory_space<vmem>>) dst(%dma_wait3A_179 : memref<50000x16xf32, #tpu.memory_space<vmem_shared>>)
          tpu.yield
        }) : () -> ()
        %add3A_161 = arith.constant 1 : i32
        %add3A_162 = arith.addi %scan3A_142, %add3A_161 : i32
        %lt3A = arith.constant 25 : i32
        %lt3A_163 = arith.cmpi slt, %add3A_162, %lt3A : i32
        %or3A = arith.constant false
        %or3A_164 = arith.ori %lt3A_163, %or3A : i1
        %convert_element_type3A_165 = arith.extui %or3A_164 : i1 to i32
        %cond3A_166 = arith.constant 0 : i32
        %cond3A_167 = arith.cmpi ne, %convert_element_type3A_165, %cond3A_166 : i32
        scf.if %cond3A_167 {
          %add3A_174 = arith.constant 2000 : i32
          %add3A_175 = arith.addi %add3A_147, %add3A_174 : i32
          %dma_start3A_176 = tpu.memref_slice %arg3[%add3A_175] : memref<800000xi32, #tpu.memory_space<hbm>> -> memref<1000xi32, #tpu.memory_space<hbm>>
          %dma_start3A_177 = tpu.memref_slice %arg3[%add3A_175] : memref<800000xi32, #tpu.memory_space<hbm>> -> memref<1000xi32, #tpu.memory_space<hbm>>
          tpu.enqueue_dma source(%dma_start3A_177 : memref<1000xi32, #tpu.memory_space<hbm>>) target(%arg9 : memref<1000xi32, #tpu.memory_space<vmem>>) target_semaphore(%arg18 : memref<!tpu.dma_semaphore, #tpu.memory_space<semaphore_mem>>)
          %dma_start3A_178 = arith.constant 16 : i32
          %dma_start3A_179 = tpu.memref_slice %arg2[%add3A_175, %dma_start3A_178] : memref<800000x128xf32, #tpu.memory_space<hbm>> -> memref<1000x16xf32, #tpu.memory_space<hbm>>
          %dma_start3A_180 = arith.constant 16 : i32
          %dma_start3A_181 = tpu.memref_slice %arg2[%add3A_175, %dma_start3A_180] : memref<800000x128xf32, #tpu.memory_space<hbm>> -> memref<1000x16xf32, #tpu.memory_space<hbm>>
          tpu.enqueue_dma source(%dma_start3A_181 : memref<1000x16xf32, #tpu.memory_space<hbm>>) target(%arg10 : memref<1000x16xf32, #tpu.memory_space<vmem>>) target_semaphore(%arg18 : memref<!tpu.dma_semaphore, #tpu.memory_space<semaphore_mem>>)
        } else {
        }
        %dma_wait3A_168 = tpu.memref_slice %arg3[%add3A_149] : memref<800000xi32, #tpu.memory_space<hbm>> -> memref<1000xi32, #tpu.memory_space<hbm>>
        %dma_wait3A_169 = tpu.memref_slice %arg3[%add3A_149] : memref<800000xi32, #tpu.memory_space<hbm>> -> memref<1000xi32, #tpu.memory_space<hbm>>
        tpu.wait_dma2 semaphore(%arg19 : memref<!tpu.dma_semaphore, #tpu.memory_space<semaphore_mem>>) src(%dma_wait3A_169 : memref<1000xi32, #tpu.memory_space<hbm>>) dst(%arg11 : memref<1000xi32, #tpu.memory_space<vmem>>)
        %dma_wait3A_170 = arith.constant 16 : i32
        %dma_wait3A_171 = tpu.memref_slice %arg2[%add3A_149, %dma_wait3A_170] : memref<800000x128xf32, #tpu.memory_space<hbm>> -> memref<1000x16xf32, #tpu.memory_space<hbm>>
        %dma_wait3A_172 = arith.constant 16 : i32
        %dma_wait3A_173 = tpu.memref_slice %arg2[%add3A_149, %dma_wait3A_172] : memref<800000x128xf32, #tpu.memory_space<hbm>> -> memref<1000x16xf32, #tpu.memory_space<hbm>>
        tpu.wait_dma2 semaphore(%arg19 : memref<!tpu.dma_semaphore, #tpu.memory_space<semaphore_mem>>) src(%dma_wait3A_173 : memref<1000x16xf32, #tpu.memory_space<hbm>>) dst(%arg12 : memref<1000x16xf32, #tpu.memory_space<vmem>>)
        "tpu.region"() ({
          %run_scoped3A = tpu.sem_alloc : memref<!tpu.dma_semaphore, #tpu.memory_space<semaphore_mem>>
          %dma_start3A_174 = arith.constant 0 : i32
          %dma_start3A_175 = arith.constant 0 : i32
          %dma_start3A_176 = tpu.memref_slice %arg16[%dma_start3A_174, %dma_start3A_175] : memref<50000x16xf32, #tpu.memory_space<vmem_shared>> -> memref<50000x16xf32, #tpu.memory_space<vmem_shared>>
          tpu.enqueue_indirect_dma source(%arg12 : memref<1000x16xf32, #tpu.memory_space<vmem>>) target(%dma_start3A_176 : memref<50000x16xf32, #tpu.memory_space<vmem_shared>>) offsets(%arg11 : memref<1000xi32, #tpu.memory_space<vmem>>) semaphore(%run_scoped3A : memref<!tpu.dma_semaphore, #tpu.memory_space<semaphore_mem>>) {add = true}
          %dma_wait3A_177 = arith.constant 0 : i32
          %dma_wait3A_178 = arith.constant 0 : i32
          %dma_wait3A_179 = tpu.memref_slice %arg16[%dma_wait3A_177, %dma_wait3A_178] : memref<50000x16xf32, #tpu.memory_space<vmem_shared>> -> memref<50000x16xf32, #tpu.memory_space<vmem_shared>>
          tpu.wait_indirect_dma semaphore(%run_scoped3A : memref<!tpu.dma_semaphore, #tpu.memory_space<semaphore_mem>>) src(%arg12 : memref<1000x16xf32, #tpu.memory_space<vmem>>) dst(%dma_wait3A_179 : memref<50000x16xf32, #tpu.memory_space<vmem_shared>>)
          tpu.yield
        }) : () -> ()
      }
      %scan3A_66 = arith.constant 25 : i32
      %barrier3A_67 = arith.constant 0 : index
      tpu.barrier barrier_id(%barrier3A_67)
      %add3A_68 = arith.constant 0 : i32
      %add3A_69 = arith.addi %mul3A_0, %add3A_68 : i32
      "tpu.region"() ({
        %run_scoped3A = tpu.sem_alloc : memref<!tpu.dma_semaphore, #tpu.memory_space<semaphore_mem>>
        %dma_start3A_142 = arith.constant 0 : i32
        %dma_start3A_143 = tpu.memref_slice %arg16[%add3A_69, %dma_start3A_142] : memref<50000x16xf32, #tpu.memory_space<vmem_shared>> -> memref<625x16xf32, #tpu.memory_space<vmem_shared>>
        %dma_start3A_144 = arith.constant 0 : i32
        %dma_start3A_145 = tpu.memref_slice %arg16[%add3A_69, %dma_start3A_144] : memref<50000x16xf32, #tpu.memory_space<vmem_shared>> -> memref<625x16xf32, #tpu.memory_space<vmem_shared>>
        tpu.enqueue_dma source(%dma_start3A_145 : memref<625x16xf32, #tpu.memory_space<vmem_shared>>) target(%arg14 : memref<625x16xf32, #tpu.memory_space<vmem>>) target_semaphore(%run_scoped3A : memref<!tpu.dma_semaphore, #tpu.memory_space<semaphore_mem>>)
        %dma_wait3A = arith.constant 0 : i32
        %dma_wait3A_146 = tpu.memref_slice %arg16[%add3A_69, %dma_wait3A] : memref<50000x16xf32, #tpu.memory_space<vmem_shared>> -> memref<625x16xf32, #tpu.memory_space<vmem_shared>>
        %dma_wait3A_147 = arith.constant 0 : i32
        %dma_wait3A_148 = tpu.memref_slice %arg16[%add3A_69, %dma_wait3A_147] : memref<50000x16xf32, #tpu.memory_space<vmem_shared>> -> memref<625x16xf32, #tpu.memory_space<vmem_shared>>
        tpu.wait_dma2 semaphore(%run_scoped3A : memref<!tpu.dma_semaphore, #tpu.memory_space<semaphore_mem>>) src(%dma_wait3A_148 : memref<625x16xf32, #tpu.memory_space<vmem_shared>>) dst(%arg14 : memref<625x16xf32, #tpu.memory_space<vmem>>)
        tpu.yield
      }) : () -> ()
      "tpu.region"() ({
        %run_scoped3A = tpu.sem_alloc : memref<!tpu.dma_semaphore, #tpu.memory_space<semaphore_mem>>
        %dma_start3A_142 = arith.constant 16 : i32
        %dma_start3A_143 = tpu.memref_slice %arg7[%add3A_69, %dma_start3A_142] : memref<50000x128xf32, #tpu.memory_space<hbm>> -> memref<625x16xf32, #tpu.memory_space<hbm>>
        %dma_start3A_144 = arith.constant 16 : i32
        %dma_start3A_145 = tpu.memref_slice %arg7[%add3A_69, %dma_start3A_144] : memref<50000x128xf32, #tpu.memory_space<hbm>> -> memref<625x16xf32, #tpu.memory_space<hbm>>
        tpu.enqueue_dma source(%arg14 : memref<625x16xf32, #tpu.memory_space<vmem>>) target(%dma_start3A_145 : memref<625x16xf32, #tpu.memory_space<hbm>>) target_semaphore(%run_scoped3A : memref<!tpu.dma_semaphore, #tpu.memory_space<semaphore_mem>>)
        %dma_wait3A = arith.constant 16 : i32
        %dma_wait3A_146 = tpu.memref_slice %arg7[%add3A_69, %dma_wait3A] : memref<50000x128xf32, #tpu.memory_space<hbm>> -> memref<625x16xf32, #tpu.memory_space<hbm>>
        %dma_wait3A_147 = arith.constant 16 : i32
        %dma_wait3A_148 = tpu.memref_slice %arg7[%add3A_69, %dma_wait3A_147] : memref<50000x128xf32, #tpu.memory_space<hbm>> -> memref<625x16xf32, #tpu.memory_space<hbm>>
        tpu.wait_dma2 semaphore(%run_scoped3A : memref<!tpu.dma_semaphore, #tpu.memory_space<semaphore_mem>>) src(%arg14 : memref<625x16xf32, #tpu.memory_space<vmem>>) dst(%dma_wait3A_148 : memref<625x16xf32, #tpu.memory_space<hbm>>)
        tpu.yield
      }) : () -> ()
      %add3A_70 = arith.constant 625 : i32
      %add3A_71 = arith.addi %mul3A_0, %add3A_70 : i32
      "tpu.region"() ({
        %run_scoped3A = tpu.sem_alloc : memref<!tpu.dma_semaphore, #tpu.memory_space<semaphore_mem>>
        %dma_start3A_142 = arith.constant 0 : i32
        %dma_start3A_143 = tpu.memref_slice %arg16[%add3A_71, %dma_start3A_142] : memref<50000x16xf32, #tpu.memory_space<vmem_shared>> -> memref<625x16xf32, #tpu.memory_space<vmem_shared>>
        %dma_start3A_144 = arith.constant 0 : i32
        %dma_start3A_145 = tpu.memref_slice %arg16[%add3A_71, %dma_start3A_144] : memref<50000x16xf32, #tpu.memory_space<vmem_shared>> -> memref<625x16xf32, #tpu.memory_space<vmem_shared>>
        tpu.enqueue_dma source(%dma_start3A_145 : memref<625x16xf32, #tpu.memory_space<vmem_shared>>) target(%arg14 : memref<625x16xf32, #tpu.memory_space<vmem>>) target_semaphore(%run_scoped3A : memref<!tpu.dma_semaphore, #tpu.memory_space<semaphore_mem>>)
        %dma_wait3A = arith.constant 0 : i32
        %dma_wait3A_146 = tpu.memref_slice %arg16[%add3A_71, %dma_wait3A] : memref<50000x16xf32, #tpu.memory_space<vmem_shared>> -> memref<625x16xf32, #tpu.memory_space<vmem_shared>>
        %dma_wait3A_147 = arith.constant 0 : i32
        %dma_wait3A_148 = tpu.memref_slice %arg16[%add3A_71, %dma_wait3A_147] : memref<50000x16xf32, #tpu.memory_space<vmem_shared>> -> memref<625x16xf32, #tpu.memory_space<vmem_shared>>
        tpu.wait_dma2 semaphore(%run_scoped3A : memref<!tpu.dma_semaphore, #tpu.memory_space<semaphore_mem>>) src(%dma_wait3A_148 : memref<625x16xf32, #tpu.memory_space<vmem_shared>>) dst(%arg14 : memref<625x16xf32, #tpu.memory_space<vmem>>)
        tpu.yield
      }) : () -> ()
      "tpu.region"() ({
        %run_scoped3A = tpu.sem_alloc : memref<!tpu.dma_semaphore, #tpu.memory_space<semaphore_mem>>
        %dma_start3A_142 = arith.constant 16 : i32
        %dma_start3A_143 = tpu.memref_slice %arg7[%add3A_71, %dma_start3A_142] : memref<50000x128xf32, #tpu.memory_space<hbm>> -> memref<625x16xf32, #tpu.memory_space<hbm>>
        %dma_start3A_144 = arith.constant 16 : i32
        %dma_start3A_145 = tpu.memref_slice %arg7[%add3A_71, %dma_start3A_144] : memref<50000x128xf32, #tpu.memory_space<hbm>> -> memref<625x16xf32, #tpu.memory_space<hbm>>
        tpu.enqueue_dma source(%arg14 : memref<625x16xf32, #tpu.memory_space<vmem>>) target(%dma_start3A_145 : memref<625x16xf32, #tpu.memory_space<hbm>>) target_semaphore(%run_scoped3A : memref<!tpu.dma_semaphore, #tpu.memory_space<semaphore_mem>>)
        %dma_wait3A = arith.constant 16 : i32
        %dma_wait3A_146 = tpu.memref_slice %arg7[%add3A_71, %dma_wait3A] : memref<50000x128xf32, #tpu.memory_space<hbm>> -> memref<625x16xf32, #tpu.memory_space<hbm>>
        %dma_wait3A_147 = arith.constant 16 : i32
        %dma_wait3A_148 = tpu.memref_slice %arg7[%add3A_71, %dma_wait3A_147] : memref<50000x128xf32, #tpu.memory_space<hbm>> -> memref<625x16xf32, #tpu.memory_space<hbm>>
        tpu.wait_dma2 semaphore(%run_scoped3A : memref<!tpu.dma_semaphore, #tpu.memory_space<semaphore_mem>>) src(%arg14 : memref<625x16xf32, #tpu.memory_space<vmem>>) dst(%dma_wait3A_148 : memref<625x16xf32, #tpu.memory_space<hbm>>)
        tpu.yield
      }) : () -> ()
      %add3A_72 = arith.constant 1250 : i32
      %add3A_73 = arith.addi %mul3A_0, %add3A_72 : i32
      "tpu.region"() ({
        %run_scoped3A = tpu.sem_alloc : memref<!tpu.dma_semaphore, #tpu.memory_space<semaphore_mem>>
        %dma_start3A_142 = arith.constant 0 : i32
        %dma_start3A_143 = tpu.memref_slice %arg16[%add3A_73, %dma_start3A_142] : memref<50000x16xf32, #tpu.memory_space<vmem_shared>> -> memref<625x16xf32, #tpu.memory_space<vmem_shared>>
        %dma_start3A_144 = arith.constant 0 : i32
        %dma_start3A_145 = tpu.memref_slice %arg16[%add3A_73, %dma_start3A_144] : memref<50000x16xf32, #tpu.memory_space<vmem_shared>> -> memref<625x16xf32, #tpu.memory_space<vmem_shared>>
        tpu.enqueue_dma source(%dma_start3A_145 : memref<625x16xf32, #tpu.memory_space<vmem_shared>>) target(%arg14 : memref<625x16xf32, #tpu.memory_space<vmem>>) target_semaphore(%run_scoped3A : memref<!tpu.dma_semaphore, #tpu.memory_space<semaphore_mem>>)
        %dma_wait3A = arith.constant 0 : i32
        %dma_wait3A_146 = tpu.memref_slice %arg16[%add3A_73, %dma_wait3A] : memref<50000x16xf32, #tpu.memory_space<vmem_shared>> -> memref<625x16xf32, #tpu.memory_space<vmem_shared>>
        %dma_wait3A_147 = arith.constant 0 : i32
        %dma_wait3A_148 = tpu.memref_slice %arg16[%add3A_73, %dma_wait3A_147] : memref<50000x16xf32, #tpu.memory_space<vmem_shared>> -> memref<625x16xf32, #tpu.memory_space<vmem_shared>>
        tpu.wait_dma2 semaphore(%run_scoped3A : memref<!tpu.dma_semaphore, #tpu.memory_space<semaphore_mem>>) src(%dma_wait3A_148 : memref<625x16xf32, #tpu.memory_space<vmem_shared>>) dst(%arg14 : memref<625x16xf32, #tpu.memory_space<vmem>>)
        tpu.yield
      }) : () -> ()
      "tpu.region"() ({
        %run_scoped3A = tpu.sem_alloc : memref<!tpu.dma_semaphore, #tpu.memory_space<semaphore_mem>>
        %dma_start3A_142 = arith.constant 16 : i32
        %dma_start3A_143 = tpu.memref_slice %arg7[%add3A_73, %dma_start3A_142] : memref<50000x128xf32, #tpu.memory_space<hbm>> -> memref<625x16xf32, #tpu.memory_space<hbm>>
        %dma_start3A_144 = arith.constant 16 : i32
        %dma_start3A_145 = tpu.memref_slice %arg7[%add3A_73, %dma_start3A_144] : memref<50000x128xf32, #tpu.memory_space<hbm>> -> memref<625x16xf32, #tpu.memory_space<hbm>>
        tpu.enqueue_dma source(%arg14 : memref<625x16xf32, #tpu.memory_space<vmem>>) target(%dma_start3A_145 : memref<625x16xf32, #tpu.memory_space<hbm>>) target_semaphore(%run_scoped3A : memref<!tpu.dma_semaphore, #tpu.memory_space<semaphore_mem>>)
        %dma_wait3A = arith.constant 16 : i32
        %dma_wait3A_146 = tpu.memref_slice %arg7[%add3A_73, %dma_wait3A] : memref<50000x128xf32, #tpu.memory_space<hbm>> -> memref<625x16xf32, #tpu.memory_space<hbm>>
        %dma_wait3A_147 = arith.constant 16 : i32
        %dma_wait3A_148 = tpu.memref_slice %arg7[%add3A_73, %dma_wait3A_147] : memref<50000x128xf32, #tpu.memory_space<hbm>> -> memref<625x16xf32, #tpu.memory_space<hbm>>
        tpu.wait_dma2 semaphore(%run_scoped3A : memref<!tpu.dma_semaphore, #tpu.memory_space<semaphore_mem>>) src(%arg14 : memref<625x16xf32, #tpu.memory_space<vmem>>) dst(%dma_wait3A_148 : memref<625x16xf32, #tpu.memory_space<hbm>>)
        tpu.yield
      }) : () -> ()
      %add3A_74 = arith.constant 1875 : i32
      %add3A_75 = arith.addi %mul3A_0, %add3A_74 : i32
      "tpu.region"() ({
        %run_scoped3A = tpu.sem_alloc : memref<!tpu.dma_semaphore, #tpu.memory_space<semaphore_mem>>
        %dma_start3A_142 = arith.constant 0 : i32
        %dma_start3A_143 = tpu.memref_slice %arg16[%add3A_75, %dma_start3A_142] : memref<50000x16xf32, #tpu.memory_space<vmem_shared>> -> memref<625x16xf32, #tpu.memory_space<vmem_shared>>
        %dma_start3A_144 = arith.constant 0 : i32
        %dma_start3A_145 = tpu.memref_slice %arg16[%add3A_75, %dma_start3A_144] : memref<50000x16xf32, #tpu.memory_space<vmem_shared>> -> memref<625x16xf32, #tpu.memory_space<vmem_shared>>
        tpu.enqueue_dma source(%dma_start3A_145 : memref<625x16xf32, #tpu.memory_space<vmem_shared>>) target(%arg14 : memref<625x16xf32, #tpu.memory_space<vmem>>) target_semaphore(%run_scoped3A : memref<!tpu.dma_semaphore, #tpu.memory_space<semaphore_mem>>)
        %dma_wait3A = arith.constant 0 : i32
        %dma_wait3A_146 = tpu.memref_slice %arg16[%add3A_75, %dma_wait3A] : memref<50000x16xf32, #tpu.memory_space<vmem_shared>> -> memref<625x16xf32, #tpu.memory_space<vmem_shared>>
        %dma_wait3A_147 = arith.constant 0 : i32
        %dma_wait3A_148 = tpu.memref_slice %arg16[%add3A_75, %dma_wait3A_147] : memref<50000x16xf32, #tpu.memory_space<vmem_shared>> -> memref<625x16xf32, #tpu.memory_space<vmem_shared>>
        tpu.wait_dma2 semaphore(%run_scoped3A : memref<!tpu.dma_semaphore, #tpu.memory_space<semaphore_mem>>) src(%dma_wait3A_148 : memref<625x16xf32, #tpu.memory_space<vmem_shared>>) dst(%arg14 : memref<625x16xf32, #tpu.memory_space<vmem>>)
        tpu.yield
      }) : () -> ()
      "tpu.region"() ({
        %run_scoped3A = tpu.sem_alloc : memref<!tpu.dma_semaphore, #tpu.memory_space<semaphore_mem>>
        %dma_start3A_142 = arith.constant 16 : i32
        %dma_start3A_143 = tpu.memref_slice %arg7[%add3A_75, %dma_start3A_142] : memref<50000x128xf32, #tpu.memory_space<hbm>> -> memref<625x16xf32, #tpu.memory_space<hbm>>
        %dma_start3A_144 = arith.constant 16 : i32
        %dma_start3A_145 = tpu.memref_slice %arg7[%add3A_75, %dma_start3A_144] : memref<50000x128xf32, #tpu.memory_space<hbm>> -> memref<625x16xf32, #tpu.memory_space<hbm>>
        tpu.enqueue_dma source(%arg14 : memref<625x16xf32, #tpu.memory_space<vmem>>) target(%dma_start3A_145 : memref<625x16xf32, #tpu.memory_space<hbm>>) target_semaphore(%run_scoped3A : memref<!tpu.dma_semaphore, #tpu.memory_space<semaphore_mem>>)
        %dma_wait3A = arith.constant 16 : i32
        %dma_wait3A_146 = tpu.memref_slice %arg7[%add3A_75, %dma_wait3A] : memref<50000x128xf32, #tpu.memory_space<hbm>> -> memref<625x16xf32, #tpu.memory_space<hbm>>
        %dma_wait3A_147 = arith.constant 16 : i32
        %dma_wait3A_148 = tpu.memref_slice %arg7[%add3A_75, %dma_wait3A_147] : memref<50000x128xf32, #tpu.memory_space<hbm>> -> memref<625x16xf32, #tpu.memory_space<hbm>>
        tpu.wait_dma2 semaphore(%run_scoped3A : memref<!tpu.dma_semaphore, #tpu.memory_space<semaphore_mem>>) src(%arg14 : memref<625x16xf32, #tpu.memory_space<vmem>>) dst(%dma_wait3A_148 : memref<625x16xf32, #tpu.memory_space<hbm>>)
        tpu.yield
      }) : () -> ()
      %add3A_76 = arith.constant 2500 : i32
      %add3A_77 = arith.addi %mul3A_0, %add3A_76 : i32
      "tpu.region"() ({
        %run_scoped3A = tpu.sem_alloc : memref<!tpu.dma_semaphore, #tpu.memory_space<semaphore_mem>>
        %dma_start3A_142 = arith.constant 0 : i32
        %dma_start3A_143 = tpu.memref_slice %arg16[%add3A_77, %dma_start3A_142] : memref<50000x16xf32, #tpu.memory_space<vmem_shared>> -> memref<625x16xf32, #tpu.memory_space<vmem_shared>>
        %dma_start3A_144 = arith.constant 0 : i32
        %dma_start3A_145 = tpu.memref_slice %arg16[%add3A_77, %dma_start3A_144] : memref<50000x16xf32, #tpu.memory_space<vmem_shared>> -> memref<625x16xf32, #tpu.memory_space<vmem_shared>>
        tpu.enqueue_dma source(%dma_start3A_145 : memref<625x16xf32, #tpu.memory_space<vmem_shared>>) target(%arg14 : memref<625x16xf32, #tpu.memory_space<vmem>>) target_semaphore(%run_scoped3A : memref<!tpu.dma_semaphore, #tpu.memory_space<semaphore_mem>>)
        %dma_wait3A = arith.constant 0 : i32
        %dma_wait3A_146 = tpu.memref_slice %arg16[%add3A_77, %dma_wait3A] : memref<50000x16xf32, #tpu.memory_space<vmem_shared>> -> memref<625x16xf32, #tpu.memory_space<vmem_shared>>
        %dma_wait3A_147 = arith.constant 0 : i32
        %dma_wait3A_148 = tpu.memref_slice %arg16[%add3A_77, %dma_wait3A_147] : memref<50000x16xf32, #tpu.memory_space<vmem_shared>> -> memref<625x16xf32, #tpu.memory_space<vmem_shared>>
        tpu.wait_dma2 semaphore(%run_scoped3A : memref<!tpu.dma_semaphore, #tpu.memory_space<semaphore_mem>>) src(%dma_wait3A_148 : memref<625x16xf32, #tpu.memory_space<vmem_shared>>) dst(%arg14 : memref<625x16xf32, #tpu.memory_space<vmem>>)
        tpu.yield
      }) : () -> ()
      "tpu.region"() ({
        %run_scoped3A = tpu.sem_alloc : memref<!tpu.dma_semaphore, #tpu.memory_space<semaphore_mem>>
        %dma_start3A_142 = arith.constant 16 : i32
        %dma_start3A_143 = tpu.memref_slice %arg7[%add3A_77, %dma_start3A_142] : memref<50000x128xf32, #tpu.memory_space<hbm>> -> memref<625x16xf32, #tpu.memory_space<hbm>>
        %dma_start3A_144 = arith.constant 16 : i32
        %dma_start3A_145 = tpu.memref_slice %arg7[%add3A_77, %dma_start3A_144] : memref<50000x128xf32, #tpu.memory_space<hbm>> -> memref<625x16xf32, #tpu.memory_space<hbm>>
        tpu.enqueue_dma source(%arg14 : memref<625x16xf32, #tpu.memory_space<vmem>>) target(%dma_start3A_145 : memref<625x16xf32, #tpu.memory_space<hbm>>) target_semaphore(%run_scoped3A : memref<!tpu.dma_semaphore, #tpu.memory_space<semaphore_mem>>)
        %dma_wait3A = arith.constant 16 : i32
        %dma_wait3A_146 = tpu.memref_slice %arg7[%add3A_77, %dma_wait3A] : memref<50000x128xf32, #tpu.memory_space<hbm>> -> memref<625x16xf32, #tpu.memory_space<hbm>>
        %dma_wait3A_147 = arith.constant 16 : i32
        %dma_wait3A_148 = tpu.memref_slice %arg7[%add3A_77, %dma_wait3A_147] : memref<50000x128xf32, #tpu.memory_space<hbm>> -> memref<625x16xf32, #tpu.memory_space<hbm>>
        tpu.wait_dma2 semaphore(%run_scoped3A : memref<!tpu.dma_semaphore, #tpu.memory_space<semaphore_mem>>) src(%arg14 : memref<625x16xf32, #tpu.memory_space<vmem>>) dst(%dma_wait3A_148 : memref<625x16xf32, #tpu.memory_space<hbm>>)
        tpu.yield
      }) : () -> ()
      %mul3A_78 = arith.constant 50000 : i32
      %mul3A_79 = arith.muli %arg1, %mul3A_78 : i32
      %barrier3A_80 = arith.constant 0 : index
      tpu.barrier barrier_id(%barrier3A_80)
      %eq3A_81 = arith.constant 0 : i32
      %eq3A_82 = arith.cmpi eq, %arg1, %eq3A_81 : i32
      %convert_element_type3A_83 = arith.extui %eq3A_82 : i1 to i32
      %cond3A_84 = arith.constant 0 : i32
      %cond3A_85 = arith.cmpi ne, %convert_element_type3A_83, %cond3A_84 : i32
      scf.if %cond3A_85 {
        "tpu.region"() ({
          %run_scoped3A = tpu.sem_alloc : memref<!tpu.dma_semaphore, #tpu.memory_space<semaphore_mem>>
          tpu.enqueue_dma source(%arg4 : memref<50000x16xf32, #tpu.memory_space<hbm>>) target(%arg16 : memref<50000x16xf32, #tpu.memory_space<vmem_shared>>) target_semaphore(%run_scoped3A : memref<!tpu.dma_semaphore, #tpu.memory_space<semaphore_mem>>)
          tpu.wait_dma2 semaphore(%run_scoped3A : memref<!tpu.dma_semaphore, #tpu.memory_space<semaphore_mem>>) src(%arg4 : memref<50000x16xf32, #tpu.memory_space<hbm>>) dst(%arg16 : memref<50000x16xf32, #tpu.memory_space<vmem_shared>>)
          tpu.yield
        }) : () -> ()
      } else {
      }
      %dma_start3A_86 = tpu.memref_slice %arg3[%mul3A_79] : memref<800000xi32, #tpu.memory_space<hbm>> -> memref<1000xi32, #tpu.memory_space<hbm>>
      %dma_start3A_87 = tpu.memref_slice %arg3[%mul3A_79] : memref<800000xi32, #tpu.memory_space<hbm>> -> memref<1000xi32, #tpu.memory_space<hbm>>
      tpu.enqueue_dma source(%dma_start3A_87 : memref<1000xi32, #tpu.memory_space<hbm>>) target(%arg9 : memref<1000xi32, #tpu.memory_space<vmem>>) target_semaphore(%arg18 : memref<!tpu.dma_semaphore, #tpu.memory_space<semaphore_mem>>)
      %dma_start3A_88 = arith.constant 32 : i32
      %dma_start3A_89 = tpu.memref_slice %arg2[%mul3A_79, %dma_start3A_88] : memref<800000x128xf32, #tpu.memory_space<hbm>> -> memref<1000x16xf32, #tpu.memory_space<hbm>>
      %dma_start3A_90 = arith.constant 32 : i32
      %dma_start3A_91 = tpu.memref_slice %arg2[%mul3A_79, %dma_start3A_90] : memref<800000x128xf32, #tpu.memory_space<hbm>> -> memref<1000x16xf32, #tpu.memory_space<hbm>>
      tpu.enqueue_dma source(%dma_start3A_91 : memref<1000x16xf32, #tpu.memory_space<hbm>>) target(%arg10 : memref<1000x16xf32, #tpu.memory_space<vmem>>) target_semaphore(%arg18 : memref<!tpu.dma_semaphore, #tpu.memory_space<semaphore_mem>>)
      %barrier3A_92 = arith.constant 0 : index
      tpu.barrier barrier_id(%barrier3A_92)
      %scan3A_93 = arith.constant 0 : i32
      %scan3A_94 = arith.constant 0 : i32
      %scan3A_95 = arith.constant 25 : i32
      %scan3A_96 = arith.addi %scan3A_94, %scan3A_95 : i32
      %scan3A_97 = arith.constant 1 : i32
      scf.for %scan3A_142 = %scan3A_94 to %scan3A_96 step %scan3A_97  : i32 {
        %mul3A_143 = arith.constant 2 : i32
        %mul3A_144 = arith.muli %mul3A_143, %scan3A_142 : i32
        %mul3A_145 = arith.constant 1000 : i32
        %mul3A_146 = arith.muli %mul3A_144, %mul3A_145 : i32
        %add3A_147 = arith.addi %mul3A_79, %mul3A_146 : i32
        %add3A_148 = arith.constant 1000 : i32
        %add3A_149 = arith.addi %add3A_147, %add3A_148 : i32
        %dma_wait3A = tpu.memref_slice %arg3[%add3A_147] : memref<800000xi32, #tpu.memory_space<hbm>> -> memref<1000xi32, #tpu.memory_space<hbm>>
        %dma_wait3A_150 = tpu.memref_slice %arg3[%add3A_147] : memref<800000xi32, #tpu.memory_space<hbm>> -> memref<1000xi32, #tpu.memory_space<hbm>>
        tpu.wait_dma2 semaphore(%arg18 : memref<!tpu.dma_semaphore, #tpu.memory_space<semaphore_mem>>) src(%dma_wait3A_150 : memref<1000xi32, #tpu.memory_space<hbm>>) dst(%arg9 : memref<1000xi32, #tpu.memory_space<vmem>>)
        %dma_wait3A_151 = arith.constant 32 : i32
        %dma_wait3A_152 = tpu.memref_slice %arg2[%add3A_147, %dma_wait3A_151] : memref<800000x128xf32, #tpu.memory_space<hbm>> -> memref<1000x16xf32, #tpu.memory_space<hbm>>
        %dma_wait3A_153 = arith.constant 32 : i32
        %dma_wait3A_154 = tpu.memref_slice %arg2[%add3A_147, %dma_wait3A_153] : memref<800000x128xf32, #tpu.memory_space<hbm>> -> memref<1000x16xf32, #tpu.memory_space<hbm>>
        tpu.wait_dma2 semaphore(%arg18 : memref<!tpu.dma_semaphore, #tpu.memory_space<semaphore_mem>>) src(%dma_wait3A_154 : memref<1000x16xf32, #tpu.memory_space<hbm>>) dst(%arg10 : memref<1000x16xf32, #tpu.memory_space<vmem>>)
        %dma_start3A_155 = tpu.memref_slice %arg3[%add3A_149] : memref<800000xi32, #tpu.memory_space<hbm>> -> memref<1000xi32, #tpu.memory_space<hbm>>
        %dma_start3A_156 = tpu.memref_slice %arg3[%add3A_149] : memref<800000xi32, #tpu.memory_space<hbm>> -> memref<1000xi32, #tpu.memory_space<hbm>>
        tpu.enqueue_dma source(%dma_start3A_156 : memref<1000xi32, #tpu.memory_space<hbm>>) target(%arg11 : memref<1000xi32, #tpu.memory_space<vmem>>) target_semaphore(%arg19 : memref<!tpu.dma_semaphore, #tpu.memory_space<semaphore_mem>>)
        %dma_start3A_157 = arith.constant 32 : i32
        %dma_start3A_158 = tpu.memref_slice %arg2[%add3A_149, %dma_start3A_157] : memref<800000x128xf32, #tpu.memory_space<hbm>> -> memref<1000x16xf32, #tpu.memory_space<hbm>>
        %dma_start3A_159 = arith.constant 32 : i32
        %dma_start3A_160 = tpu.memref_slice %arg2[%add3A_149, %dma_start3A_159] : memref<800000x128xf32, #tpu.memory_space<hbm>> -> memref<1000x16xf32, #tpu.memory_space<hbm>>
        tpu.enqueue_dma source(%dma_start3A_160 : memref<1000x16xf32, #tpu.memory_space<hbm>>) target(%arg12 : memref<1000x16xf32, #tpu.memory_space<vmem>>) target_semaphore(%arg19 : memref<!tpu.dma_semaphore, #tpu.memory_space<semaphore_mem>>)
        "tpu.region"() ({
          %run_scoped3A = tpu.sem_alloc : memref<!tpu.dma_semaphore, #tpu.memory_space<semaphore_mem>>
          %dma_start3A_174 = arith.constant 0 : i32
          %dma_start3A_175 = arith.constant 0 : i32
          %dma_start3A_176 = tpu.memref_slice %arg16[%dma_start3A_174, %dma_start3A_175] : memref<50000x16xf32, #tpu.memory_space<vmem_shared>> -> memref<50000x16xf32, #tpu.memory_space<vmem_shared>>
          tpu.enqueue_indirect_dma source(%arg10 : memref<1000x16xf32, #tpu.memory_space<vmem>>) target(%dma_start3A_176 : memref<50000x16xf32, #tpu.memory_space<vmem_shared>>) offsets(%arg9 : memref<1000xi32, #tpu.memory_space<vmem>>) semaphore(%run_scoped3A : memref<!tpu.dma_semaphore, #tpu.memory_space<semaphore_mem>>) {add = true}
          %dma_wait3A_177 = arith.constant 0 : i32
          %dma_wait3A_178 = arith.constant 0 : i32
          %dma_wait3A_179 = tpu.memref_slice %arg16[%dma_wait3A_177, %dma_wait3A_178] : memref<50000x16xf32, #tpu.memory_space<vmem_shared>> -> memref<50000x16xf32, #tpu.memory_space<vmem_shared>>
          tpu.wait_indirect_dma semaphore(%run_scoped3A : memref<!tpu.dma_semaphore, #tpu.memory_space<semaphore_mem>>) src(%arg10 : memref<1000x16xf32, #tpu.memory_space<vmem>>) dst(%dma_wait3A_179 : memref<50000x16xf32, #tpu.memory_space<vmem_shared>>)
          tpu.yield
        }) : () -> ()
        %add3A_161 = arith.constant 1 : i32
        %add3A_162 = arith.addi %scan3A_142, %add3A_161 : i32
        %lt3A = arith.constant 25 : i32
        %lt3A_163 = arith.cmpi slt, %add3A_162, %lt3A : i32
        %or3A = arith.constant false
        %or3A_164 = arith.ori %lt3A_163, %or3A : i1
        %convert_element_type3A_165 = arith.extui %or3A_164 : i1 to i32
        %cond3A_166 = arith.constant 0 : i32
        %cond3A_167 = arith.cmpi ne, %convert_element_type3A_165, %cond3A_166 : i32
        scf.if %cond3A_167 {
          %add3A_174 = arith.constant 2000 : i32
          %add3A_175 = arith.addi %add3A_147, %add3A_174 : i32
          %dma_start3A_176 = tpu.memref_slice %arg3[%add3A_175] : memref<800000xi32, #tpu.memory_space<hbm>> -> memref<1000xi32, #tpu.memory_space<hbm>>
          %dma_start3A_177 = tpu.memref_slice %arg3[%add3A_175] : memref<800000xi32, #tpu.memory_space<hbm>> -> memref<1000xi32, #tpu.memory_space<hbm>>
          tpu.enqueue_dma source(%dma_start3A_177 : memref<1000xi32, #tpu.memory_space<hbm>>) target(%arg9 : memref<1000xi32, #tpu.memory_space<vmem>>) target_semaphore(%arg18 : memref<!tpu.dma_semaphore, #tpu.memory_space<semaphore_mem>>)
          %dma_start3A_178 = arith.constant 32 : i32
          %dma_start3A_179 = tpu.memref_slice %arg2[%add3A_175, %dma_start3A_178] : memref<800000x128xf32, #tpu.memory_space<hbm>> -> memref<1000x16xf32, #tpu.memory_space<hbm>>
          %dma_start3A_180 = arith.constant 32 : i32
          %dma_start3A_181 = tpu.memref_slice %arg2[%add3A_175, %dma_start3A_180] : memref<800000x128xf32, #tpu.memory_space<hbm>> -> memref<1000x16xf32, #tpu.memory_space<hbm>>
          tpu.enqueue_dma source(%dma_start3A_181 : memref<1000x16xf32, #tpu.memory_space<hbm>>) target(%arg10 : memref<1000x16xf32, #tpu.memory_space<vmem>>) target_semaphore(%arg18 : memref<!tpu.dma_semaphore, #tpu.memory_space<semaphore_mem>>)
        } else {
        }
        %dma_wait3A_168 = tpu.memref_slice %arg3[%add3A_149] : memref<800000xi32, #tpu.memory_space<hbm>> -> memref<1000xi32, #tpu.memory_space<hbm>>
        %dma_wait3A_169 = tpu.memref_slice %arg3[%add3A_149] : memref<800000xi32, #tpu.memory_space<hbm>> -> memref<1000xi32, #tpu.memory_space<hbm>>
        tpu.wait_dma2 semaphore(%arg19 : memref<!tpu.dma_semaphore, #tpu.memory_space<semaphore_mem>>) src(%dma_wait3A_169 : memref<1000xi32, #tpu.memory_space<hbm>>) dst(%arg11 : memref<1000xi32, #tpu.memory_space<vmem>>)
        %dma_wait3A_170 = arith.constant 32 : i32
        %dma_wait3A_171 = tpu.memref_slice %arg2[%add3A_149, %dma_wait3A_170] : memref<800000x128xf32, #tpu.memory_space<hbm>> -> memref<1000x16xf32, #tpu.memory_space<hbm>>
        %dma_wait3A_172 = arith.constant 32 : i32
        %dma_wait3A_173 = tpu.memref_slice %arg2[%add3A_149, %dma_wait3A_172] : memref<800000x128xf32, #tpu.memory_space<hbm>> -> memref<1000x16xf32, #tpu.memory_space<hbm>>
        tpu.wait_dma2 semaphore(%arg19 : memref<!tpu.dma_semaphore, #tpu.memory_space<semaphore_mem>>) src(%dma_wait3A_173 : memref<1000x16xf32, #tpu.memory_space<hbm>>) dst(%arg12 : memref<1000x16xf32, #tpu.memory_space<vmem>>)
        "tpu.region"() ({
          %run_scoped3A = tpu.sem_alloc : memref<!tpu.dma_semaphore, #tpu.memory_space<semaphore_mem>>
          %dma_start3A_174 = arith.constant 0 : i32
          %dma_start3A_175 = arith.constant 0 : i32
          %dma_start3A_176 = tpu.memref_slice %arg16[%dma_start3A_174, %dma_start3A_175] : memref<50000x16xf32, #tpu.memory_space<vmem_shared>> -> memref<50000x16xf32, #tpu.memory_space<vmem_shared>>
          tpu.enqueue_indirect_dma source(%arg12 : memref<1000x16xf32, #tpu.memory_space<vmem>>) target(%dma_start3A_176 : memref<50000x16xf32, #tpu.memory_space<vmem_shared>>) offsets(%arg11 : memref<1000xi32, #tpu.memory_space<vmem>>) semaphore(%run_scoped3A : memref<!tpu.dma_semaphore, #tpu.memory_space<semaphore_mem>>) {add = true}
          %dma_wait3A_177 = arith.constant 0 : i32
          %dma_wait3A_178 = arith.constant 0 : i32
          %dma_wait3A_179 = tpu.memref_slice %arg16[%dma_wait3A_177, %dma_wait3A_178] : memref<50000x16xf32, #tpu.memory_space<vmem_shared>> -> memref<50000x16xf32, #tpu.memory_space<vmem_shared>>
          tpu.wait_indirect_dma semaphore(%run_scoped3A : memref<!tpu.dma_semaphore, #tpu.memory_space<semaphore_mem>>) src(%arg12 : memref<1000x16xf32, #tpu.memory_space<vmem>>) dst(%dma_wait3A_179 : memref<50000x16xf32, #tpu.memory_space<vmem_shared>>)
          tpu.yield
        }) : () -> ()
      }
      %scan3A_98 = arith.constant 25 : i32
      %barrier3A_99 = arith.constant 0 : index
      tpu.barrier barrier_id(%barrier3A_99)
      %add3A_100 = arith.constant 0 : i32
      %add3A_101 = arith.addi %mul3A_0, %add3A_100 : i32
      "tpu.region"() ({
        %run_scoped3A = tpu.sem_alloc : memref<!tpu.dma_semaphore, #tpu.memory_space<semaphore_mem>>
        %dma_start3A_142 = arith.constant 0 : i32
        %dma_start3A_143 = tpu.memref_slice %arg16[%add3A_101, %dma_start3A_142] : memref<50000x16xf32, #tpu.memory_space<vmem_shared>> -> memref<625x16xf32, #tpu.memory_space<vmem_shared>>
        %dma_start3A_144 = arith.constant 0 : i32
        %dma_start3A_145 = tpu.memref_slice %arg16[%add3A_101, %dma_start3A_144] : memref<50000x16xf32, #tpu.memory_space<vmem_shared>> -> memref<625x16xf32, #tpu.memory_space<vmem_shared>>
        tpu.enqueue_dma source(%dma_start3A_145 : memref<625x16xf32, #tpu.memory_space<vmem_shared>>) target(%arg14 : memref<625x16xf32, #tpu.memory_space<vmem>>) target_semaphore(%run_scoped3A : memref<!tpu.dma_semaphore, #tpu.memory_space<semaphore_mem>>)
        %dma_wait3A = arith.constant 0 : i32
        %dma_wait3A_146 = tpu.memref_slice %arg16[%add3A_101, %dma_wait3A] : memref<50000x16xf32, #tpu.memory_space<vmem_shared>> -> memref<625x16xf32, #tpu.memory_space<vmem_shared>>
        %dma_wait3A_147 = arith.constant 0 : i32
        %dma_wait3A_148 = tpu.memref_slice %arg16[%add3A_101, %dma_wait3A_147] : memref<50000x16xf32, #tpu.memory_space<vmem_shared>> -> memref<625x16xf32, #tpu.memory_space<vmem_shared>>
        tpu.wait_dma2 semaphore(%run_scoped3A : memref<!tpu.dma_semaphore, #tpu.memory_space<semaphore_mem>>) src(%dma_wait3A_148 : memref<625x16xf32, #tpu.memory_space<vmem_shared>>) dst(%arg14 : memref<625x16xf32, #tpu.memory_space<vmem>>)
        tpu.yield
      }) : () -> ()
      "tpu.region"() ({
        %run_scoped3A = tpu.sem_alloc : memref<!tpu.dma_semaphore, #tpu.memory_space<semaphore_mem>>
        %dma_start3A_142 = arith.constant 32 : i32
        %dma_start3A_143 = tpu.memref_slice %arg7[%add3A_101, %dma_start3A_142] : memref<50000x128xf32, #tpu.memory_space<hbm>> -> memref<625x16xf32, #tpu.memory_space<hbm>>
        %dma_start3A_144 = arith.constant 32 : i32
        %dma_start3A_145 = tpu.memref_slice %arg7[%add3A_101, %dma_start3A_144] : memref<50000x128xf32, #tpu.memory_space<hbm>> -> memref<625x16xf32, #tpu.memory_space<hbm>>
        tpu.enqueue_dma source(%arg14 : memref<625x16xf32, #tpu.memory_space<vmem>>) target(%dma_start3A_145 : memref<625x16xf32, #tpu.memory_space<hbm>>) target_semaphore(%run_scoped3A : memref<!tpu.dma_semaphore, #tpu.memory_space<semaphore_mem>>)
        %dma_wait3A = arith.constant 32 : i32
        %dma_wait3A_146 = tpu.memref_slice %arg7[%add3A_101, %dma_wait3A] : memref<50000x128xf32, #tpu.memory_space<hbm>> -> memref<625x16xf32, #tpu.memory_space<hbm>>
        %dma_wait3A_147 = arith.constant 32 : i32
        %dma_wait3A_148 = tpu.memref_slice %arg7[%add3A_101, %dma_wait3A_147] : memref<50000x128xf32, #tpu.memory_space<hbm>> -> memref<625x16xf32, #tpu.memory_space<hbm>>
        tpu.wait_dma2 semaphore(%run_scoped3A : memref<!tpu.dma_semaphore, #tpu.memory_space<semaphore_mem>>) src(%arg14 : memref<625x16xf32, #tpu.memory_space<vmem>>) dst(%dma_wait3A_148 : memref<625x16xf32, #tpu.memory_space<hbm>>)
        tpu.yield
      }) : () -> ()
      %add3A_102 = arith.constant 625 : i32
      %add3A_103 = arith.addi %mul3A_0, %add3A_102 : i32
      "tpu.region"() ({
        %run_scoped3A = tpu.sem_alloc : memref<!tpu.dma_semaphore, #tpu.memory_space<semaphore_mem>>
        %dma_start3A_142 = arith.constant 0 : i32
        %dma_start3A_143 = tpu.memref_slice %arg16[%add3A_103, %dma_start3A_142] : memref<50000x16xf32, #tpu.memory_space<vmem_shared>> -> memref<625x16xf32, #tpu.memory_space<vmem_shared>>
        %dma_start3A_144 = arith.constant 0 : i32
        %dma_start3A_145 = tpu.memref_slice %arg16[%add3A_103, %dma_start3A_144] : memref<50000x16xf32, #tpu.memory_space<vmem_shared>> -> memref<625x16xf32, #tpu.memory_space<vmem_shared>>
        tpu.enqueue_dma source(%dma_start3A_145 : memref<625x16xf32, #tpu.memory_space<vmem_shared>>) target(%arg14 : memref<625x16xf32, #tpu.memory_space<vmem>>) target_semaphore(%run_scoped3A : memref<!tpu.dma_semaphore, #tpu.memory_space<semaphore_mem>>)
        %dma_wait3A = arith.constant 0 : i32
        %dma_wait3A_146 = tpu.memref_slice %arg16[%add3A_103, %dma_wait3A] : memref<50000x16xf32, #tpu.memory_space<vmem_shared>> -> memref<625x16xf32, #tpu.memory_space<vmem_shared>>
        %dma_wait3A_147 = arith.constant 0 : i32
        %dma_wait3A_148 = tpu.memref_slice %arg16[%add3A_103, %dma_wait3A_147] : memref<50000x16xf32, #tpu.memory_space<vmem_shared>> -> memref<625x16xf32, #tpu.memory_space<vmem_shared>>
        tpu.wait_dma2 semaphore(%run_scoped3A : memref<!tpu.dma_semaphore, #tpu.memory_space<semaphore_mem>>) src(%dma_wait3A_148 : memref<625x16xf32, #tpu.memory_space<vmem_shared>>) dst(%arg14 : memref<625x16xf32, #tpu.memory_space<vmem>>)
        tpu.yield
      }) : () -> ()
      "tpu.region"() ({
        %run_scoped3A = tpu.sem_alloc : memref<!tpu.dma_semaphore, #tpu.memory_space<semaphore_mem>>
        %dma_start3A_142 = arith.constant 32 : i32
        %dma_start3A_143 = tpu.memref_slice %arg7[%add3A_103, %dma_start3A_142] : memref<50000x128xf32, #tpu.memory_space<hbm>> -> memref<625x16xf32, #tpu.memory_space<hbm>>
        %dma_start3A_144 = arith.constant 32 : i32
        %dma_start3A_145 = tpu.memref_slice %arg7[%add3A_103, %dma_start3A_144] : memref<50000x128xf32, #tpu.memory_space<hbm>> -> memref<625x16xf32, #tpu.memory_space<hbm>>
        tpu.enqueue_dma source(%arg14 : memref<625x16xf32, #tpu.memory_space<vmem>>) target(%dma_start3A_145 : memref<625x16xf32, #tpu.memory_space<hbm>>) target_semaphore(%run_scoped3A : memref<!tpu.dma_semaphore, #tpu.memory_space<semaphore_mem>>)
        %dma_wait3A = arith.constant 32 : i32
        %dma_wait3A_146 = tpu.memref_slice %arg7[%add3A_103, %dma_wait3A] : memref<50000x128xf32, #tpu.memory_space<hbm>> -> memref<625x16xf32, #tpu.memory_space<hbm>>
        %dma_wait3A_147 = arith.constant 32 : i32
        %dma_wait3A_148 = tpu.memref_slice %arg7[%add3A_103, %dma_wait3A_147] : memref<50000x128xf32, #tpu.memory_space<hbm>> -> memref<625x16xf32, #tpu.memory_space<hbm>>
        tpu.wait_dma2 semaphore(%run_scoped3A : memref<!tpu.dma_semaphore, #tpu.memory_space<semaphore_mem>>) src(%arg14 : memref<625x16xf32, #tpu.memory_space<vmem>>) dst(%dma_wait3A_148 : memref<625x16xf32, #tpu.memory_space<hbm>>)
        tpu.yield
      }) : () -> ()
      %add3A_104 = arith.constant 1250 : i32
      %add3A_105 = arith.addi %mul3A_0, %add3A_104 : i32
      "tpu.region"() ({
        %run_scoped3A = tpu.sem_alloc : memref<!tpu.dma_semaphore, #tpu.memory_space<semaphore_mem>>
        %dma_start3A_142 = arith.constant 0 : i32
        %dma_start3A_143 = tpu.memref_slice %arg16[%add3A_105, %dma_start3A_142] : memref<50000x16xf32, #tpu.memory_space<vmem_shared>> -> memref<625x16xf32, #tpu.memory_space<vmem_shared>>
        %dma_start3A_144 = arith.constant 0 : i32
        %dma_start3A_145 = tpu.memref_slice %arg16[%add3A_105, %dma_start3A_144] : memref<50000x16xf32, #tpu.memory_space<vmem_shared>> -> memref<625x16xf32, #tpu.memory_space<vmem_shared>>
        tpu.enqueue_dma source(%dma_start3A_145 : memref<625x16xf32, #tpu.memory_space<vmem_shared>>) target(%arg14 : memref<625x16xf32, #tpu.memory_space<vmem>>) target_semaphore(%run_scoped3A : memref<!tpu.dma_semaphore, #tpu.memory_space<semaphore_mem>>)
        %dma_wait3A = arith.constant 0 : i32
        %dma_wait3A_146 = tpu.memref_slice %arg16[%add3A_105, %dma_wait3A] : memref<50000x16xf32, #tpu.memory_space<vmem_shared>> -> memref<625x16xf32, #tpu.memory_space<vmem_shared>>
        %dma_wait3A_147 = arith.constant 0 : i32
        %dma_wait3A_148 = tpu.memref_slice %arg16[%add3A_105, %dma_wait3A_147] : memref<50000x16xf32, #tpu.memory_space<vmem_shared>> -> memref<625x16xf32, #tpu.memory_space<vmem_shared>>
        tpu.wait_dma2 semaphore(%run_scoped3A : memref<!tpu.dma_semaphore, #tpu.memory_space<semaphore_mem>>) src(%dma_wait3A_148 : memref<625x16xf32, #tpu.memory_space<vmem_shared>>) dst(%arg14 : memref<625x16xf32, #tpu.memory_space<vmem>>)
        tpu.yield
      }) : () -> ()
      "tpu.region"() ({
        %run_scoped3A = tpu.sem_alloc : memref<!tpu.dma_semaphore, #tpu.memory_space<semaphore_mem>>
        %dma_start3A_142 = arith.constant 32 : i32
        %dma_start3A_143 = tpu.memref_slice %arg7[%add3A_105, %dma_start3A_142] : memref<50000x128xf32, #tpu.memory_space<hbm>> -> memref<625x16xf32, #tpu.memory_space<hbm>>
        %dma_start3A_144 = arith.constant 32 : i32
        %dma_start3A_145 = tpu.memref_slice %arg7[%add3A_105, %dma_start3A_144] : memref<50000x128xf32, #tpu.memory_space<hbm>> -> memref<625x16xf32, #tpu.memory_space<hbm>>
        tpu.enqueue_dma source(%arg14 : memref<625x16xf32, #tpu.memory_space<vmem>>) target(%dma_start3A_145 : memref<625x16xf32, #tpu.memory_space<hbm>>) target_semaphore(%run_scoped3A : memref<!tpu.dma_semaphore, #tpu.memory_space<semaphore_mem>>)
        %dma_wait3A = arith.constant 32 : i32
        %dma_wait3A_146 = tpu.memref_slice %arg7[%add3A_105, %dma_wait3A] : memref<50000x128xf32, #tpu.memory_space<hbm>> -> memref<625x16xf32, #tpu.memory_space<hbm>>
        %dma_wait3A_147 = arith.constant 32 : i32
        %dma_wait3A_148 = tpu.memref_slice %arg7[%add3A_105, %dma_wait3A_147] : memref<50000x128xf32, #tpu.memory_space<hbm>> -> memref<625x16xf32, #tpu.memory_space<hbm>>
        tpu.wait_dma2 semaphore(%run_scoped3A : memref<!tpu.dma_semaphore, #tpu.memory_space<semaphore_mem>>) src(%arg14 : memref<625x16xf32, #tpu.memory_space<vmem>>) dst(%dma_wait3A_148 : memref<625x16xf32, #tpu.memory_space<hbm>>)
        tpu.yield
      }) : () -> ()
      %add3A_106 = arith.constant 1875 : i32
      %add3A_107 = arith.addi %mul3A_0, %add3A_106 : i32
      "tpu.region"() ({
        %run_scoped3A = tpu.sem_alloc : memref<!tpu.dma_semaphore, #tpu.memory_space<semaphore_mem>>
        %dma_start3A_142 = arith.constant 0 : i32
        %dma_start3A_143 = tpu.memref_slice %arg16[%add3A_107, %dma_start3A_142] : memref<50000x16xf32, #tpu.memory_space<vmem_shared>> -> memref<625x16xf32, #tpu.memory_space<vmem_shared>>
        %dma_start3A_144 = arith.constant 0 : i32
        %dma_start3A_145 = tpu.memref_slice %arg16[%add3A_107, %dma_start3A_144] : memref<50000x16xf32, #tpu.memory_space<vmem_shared>> -> memref<625x16xf32, #tpu.memory_space<vmem_shared>>
        tpu.enqueue_dma source(%dma_start3A_145 : memref<625x16xf32, #tpu.memory_space<vmem_shared>>) target(%arg14 : memref<625x16xf32, #tpu.memory_space<vmem>>) target_semaphore(%run_scoped3A : memref<!tpu.dma_semaphore, #tpu.memory_space<semaphore_mem>>)
        %dma_wait3A = arith.constant 0 : i32
        %dma_wait3A_146 = tpu.memref_slice %arg16[%add3A_107, %dma_wait3A] : memref<50000x16xf32, #tpu.memory_space<vmem_shared>> -> memref<625x16xf32, #tpu.memory_space<vmem_shared>>
        %dma_wait3A_147 = arith.constant 0 : i32
        %dma_wait3A_148 = tpu.memref_slice %arg16[%add3A_107, %dma_wait3A_147] : memref<50000x16xf32, #tpu.memory_space<vmem_shared>> -> memref<625x16xf32, #tpu.memory_space<vmem_shared>>
        tpu.wait_dma2 semaphore(%run_scoped3A : memref<!tpu.dma_semaphore, #tpu.memory_space<semaphore_mem>>) src(%dma_wait3A_148 : memref<625x16xf32, #tpu.memory_space<vmem_shared>>) dst(%arg14 : memref<625x16xf32, #tpu.memory_space<vmem>>)
        tpu.yield
      }) : () -> ()
      "tpu.region"() ({
        %run_scoped3A = tpu.sem_alloc : memref<!tpu.dma_semaphore, #tpu.memory_space<semaphore_mem>>
        %dma_start3A_142 = arith.constant 32 : i32
        %dma_start3A_143 = tpu.memref_slice %arg7[%add3A_107, %dma_start3A_142] : memref<50000x128xf32, #tpu.memory_space<hbm>> -> memref<625x16xf32, #tpu.memory_space<hbm>>
        %dma_start3A_144 = arith.constant 32 : i32
        %dma_start3A_145 = tpu.memref_slice %arg7[%add3A_107, %dma_start3A_144] : memref<50000x128xf32, #tpu.memory_space<hbm>> -> memref<625x16xf32, #tpu.memory_space<hbm>>
        tpu.enqueue_dma source(%arg14 : memref<625x16xf32, #tpu.memory_space<vmem>>) target(%dma_start3A_145 : memref<625x16xf32, #tpu.memory_space<hbm>>) target_semaphore(%run_scoped3A : memref<!tpu.dma_semaphore, #tpu.memory_space<semaphore_mem>>)
        %dma_wait3A = arith.constant 32 : i32
        %dma_wait3A_146 = tpu.memref_slice %arg7[%add3A_107, %dma_wait3A] : memref<50000x128xf32, #tpu.memory_space<hbm>> -> memref<625x16xf32, #tpu.memory_space<hbm>>
        %dma_wait3A_147 = arith.constant 32 : i32
        %dma_wait3A_148 = tpu.memref_slice %arg7[%add3A_107, %dma_wait3A_147] : memref<50000x128xf32, #tpu.memory_space<hbm>> -> memref<625x16xf32, #tpu.memory_space<hbm>>
        tpu.wait_dma2 semaphore(%run_scoped3A : memref<!tpu.dma_semaphore, #tpu.memory_space<semaphore_mem>>) src(%arg14 : memref<625x16xf32, #tpu.memory_space<vmem>>) dst(%dma_wait3A_148 : memref<625x16xf32, #tpu.memory_space<hbm>>)
        tpu.yield
      }) : () -> ()
      %add3A_108 = arith.constant 2500 : i32
      %add3A_109 = arith.addi %mul3A_0, %add3A_108 : i32
      "tpu.region"() ({
        %run_scoped3A = tpu.sem_alloc : memref<!tpu.dma_semaphore, #tpu.memory_space<semaphore_mem>>
        %dma_start3A_142 = arith.constant 0 : i32
        %dma_start3A_143 = tpu.memref_slice %arg16[%add3A_109, %dma_start3A_142] : memref<50000x16xf32, #tpu.memory_space<vmem_shared>> -> memref<625x16xf32, #tpu.memory_space<vmem_shared>>
        %dma_start3A_144 = arith.constant 0 : i32
        %dma_start3A_145 = tpu.memref_slice %arg16[%add3A_109, %dma_start3A_144] : memref<50000x16xf32, #tpu.memory_space<vmem_shared>> -> memref<625x16xf32, #tpu.memory_space<vmem_shared>>
        tpu.enqueue_dma source(%dma_start3A_145 : memref<625x16xf32, #tpu.memory_space<vmem_shared>>) target(%arg14 : memref<625x16xf32, #tpu.memory_space<vmem>>) target_semaphore(%run_scoped3A : memref<!tpu.dma_semaphore, #tpu.memory_space<semaphore_mem>>)
        %dma_wait3A = arith.constant 0 : i32
        %dma_wait3A_146 = tpu.memref_slice %arg16[%add3A_109, %dma_wait3A] : memref<50000x16xf32, #tpu.memory_space<vmem_shared>> -> memref<625x16xf32, #tpu.memory_space<vmem_shared>>
        %dma_wait3A_147 = arith.constant 0 : i32
        %dma_wait3A_148 = tpu.memref_slice %arg16[%add3A_109, %dma_wait3A_147] : memref<50000x16xf32, #tpu.memory_space<vmem_shared>> -> memref<625x16xf32, #tpu.memory_space<vmem_shared>>
        tpu.wait_dma2 semaphore(%run_scoped3A : memref<!tpu.dma_semaphore, #tpu.memory_space<semaphore_mem>>) src(%dma_wait3A_148 : memref<625x16xf32, #tpu.memory_space<vmem_shared>>) dst(%arg14 : memref<625x16xf32, #tpu.memory_space<vmem>>)
        tpu.yield
      }) : () -> ()
      "tpu.region"() ({
        %run_scoped3A = tpu.sem_alloc : memref<!tpu.dma_semaphore, #tpu.memory_space<semaphore_mem>>
        %dma_start3A_142 = arith.constant 32 : i32
        %dma_start3A_143 = tpu.memref_slice %arg7[%add3A_109, %dma_start3A_142] : memref<50000x128xf32, #tpu.memory_space<hbm>> -> memref<625x16xf32, #tpu.memory_space<hbm>>
        %dma_start3A_144 = arith.constant 32 : i32
        %dma_start3A_145 = tpu.memref_slice %arg7[%add3A_109, %dma_start3A_144] : memref<50000x128xf32, #tpu.memory_space<hbm>> -> memref<625x16xf32, #tpu.memory_space<hbm>>
        tpu.enqueue_dma source(%arg14 : memref<625x16xf32, #tpu.memory_space<vmem>>) target(%dma_start3A_145 : memref<625x16xf32, #tpu.memory_space<hbm>>) target_semaphore(%run_scoped3A : memref<!tpu.dma_semaphore, #tpu.memory_space<semaphore_mem>>)
        %dma_wait3A = arith.constant 32 : i32
        %dma_wait3A_146 = tpu.memref_slice %arg7[%add3A_109, %dma_wait3A] : memref<50000x128xf32, #tpu.memory_space<hbm>> -> memref<625x16xf32, #tpu.memory_space<hbm>>
        %dma_wait3A_147 = arith.constant 32 : i32
        %dma_wait3A_148 = tpu.memref_slice %arg7[%add3A_109, %dma_wait3A_147] : memref<50000x128xf32, #tpu.memory_space<hbm>> -> memref<625x16xf32, #tpu.memory_space<hbm>>
        tpu.wait_dma2 semaphore(%run_scoped3A : memref<!tpu.dma_semaphore, #tpu.memory_space<semaphore_mem>>) src(%arg14 : memref<625x16xf32, #tpu.memory_space<vmem>>) dst(%dma_wait3A_148 : memref<625x16xf32, #tpu.memory_space<hbm>>)
        tpu.yield
      }) : () -> ()
      %mul3A_110 = arith.constant 50000 : i32
      %mul3A_111 = arith.muli %arg1, %mul3A_110 : i32
      %barrier3A_112 = arith.constant 0 : index
      tpu.barrier barrier_id(%barrier3A_112)
      %eq3A_113 = arith.constant 0 : i32
      %eq3A_114 = arith.cmpi eq, %arg1, %eq3A_113 : i32
      %convert_element_type3A_115 = arith.extui %eq3A_114 : i1 to i32
      %cond3A_116 = arith.constant 0 : i32
      %cond3A_117 = arith.cmpi ne, %convert_element_type3A_115, %cond3A_116 : i32
      scf.if %cond3A_117 {
        "tpu.region"() ({
          %run_scoped3A = tpu.sem_alloc : memref<!tpu.dma_semaphore, #tpu.memory_space<semaphore_mem>>
          tpu.enqueue_dma source(%arg4 : memref<50000x16xf32, #tpu.memory_space<hbm>>) target(%arg16 : memref<50000x16xf32, #tpu.memory_space<vmem_shared>>) target_semaphore(%run_scoped3A : memref<!tpu.dma_semaphore, #tpu.memory_space<semaphore_mem>>)
          tpu.wait_dma2 semaphore(%run_scoped3A : memref<!tpu.dma_semaphore, #tpu.memory_space<semaphore_mem>>) src(%arg4 : memref<50000x16xf32, #tpu.memory_space<hbm>>) dst(%arg16 : memref<50000x16xf32, #tpu.memory_space<vmem_shared>>)
          tpu.yield
        }) : () -> ()
      } else {
      }
      %dma_start3A_118 = tpu.memref_slice %arg3[%mul3A_111] : memref<800000xi32, #tpu.memory_space<hbm>> -> memref<1000xi32, #tpu.memory_space<hbm>>
      %dma_start3A_119 = tpu.memref_slice %arg3[%mul3A_111] : memref<800000xi32, #tpu.memory_space<hbm>> -> memref<1000xi32, #tpu.memory_space<hbm>>
      tpu.enqueue_dma source(%dma_start3A_119 : memref<1000xi32, #tpu.memory_space<hbm>>) target(%arg9 : memref<1000xi32, #tpu.memory_space<vmem>>) target_semaphore(%arg18 : memref<!tpu.dma_semaphore, #tpu.memory_space<semaphore_mem>>)
      %dma_start3A_120 = arith.constant 48 : i32
      %dma_start3A_121 = tpu.memref_slice %arg2[%mul3A_111, %dma_start3A_120] : memref<800000x128xf32, #tpu.memory_space<hbm>> -> memref<1000x16xf32, #tpu.memory_space<hbm>>
      %dma_start3A_122 = arith.constant 48 : i32
      %dma_start3A_123 = tpu.memref_slice %arg2[%mul3A_111, %dma_start3A_122] : memref<800000x128xf32, #tpu.memory_space<hbm>> -> memref<1000x16xf32, #tpu.memory_space<hbm>>
      tpu.enqueue_dma source(%dma_start3A_123 : memref<1000x16xf32, #tpu.memory_space<hbm>>) target(%arg10 : memref<1000x16xf32, #tpu.memory_space<vmem>>) target_semaphore(%arg18 : memref<!tpu.dma_semaphore, #tpu.memory_space<semaphore_mem>>)
      %barrier3A_124 = arith.constant 0 : index
      tpu.barrier barrier_id(%barrier3A_124)
      %scan3A_125 = arith.constant 0 : i32
      %scan3A_126 = arith.constant 0 : i32
      %scan3A_127 = arith.constant 25 : i32
      %scan3A_128 = arith.addi %scan3A_126, %scan3A_127 : i32
      %scan3A_129 = arith.constant 1 : i32
      scf.for %scan3A_142 = %scan3A_126 to %scan3A_128 step %scan3A_129  : i32 {
        %mul3A_143 = arith.constant 2 : i32
        %mul3A_144 = arith.muli %mul3A_143, %scan3A_142 : i32
        %mul3A_145 = arith.constant 1000 : i32
        %mul3A_146 = arith.muli %mul3A_144, %mul3A_145 : i32
        %add3A_147 = arith.addi %mul3A_111, %mul3A_146 : i32
        %add3A_148 = arith.constant 1000 : i32
        %add3A_149 = arith.addi %add3A_147, %add3A_148 : i32
        %dma_wait3A = tpu.memref_slice %arg3[%add3A_147] : memref<800000xi32, #tpu.memory_space<hbm>> -> memref<1000xi32, #tpu.memory_space<hbm>>
        %dma_wait3A_150 = tpu.memref_slice %arg3[%add3A_147] : memref<800000xi32, #tpu.memory_space<hbm>> -> memref<1000xi32, #tpu.memory_space<hbm>>
        tpu.wait_dma2 semaphore(%arg18 : memref<!tpu.dma_semaphore, #tpu.memory_space<semaphore_mem>>) src(%dma_wait3A_150 : memref<1000xi32, #tpu.memory_space<hbm>>) dst(%arg9 : memref<1000xi32, #tpu.memory_space<vmem>>)
        %dma_wait3A_151 = arith.constant 48 : i32
        %dma_wait3A_152 = tpu.memref_slice %arg2[%add3A_147, %dma_wait3A_151] : memref<800000x128xf32, #tpu.memory_space<hbm>> -> memref<1000x16xf32, #tpu.memory_space<hbm>>
        %dma_wait3A_153 = arith.constant 48 : i32
        %dma_wait3A_154 = tpu.memref_slice %arg2[%add3A_147, %dma_wait3A_153] : memref<800000x128xf32, #tpu.memory_space<hbm>> -> memref<1000x16xf32, #tpu.memory_space<hbm>>
        tpu.wait_dma2 semaphore(%arg18 : memref<!tpu.dma_semaphore, #tpu.memory_space<semaphore_mem>>) src(%dma_wait3A_154 : memref<1000x16xf32, #tpu.memory_space<hbm>>) dst(%arg10 : memref<1000x16xf32, #tpu.memory_space<vmem>>)
        %dma_start3A_155 = tpu.memref_slice %arg3[%add3A_149] : memref<800000xi32, #tpu.memory_space<hbm>> -> memref<1000xi32, #tpu.memory_space<hbm>>
        %dma_start3A_156 = tpu.memref_slice %arg3[%add3A_149] : memref<800000xi32, #tpu.memory_space<hbm>> -> memref<1000xi32, #tpu.memory_space<hbm>>
        tpu.enqueue_dma source(%dma_start3A_156 : memref<1000xi32, #tpu.memory_space<hbm>>) target(%arg11 : memref<1000xi32, #tpu.memory_space<vmem>>) target_semaphore(%arg19 : memref<!tpu.dma_semaphore, #tpu.memory_space<semaphore_mem>>)
        %dma_start3A_157 = arith.constant 48 : i32
        %dma_start3A_158 = tpu.memref_slice %arg2[%add3A_149, %dma_start3A_157] : memref<800000x128xf32, #tpu.memory_space<hbm>> -> memref<1000x16xf32, #tpu.memory_space<hbm>>
        %dma_start3A_159 = arith.constant 48 : i32
        %dma_start3A_160 = tpu.memref_slice %arg2[%add3A_149, %dma_start3A_159] : memref<800000x128xf32, #tpu.memory_space<hbm>> -> memref<1000x16xf32, #tpu.memory_space<hbm>>
        tpu.enqueue_dma source(%dma_start3A_160 : memref<1000x16xf32, #tpu.memory_space<hbm>>) target(%arg12 : memref<1000x16xf32, #tpu.memory_space<vmem>>) target_semaphore(%arg19 : memref<!tpu.dma_semaphore, #tpu.memory_space<semaphore_mem>>)
        "tpu.region"() ({
          %run_scoped3A = tpu.sem_alloc : memref<!tpu.dma_semaphore, #tpu.memory_space<semaphore_mem>>
          %dma_start3A_174 = arith.constant 0 : i32
          %dma_start3A_175 = arith.constant 0 : i32
          %dma_start3A_176 = tpu.memref_slice %arg16[%dma_start3A_174, %dma_start3A_175] : memref<50000x16xf32, #tpu.memory_space<vmem_shared>> -> memref<50000x16xf32, #tpu.memory_space<vmem_shared>>
          tpu.enqueue_indirect_dma source(%arg10 : memref<1000x16xf32, #tpu.memory_space<vmem>>) target(%dma_start3A_176 : memref<50000x16xf32, #tpu.memory_space<vmem_shared>>) offsets(%arg9 : memref<1000xi32, #tpu.memory_space<vmem>>) semaphore(%run_scoped3A : memref<!tpu.dma_semaphore, #tpu.memory_space<semaphore_mem>>) {add = true}
          %dma_wait3A_177 = arith.constant 0 : i32
          %dma_wait3A_178 = arith.constant 0 : i32
          %dma_wait3A_179 = tpu.memref_slice %arg16[%dma_wait3A_177, %dma_wait3A_178] : memref<50000x16xf32, #tpu.memory_space<vmem_shared>> -> memref<50000x16xf32, #tpu.memory_space<vmem_shared>>
          tpu.wait_indirect_dma semaphore(%run_scoped3A : memref<!tpu.dma_semaphore, #tpu.memory_space<semaphore_mem>>) src(%arg10 : memref<1000x16xf32, #tpu.memory_space<vmem>>) dst(%dma_wait3A_179 : memref<50000x16xf32, #tpu.memory_space<vmem_shared>>)
          tpu.yield
        }) : () -> ()
        %add3A_161 = arith.constant 1 : i32
        %add3A_162 = arith.addi %scan3A_142, %add3A_161 : i32
        %lt3A = arith.constant 25 : i32
        %lt3A_163 = arith.cmpi slt, %add3A_162, %lt3A : i32
        %or3A = arith.constant false
        %or3A_164 = arith.ori %lt3A_163, %or3A : i1
        %convert_element_type3A_165 = arith.extui %or3A_164 : i1 to i32
        %cond3A_166 = arith.constant 0 : i32
        %cond3A_167 = arith.cmpi ne, %convert_element_type3A_165, %cond3A_166 : i32
        scf.if %cond3A_167 {
          %add3A_174 = arith.constant 2000 : i32
          %add3A_175 = arith.addi %add3A_147, %add3A_174 : i32
          %dma_start3A_176 = tpu.memref_slice %arg3[%add3A_175] : memref<800000xi32, #tpu.memory_space<hbm>> -> memref<1000xi32, #tpu.memory_space<hbm>>
          %dma_start3A_177 = tpu.memref_slice %arg3[%add3A_175] : memref<800000xi32, #tpu.memory_space<hbm>> -> memref<1000xi32, #tpu.memory_space<hbm>>
          tpu.enqueue_dma source(%dma_start3A_177 : memref<1000xi32, #tpu.memory_space<hbm>>) target(%arg9 : memref<1000xi32, #tpu.memory_space<vmem>>) target_semaphore(%arg18 : memref<!tpu.dma_semaphore, #tpu.memory_space<semaphore_mem>>)
          %dma_start3A_178 = arith.constant 48 : i32
          %dma_start3A_179 = tpu.memref_slice %arg2[%add3A_175, %dma_start3A_178] : memref<800000x128xf32, #tpu.memory_space<hbm>> -> memref<1000x16xf32, #tpu.memory_space<hbm>>
          %dma_start3A_180 = arith.constant 48 : i32
          %dma_start3A_181 = tpu.memref_slice %arg2[%add3A_175, %dma_start3A_180] : memref<800000x128xf32, #tpu.memory_space<hbm>> -> memref<1000x16xf32, #tpu.memory_space<hbm>>
          tpu.enqueue_dma source(%dma_start3A_181 : memref<1000x16xf32, #tpu.memory_space<hbm>>) target(%arg10 : memref<1000x16xf32, #tpu.memory_space<vmem>>) target_semaphore(%arg18 : memref<!tpu.dma_semaphore, #tpu.memory_space<semaphore_mem>>)
        } else {
        }
        %dma_wait3A_168 = tpu.memref_slice %arg3[%add3A_149] : memref<800000xi32, #tpu.memory_space<hbm>> -> memref<1000xi32, #tpu.memory_space<hbm>>
        %dma_wait3A_169 = tpu.memref_slice %arg3[%add3A_149] : memref<800000xi32, #tpu.memory_space<hbm>> -> memref<1000xi32, #tpu.memory_space<hbm>>
        tpu.wait_dma2 semaphore(%arg19 : memref<!tpu.dma_semaphore, #tpu.memory_space<semaphore_mem>>) src(%dma_wait3A_169 : memref<1000xi32, #tpu.memory_space<hbm>>) dst(%arg11 : memref<1000xi32, #tpu.memory_space<vmem>>)
        %dma_wait3A_170 = arith.constant 48 : i32
        %dma_wait3A_171 = tpu.memref_slice %arg2[%add3A_149, %dma_wait3A_170] : memref<800000x128xf32, #tpu.memory_space<hbm>> -> memref<1000x16xf32, #tpu.memory_space<hbm>>
        %dma_wait3A_172 = arith.constant 48 : i32
        %dma_wait3A_173 = tpu.memref_slice %arg2[%add3A_149, %dma_wait3A_172] : memref<800000x128xf32, #tpu.memory_space<hbm>> -> memref<1000x16xf32, #tpu.memory_space<hbm>>
        tpu.wait_dma2 semaphore(%arg19 : memref<!tpu.dma_semaphore, #tpu.memory_space<semaphore_mem>>) src(%dma_wait3A_173 : memref<1000x16xf32, #tpu.memory_space<hbm>>) dst(%arg12 : memref<1000x16xf32, #tpu.memory_space<vmem>>)
        "tpu.region"() ({
          %run_scoped3A = tpu.sem_alloc : memref<!tpu.dma_semaphore, #tpu.memory_space<semaphore_mem>>
          %dma_start3A_174 = arith.constant 0 : i32
          %dma_start3A_175 = arith.constant 0 : i32
          %dma_start3A_176 = tpu.memref_slice %arg16[%dma_start3A_174, %dma_start3A_175] : memref<50000x16xf32, #tpu.memory_space<vmem_shared>> -> memref<50000x16xf32, #tpu.memory_space<vmem_shared>>
          tpu.enqueue_indirect_dma source(%arg12 : memref<1000x16xf32, #tpu.memory_space<vmem>>) target(%dma_start3A_176 : memref<50000x16xf32, #tpu.memory_space<vmem_shared>>) offsets(%arg11 : memref<1000xi32, #tpu.memory_space<vmem>>) semaphore(%run_scoped3A : memref<!tpu.dma_semaphore, #tpu.memory_space<semaphore_mem>>) {add = true}
          %dma_wait3A_177 = arith.constant 0 : i32
          %dma_wait3A_178 = arith.constant 0 : i32
          %dma_wait3A_179 = tpu.memref_slice %arg16[%dma_wait3A_177, %dma_wait3A_178] : memref<50000x16xf32, #tpu.memory_space<vmem_shared>> -> memref<50000x16xf32, #tpu.memory_space<vmem_shared>>
          tpu.wait_indirect_dma semaphore(%run_scoped3A : memref<!tpu.dma_semaphore, #tpu.memory_space<semaphore_mem>>) src(%arg12 : memref<1000x16xf32, #tpu.memory_space<vmem>>) dst(%dma_wait3A_179 : memref<50000x16xf32, #tpu.memory_space<vmem_shared>>)
          tpu.yield
        }) : () -> ()
      }
      %scan3A_130 = arith.constant 25 : i32
      %barrier3A_131 = arith.constant 0 : index
      tpu.barrier barrier_id(%barrier3A_131)
      %add3A_132 = arith.constant 0 : i32
      %add3A_133 = arith.addi %mul3A_0, %add3A_132 : i32
      "tpu.region"() ({
        %run_scoped3A = tpu.sem_alloc : memref<!tpu.dma_semaphore, #tpu.memory_space<semaphore_mem>>
        %dma_start3A_142 = arith.constant 0 : i32
        %dma_start3A_143 = tpu.memref_slice %arg16[%add3A_133, %dma_start3A_142] : memref<50000x16xf32, #tpu.memory_space<vmem_shared>> -> memref<625x16xf32, #tpu.memory_space<vmem_shared>>
        %dma_start3A_144 = arith.constant 0 : i32
        %dma_start3A_145 = tpu.memref_slice %arg16[%add3A_133, %dma_start3A_144] : memref<50000x16xf32, #tpu.memory_space<vmem_shared>> -> memref<625x16xf32, #tpu.memory_space<vmem_shared>>
        tpu.enqueue_dma source(%dma_start3A_145 : memref<625x16xf32, #tpu.memory_space<vmem_shared>>) target(%arg14 : memref<625x16xf32, #tpu.memory_space<vmem>>) target_semaphore(%run_scoped3A : memref<!tpu.dma_semaphore, #tpu.memory_space<semaphore_mem>>)
        %dma_wait3A = arith.constant 0 : i32
        %dma_wait3A_146 = tpu.memref_slice %arg16[%add3A_133, %dma_wait3A] : memref<50000x16xf32, #tpu.memory_space<vmem_shared>> -> memref<625x16xf32, #tpu.memory_space<vmem_shared>>
        %dma_wait3A_147 = arith.constant 0 : i32
        %dma_wait3A_148 = tpu.memref_slice %arg16[%add3A_133, %dma_wait3A_147] : memref<50000x16xf32, #tpu.memory_space<vmem_shared>> -> memref<625x16xf32, #tpu.memory_space<vmem_shared>>
        tpu.wait_dma2 semaphore(%run_scoped3A : memref<!tpu.dma_semaphore, #tpu.memory_space<semaphore_mem>>) src(%dma_wait3A_148 : memref<625x16xf32, #tpu.memory_space<vmem_shared>>) dst(%arg14 : memref<625x16xf32, #tpu.memory_space<vmem>>)
        tpu.yield
      }) : () -> ()
      "tpu.region"() ({
        %run_scoped3A = tpu.sem_alloc : memref<!tpu.dma_semaphore, #tpu.memory_space<semaphore_mem>>
        %dma_start3A_142 = arith.constant 48 : i32
        %dma_start3A_143 = tpu.memref_slice %arg7[%add3A_133, %dma_start3A_142] : memref<50000x128xf32, #tpu.memory_space<hbm>> -> memref<625x16xf32, #tpu.memory_space<hbm>>
        %dma_start3A_144 = arith.constant 48 : i32
        %dma_start3A_145 = tpu.memref_slice %arg7[%add3A_133, %dma_start3A_144] : memref<50000x128xf32, #tpu.memory_space<hbm>> -> memref<625x16xf32, #tpu.memory_space<hbm>>
        tpu.enqueue_dma source(%arg14 : memref<625x16xf32, #tpu.memory_space<vmem>>) target(%dma_start3A_145 : memref<625x16xf32, #tpu.memory_space<hbm>>) target_semaphore(%run_scoped3A : memref<!tpu.dma_semaphore, #tpu.memory_space<semaphore_mem>>)
        %dma_wait3A = arith.constant 48 : i32
        %dma_wait3A_146 = tpu.memref_slice %arg7[%add3A_133, %dma_wait3A] : memref<50000x128xf32, #tpu.memory_space<hbm>> -> memref<625x16xf32, #tpu.memory_space<hbm>>
        %dma_wait3A_147 = arith.constant 48 : i32
        %dma_wait3A_148 = tpu.memref_slice %arg7[%add3A_133, %dma_wait3A_147] : memref<50000x128xf32, #tpu.memory_space<hbm>> -> memref<625x16xf32, #tpu.memory_space<hbm>>
        tpu.wait_dma2 semaphore(%run_scoped3A : memref<!tpu.dma_semaphore, #tpu.memory_space<semaphore_mem>>) src(%arg14 : memref<625x16xf32, #tpu.memory_space<vmem>>) dst(%dma_wait3A_148 : memref<625x16xf32, #tpu.memory_space<hbm>>)
        tpu.yield
      }) : () -> ()
      %add3A_134 = arith.constant 625 : i32
      %add3A_135 = arith.addi %mul3A_0, %add3A_134 : i32
      "tpu.region"() ({
        %run_scoped3A = tpu.sem_alloc : memref<!tpu.dma_semaphore, #tpu.memory_space<semaphore_mem>>
        %dma_start3A_142 = arith.constant 0 : i32
        %dma_start3A_143 = tpu.memref_slice %arg16[%add3A_135, %dma_start3A_142] : memref<50000x16xf32, #tpu.memory_space<vmem_shared>> -> memref<625x16xf32, #tpu.memory_space<vmem_shared>>
        %dma_start3A_144 = arith.constant 0 : i32
        %dma_start3A_145 = tpu.memref_slice %arg16[%add3A_135, %dma_start3A_144] : memref<50000x16xf32, #tpu.memory_space<vmem_shared>> -> memref<625x16xf32, #tpu.memory_space<vmem_shared>>
        tpu.enqueue_dma source(%dma_start3A_145 : memref<625x16xf32, #tpu.memory_space<vmem_shared>>) target(%arg14 : memref<625x16xf32, #tpu.memory_space<vmem>>) target_semaphore(%run_scoped3A : memref<!tpu.dma_semaphore, #tpu.memory_space<semaphore_mem>>)
        %dma_wait3A = arith.constant 0 : i32
        %dma_wait3A_146 = tpu.memref_slice %arg16[%add3A_135, %dma_wait3A] : memref<50000x16xf32, #tpu.memory_space<vmem_shared>> -> memref<625x16xf32, #tpu.memory_space<vmem_shared>>
        %dma_wait3A_147 = arith.constant 0 : i32
        %dma_wait3A_148 = tpu.memref_slice %arg16[%add3A_135, %dma_wait3A_147] : memref<50000x16xf32, #tpu.memory_space<vmem_shared>> -> memref<625x16xf32, #tpu.memory_space<vmem_shared>>
        tpu.wait_dma2 semaphore(%run_scoped3A : memref<!tpu.dma_semaphore, #tpu.memory_space<semaphore_mem>>) src(%dma_wait3A_148 : memref<625x16xf32, #tpu.memory_space<vmem_shared>>) dst(%arg14 : memref<625x16xf32, #tpu.memory_space<vmem>>)
        tpu.yield
      }) : () -> ()
      "tpu.region"() ({
        %run_scoped3A = tpu.sem_alloc : memref<!tpu.dma_semaphore, #tpu.memory_space<semaphore_mem>>
        %dma_start3A_142 = arith.constant 48 : i32
        %dma_start3A_143 = tpu.memref_slice %arg7[%add3A_135, %dma_start3A_142] : memref<50000x128xf32, #tpu.memory_space<hbm>> -> memref<625x16xf32, #tpu.memory_space<hbm>>
        %dma_start3A_144 = arith.constant 48 : i32
        %dma_start3A_145 = tpu.memref_slice %arg7[%add3A_135, %dma_start3A_144] : memref<50000x128xf32, #tpu.memory_space<hbm>> -> memref<625x16xf32, #tpu.memory_space<hbm>>
        tpu.enqueue_dma source(%arg14 : memref<625x16xf32, #tpu.memory_space<vmem>>) target(%dma_start3A_145 : memref<625x16xf32, #tpu.memory_space<hbm>>) target_semaphore(%run_scoped3A : memref<!tpu.dma_semaphore, #tpu.memory_space<semaphore_mem>>)
        %dma_wait3A = arith.constant 48 : i32
        %dma_wait3A_146 = tpu.memref_slice %arg7[%add3A_135, %dma_wait3A] : memref<50000x128xf32, #tpu.memory_space<hbm>> -> memref<625x16xf32, #tpu.memory_space<hbm>>
        %dma_wait3A_147 = arith.constant 48 : i32
        %dma_wait3A_148 = tpu.memref_slice %arg7[%add3A_135, %dma_wait3A_147] : memref<50000x128xf32, #tpu.memory_space<hbm>> -> memref<625x16xf32, #tpu.memory_space<hbm>>
        tpu.wait_dma2 semaphore(%run_scoped3A : memref<!tpu.dma_semaphore, #tpu.memory_space<semaphore_mem>>) src(%arg14 : memref<625x16xf32, #tpu.memory_space<vmem>>) dst(%dma_wait3A_148 : memref<625x16xf32, #tpu.memory_space<hbm>>)
        tpu.yield
      }) : () -> ()
      %add3A_136 = arith.constant 1250 : i32
      %add3A_137 = arith.addi %mul3A_0, %add3A_136 : i32
      "tpu.region"() ({
        %run_scoped3A = tpu.sem_alloc : memref<!tpu.dma_semaphore, #tpu.memory_space<semaphore_mem>>
        %dma_start3A_142 = arith.constant 0 : i32
        %dma_start3A_143 = tpu.memref_slice %arg16[%add3A_137, %dma_start3A_142] : memref<50000x16xf32, #tpu.memory_space<vmem_shared>> -> memref<625x16xf32, #tpu.memory_space<vmem_shared>>
        %dma_start3A_144 = arith.constant 0 : i32
        %dma_start3A_145 = tpu.memref_slice %arg16[%add3A_137, %dma_start3A_144] : memref<50000x16xf32, #tpu.memory_space<vmem_shared>> -> memref<625x16xf32, #tpu.memory_space<vmem_shared>>
        tpu.enqueue_dma source(%dma_start3A_145 : memref<625x16xf32, #tpu.memory_space<vmem_shared>>) target(%arg14 : memref<625x16xf32, #tpu.memory_space<vmem>>) target_semaphore(%run_scoped3A : memref<!tpu.dma_semaphore, #tpu.memory_space<semaphore_mem>>)
        %dma_wait3A = arith.constant 0 : i32
        %dma_wait3A_146 = tpu.memref_slice %arg16[%add3A_137, %dma_wait3A] : memref<50000x16xf32, #tpu.memory_space<vmem_shared>> -> memref<625x16xf32, #tpu.memory_space<vmem_shared>>
        %dma_wait3A_147 = arith.constant 0 : i32
        %dma_wait3A_148 = tpu.memref_slice %arg16[%add3A_137, %dma_wait3A_147] : memref<50000x16xf32, #tpu.memory_space<vmem_shared>> -> memref<625x16xf32, #tpu.memory_space<vmem_shared>>
        tpu.wait_dma2 semaphore(%run_scoped3A : memref<!tpu.dma_semaphore, #tpu.memory_space<semaphore_mem>>) src(%dma_wait3A_148 : memref<625x16xf32, #tpu.memory_space<vmem_shared>>) dst(%arg14 : memref<625x16xf32, #tpu.memory_space<vmem>>)
        tpu.yield
      }) : () -> ()
      "tpu.region"() ({
        %run_scoped3A = tpu.sem_alloc : memref<!tpu.dma_semaphore, #tpu.memory_space<semaphore_mem>>
        %dma_start3A_142 = arith.constant 48 : i32
        %dma_start3A_143 = tpu.memref_slice %arg7[%add3A_137, %dma_start3A_142] : memref<50000x128xf32, #tpu.memory_space<hbm>> -> memref<625x16xf32, #tpu.memory_space<hbm>>
        %dma_start3A_144 = arith.constant 48 : i32
        %dma_start3A_145 = tpu.memref_slice %arg7[%add3A_137, %dma_start3A_144] : memref<50000x128xf32, #tpu.memory_space<hbm>> -> memref<625x16xf32, #tpu.memory_space<hbm>>
        tpu.enqueue_dma source(%arg14 : memref<625x16xf32, #tpu.memory_space<vmem>>) target(%dma_start3A_145 : memref<625x16xf32, #tpu.memory_space<hbm>>) target_semaphore(%run_scoped3A : memref<!tpu.dma_semaphore, #tpu.memory_space<semaphore_mem>>)
        %dma_wait3A = arith.constant 48 : i32
        %dma_wait3A_146 = tpu.memref_slice %arg7[%add3A_137, %dma_wait3A] : memref<50000x128xf32, #tpu.memory_space<hbm>> -> memref<625x16xf32, #tpu.memory_space<hbm>>
        %dma_wait3A_147 = arith.constant 48 : i32
        %dma_wait3A_148 = tpu.memref_slice %arg7[%add3A_137, %dma_wait3A_147] : memref<50000x128xf32, #tpu.memory_space<hbm>> -> memref<625x16xf32, #tpu.memory_space<hbm>>
        tpu.wait_dma2 semaphore(%run_scoped3A : memref<!tpu.dma_semaphore, #tpu.memory_space<semaphore_mem>>) src(%arg14 : memref<625x16xf32, #tpu.memory_space<vmem>>) dst(%dma_wait3A_148 : memref<625x16xf32, #tpu.memory_space<hbm>>)
        tpu.yield
      }) : () -> ()
      %add3A_138 = arith.constant 1875 : i32
      %add3A_139 = arith.addi %mul3A_0, %add3A_138 : i32
      "tpu.region"() ({
        %run_scoped3A = tpu.sem_alloc : memref<!tpu.dma_semaphore, #tpu.memory_space<semaphore_mem>>
        %dma_start3A_142 = arith.constant 0 : i32
        %dma_start3A_143 = tpu.memref_slice %arg16[%add3A_139, %dma_start3A_142] : memref<50000x16xf32, #tpu.memory_space<vmem_shared>> -> memref<625x16xf32, #tpu.memory_space<vmem_shared>>
        %dma_start3A_144 = arith.constant 0 : i32
        %dma_start3A_145 = tpu.memref_slice %arg16[%add3A_139, %dma_start3A_144] : memref<50000x16xf32, #tpu.memory_space<vmem_shared>> -> memref<625x16xf32, #tpu.memory_space<vmem_shared>>
        tpu.enqueue_dma source(%dma_start3A_145 : memref<625x16xf32, #tpu.memory_space<vmem_shared>>) target(%arg14 : memref<625x16xf32, #tpu.memory_space<vmem>>) target_semaphore(%run_scoped3A : memref<!tpu.dma_semaphore, #tpu.memory_space<semaphore_mem>>)
        %dma_wait3A = arith.constant 0 : i32
        %dma_wait3A_146 = tpu.memref_slice %arg16[%add3A_139, %dma_wait3A] : memref<50000x16xf32, #tpu.memory_space<vmem_shared>> -> memref<625x16xf32, #tpu.memory_space<vmem_shared>>
        %dma_wait3A_147 = arith.constant 0 : i32
        %dma_wait3A_148 = tpu.memref_slice %arg16[%add3A_139, %dma_wait3A_147] : memref<50000x16xf32, #tpu.memory_space<vmem_shared>> -> memref<625x16xf32, #tpu.memory_space<vmem_shared>>
        tpu.wait_dma2 semaphore(%run_scoped3A : memref<!tpu.dma_semaphore, #tpu.memory_space<semaphore_mem>>) src(%dma_wait3A_148 : memref<625x16xf32, #tpu.memory_space<vmem_shared>>) dst(%arg14 : memref<625x16xf32, #tpu.memory_space<vmem>>)
        tpu.yield
      }) : () -> ()
      "tpu.region"() ({
        %run_scoped3A = tpu.sem_alloc : memref<!tpu.dma_semaphore, #tpu.memory_space<semaphore_mem>>
        %dma_start3A_142 = arith.constant 48 : i32
        %dma_start3A_143 = tpu.memref_slice %arg7[%add3A_139, %dma_start3A_142] : memref<50000x128xf32, #tpu.memory_space<hbm>> -> memref<625x16xf32, #tpu.memory_space<hbm>>
        %dma_start3A_144 = arith.constant 48 : i32
        %dma_start3A_145 = tpu.memref_slice %arg7[%add3A_139, %dma_start3A_144] : memref<50000x128xf32, #tpu.memory_space<hbm>> -> memref<625x16xf32, #tpu.memory_space<hbm>>
        tpu.enqueue_dma source(%arg14 : memref<625x16xf32, #tpu.memory_space<vmem>>) target(%dma_start3A_145 : memref<625x16xf32, #tpu.memory_space<hbm>>) target_semaphore(%run_scoped3A : memref<!tpu.dma_semaphore, #tpu.memory_space<semaphore_mem>>)
        %dma_wait3A = arith.constant 48 : i32
        %dma_wait3A_146 = tpu.memref_slice %arg7[%add3A_139, %dma_wait3A] : memref<50000x128xf32, #tpu.memory_space<hbm>> -> memref<625x16xf32, #tpu.memory_space<hbm>>
        %dma_wait3A_147 = arith.constant 48 : i32
        %dma_wait3A_148 = tpu.memref_slice %arg7[%add3A_139, %dma_wait3A_147] : memref<50000x128xf32, #tpu.memory_space<hbm>> -> memref<625x16xf32, #tpu.memory_space<hbm>>
        tpu.wait_dma2 semaphore(%run_scoped3A : memref<!tpu.dma_semaphore, #tpu.memory_space<semaphore_mem>>) src(%arg14 : memref<625x16xf32, #tpu.memory_space<vmem>>) dst(%dma_wait3A_148 : memref<625x16xf32, #tpu.memory_space<hbm>>)
        tpu.yield
      }) : () -> ()
      %add3A_140 = arith.constant 2500 : i32
      %add3A_141 = arith.addi %mul3A_0, %add3A_140 : i32
      "tpu.region"() ({
        %run_scoped3A = tpu.sem_alloc : memref<!tpu.dma_semaphore, #tpu.memory_space<semaphore_mem>>
        %dma_start3A_142 = arith.constant 0 : i32
        %dma_start3A_143 = tpu.memref_slice %arg16[%add3A_141, %dma_start3A_142] : memref<50000x16xf32, #tpu.memory_space<vmem_shared>> -> memref<625x16xf32, #tpu.memory_space<vmem_shared>>
        %dma_start3A_144 = arith.constant 0 : i32
        %dma_start3A_145 = tpu.memref_slice %arg16[%add3A_141, %dma_start3A_144] : memref<50000x16xf32, #tpu.memory_space<vmem_shared>> -> memref<625x16xf32, #tpu.memory_space<vmem_shared>>
        tpu.enqueue_dma source(%dma_start3A_145 : memref<625x16xf32, #tpu.memory_space<vmem_shared>>) target(%arg14 : memref<625x16xf32, #tpu.memory_space<vmem>>) target_semaphore(%run_scoped3A : memref<!tpu.dma_semaphore, #tpu.memory_space<semaphore_mem>>)
        %dma_wait3A = arith.constant 0 : i32
        %dma_wait3A_146 = tpu.memref_slice %arg16[%add3A_141, %dma_wait3A] : memref<50000x16xf32, #tpu.memory_space<vmem_shared>> -> memref<625x16xf32, #tpu.memory_space<vmem_shared>>
        %dma_wait3A_147 = arith.constant 0 : i32
        %dma_wait3A_148 = tpu.memref_slice %arg16[%add3A_141, %dma_wait3A_147] : memref<50000x16xf32, #tpu.memory_space<vmem_shared>> -> memref<625x16xf32, #tpu.memory_space<vmem_shared>>
        tpu.wait_dma2 semaphore(%run_scoped3A : memref<!tpu.dma_semaphore, #tpu.memory_space<semaphore_mem>>) src(%dma_wait3A_148 : memref<625x16xf32, #tpu.memory_space<vmem_shared>>) dst(%arg14 : memref<625x16xf32, #tpu.memory_space<vmem>>)
        tpu.yield
      }) : () -> ()
      "tpu.region"() ({
        %run_scoped3A = tpu.sem_alloc : memref<!tpu.dma_semaphore, #tpu.memory_space<semaphore_mem>>
        %dma_start3A_142 = arith.constant 48 : i32
        %dma_start3A_143 = tpu.memref_slice %arg7[%add3A_141, %dma_start3A_142] : memref<50000x128xf32, #tpu.memory_space<hbm>> -> memref<625x16xf32, #tpu.memory_space<hbm>>
        %dma_start3A_144 = arith.constant 48 : i32
        %dma_start3A_145 = tpu.memref_slice %arg7[%add3A_141, %dma_start3A_144] : memref<50000x128xf32, #tpu.memory_space<hbm>> -> memref<625x16xf32, #tpu.memory_space<hbm>>
        tpu.enqueue_dma source(%arg14 : memref<625x16xf32, #tpu.memory_space<vmem>>) target(%dma_start3A_145 : memref<625x16xf32, #tpu.memory_space<hbm>>) target_semaphore(%run_scoped3A : memref<!tpu.dma_semaphore, #tpu.memory_space<semaphore_mem>>)
        %dma_wait3A = arith.constant 48 : i32
        %dma_wait3A_146 = tpu.memref_slice %arg7[%add3A_141, %dma_wait3A] : memref<50000x128xf32, #tpu.memory_space<hbm>> -> memref<625x16xf32, #tpu.memory_space<hbm>>
        %dma_wait3A_147 = arith.constant 48 : i32
        %dma_wait3A_148 = tpu.memref_slice %arg7[%add3A_141, %dma_wait3A_147] : memref<50000x128xf32, #tpu.memory_space<hbm>> -> memref<625x16xf32, #tpu.memory_space<hbm>>
        tpu.wait_dma2 semaphore(%run_scoped3A : memref<!tpu.dma_semaphore, #tpu.memory_space<semaphore_mem>>) src(%arg14 : memref<625x16xf32, #tpu.memory_space<vmem>>) dst(%dma_wait3A_148 : memref<625x16xf32, #tpu.memory_space<hbm>>)
        tpu.yield
      }) : () -> ()
    } else {
    }
    %eq3A_3 = arith.constant 1 : i32
    %eq3A_4 = arith.cmpi eq, %arg0, %eq3A_3 : i32
    %convert_element_type3A_5 = arith.extui %eq3A_4 : i1 to i32
    %cond3A_6 = arith.constant 0 : i32
    %cond3A_7 = arith.cmpi ne, %convert_element_type3A_5, %cond3A_6 : i32
    scf.if %cond3A_7 {
      %mul3A_8 = arith.constant 50000 : i32
      %mul3A_9 = arith.muli %arg1, %mul3A_8 : i32
      %barrier3A = arith.constant 0 : index
      tpu.barrier barrier_id(%barrier3A)
      %eq3A_10 = arith.constant 0 : i32
      %eq3A_11 = arith.cmpi eq, %arg1, %eq3A_10 : i32
      %convert_element_type3A_12 = arith.extui %eq3A_11 : i1 to i32
      %cond3A_13 = arith.constant 0 : i32
      %cond3A_14 = arith.cmpi ne, %convert_element_type3A_12, %cond3A_13 : i32
      scf.if %cond3A_14 {
        "tpu.region"() ({
          %run_scoped3A = tpu.sem_alloc : memref<!tpu.dma_semaphore, #tpu.memory_space<semaphore_mem>>
          tpu.enqueue_dma source(%arg4 : memref<50000x16xf32, #tpu.memory_space<hbm>>) target(%arg16 : memref<50000x16xf32, #tpu.memory_space<vmem_shared>>) target_semaphore(%run_scoped3A : memref<!tpu.dma_semaphore, #tpu.memory_space<semaphore_mem>>)
          tpu.wait_dma2 semaphore(%run_scoped3A : memref<!tpu.dma_semaphore, #tpu.memory_space<semaphore_mem>>) src(%arg4 : memref<50000x16xf32, #tpu.memory_space<hbm>>) dst(%arg16 : memref<50000x16xf32, #tpu.memory_space<vmem_shared>>)
          tpu.yield
        }) : () -> ()
      } else {
      }
      %dma_start3A = tpu.memref_slice %arg3[%mul3A_9] : memref<800000xi32, #tpu.memory_space<hbm>> -> memref<1000xi32, #tpu.memory_space<hbm>>
      %dma_start3A_15 = tpu.memref_slice %arg3[%mul3A_9] : memref<800000xi32, #tpu.memory_space<hbm>> -> memref<1000xi32, #tpu.memory_space<hbm>>
      tpu.enqueue_dma source(%dma_start3A_15 : memref<1000xi32, #tpu.memory_space<hbm>>) target(%arg9 : memref<1000xi32, #tpu.memory_space<vmem>>) target_semaphore(%arg18 : memref<!tpu.dma_semaphore, #tpu.memory_space<semaphore_mem>>)
      %dma_start3A_16 = arith.constant 64 : i32
      %dma_start3A_17 = tpu.memref_slice %arg2[%mul3A_9, %dma_start3A_16] : memref<800000x128xf32, #tpu.memory_space<hbm>> -> memref<1000x16xf32, #tpu.memory_space<hbm>>
      %dma_start3A_18 = arith.constant 64 : i32
      %dma_start3A_19 = tpu.memref_slice %arg2[%mul3A_9, %dma_start3A_18] : memref<800000x128xf32, #tpu.memory_space<hbm>> -> memref<1000x16xf32, #tpu.memory_space<hbm>>
      tpu.enqueue_dma source(%dma_start3A_19 : memref<1000x16xf32, #tpu.memory_space<hbm>>) target(%arg10 : memref<1000x16xf32, #tpu.memory_space<vmem>>) target_semaphore(%arg18 : memref<!tpu.dma_semaphore, #tpu.memory_space<semaphore_mem>>)
      %barrier3A_20 = arith.constant 0 : index
      tpu.barrier barrier_id(%barrier3A_20)
      %scan3A = arith.constant 0 : i32
      %scan3A_21 = arith.constant 0 : i32
      %scan3A_22 = arith.constant 25 : i32
      %scan3A_23 = arith.addi %scan3A_21, %scan3A_22 : i32
      %scan3A_24 = arith.constant 1 : i32
      scf.for %scan3A_132 = %scan3A_21 to %scan3A_23 step %scan3A_24  : i32 {
        %mul3A_133 = arith.constant 2 : i32
        %mul3A_134 = arith.muli %mul3A_133, %scan3A_132 : i32
        %mul3A_135 = arith.constant 1000 : i32
        %mul3A_136 = arith.muli %mul3A_134, %mul3A_135 : i32
        %add3A_137 = arith.addi %mul3A_9, %mul3A_136 : i32
        %add3A_138 = arith.constant 1000 : i32
        %add3A_139 = arith.addi %add3A_137, %add3A_138 : i32
        %dma_wait3A = tpu.memref_slice %arg3[%add3A_137] : memref<800000xi32, #tpu.memory_space<hbm>> -> memref<1000xi32, #tpu.memory_space<hbm>>
        %dma_wait3A_140 = tpu.memref_slice %arg3[%add3A_137] : memref<800000xi32, #tpu.memory_space<hbm>> -> memref<1000xi32, #tpu.memory_space<hbm>>
        tpu.wait_dma2 semaphore(%arg18 : memref<!tpu.dma_semaphore, #tpu.memory_space<semaphore_mem>>) src(%dma_wait3A_140 : memref<1000xi32, #tpu.memory_space<hbm>>) dst(%arg9 : memref<1000xi32, #tpu.memory_space<vmem>>)
        %dma_wait3A_141 = arith.constant 64 : i32
        %dma_wait3A_142 = tpu.memref_slice %arg2[%add3A_137, %dma_wait3A_141] : memref<800000x128xf32, #tpu.memory_space<hbm>> -> memref<1000x16xf32, #tpu.memory_space<hbm>>
        %dma_wait3A_143 = arith.constant 64 : i32
        %dma_wait3A_144 = tpu.memref_slice %arg2[%add3A_137, %dma_wait3A_143] : memref<800000x128xf32, #tpu.memory_space<hbm>> -> memref<1000x16xf32, #tpu.memory_space<hbm>>
        tpu.wait_dma2 semaphore(%arg18 : memref<!tpu.dma_semaphore, #tpu.memory_space<semaphore_mem>>) src(%dma_wait3A_144 : memref<1000x16xf32, #tpu.memory_space<hbm>>) dst(%arg10 : memref<1000x16xf32, #tpu.memory_space<vmem>>)
        %dma_start3A_145 = tpu.memref_slice %arg3[%add3A_139] : memref<800000xi32, #tpu.memory_space<hbm>> -> memref<1000xi32, #tpu.memory_space<hbm>>
        %dma_start3A_146 = tpu.memref_slice %arg3[%add3A_139] : memref<800000xi32, #tpu.memory_space<hbm>> -> memref<1000xi32, #tpu.memory_space<hbm>>
        tpu.enqueue_dma source(%dma_start3A_146 : memref<1000xi32, #tpu.memory_space<hbm>>) target(%arg11 : memref<1000xi32, #tpu.memory_space<vmem>>) target_semaphore(%arg19 : memref<!tpu.dma_semaphore, #tpu.memory_space<semaphore_mem>>)
        %dma_start3A_147 = arith.constant 64 : i32
        %dma_start3A_148 = tpu.memref_slice %arg2[%add3A_139, %dma_start3A_147] : memref<800000x128xf32, #tpu.memory_space<hbm>> -> memref<1000x16xf32, #tpu.memory_space<hbm>>
        %dma_start3A_149 = arith.constant 64 : i32
        %dma_start3A_150 = tpu.memref_slice %arg2[%add3A_139, %dma_start3A_149] : memref<800000x128xf32, #tpu.memory_space<hbm>> -> memref<1000x16xf32, #tpu.memory_space<hbm>>
        tpu.enqueue_dma source(%dma_start3A_150 : memref<1000x16xf32, #tpu.memory_space<hbm>>) target(%arg12 : memref<1000x16xf32, #tpu.memory_space<vmem>>) target_semaphore(%arg19 : memref<!tpu.dma_semaphore, #tpu.memory_space<semaphore_mem>>)
        "tpu.region"() ({
          %run_scoped3A = tpu.sem_alloc : memref<!tpu.dma_semaphore, #tpu.memory_space<semaphore_mem>>
          %dma_start3A_164 = arith.constant 0 : i32
          %dma_start3A_165 = arith.constant 0 : i32
          %dma_start3A_166 = tpu.memref_slice %arg16[%dma_start3A_164, %dma_start3A_165] : memref<50000x16xf32, #tpu.memory_space<vmem_shared>> -> memref<50000x16xf32, #tpu.memory_space<vmem_shared>>
          tpu.enqueue_indirect_dma source(%arg10 : memref<1000x16xf32, #tpu.memory_space<vmem>>) target(%dma_start3A_166 : memref<50000x16xf32, #tpu.memory_space<vmem_shared>>) offsets(%arg9 : memref<1000xi32, #tpu.memory_space<vmem>>) semaphore(%run_scoped3A : memref<!tpu.dma_semaphore, #tpu.memory_space<semaphore_mem>>) {add = true}
          %dma_wait3A_167 = arith.constant 0 : i32
          %dma_wait3A_168 = arith.constant 0 : i32
          %dma_wait3A_169 = tpu.memref_slice %arg16[%dma_wait3A_167, %dma_wait3A_168] : memref<50000x16xf32, #tpu.memory_space<vmem_shared>> -> memref<50000x16xf32, #tpu.memory_space<vmem_shared>>
          tpu.wait_indirect_dma semaphore(%run_scoped3A : memref<!tpu.dma_semaphore, #tpu.memory_space<semaphore_mem>>) src(%arg10 : memref<1000x16xf32, #tpu.memory_space<vmem>>) dst(%dma_wait3A_169 : memref<50000x16xf32, #tpu.memory_space<vmem_shared>>)
          tpu.yield
        }) : () -> ()
        %add3A_151 = arith.constant 1 : i32
        %add3A_152 = arith.addi %scan3A_132, %add3A_151 : i32
        %lt3A = arith.constant 25 : i32
        %lt3A_153 = arith.cmpi slt, %add3A_152, %lt3A : i32
        %or3A = arith.constant false
        %or3A_154 = arith.ori %lt3A_153, %or3A : i1
        %convert_element_type3A_155 = arith.extui %or3A_154 : i1 to i32
        %cond3A_156 = arith.constant 0 : i32
        %cond3A_157 = arith.cmpi ne, %convert_element_type3A_155, %cond3A_156 : i32
        scf.if %cond3A_157 {
          %add3A_164 = arith.constant 2000 : i32
          %add3A_165 = arith.addi %add3A_137, %add3A_164 : i32
          %dma_start3A_166 = tpu.memref_slice %arg3[%add3A_165] : memref<800000xi32, #tpu.memory_space<hbm>> -> memref<1000xi32, #tpu.memory_space<hbm>>
          %dma_start3A_167 = tpu.memref_slice %arg3[%add3A_165] : memref<800000xi32, #tpu.memory_space<hbm>> -> memref<1000xi32, #tpu.memory_space<hbm>>
          tpu.enqueue_dma source(%dma_start3A_167 : memref<1000xi32, #tpu.memory_space<hbm>>) target(%arg9 : memref<1000xi32, #tpu.memory_space<vmem>>) target_semaphore(%arg18 : memref<!tpu.dma_semaphore, #tpu.memory_space<semaphore_mem>>)
          %dma_start3A_168 = arith.constant 64 : i32
          %dma_start3A_169 = tpu.memref_slice %arg2[%add3A_165, %dma_start3A_168] : memref<800000x128xf32, #tpu.memory_space<hbm>> -> memref<1000x16xf32, #tpu.memory_space<hbm>>
          %dma_start3A_170 = arith.constant 64 : i32
          %dma_start3A_171 = tpu.memref_slice %arg2[%add3A_165, %dma_start3A_170] : memref<800000x128xf32, #tpu.memory_space<hbm>> -> memref<1000x16xf32, #tpu.memory_space<hbm>>
          tpu.enqueue_dma source(%dma_start3A_171 : memref<1000x16xf32, #tpu.memory_space<hbm>>) target(%arg10 : memref<1000x16xf32, #tpu.memory_space<vmem>>) target_semaphore(%arg18 : memref<!tpu.dma_semaphore, #tpu.memory_space<semaphore_mem>>)
        } else {
        }
        %dma_wait3A_158 = tpu.memref_slice %arg3[%add3A_139] : memref<800000xi32, #tpu.memory_space<hbm>> -> memref<1000xi32, #tpu.memory_space<hbm>>
        %dma_wait3A_159 = tpu.memref_slice %arg3[%add3A_139] : memref<800000xi32, #tpu.memory_space<hbm>> -> memref<1000xi32, #tpu.memory_space<hbm>>
        tpu.wait_dma2 semaphore(%arg19 : memref<!tpu.dma_semaphore, #tpu.memory_space<semaphore_mem>>) src(%dma_wait3A_159 : memref<1000xi32, #tpu.memory_space<hbm>>) dst(%arg11 : memref<1000xi32, #tpu.memory_space<vmem>>)
        %dma_wait3A_160 = arith.constant 64 : i32
        %dma_wait3A_161 = tpu.memref_slice %arg2[%add3A_139, %dma_wait3A_160] : memref<800000x128xf32, #tpu.memory_space<hbm>> -> memref<1000x16xf32, #tpu.memory_space<hbm>>
        %dma_wait3A_162 = arith.constant 64 : i32
        %dma_wait3A_163 = tpu.memref_slice %arg2[%add3A_139, %dma_wait3A_162] : memref<800000x128xf32, #tpu.memory_space<hbm>> -> memref<1000x16xf32, #tpu.memory_space<hbm>>
        tpu.wait_dma2 semaphore(%arg19 : memref<!tpu.dma_semaphore, #tpu.memory_space<semaphore_mem>>) src(%dma_wait3A_163 : memref<1000x16xf32, #tpu.memory_space<hbm>>) dst(%arg12 : memref<1000x16xf32, #tpu.memory_space<vmem>>)
        "tpu.region"() ({
          %run_scoped3A = tpu.sem_alloc : memref<!tpu.dma_semaphore, #tpu.memory_space<semaphore_mem>>
          %dma_start3A_164 = arith.constant 0 : i32
          %dma_start3A_165 = arith.constant 0 : i32
          %dma_start3A_166 = tpu.memref_slice %arg16[%dma_start3A_164, %dma_start3A_165] : memref<50000x16xf32, #tpu.memory_space<vmem_shared>> -> memref<50000x16xf32, #tpu.memory_space<vmem_shared>>
          tpu.enqueue_indirect_dma source(%arg12 : memref<1000x16xf32, #tpu.memory_space<vmem>>) target(%dma_start3A_166 : memref<50000x16xf32, #tpu.memory_space<vmem_shared>>) offsets(%arg11 : memref<1000xi32, #tpu.memory_space<vmem>>) semaphore(%run_scoped3A : memref<!tpu.dma_semaphore, #tpu.memory_space<semaphore_mem>>) {add = true}
          %dma_wait3A_167 = arith.constant 0 : i32
          %dma_wait3A_168 = arith.constant 0 : i32
          %dma_wait3A_169 = tpu.memref_slice %arg16[%dma_wait3A_167, %dma_wait3A_168] : memref<50000x16xf32, #tpu.memory_space<vmem_shared>> -> memref<50000x16xf32, #tpu.memory_space<vmem_shared>>
          tpu.wait_indirect_dma semaphore(%run_scoped3A : memref<!tpu.dma_semaphore, #tpu.memory_space<semaphore_mem>>) src(%arg12 : memref<1000x16xf32, #tpu.memory_space<vmem>>) dst(%dma_wait3A_169 : memref<50000x16xf32, #tpu.memory_space<vmem_shared>>)
          tpu.yield
        }) : () -> ()
      }
      %scan3A_25 = arith.constant 25 : i32
      %barrier3A_26 = arith.constant 0 : index
      tpu.barrier barrier_id(%barrier3A_26)
      %add3A = arith.constant 0 : i32
      %add3A_27 = arith.addi %mul3A_0, %add3A : i32
      "tpu.region"() ({
        %run_scoped3A = tpu.sem_alloc : memref<!tpu.dma_semaphore, #tpu.memory_space<semaphore_mem>>
        %dma_start3A_132 = arith.constant 0 : i32
        %dma_start3A_133 = tpu.memref_slice %arg16[%add3A_27, %dma_start3A_132] : memref<50000x16xf32, #tpu.memory_space<vmem_shared>> -> memref<625x16xf32, #tpu.memory_space<vmem_shared>>
        %dma_start3A_134 = arith.constant 0 : i32
        %dma_start3A_135 = tpu.memref_slice %arg16[%add3A_27, %dma_start3A_134] : memref<50000x16xf32, #tpu.memory_space<vmem_shared>> -> memref<625x16xf32, #tpu.memory_space<vmem_shared>>
        tpu.enqueue_dma source(%dma_start3A_135 : memref<625x16xf32, #tpu.memory_space<vmem_shared>>) target(%arg14 : memref<625x16xf32, #tpu.memory_space<vmem>>) target_semaphore(%run_scoped3A : memref<!tpu.dma_semaphore, #tpu.memory_space<semaphore_mem>>)
        %dma_wait3A = arith.constant 0 : i32
        %dma_wait3A_136 = tpu.memref_slice %arg16[%add3A_27, %dma_wait3A] : memref<50000x16xf32, #tpu.memory_space<vmem_shared>> -> memref<625x16xf32, #tpu.memory_space<vmem_shared>>
        %dma_wait3A_137 = arith.constant 0 : i32
        %dma_wait3A_138 = tpu.memref_slice %arg16[%add3A_27, %dma_wait3A_137] : memref<50000x16xf32, #tpu.memory_space<vmem_shared>> -> memref<625x16xf32, #tpu.memory_space<vmem_shared>>
        tpu.wait_dma2 semaphore(%run_scoped3A : memref<!tpu.dma_semaphore, #tpu.memory_space<semaphore_mem>>) src(%dma_wait3A_138 : memref<625x16xf32, #tpu.memory_space<vmem_shared>>) dst(%arg14 : memref<625x16xf32, #tpu.memory_space<vmem>>)
        tpu.yield
      }) : () -> ()
      "tpu.region"() ({
        %run_scoped3A = tpu.sem_alloc : memref<!tpu.dma_semaphore, #tpu.memory_space<semaphore_mem>>
        %dma_start3A_132 = arith.constant 64 : i32
        %dma_start3A_133 = tpu.memref_slice %arg7[%add3A_27, %dma_start3A_132] : memref<50000x128xf32, #tpu.memory_space<hbm>> -> memref<625x16xf32, #tpu.memory_space<hbm>>
        %dma_start3A_134 = arith.constant 64 : i32
        %dma_start3A_135 = tpu.memref_slice %arg7[%add3A_27, %dma_start3A_134] : memref<50000x128xf32, #tpu.memory_space<hbm>> -> memref<625x16xf32, #tpu.memory_space<hbm>>
        tpu.enqueue_dma source(%arg14 : memref<625x16xf32, #tpu.memory_space<vmem>>) target(%dma_start3A_135 : memref<625x16xf32, #tpu.memory_space<hbm>>) target_semaphore(%run_scoped3A : memref<!tpu.dma_semaphore, #tpu.memory_space<semaphore_mem>>)
        %dma_wait3A = arith.constant 64 : i32
        %dma_wait3A_136 = tpu.memref_slice %arg7[%add3A_27, %dma_wait3A] : memref<50000x128xf32, #tpu.memory_space<hbm>> -> memref<625x16xf32, #tpu.memory_space<hbm>>
        %dma_wait3A_137 = arith.constant 64 : i32
        %dma_wait3A_138 = tpu.memref_slice %arg7[%add3A_27, %dma_wait3A_137] : memref<50000x128xf32, #tpu.memory_space<hbm>> -> memref<625x16xf32, #tpu.memory_space<hbm>>
        tpu.wait_dma2 semaphore(%run_scoped3A : memref<!tpu.dma_semaphore, #tpu.memory_space<semaphore_mem>>) src(%arg14 : memref<625x16xf32, #tpu.memory_space<vmem>>) dst(%dma_wait3A_138 : memref<625x16xf32, #tpu.memory_space<hbm>>)
        tpu.yield
      }) : () -> ()
      %add3A_28 = arith.constant 625 : i32
      %add3A_29 = arith.addi %mul3A_0, %add3A_28 : i32
      "tpu.region"() ({
        %run_scoped3A = tpu.sem_alloc : memref<!tpu.dma_semaphore, #tpu.memory_space<semaphore_mem>>
        %dma_start3A_132 = arith.constant 0 : i32
        %dma_start3A_133 = tpu.memref_slice %arg16[%add3A_29, %dma_start3A_132] : memref<50000x16xf32, #tpu.memory_space<vmem_shared>> -> memref<625x16xf32, #tpu.memory_space<vmem_shared>>
        %dma_start3A_134 = arith.constant 0 : i32
        %dma_start3A_135 = tpu.memref_slice %arg16[%add3A_29, %dma_start3A_134] : memref<50000x16xf32, #tpu.memory_space<vmem_shared>> -> memref<625x16xf32, #tpu.memory_space<vmem_shared>>
        tpu.enqueue_dma source(%dma_start3A_135 : memref<625x16xf32, #tpu.memory_space<vmem_shared>>) target(%arg14 : memref<625x16xf32, #tpu.memory_space<vmem>>) target_semaphore(%run_scoped3A : memref<!tpu.dma_semaphore, #tpu.memory_space<semaphore_mem>>)
        %dma_wait3A = arith.constant 0 : i32
        %dma_wait3A_136 = tpu.memref_slice %arg16[%add3A_29, %dma_wait3A] : memref<50000x16xf32, #tpu.memory_space<vmem_shared>> -> memref<625x16xf32, #tpu.memory_space<vmem_shared>>
        %dma_wait3A_137 = arith.constant 0 : i32
        %dma_wait3A_138 = tpu.memref_slice %arg16[%add3A_29, %dma_wait3A_137] : memref<50000x16xf32, #tpu.memory_space<vmem_shared>> -> memref<625x16xf32, #tpu.memory_space<vmem_shared>>
        tpu.wait_dma2 semaphore(%run_scoped3A : memref<!tpu.dma_semaphore, #tpu.memory_space<semaphore_mem>>) src(%dma_wait3A_138 : memref<625x16xf32, #tpu.memory_space<vmem_shared>>) dst(%arg14 : memref<625x16xf32, #tpu.memory_space<vmem>>)
        tpu.yield
      }) : () -> ()
      "tpu.region"() ({
        %run_scoped3A = tpu.sem_alloc : memref<!tpu.dma_semaphore, #tpu.memory_space<semaphore_mem>>
        %dma_start3A_132 = arith.constant 64 : i32
        %dma_start3A_133 = tpu.memref_slice %arg7[%add3A_29, %dma_start3A_132] : memref<50000x128xf32, #tpu.memory_space<hbm>> -> memref<625x16xf32, #tpu.memory_space<hbm>>
        %dma_start3A_134 = arith.constant 64 : i32
        %dma_start3A_135 = tpu.memref_slice %arg7[%add3A_29, %dma_start3A_134] : memref<50000x128xf32, #tpu.memory_space<hbm>> -> memref<625x16xf32, #tpu.memory_space<hbm>>
        tpu.enqueue_dma source(%arg14 : memref<625x16xf32, #tpu.memory_space<vmem>>) target(%dma_start3A_135 : memref<625x16xf32, #tpu.memory_space<hbm>>) target_semaphore(%run_scoped3A : memref<!tpu.dma_semaphore, #tpu.memory_space<semaphore_mem>>)
        %dma_wait3A = arith.constant 64 : i32
        %dma_wait3A_136 = tpu.memref_slice %arg7[%add3A_29, %dma_wait3A] : memref<50000x128xf32, #tpu.memory_space<hbm>> -> memref<625x16xf32, #tpu.memory_space<hbm>>
        %dma_wait3A_137 = arith.constant 64 : i32
        %dma_wait3A_138 = tpu.memref_slice %arg7[%add3A_29, %dma_wait3A_137] : memref<50000x128xf32, #tpu.memory_space<hbm>> -> memref<625x16xf32, #tpu.memory_space<hbm>>
        tpu.wait_dma2 semaphore(%run_scoped3A : memref<!tpu.dma_semaphore, #tpu.memory_space<semaphore_mem>>) src(%arg14 : memref<625x16xf32, #tpu.memory_space<vmem>>) dst(%dma_wait3A_138 : memref<625x16xf32, #tpu.memory_space<hbm>>)
        tpu.yield
      }) : () -> ()
      %add3A_30 = arith.constant 1250 : i32
      %add3A_31 = arith.addi %mul3A_0, %add3A_30 : i32
      "tpu.region"() ({
        %run_scoped3A = tpu.sem_alloc : memref<!tpu.dma_semaphore, #tpu.memory_space<semaphore_mem>>
        %dma_start3A_132 = arith.constant 0 : i32
        %dma_start3A_133 = tpu.memref_slice %arg16[%add3A_31, %dma_start3A_132] : memref<50000x16xf32, #tpu.memory_space<vmem_shared>> -> memref<625x16xf32, #tpu.memory_space<vmem_shared>>
        %dma_start3A_134 = arith.constant 0 : i32
        %dma_start3A_135 = tpu.memref_slice %arg16[%add3A_31, %dma_start3A_134] : memref<50000x16xf32, #tpu.memory_space<vmem_shared>> -> memref<625x16xf32, #tpu.memory_space<vmem_shared>>
        tpu.enqueue_dma source(%dma_start3A_135 : memref<625x16xf32, #tpu.memory_space<vmem_shared>>) target(%arg14 : memref<625x16xf32, #tpu.memory_space<vmem>>) target_semaphore(%run_scoped3A : memref<!tpu.dma_semaphore, #tpu.memory_space<semaphore_mem>>)
        %dma_wait3A = arith.constant 0 : i32
        %dma_wait3A_136 = tpu.memref_slice %arg16[%add3A_31, %dma_wait3A] : memref<50000x16xf32, #tpu.memory_space<vmem_shared>> -> memref<625x16xf32, #tpu.memory_space<vmem_shared>>
        %dma_wait3A_137 = arith.constant 0 : i32
        %dma_wait3A_138 = tpu.memref_slice %arg16[%add3A_31, %dma_wait3A_137] : memref<50000x16xf32, #tpu.memory_space<vmem_shared>> -> memref<625x16xf32, #tpu.memory_space<vmem_shared>>
        tpu.wait_dma2 semaphore(%run_scoped3A : memref<!tpu.dma_semaphore, #tpu.memory_space<semaphore_mem>>) src(%dma_wait3A_138 : memref<625x16xf32, #tpu.memory_space<vmem_shared>>) dst(%arg14 : memref<625x16xf32, #tpu.memory_space<vmem>>)
        tpu.yield
      }) : () -> ()
      "tpu.region"() ({
        %run_scoped3A = tpu.sem_alloc : memref<!tpu.dma_semaphore, #tpu.memory_space<semaphore_mem>>
        %dma_start3A_132 = arith.constant 64 : i32
        %dma_start3A_133 = tpu.memref_slice %arg7[%add3A_31, %dma_start3A_132] : memref<50000x128xf32, #tpu.memory_space<hbm>> -> memref<625x16xf32, #tpu.memory_space<hbm>>
        %dma_start3A_134 = arith.constant 64 : i32
        %dma_start3A_135 = tpu.memref_slice %arg7[%add3A_31, %dma_start3A_134] : memref<50000x128xf32, #tpu.memory_space<hbm>> -> memref<625x16xf32, #tpu.memory_space<hbm>>
        tpu.enqueue_dma source(%arg14 : memref<625x16xf32, #tpu.memory_space<vmem>>) target(%dma_start3A_135 : memref<625x16xf32, #tpu.memory_space<hbm>>) target_semaphore(%run_scoped3A : memref<!tpu.dma_semaphore, #tpu.memory_space<semaphore_mem>>)
        %dma_wait3A = arith.constant 64 : i32
        %dma_wait3A_136 = tpu.memref_slice %arg7[%add3A_31, %dma_wait3A] : memref<50000x128xf32, #tpu.memory_space<hbm>> -> memref<625x16xf32, #tpu.memory_space<hbm>>
        %dma_wait3A_137 = arith.constant 64 : i32
        %dma_wait3A_138 = tpu.memref_slice %arg7[%add3A_31, %dma_wait3A_137] : memref<50000x128xf32, #tpu.memory_space<hbm>> -> memref<625x16xf32, #tpu.memory_space<hbm>>
        tpu.wait_dma2 semaphore(%run_scoped3A : memref<!tpu.dma_semaphore, #tpu.memory_space<semaphore_mem>>) src(%arg14 : memref<625x16xf32, #tpu.memory_space<vmem>>) dst(%dma_wait3A_138 : memref<625x16xf32, #tpu.memory_space<hbm>>)
        tpu.yield
      }) : () -> ()
      %add3A_32 = arith.constant 1875 : i32
      %add3A_33 = arith.addi %mul3A_0, %add3A_32 : i32
      "tpu.region"() ({
        %run_scoped3A = tpu.sem_alloc : memref<!tpu.dma_semaphore, #tpu.memory_space<semaphore_mem>>
        %dma_start3A_132 = arith.constant 0 : i32
        %dma_start3A_133 = tpu.memref_slice %arg16[%add3A_33, %dma_start3A_132] : memref<50000x16xf32, #tpu.memory_space<vmem_shared>> -> memref<625x16xf32, #tpu.memory_space<vmem_shared>>
        %dma_start3A_134 = arith.constant 0 : i32
        %dma_start3A_135 = tpu.memref_slice %arg16[%add3A_33, %dma_start3A_134] : memref<50000x16xf32, #tpu.memory_space<vmem_shared>> -> memref<625x16xf32, #tpu.memory_space<vmem_shared>>
        tpu.enqueue_dma source(%dma_start3A_135 : memref<625x16xf32, #tpu.memory_space<vmem_shared>>) target(%arg14 : memref<625x16xf32, #tpu.memory_space<vmem>>) target_semaphore(%run_scoped3A : memref<!tpu.dma_semaphore, #tpu.memory_space<semaphore_mem>>)
        %dma_wait3A = arith.constant 0 : i32
        %dma_wait3A_136 = tpu.memref_slice %arg16[%add3A_33, %dma_wait3A] : memref<50000x16xf32, #tpu.memory_space<vmem_shared>> -> memref<625x16xf32, #tpu.memory_space<vmem_shared>>
        %dma_wait3A_137 = arith.constant 0 : i32
        %dma_wait3A_138 = tpu.memref_slice %arg16[%add3A_33, %dma_wait3A_137] : memref<50000x16xf32, #tpu.memory_space<vmem_shared>> -> memref<625x16xf32, #tpu.memory_space<vmem_shared>>
        tpu.wait_dma2 semaphore(%run_scoped3A : memref<!tpu.dma_semaphore, #tpu.memory_space<semaphore_mem>>) src(%dma_wait3A_138 : memref<625x16xf32, #tpu.memory_space<vmem_shared>>) dst(%arg14 : memref<625x16xf32, #tpu.memory_space<vmem>>)
        tpu.yield
      }) : () -> ()
      "tpu.region"() ({
        %run_scoped3A = tpu.sem_alloc : memref<!tpu.dma_semaphore, #tpu.memory_space<semaphore_mem>>
        %dma_start3A_132 = arith.constant 64 : i32
        %dma_start3A_133 = tpu.memref_slice %arg7[%add3A_33, %dma_start3A_132] : memref<50000x128xf32, #tpu.memory_space<hbm>> -> memref<625x16xf32, #tpu.memory_space<hbm>>
        %dma_start3A_134 = arith.constant 64 : i32
        %dma_start3A_135 = tpu.memref_slice %arg7[%add3A_33, %dma_start3A_134] : memref<50000x128xf32, #tpu.memory_space<hbm>> -> memref<625x16xf32, #tpu.memory_space<hbm>>
        tpu.enqueue_dma source(%arg14 : memref<625x16xf32, #tpu.memory_space<vmem>>) target(%dma_start3A_135 : memref<625x16xf32, #tpu.memory_space<hbm>>) target_semaphore(%run_scoped3A : memref<!tpu.dma_semaphore, #tpu.memory_space<semaphore_mem>>)
        %dma_wait3A = arith.constant 64 : i32
        %dma_wait3A_136 = tpu.memref_slice %arg7[%add3A_33, %dma_wait3A] : memref<50000x128xf32, #tpu.memory_space<hbm>> -> memref<625x16xf32, #tpu.memory_space<hbm>>
        %dma_wait3A_137 = arith.constant 64 : i32
        %dma_wait3A_138 = tpu.memref_slice %arg7[%add3A_33, %dma_wait3A_137] : memref<50000x128xf32, #tpu.memory_space<hbm>> -> memref<625x16xf32, #tpu.memory_space<hbm>>
        tpu.wait_dma2 semaphore(%run_scoped3A : memref<!tpu.dma_semaphore, #tpu.memory_space<semaphore_mem>>) src(%arg14 : memref<625x16xf32, #tpu.memory_space<vmem>>) dst(%dma_wait3A_138 : memref<625x16xf32, #tpu.memory_space<hbm>>)
        tpu.yield
      }) : () -> ()
      %add3A_34 = arith.constant 2500 : i32
      %add3A_35 = arith.addi %mul3A_0, %add3A_34 : i32
      "tpu.region"() ({
        %run_scoped3A = tpu.sem_alloc : memref<!tpu.dma_semaphore, #tpu.memory_space<semaphore_mem>>
        %dma_start3A_132 = arith.constant 0 : i32
        %dma_start3A_133 = tpu.memref_slice %arg16[%add3A_35, %dma_start3A_132] : memref<50000x16xf32, #tpu.memory_space<vmem_shared>> -> memref<625x16xf32, #tpu.memory_space<vmem_shared>>
        %dma_start3A_134 = arith.constant 0 : i32
        %dma_start3A_135 = tpu.memref_slice %arg16[%add3A_35, %dma_start3A_134] : memref<50000x16xf32, #tpu.memory_space<vmem_shared>> -> memref<625x16xf32, #tpu.memory_space<vmem_shared>>
        tpu.enqueue_dma source(%dma_start3A_135 : memref<625x16xf32, #tpu.memory_space<vmem_shared>>) target(%arg14 : memref<625x16xf32, #tpu.memory_space<vmem>>) target_semaphore(%run_scoped3A : memref<!tpu.dma_semaphore, #tpu.memory_space<semaphore_mem>>)
        %dma_wait3A = arith.constant 0 : i32
        %dma_wait3A_136 = tpu.memref_slice %arg16[%add3A_35, %dma_wait3A] : memref<50000x16xf32, #tpu.memory_space<vmem_shared>> -> memref<625x16xf32, #tpu.memory_space<vmem_shared>>
        %dma_wait3A_137 = arith.constant 0 : i32
        %dma_wait3A_138 = tpu.memref_slice %arg16[%add3A_35, %dma_wait3A_137] : memref<50000x16xf32, #tpu.memory_space<vmem_shared>> -> memref<625x16xf32, #tpu.memory_space<vmem_shared>>
        tpu.wait_dma2 semaphore(%run_scoped3A : memref<!tpu.dma_semaphore, #tpu.memory_space<semaphore_mem>>) src(%dma_wait3A_138 : memref<625x16xf32, #tpu.memory_space<vmem_shared>>) dst(%arg14 : memref<625x16xf32, #tpu.memory_space<vmem>>)
        tpu.yield
      }) : () -> ()
      "tpu.region"() ({
        %run_scoped3A = tpu.sem_alloc : memref<!tpu.dma_semaphore, #tpu.memory_space<semaphore_mem>>
        %dma_start3A_132 = arith.constant 64 : i32
        %dma_start3A_133 = tpu.memref_slice %arg7[%add3A_35, %dma_start3A_132] : memref<50000x128xf32, #tpu.memory_space<hbm>> -> memref<625x16xf32, #tpu.memory_space<hbm>>
        %dma_start3A_134 = arith.constant 64 : i32
        %dma_start3A_135 = tpu.memref_slice %arg7[%add3A_35, %dma_start3A_134] : memref<50000x128xf32, #tpu.memory_space<hbm>> -> memref<625x16xf32, #tpu.memory_space<hbm>>
        tpu.enqueue_dma source(%arg14 : memref<625x16xf32, #tpu.memory_space<vmem>>) target(%dma_start3A_135 : memref<625x16xf32, #tpu.memory_space<hbm>>) target_semaphore(%run_scoped3A : memref<!tpu.dma_semaphore, #tpu.memory_space<semaphore_mem>>)
        %dma_wait3A = arith.constant 64 : i32
        %dma_wait3A_136 = tpu.memref_slice %arg7[%add3A_35, %dma_wait3A] : memref<50000x128xf32, #tpu.memory_space<hbm>> -> memref<625x16xf32, #tpu.memory_space<hbm>>
        %dma_wait3A_137 = arith.constant 64 : i32
        %dma_wait3A_138 = tpu.memref_slice %arg7[%add3A_35, %dma_wait3A_137] : memref<50000x128xf32, #tpu.memory_space<hbm>> -> memref<625x16xf32, #tpu.memory_space<hbm>>
        tpu.wait_dma2 semaphore(%run_scoped3A : memref<!tpu.dma_semaphore, #tpu.memory_space<semaphore_mem>>) src(%arg14 : memref<625x16xf32, #tpu.memory_space<vmem>>) dst(%dma_wait3A_138 : memref<625x16xf32, #tpu.memory_space<hbm>>)
        tpu.yield
      }) : () -> ()
      %mul3A_36 = arith.constant 50000 : i32
      %mul3A_37 = arith.muli %arg1, %mul3A_36 : i32
      %barrier3A_38 = arith.constant 0 : index
      tpu.barrier barrier_id(%barrier3A_38)
      %eq3A_39 = arith.constant 0 : i32
      %eq3A_40 = arith.cmpi eq, %arg1, %eq3A_39 : i32
      %convert_element_type3A_41 = arith.extui %eq3A_40 : i1 to i32
      %cond3A_42 = arith.constant 0 : i32
      %cond3A_43 = arith.cmpi ne, %convert_element_type3A_41, %cond3A_42 : i32
      scf.if %cond3A_43 {
        "tpu.region"() ({
          %run_scoped3A = tpu.sem_alloc : memref<!tpu.dma_semaphore, #tpu.memory_space<semaphore_mem>>
          tpu.enqueue_dma source(%arg4 : memref<50000x16xf32, #tpu.memory_space<hbm>>) target(%arg16 : memref<50000x16xf32, #tpu.memory_space<vmem_shared>>) target_semaphore(%run_scoped3A : memref<!tpu.dma_semaphore, #tpu.memory_space<semaphore_mem>>)
          tpu.wait_dma2 semaphore(%run_scoped3A : memref<!tpu.dma_semaphore, #tpu.memory_space<semaphore_mem>>) src(%arg4 : memref<50000x16xf32, #tpu.memory_space<hbm>>) dst(%arg16 : memref<50000x16xf32, #tpu.memory_space<vmem_shared>>)
          tpu.yield
        }) : () -> ()
      } else {
      }
      %dma_start3A_44 = tpu.memref_slice %arg3[%mul3A_37] : memref<800000xi32, #tpu.memory_space<hbm>> -> memref<1000xi32, #tpu.memory_space<hbm>>
      %dma_start3A_45 = tpu.memref_slice %arg3[%mul3A_37] : memref<800000xi32, #tpu.memory_space<hbm>> -> memref<1000xi32, #tpu.memory_space<hbm>>
      tpu.enqueue_dma source(%dma_start3A_45 : memref<1000xi32, #tpu.memory_space<hbm>>) target(%arg9 : memref<1000xi32, #tpu.memory_space<vmem>>) target_semaphore(%arg18 : memref<!tpu.dma_semaphore, #tpu.memory_space<semaphore_mem>>)
      %dma_start3A_46 = arith.constant 80 : i32
      %dma_start3A_47 = tpu.memref_slice %arg2[%mul3A_37, %dma_start3A_46] : memref<800000x128xf32, #tpu.memory_space<hbm>> -> memref<1000x16xf32, #tpu.memory_space<hbm>>
      %dma_start3A_48 = arith.constant 80 : i32
      %dma_start3A_49 = tpu.memref_slice %arg2[%mul3A_37, %dma_start3A_48] : memref<800000x128xf32, #tpu.memory_space<hbm>> -> memref<1000x16xf32, #tpu.memory_space<hbm>>
      tpu.enqueue_dma source(%dma_start3A_49 : memref<1000x16xf32, #tpu.memory_space<hbm>>) target(%arg10 : memref<1000x16xf32, #tpu.memory_space<vmem>>) target_semaphore(%arg18 : memref<!tpu.dma_semaphore, #tpu.memory_space<semaphore_mem>>)
      %barrier3A_50 = arith.constant 0 : index
      tpu.barrier barrier_id(%barrier3A_50)
      %scan3A_51 = arith.constant 0 : i32
      %scan3A_52 = arith.constant 0 : i32
      %scan3A_53 = arith.constant 25 : i32
      %scan3A_54 = arith.addi %scan3A_52, %scan3A_53 : i32
      %scan3A_55 = arith.constant 1 : i32
      scf.for %scan3A_132 = %scan3A_52 to %scan3A_54 step %scan3A_55  : i32 {
        %mul3A_133 = arith.constant 2 : i32
        %mul3A_134 = arith.muli %mul3A_133, %scan3A_132 : i32
        %mul3A_135 = arith.constant 1000 : i32
        %mul3A_136 = arith.muli %mul3A_134, %mul3A_135 : i32
        %add3A_137 = arith.addi %mul3A_37, %mul3A_136 : i32
        %add3A_138 = arith.constant 1000 : i32
        %add3A_139 = arith.addi %add3A_137, %add3A_138 : i32
        %dma_wait3A = tpu.memref_slice %arg3[%add3A_137] : memref<800000xi32, #tpu.memory_space<hbm>> -> memref<1000xi32, #tpu.memory_space<hbm>>
        %dma_wait3A_140 = tpu.memref_slice %arg3[%add3A_137] : memref<800000xi32, #tpu.memory_space<hbm>> -> memref<1000xi32, #tpu.memory_space<hbm>>
        tpu.wait_dma2 semaphore(%arg18 : memref<!tpu.dma_semaphore, #tpu.memory_space<semaphore_mem>>) src(%dma_wait3A_140 : memref<1000xi32, #tpu.memory_space<hbm>>) dst(%arg9 : memref<1000xi32, #tpu.memory_space<vmem>>)
        %dma_wait3A_141 = arith.constant 80 : i32
        %dma_wait3A_142 = tpu.memref_slice %arg2[%add3A_137, %dma_wait3A_141] : memref<800000x128xf32, #tpu.memory_space<hbm>> -> memref<1000x16xf32, #tpu.memory_space<hbm>>
        %dma_wait3A_143 = arith.constant 80 : i32
        %dma_wait3A_144 = tpu.memref_slice %arg2[%add3A_137, %dma_wait3A_143] : memref<800000x128xf32, #tpu.memory_space<hbm>> -> memref<1000x16xf32, #tpu.memory_space<hbm>>
        tpu.wait_dma2 semaphore(%arg18 : memref<!tpu.dma_semaphore, #tpu.memory_space<semaphore_mem>>) src(%dma_wait3A_144 : memref<1000x16xf32, #tpu.memory_space<hbm>>) dst(%arg10 : memref<1000x16xf32, #tpu.memory_space<vmem>>)
        %dma_start3A_145 = tpu.memref_slice %arg3[%add3A_139] : memref<800000xi32, #tpu.memory_space<hbm>> -> memref<1000xi32, #tpu.memory_space<hbm>>
        %dma_start3A_146 = tpu.memref_slice %arg3[%add3A_139] : memref<800000xi32, #tpu.memory_space<hbm>> -> memref<1000xi32, #tpu.memory_space<hbm>>
        tpu.enqueue_dma source(%dma_start3A_146 : memref<1000xi32, #tpu.memory_space<hbm>>) target(%arg11 : memref<1000xi32, #tpu.memory_space<vmem>>) target_semaphore(%arg19 : memref<!tpu.dma_semaphore, #tpu.memory_space<semaphore_mem>>)
        %dma_start3A_147 = arith.constant 80 : i32
        %dma_start3A_148 = tpu.memref_slice %arg2[%add3A_139, %dma_start3A_147] : memref<800000x128xf32, #tpu.memory_space<hbm>> -> memref<1000x16xf32, #tpu.memory_space<hbm>>
        %dma_start3A_149 = arith.constant 80 : i32
        %dma_start3A_150 = tpu.memref_slice %arg2[%add3A_139, %dma_start3A_149] : memref<800000x128xf32, #tpu.memory_space<hbm>> -> memref<1000x16xf32, #tpu.memory_space<hbm>>
        tpu.enqueue_dma source(%dma_start3A_150 : memref<1000x16xf32, #tpu.memory_space<hbm>>) target(%arg12 : memref<1000x16xf32, #tpu.memory_space<vmem>>) target_semaphore(%arg19 : memref<!tpu.dma_semaphore, #tpu.memory_space<semaphore_mem>>)
        "tpu.region"() ({
          %run_scoped3A = tpu.sem_alloc : memref<!tpu.dma_semaphore, #tpu.memory_space<semaphore_mem>>
          %dma_start3A_164 = arith.constant 0 : i32
          %dma_start3A_165 = arith.constant 0 : i32
          %dma_start3A_166 = tpu.memref_slice %arg16[%dma_start3A_164, %dma_start3A_165] : memref<50000x16xf32, #tpu.memory_space<vmem_shared>> -> memref<50000x16xf32, #tpu.memory_space<vmem_shared>>
          tpu.enqueue_indirect_dma source(%arg10 : memref<1000x16xf32, #tpu.memory_space<vmem>>) target(%dma_start3A_166 : memref<50000x16xf32, #tpu.memory_space<vmem_shared>>) offsets(%arg9 : memref<1000xi32, #tpu.memory_space<vmem>>) semaphore(%run_scoped3A : memref<!tpu.dma_semaphore, #tpu.memory_space<semaphore_mem>>) {add = true}
          %dma_wait3A_167 = arith.constant 0 : i32
          %dma_wait3A_168 = arith.constant 0 : i32
          %dma_wait3A_169 = tpu.memref_slice %arg16[%dma_wait3A_167, %dma_wait3A_168] : memref<50000x16xf32, #tpu.memory_space<vmem_shared>> -> memref<50000x16xf32, #tpu.memory_space<vmem_shared>>
          tpu.wait_indirect_dma semaphore(%run_scoped3A : memref<!tpu.dma_semaphore, #tpu.memory_space<semaphore_mem>>) src(%arg10 : memref<1000x16xf32, #tpu.memory_space<vmem>>) dst(%dma_wait3A_169 : memref<50000x16xf32, #tpu.memory_space<vmem_shared>>)
          tpu.yield
        }) : () -> ()
        %add3A_151 = arith.constant 1 : i32
        %add3A_152 = arith.addi %scan3A_132, %add3A_151 : i32
        %lt3A = arith.constant 25 : i32
        %lt3A_153 = arith.cmpi slt, %add3A_152, %lt3A : i32
        %or3A = arith.constant false
        %or3A_154 = arith.ori %lt3A_153, %or3A : i1
        %convert_element_type3A_155 = arith.extui %or3A_154 : i1 to i32
        %cond3A_156 = arith.constant 0 : i32
        %cond3A_157 = arith.cmpi ne, %convert_element_type3A_155, %cond3A_156 : i32
        scf.if %cond3A_157 {
          %add3A_164 = arith.constant 2000 : i32
          %add3A_165 = arith.addi %add3A_137, %add3A_164 : i32
          %dma_start3A_166 = tpu.memref_slice %arg3[%add3A_165] : memref<800000xi32, #tpu.memory_space<hbm>> -> memref<1000xi32, #tpu.memory_space<hbm>>
          %dma_start3A_167 = tpu.memref_slice %arg3[%add3A_165] : memref<800000xi32, #tpu.memory_space<hbm>> -> memref<1000xi32, #tpu.memory_space<hbm>>
          tpu.enqueue_dma source(%dma_start3A_167 : memref<1000xi32, #tpu.memory_space<hbm>>) target(%arg9 : memref<1000xi32, #tpu.memory_space<vmem>>) target_semaphore(%arg18 : memref<!tpu.dma_semaphore, #tpu.memory_space<semaphore_mem>>)
          %dma_start3A_168 = arith.constant 80 : i32
          %dma_start3A_169 = tpu.memref_slice %arg2[%add3A_165, %dma_start3A_168] : memref<800000x128xf32, #tpu.memory_space<hbm>> -> memref<1000x16xf32, #tpu.memory_space<hbm>>
          %dma_start3A_170 = arith.constant 80 : i32
          %dma_start3A_171 = tpu.memref_slice %arg2[%add3A_165, %dma_start3A_170] : memref<800000x128xf32, #tpu.memory_space<hbm>> -> memref<1000x16xf32, #tpu.memory_space<hbm>>
          tpu.enqueue_dma source(%dma_start3A_171 : memref<1000x16xf32, #tpu.memory_space<hbm>>) target(%arg10 : memref<1000x16xf32, #tpu.memory_space<vmem>>) target_semaphore(%arg18 : memref<!tpu.dma_semaphore, #tpu.memory_space<semaphore_mem>>)
        } else {
        }
        %dma_wait3A_158 = tpu.memref_slice %arg3[%add3A_139] : memref<800000xi32, #tpu.memory_space<hbm>> -> memref<1000xi32, #tpu.memory_space<hbm>>
        %dma_wait3A_159 = tpu.memref_slice %arg3[%add3A_139] : memref<800000xi32, #tpu.memory_space<hbm>> -> memref<1000xi32, #tpu.memory_space<hbm>>
        tpu.wait_dma2 semaphore(%arg19 : memref<!tpu.dma_semaphore, #tpu.memory_space<semaphore_mem>>) src(%dma_wait3A_159 : memref<1000xi32, #tpu.memory_space<hbm>>) dst(%arg11 : memref<1000xi32, #tpu.memory_space<vmem>>)
        %dma_wait3A_160 = arith.constant 80 : i32
        %dma_wait3A_161 = tpu.memref_slice %arg2[%add3A_139, %dma_wait3A_160] : memref<800000x128xf32, #tpu.memory_space<hbm>> -> memref<1000x16xf32, #tpu.memory_space<hbm>>
        %dma_wait3A_162 = arith.constant 80 : i32
        %dma_wait3A_163 = tpu.memref_slice %arg2[%add3A_139, %dma_wait3A_162] : memref<800000x128xf32, #tpu.memory_space<hbm>> -> memref<1000x16xf32, #tpu.memory_space<hbm>>
        tpu.wait_dma2 semaphore(%arg19 : memref<!tpu.dma_semaphore, #tpu.memory_space<semaphore_mem>>) src(%dma_wait3A_163 : memref<1000x16xf32, #tpu.memory_space<hbm>>) dst(%arg12 : memref<1000x16xf32, #tpu.memory_space<vmem>>)
        "tpu.region"() ({
          %run_scoped3A = tpu.sem_alloc : memref<!tpu.dma_semaphore, #tpu.memory_space<semaphore_mem>>
          %dma_start3A_164 = arith.constant 0 : i32
          %dma_start3A_165 = arith.constant 0 : i32
          %dma_start3A_166 = tpu.memref_slice %arg16[%dma_start3A_164, %dma_start3A_165] : memref<50000x16xf32, #tpu.memory_space<vmem_shared>> -> memref<50000x16xf32, #tpu.memory_space<vmem_shared>>
          tpu.enqueue_indirect_dma source(%arg12 : memref<1000x16xf32, #tpu.memory_space<vmem>>) target(%dma_start3A_166 : memref<50000x16xf32, #tpu.memory_space<vmem_shared>>) offsets(%arg11 : memref<1000xi32, #tpu.memory_space<vmem>>) semaphore(%run_scoped3A : memref<!tpu.dma_semaphore, #tpu.memory_space<semaphore_mem>>) {add = true}
          %dma_wait3A_167 = arith.constant 0 : i32
          %dma_wait3A_168 = arith.constant 0 : i32
          %dma_wait3A_169 = tpu.memref_slice %arg16[%dma_wait3A_167, %dma_wait3A_168] : memref<50000x16xf32, #tpu.memory_space<vmem_shared>> -> memref<50000x16xf32, #tpu.memory_space<vmem_shared>>
          tpu.wait_indirect_dma semaphore(%run_scoped3A : memref<!tpu.dma_semaphore, #tpu.memory_space<semaphore_mem>>) src(%arg12 : memref<1000x16xf32, #tpu.memory_space<vmem>>) dst(%dma_wait3A_169 : memref<50000x16xf32, #tpu.memory_space<vmem_shared>>)
          tpu.yield
        }) : () -> ()
      }
      %scan3A_56 = arith.constant 25 : i32
      %barrier3A_57 = arith.constant 0 : index
      tpu.barrier barrier_id(%barrier3A_57)
      %add3A_58 = arith.constant 0 : i32
      %add3A_59 = arith.addi %mul3A_0, %add3A_58 : i32
      "tpu.region"() ({
        %run_scoped3A = tpu.sem_alloc : memref<!tpu.dma_semaphore, #tpu.memory_space<semaphore_mem>>
        %dma_start3A_132 = arith.constant 0 : i32
        %dma_start3A_133 = tpu.memref_slice %arg16[%add3A_59, %dma_start3A_132] : memref<50000x16xf32, #tpu.memory_space<vmem_shared>> -> memref<625x16xf32, #tpu.memory_space<vmem_shared>>
        %dma_start3A_134 = arith.constant 0 : i32
        %dma_start3A_135 = tpu.memref_slice %arg16[%add3A_59, %dma_start3A_134] : memref<50000x16xf32, #tpu.memory_space<vmem_shared>> -> memref<625x16xf32, #tpu.memory_space<vmem_shared>>
        tpu.enqueue_dma source(%dma_start3A_135 : memref<625x16xf32, #tpu.memory_space<vmem_shared>>) target(%arg14 : memref<625x16xf32, #tpu.memory_space<vmem>>) target_semaphore(%run_scoped3A : memref<!tpu.dma_semaphore, #tpu.memory_space<semaphore_mem>>)
        %dma_wait3A = arith.constant 0 : i32
        %dma_wait3A_136 = tpu.memref_slice %arg16[%add3A_59, %dma_wait3A] : memref<50000x16xf32, #tpu.memory_space<vmem_shared>> -> memref<625x16xf32, #tpu.memory_space<vmem_shared>>
        %dma_wait3A_137 = arith.constant 0 : i32
        %dma_wait3A_138 = tpu.memref_slice %arg16[%add3A_59, %dma_wait3A_137] : memref<50000x16xf32, #tpu.memory_space<vmem_shared>> -> memref<625x16xf32, #tpu.memory_space<vmem_shared>>
        tpu.wait_dma2 semaphore(%run_scoped3A : memref<!tpu.dma_semaphore, #tpu.memory_space<semaphore_mem>>) src(%dma_wait3A_138 : memref<625x16xf32, #tpu.memory_space<vmem_shared>>) dst(%arg14 : memref<625x16xf32, #tpu.memory_space<vmem>>)
        tpu.yield
      }) : () -> ()
      "tpu.region"() ({
        %run_scoped3A = tpu.sem_alloc : memref<!tpu.dma_semaphore, #tpu.memory_space<semaphore_mem>>
        %dma_start3A_132 = arith.constant 80 : i32
        %dma_start3A_133 = tpu.memref_slice %arg7[%add3A_59, %dma_start3A_132] : memref<50000x128xf32, #tpu.memory_space<hbm>> -> memref<625x16xf32, #tpu.memory_space<hbm>>
        %dma_start3A_134 = arith.constant 80 : i32
        %dma_start3A_135 = tpu.memref_slice %arg7[%add3A_59, %dma_start3A_134] : memref<50000x128xf32, #tpu.memory_space<hbm>> -> memref<625x16xf32, #tpu.memory_space<hbm>>
        tpu.enqueue_dma source(%arg14 : memref<625x16xf32, #tpu.memory_space<vmem>>) target(%dma_start3A_135 : memref<625x16xf32, #tpu.memory_space<hbm>>) target_semaphore(%run_scoped3A : memref<!tpu.dma_semaphore, #tpu.memory_space<semaphore_mem>>)
        %dma_wait3A = arith.constant 80 : i32
        %dma_wait3A_136 = tpu.memref_slice %arg7[%add3A_59, %dma_wait3A] : memref<50000x128xf32, #tpu.memory_space<hbm>> -> memref<625x16xf32, #tpu.memory_space<hbm>>
        %dma_wait3A_137 = arith.constant 80 : i32
        %dma_wait3A_138 = tpu.memref_slice %arg7[%add3A_59, %dma_wait3A_137] : memref<50000x128xf32, #tpu.memory_space<hbm>> -> memref<625x16xf32, #tpu.memory_space<hbm>>
        tpu.wait_dma2 semaphore(%run_scoped3A : memref<!tpu.dma_semaphore, #tpu.memory_space<semaphore_mem>>) src(%arg14 : memref<625x16xf32, #tpu.memory_space<vmem>>) dst(%dma_wait3A_138 : memref<625x16xf32, #tpu.memory_space<hbm>>)
        tpu.yield
      }) : () -> ()
      %add3A_60 = arith.constant 625 : i32
      %add3A_61 = arith.addi %mul3A_0, %add3A_60 : i32
      "tpu.region"() ({
        %run_scoped3A = tpu.sem_alloc : memref<!tpu.dma_semaphore, #tpu.memory_space<semaphore_mem>>
        %dma_start3A_132 = arith.constant 0 : i32
        %dma_start3A_133 = tpu.memref_slice %arg16[%add3A_61, %dma_start3A_132] : memref<50000x16xf32, #tpu.memory_space<vmem_shared>> -> memref<625x16xf32, #tpu.memory_space<vmem_shared>>
        %dma_start3A_134 = arith.constant 0 : i32
        %dma_start3A_135 = tpu.memref_slice %arg16[%add3A_61, %dma_start3A_134] : memref<50000x16xf32, #tpu.memory_space<vmem_shared>> -> memref<625x16xf32, #tpu.memory_space<vmem_shared>>
        tpu.enqueue_dma source(%dma_start3A_135 : memref<625x16xf32, #tpu.memory_space<vmem_shared>>) target(%arg14 : memref<625x16xf32, #tpu.memory_space<vmem>>) target_semaphore(%run_scoped3A : memref<!tpu.dma_semaphore, #tpu.memory_space<semaphore_mem>>)
        %dma_wait3A = arith.constant 0 : i32
        %dma_wait3A_136 = tpu.memref_slice %arg16[%add3A_61, %dma_wait3A] : memref<50000x16xf32, #tpu.memory_space<vmem_shared>> -> memref<625x16xf32, #tpu.memory_space<vmem_shared>>
        %dma_wait3A_137 = arith.constant 0 : i32
        %dma_wait3A_138 = tpu.memref_slice %arg16[%add3A_61, %dma_wait3A_137] : memref<50000x16xf32, #tpu.memory_space<vmem_shared>> -> memref<625x16xf32, #tpu.memory_space<vmem_shared>>
        tpu.wait_dma2 semaphore(%run_scoped3A : memref<!tpu.dma_semaphore, #tpu.memory_space<semaphore_mem>>) src(%dma_wait3A_138 : memref<625x16xf32, #tpu.memory_space<vmem_shared>>) dst(%arg14 : memref<625x16xf32, #tpu.memory_space<vmem>>)
        tpu.yield
      }) : () -> ()
      "tpu.region"() ({
        %run_scoped3A = tpu.sem_alloc : memref<!tpu.dma_semaphore, #tpu.memory_space<semaphore_mem>>
        %dma_start3A_132 = arith.constant 80 : i32
        %dma_start3A_133 = tpu.memref_slice %arg7[%add3A_61, %dma_start3A_132] : memref<50000x128xf32, #tpu.memory_space<hbm>> -> memref<625x16xf32, #tpu.memory_space<hbm>>
        %dma_start3A_134 = arith.constant 80 : i32
        %dma_start3A_135 = tpu.memref_slice %arg7[%add3A_61, %dma_start3A_134] : memref<50000x128xf32, #tpu.memory_space<hbm>> -> memref<625x16xf32, #tpu.memory_space<hbm>>
        tpu.enqueue_dma source(%arg14 : memref<625x16xf32, #tpu.memory_space<vmem>>) target(%dma_start3A_135 : memref<625x16xf32, #tpu.memory_space<hbm>>) target_semaphore(%run_scoped3A : memref<!tpu.dma_semaphore, #tpu.memory_space<semaphore_mem>>)
        %dma_wait3A = arith.constant 80 : i32
        %dma_wait3A_136 = tpu.memref_slice %arg7[%add3A_61, %dma_wait3A] : memref<50000x128xf32, #tpu.memory_space<hbm>> -> memref<625x16xf32, #tpu.memory_space<hbm>>
        %dma_wait3A_137 = arith.constant 80 : i32
        %dma_wait3A_138 = tpu.memref_slice %arg7[%add3A_61, %dma_wait3A_137] : memref<50000x128xf32, #tpu.memory_space<hbm>> -> memref<625x16xf32, #tpu.memory_space<hbm>>
        tpu.wait_dma2 semaphore(%run_scoped3A : memref<!tpu.dma_semaphore, #tpu.memory_space<semaphore_mem>>) src(%arg14 : memref<625x16xf32, #tpu.memory_space<vmem>>) dst(%dma_wait3A_138 : memref<625x16xf32, #tpu.memory_space<hbm>>)
        tpu.yield
      }) : () -> ()
      %add3A_62 = arith.constant 1250 : i32
      %add3A_63 = arith.addi %mul3A_0, %add3A_62 : i32
      "tpu.region"() ({
        %run_scoped3A = tpu.sem_alloc : memref<!tpu.dma_semaphore, #tpu.memory_space<semaphore_mem>>
        %dma_start3A_132 = arith.constant 0 : i32
        %dma_start3A_133 = tpu.memref_slice %arg16[%add3A_63, %dma_start3A_132] : memref<50000x16xf32, #tpu.memory_space<vmem_shared>> -> memref<625x16xf32, #tpu.memory_space<vmem_shared>>
        %dma_start3A_134 = arith.constant 0 : i32
        %dma_start3A_135 = tpu.memref_slice %arg16[%add3A_63, %dma_start3A_134] : memref<50000x16xf32, #tpu.memory_space<vmem_shared>> -> memref<625x16xf32, #tpu.memory_space<vmem_shared>>
        tpu.enqueue_dma source(%dma_start3A_135 : memref<625x16xf32, #tpu.memory_space<vmem_shared>>) target(%arg14 : memref<625x16xf32, #tpu.memory_space<vmem>>) target_semaphore(%run_scoped3A : memref<!tpu.dma_semaphore, #tpu.memory_space<semaphore_mem>>)
        %dma_wait3A = arith.constant 0 : i32
        %dma_wait3A_136 = tpu.memref_slice %arg16[%add3A_63, %dma_wait3A] : memref<50000x16xf32, #tpu.memory_space<vmem_shared>> -> memref<625x16xf32, #tpu.memory_space<vmem_shared>>
        %dma_wait3A_137 = arith.constant 0 : i32
        %dma_wait3A_138 = tpu.memref_slice %arg16[%add3A_63, %dma_wait3A_137] : memref<50000x16xf32, #tpu.memory_space<vmem_shared>> -> memref<625x16xf32, #tpu.memory_space<vmem_shared>>
        tpu.wait_dma2 semaphore(%run_scoped3A : memref<!tpu.dma_semaphore, #tpu.memory_space<semaphore_mem>>) src(%dma_wait3A_138 : memref<625x16xf32, #tpu.memory_space<vmem_shared>>) dst(%arg14 : memref<625x16xf32, #tpu.memory_space<vmem>>)
        tpu.yield
      }) : () -> ()
      "tpu.region"() ({
        %run_scoped3A = tpu.sem_alloc : memref<!tpu.dma_semaphore, #tpu.memory_space<semaphore_mem>>
        %dma_start3A_132 = arith.constant 80 : i32
        %dma_start3A_133 = tpu.memref_slice %arg7[%add3A_63, %dma_start3A_132] : memref<50000x128xf32, #tpu.memory_space<hbm>> -> memref<625x16xf32, #tpu.memory_space<hbm>>
        %dma_start3A_134 = arith.constant 80 : i32
        %dma_start3A_135 = tpu.memref_slice %arg7[%add3A_63, %dma_start3A_134] : memref<50000x128xf32, #tpu.memory_space<hbm>> -> memref<625x16xf32, #tpu.memory_space<hbm>>
        tpu.enqueue_dma source(%arg14 : memref<625x16xf32, #tpu.memory_space<vmem>>) target(%dma_start3A_135 : memref<625x16xf32, #tpu.memory_space<hbm>>) target_semaphore(%run_scoped3A : memref<!tpu.dma_semaphore, #tpu.memory_space<semaphore_mem>>)
        %dma_wait3A = arith.constant 80 : i32
        %dma_wait3A_136 = tpu.memref_slice %arg7[%add3A_63, %dma_wait3A] : memref<50000x128xf32, #tpu.memory_space<hbm>> -> memref<625x16xf32, #tpu.memory_space<hbm>>
        %dma_wait3A_137 = arith.constant 80 : i32
        %dma_wait3A_138 = tpu.memref_slice %arg7[%add3A_63, %dma_wait3A_137] : memref<50000x128xf32, #tpu.memory_space<hbm>> -> memref<625x16xf32, #tpu.memory_space<hbm>>
        tpu.wait_dma2 semaphore(%run_scoped3A : memref<!tpu.dma_semaphore, #tpu.memory_space<semaphore_mem>>) src(%arg14 : memref<625x16xf32, #tpu.memory_space<vmem>>) dst(%dma_wait3A_138 : memref<625x16xf32, #tpu.memory_space<hbm>>)
        tpu.yield
      }) : () -> ()
      %add3A_64 = arith.constant 1875 : i32
      %add3A_65 = arith.addi %mul3A_0, %add3A_64 : i32
      "tpu.region"() ({
        %run_scoped3A = tpu.sem_alloc : memref<!tpu.dma_semaphore, #tpu.memory_space<semaphore_mem>>
        %dma_start3A_132 = arith.constant 0 : i32
        %dma_start3A_133 = tpu.memref_slice %arg16[%add3A_65, %dma_start3A_132] : memref<50000x16xf32, #tpu.memory_space<vmem_shared>> -> memref<625x16xf32, #tpu.memory_space<vmem_shared>>
        %dma_start3A_134 = arith.constant 0 : i32
        %dma_start3A_135 = tpu.memref_slice %arg16[%add3A_65, %dma_start3A_134] : memref<50000x16xf32, #tpu.memory_space<vmem_shared>> -> memref<625x16xf32, #tpu.memory_space<vmem_shared>>
        tpu.enqueue_dma source(%dma_start3A_135 : memref<625x16xf32, #tpu.memory_space<vmem_shared>>) target(%arg14 : memref<625x16xf32, #tpu.memory_space<vmem>>) target_semaphore(%run_scoped3A : memref<!tpu.dma_semaphore, #tpu.memory_space<semaphore_mem>>)
        %dma_wait3A = arith.constant 0 : i32
        %dma_wait3A_136 = tpu.memref_slice %arg16[%add3A_65, %dma_wait3A] : memref<50000x16xf32, #tpu.memory_space<vmem_shared>> -> memref<625x16xf32, #tpu.memory_space<vmem_shared>>
        %dma_wait3A_137 = arith.constant 0 : i32
        %dma_wait3A_138 = tpu.memref_slice %arg16[%add3A_65, %dma_wait3A_137] : memref<50000x16xf32, #tpu.memory_space<vmem_shared>> -> memref<625x16xf32, #tpu.memory_space<vmem_shared>>
        tpu.wait_dma2 semaphore(%run_scoped3A : memref<!tpu.dma_semaphore, #tpu.memory_space<semaphore_mem>>) src(%dma_wait3A_138 : memref<625x16xf32, #tpu.memory_space<vmem_shared>>) dst(%arg14 : memref<625x16xf32, #tpu.memory_space<vmem>>)
        tpu.yield
      }) : () -> ()
      "tpu.region"() ({
        %run_scoped3A = tpu.sem_alloc : memref<!tpu.dma_semaphore, #tpu.memory_space<semaphore_mem>>
        %dma_start3A_132 = arith.constant 80 : i32
        %dma_start3A_133 = tpu.memref_slice %arg7[%add3A_65, %dma_start3A_132] : memref<50000x128xf32, #tpu.memory_space<hbm>> -> memref<625x16xf32, #tpu.memory_space<hbm>>
        %dma_start3A_134 = arith.constant 80 : i32
        %dma_start3A_135 = tpu.memref_slice %arg7[%add3A_65, %dma_start3A_134] : memref<50000x128xf32, #tpu.memory_space<hbm>> -> memref<625x16xf32, #tpu.memory_space<hbm>>
        tpu.enqueue_dma source(%arg14 : memref<625x16xf32, #tpu.memory_space<vmem>>) target(%dma_start3A_135 : memref<625x16xf32, #tpu.memory_space<hbm>>) target_semaphore(%run_scoped3A : memref<!tpu.dma_semaphore, #tpu.memory_space<semaphore_mem>>)
        %dma_wait3A = arith.constant 80 : i32
        %dma_wait3A_136 = tpu.memref_slice %arg7[%add3A_65, %dma_wait3A] : memref<50000x128xf32, #tpu.memory_space<hbm>> -> memref<625x16xf32, #tpu.memory_space<hbm>>
        %dma_wait3A_137 = arith.constant 80 : i32
        %dma_wait3A_138 = tpu.memref_slice %arg7[%add3A_65, %dma_wait3A_137] : memref<50000x128xf32, #tpu.memory_space<hbm>> -> memref<625x16xf32, #tpu.memory_space<hbm>>
        tpu.wait_dma2 semaphore(%run_scoped3A : memref<!tpu.dma_semaphore, #tpu.memory_space<semaphore_mem>>) src(%arg14 : memref<625x16xf32, #tpu.memory_space<vmem>>) dst(%dma_wait3A_138 : memref<625x16xf32, #tpu.memory_space<hbm>>)
        tpu.yield
      }) : () -> ()
      %add3A_66 = arith.constant 2500 : i32
      %add3A_67 = arith.addi %mul3A_0, %add3A_66 : i32
      "tpu.region"() ({
        %run_scoped3A = tpu.sem_alloc : memref<!tpu.dma_semaphore, #tpu.memory_space<semaphore_mem>>
        %dma_start3A_132 = arith.constant 0 : i32
        %dma_start3A_133 = tpu.memref_slice %arg16[%add3A_67, %dma_start3A_132] : memref<50000x16xf32, #tpu.memory_space<vmem_shared>> -> memref<625x16xf32, #tpu.memory_space<vmem_shared>>
        %dma_start3A_134 = arith.constant 0 : i32
        %dma_start3A_135 = tpu.memref_slice %arg16[%add3A_67, %dma_start3A_134] : memref<50000x16xf32, #tpu.memory_space<vmem_shared>> -> memref<625x16xf32, #tpu.memory_space<vmem_shared>>
        tpu.enqueue_dma source(%dma_start3A_135 : memref<625x16xf32, #tpu.memory_space<vmem_shared>>) target(%arg14 : memref<625x16xf32, #tpu.memory_space<vmem>>) target_semaphore(%run_scoped3A : memref<!tpu.dma_semaphore, #tpu.memory_space<semaphore_mem>>)
        %dma_wait3A = arith.constant 0 : i32
        %dma_wait3A_136 = tpu.memref_slice %arg16[%add3A_67, %dma_wait3A] : memref<50000x16xf32, #tpu.memory_space<vmem_shared>> -> memref<625x16xf32, #tpu.memory_space<vmem_shared>>
        %dma_wait3A_137 = arith.constant 0 : i32
        %dma_wait3A_138 = tpu.memref_slice %arg16[%add3A_67, %dma_wait3A_137] : memref<50000x16xf32, #tpu.memory_space<vmem_shared>> -> memref<625x16xf32, #tpu.memory_space<vmem_shared>>
        tpu.wait_dma2 semaphore(%run_scoped3A : memref<!tpu.dma_semaphore, #tpu.memory_space<semaphore_mem>>) src(%dma_wait3A_138 : memref<625x16xf32, #tpu.memory_space<vmem_shared>>) dst(%arg14 : memref<625x16xf32, #tpu.memory_space<vmem>>)
        tpu.yield
      }) : () -> ()
      "tpu.region"() ({
        %run_scoped3A = tpu.sem_alloc : memref<!tpu.dma_semaphore, #tpu.memory_space<semaphore_mem>>
        %dma_start3A_132 = arith.constant 80 : i32
        %dma_start3A_133 = tpu.memref_slice %arg7[%add3A_67, %dma_start3A_132] : memref<50000x128xf32, #tpu.memory_space<hbm>> -> memref<625x16xf32, #tpu.memory_space<hbm>>
        %dma_start3A_134 = arith.constant 80 : i32
        %dma_start3A_135 = tpu.memref_slice %arg7[%add3A_67, %dma_start3A_134] : memref<50000x128xf32, #tpu.memory_space<hbm>> -> memref<625x16xf32, #tpu.memory_space<hbm>>
        tpu.enqueue_dma source(%arg14 : memref<625x16xf32, #tpu.memory_space<vmem>>) target(%dma_start3A_135 : memref<625x16xf32, #tpu.memory_space<hbm>>) target_semaphore(%run_scoped3A : memref<!tpu.dma_semaphore, #tpu.memory_space<semaphore_mem>>)
        %dma_wait3A = arith.constant 80 : i32
        %dma_wait3A_136 = tpu.memref_slice %arg7[%add3A_67, %dma_wait3A] : memref<50000x128xf32, #tpu.memory_space<hbm>> -> memref<625x16xf32, #tpu.memory_space<hbm>>
        %dma_wait3A_137 = arith.constant 80 : i32
        %dma_wait3A_138 = tpu.memref_slice %arg7[%add3A_67, %dma_wait3A_137] : memref<50000x128xf32, #tpu.memory_space<hbm>> -> memref<625x16xf32, #tpu.memory_space<hbm>>
        tpu.wait_dma2 semaphore(%run_scoped3A : memref<!tpu.dma_semaphore, #tpu.memory_space<semaphore_mem>>) src(%arg14 : memref<625x16xf32, #tpu.memory_space<vmem>>) dst(%dma_wait3A_138 : memref<625x16xf32, #tpu.memory_space<hbm>>)
        tpu.yield
      }) : () -> ()
      %mul3A_68 = arith.constant 50000 : i32
      %mul3A_69 = arith.muli %arg1, %mul3A_68 : i32
      %barrier3A_70 = arith.constant 0 : index
      tpu.barrier barrier_id(%barrier3A_70)
      %eq3A_71 = arith.constant 0 : i32
      %eq3A_72 = arith.cmpi eq, %arg1, %eq3A_71 : i32
      %convert_element_type3A_73 = arith.extui %eq3A_72 : i1 to i32
      %cond3A_74 = arith.constant 0 : i32
      %cond3A_75 = arith.cmpi ne, %convert_element_type3A_73, %cond3A_74 : i32
      scf.if %cond3A_75 {
        "tpu.region"() ({
          %run_scoped3A = tpu.sem_alloc : memref<!tpu.dma_semaphore, #tpu.memory_space<semaphore_mem>>
          tpu.enqueue_dma source(%arg4 : memref<50000x16xf32, #tpu.memory_space<hbm>>) target(%arg16 : memref<50000x16xf32, #tpu.memory_space<vmem_shared>>) target_semaphore(%run_scoped3A : memref<!tpu.dma_semaphore, #tpu.memory_space<semaphore_mem>>)
          tpu.wait_dma2 semaphore(%run_scoped3A : memref<!tpu.dma_semaphore, #tpu.memory_space<semaphore_mem>>) src(%arg4 : memref<50000x16xf32, #tpu.memory_space<hbm>>) dst(%arg16 : memref<50000x16xf32, #tpu.memory_space<vmem_shared>>)
          tpu.yield
        }) : () -> ()
      } else {
      }
      %dma_start3A_76 = tpu.memref_slice %arg3[%mul3A_69] : memref<800000xi32, #tpu.memory_space<hbm>> -> memref<1000xi32, #tpu.memory_space<hbm>>
      %dma_start3A_77 = tpu.memref_slice %arg3[%mul3A_69] : memref<800000xi32, #tpu.memory_space<hbm>> -> memref<1000xi32, #tpu.memory_space<hbm>>
      tpu.enqueue_dma source(%dma_start3A_77 : memref<1000xi32, #tpu.memory_space<hbm>>) target(%arg9 : memref<1000xi32, #tpu.memory_space<vmem>>) target_semaphore(%arg18 : memref<!tpu.dma_semaphore, #tpu.memory_space<semaphore_mem>>)
      %dma_start3A_78 = arith.constant 96 : i32
      %dma_start3A_79 = tpu.memref_slice %arg2[%mul3A_69, %dma_start3A_78] : memref<800000x128xf32, #tpu.memory_space<hbm>> -> memref<1000x16xf32, #tpu.memory_space<hbm>>
      %dma_start3A_80 = arith.constant 96 : i32
      %dma_start3A_81 = tpu.memref_slice %arg2[%mul3A_69, %dma_start3A_80] : memref<800000x128xf32, #tpu.memory_space<hbm>> -> memref<1000x16xf32, #tpu.memory_space<hbm>>
      tpu.enqueue_dma source(%dma_start3A_81 : memref<1000x16xf32, #tpu.memory_space<hbm>>) target(%arg10 : memref<1000x16xf32, #tpu.memory_space<vmem>>) target_semaphore(%arg18 : memref<!tpu.dma_semaphore, #tpu.memory_space<semaphore_mem>>)
      %barrier3A_82 = arith.constant 0 : index
      tpu.barrier barrier_id(%barrier3A_82)
      %scan3A_83 = arith.constant 0 : i32
      %scan3A_84 = arith.constant 0 : i32
      %scan3A_85 = arith.constant 25 : i32
      %scan3A_86 = arith.addi %scan3A_84, %scan3A_85 : i32
      %scan3A_87 = arith.constant 1 : i32
      scf.for %scan3A_132 = %scan3A_84 to %scan3A_86 step %scan3A_87  : i32 {
        %mul3A_133 = arith.constant 2 : i32
        %mul3A_134 = arith.muli %mul3A_133, %scan3A_132 : i32
        %mul3A_135 = arith.constant 1000 : i32
        %mul3A_136 = arith.muli %mul3A_134, %mul3A_135 : i32
        %add3A_137 = arith.addi %mul3A_69, %mul3A_136 : i32
        %add3A_138 = arith.constant 1000 : i32
        %add3A_139 = arith.addi %add3A_137, %add3A_138 : i32
        %dma_wait3A = tpu.memref_slice %arg3[%add3A_137] : memref<800000xi32, #tpu.memory_space<hbm>> -> memref<1000xi32, #tpu.memory_space<hbm>>
        %dma_wait3A_140 = tpu.memref_slice %arg3[%add3A_137] : memref<800000xi32, #tpu.memory_space<hbm>> -> memref<1000xi32, #tpu.memory_space<hbm>>
        tpu.wait_dma2 semaphore(%arg18 : memref<!tpu.dma_semaphore, #tpu.memory_space<semaphore_mem>>) src(%dma_wait3A_140 : memref<1000xi32, #tpu.memory_space<hbm>>) dst(%arg9 : memref<1000xi32, #tpu.memory_space<vmem>>)
        %dma_wait3A_141 = arith.constant 96 : i32
        %dma_wait3A_142 = tpu.memref_slice %arg2[%add3A_137, %dma_wait3A_141] : memref<800000x128xf32, #tpu.memory_space<hbm>> -> memref<1000x16xf32, #tpu.memory_space<hbm>>
        %dma_wait3A_143 = arith.constant 96 : i32
        %dma_wait3A_144 = tpu.memref_slice %arg2[%add3A_137, %dma_wait3A_143] : memref<800000x128xf32, #tpu.memory_space<hbm>> -> memref<1000x16xf32, #tpu.memory_space<hbm>>
        tpu.wait_dma2 semaphore(%arg18 : memref<!tpu.dma_semaphore, #tpu.memory_space<semaphore_mem>>) src(%dma_wait3A_144 : memref<1000x16xf32, #tpu.memory_space<hbm>>) dst(%arg10 : memref<1000x16xf32, #tpu.memory_space<vmem>>)
        %dma_start3A_145 = tpu.memref_slice %arg3[%add3A_139] : memref<800000xi32, #tpu.memory_space<hbm>> -> memref<1000xi32, #tpu.memory_space<hbm>>
        %dma_start3A_146 = tpu.memref_slice %arg3[%add3A_139] : memref<800000xi32, #tpu.memory_space<hbm>> -> memref<1000xi32, #tpu.memory_space<hbm>>
        tpu.enqueue_dma source(%dma_start3A_146 : memref<1000xi32, #tpu.memory_space<hbm>>) target(%arg11 : memref<1000xi32, #tpu.memory_space<vmem>>) target_semaphore(%arg19 : memref<!tpu.dma_semaphore, #tpu.memory_space<semaphore_mem>>)
        %dma_start3A_147 = arith.constant 96 : i32
        %dma_start3A_148 = tpu.memref_slice %arg2[%add3A_139, %dma_start3A_147] : memref<800000x128xf32, #tpu.memory_space<hbm>> -> memref<1000x16xf32, #tpu.memory_space<hbm>>
        %dma_start3A_149 = arith.constant 96 : i32
        %dma_start3A_150 = tpu.memref_slice %arg2[%add3A_139, %dma_start3A_149] : memref<800000x128xf32, #tpu.memory_space<hbm>> -> memref<1000x16xf32, #tpu.memory_space<hbm>>
        tpu.enqueue_dma source(%dma_start3A_150 : memref<1000x16xf32, #tpu.memory_space<hbm>>) target(%arg12 : memref<1000x16xf32, #tpu.memory_space<vmem>>) target_semaphore(%arg19 : memref<!tpu.dma_semaphore, #tpu.memory_space<semaphore_mem>>)
        "tpu.region"() ({
          %run_scoped3A = tpu.sem_alloc : memref<!tpu.dma_semaphore, #tpu.memory_space<semaphore_mem>>
          %dma_start3A_164 = arith.constant 0 : i32
          %dma_start3A_165 = arith.constant 0 : i32
          %dma_start3A_166 = tpu.memref_slice %arg16[%dma_start3A_164, %dma_start3A_165] : memref<50000x16xf32, #tpu.memory_space<vmem_shared>> -> memref<50000x16xf32, #tpu.memory_space<vmem_shared>>
          tpu.enqueue_indirect_dma source(%arg10 : memref<1000x16xf32, #tpu.memory_space<vmem>>) target(%dma_start3A_166 : memref<50000x16xf32, #tpu.memory_space<vmem_shared>>) offsets(%arg9 : memref<1000xi32, #tpu.memory_space<vmem>>) semaphore(%run_scoped3A : memref<!tpu.dma_semaphore, #tpu.memory_space<semaphore_mem>>) {add = true}
          %dma_wait3A_167 = arith.constant 0 : i32
          %dma_wait3A_168 = arith.constant 0 : i32
          %dma_wait3A_169 = tpu.memref_slice %arg16[%dma_wait3A_167, %dma_wait3A_168] : memref<50000x16xf32, #tpu.memory_space<vmem_shared>> -> memref<50000x16xf32, #tpu.memory_space<vmem_shared>>
          tpu.wait_indirect_dma semaphore(%run_scoped3A : memref<!tpu.dma_semaphore, #tpu.memory_space<semaphore_mem>>) src(%arg10 : memref<1000x16xf32, #tpu.memory_space<vmem>>) dst(%dma_wait3A_169 : memref<50000x16xf32, #tpu.memory_space<vmem_shared>>)
          tpu.yield
        }) : () -> ()
        %add3A_151 = arith.constant 1 : i32
        %add3A_152 = arith.addi %scan3A_132, %add3A_151 : i32
        %lt3A = arith.constant 25 : i32
        %lt3A_153 = arith.cmpi slt, %add3A_152, %lt3A : i32
        %or3A = arith.constant false
        %or3A_154 = arith.ori %lt3A_153, %or3A : i1
        %convert_element_type3A_155 = arith.extui %or3A_154 : i1 to i32
        %cond3A_156 = arith.constant 0 : i32
        %cond3A_157 = arith.cmpi ne, %convert_element_type3A_155, %cond3A_156 : i32
        scf.if %cond3A_157 {
          %add3A_164 = arith.constant 2000 : i32
          %add3A_165 = arith.addi %add3A_137, %add3A_164 : i32
          %dma_start3A_166 = tpu.memref_slice %arg3[%add3A_165] : memref<800000xi32, #tpu.memory_space<hbm>> -> memref<1000xi32, #tpu.memory_space<hbm>>
          %dma_start3A_167 = tpu.memref_slice %arg3[%add3A_165] : memref<800000xi32, #tpu.memory_space<hbm>> -> memref<1000xi32, #tpu.memory_space<hbm>>
          tpu.enqueue_dma source(%dma_start3A_167 : memref<1000xi32, #tpu.memory_space<hbm>>) target(%arg9 : memref<1000xi32, #tpu.memory_space<vmem>>) target_semaphore(%arg18 : memref<!tpu.dma_semaphore, #tpu.memory_space<semaphore_mem>>)
          %dma_start3A_168 = arith.constant 96 : i32
          %dma_start3A_169 = tpu.memref_slice %arg2[%add3A_165, %dma_start3A_168] : memref<800000x128xf32, #tpu.memory_space<hbm>> -> memref<1000x16xf32, #tpu.memory_space<hbm>>
          %dma_start3A_170 = arith.constant 96 : i32
          %dma_start3A_171 = tpu.memref_slice %arg2[%add3A_165, %dma_start3A_170] : memref<800000x128xf32, #tpu.memory_space<hbm>> -> memref<1000x16xf32, #tpu.memory_space<hbm>>
          tpu.enqueue_dma source(%dma_start3A_171 : memref<1000x16xf32, #tpu.memory_space<hbm>>) target(%arg10 : memref<1000x16xf32, #tpu.memory_space<vmem>>) target_semaphore(%arg18 : memref<!tpu.dma_semaphore, #tpu.memory_space<semaphore_mem>>)
        } else {
        }
        %dma_wait3A_158 = tpu.memref_slice %arg3[%add3A_139] : memref<800000xi32, #tpu.memory_space<hbm>> -> memref<1000xi32, #tpu.memory_space<hbm>>
        %dma_wait3A_159 = tpu.memref_slice %arg3[%add3A_139] : memref<800000xi32, #tpu.memory_space<hbm>> -> memref<1000xi32, #tpu.memory_space<hbm>>
        tpu.wait_dma2 semaphore(%arg19 : memref<!tpu.dma_semaphore, #tpu.memory_space<semaphore_mem>>) src(%dma_wait3A_159 : memref<1000xi32, #tpu.memory_space<hbm>>) dst(%arg11 : memref<1000xi32, #tpu.memory_space<vmem>>)
        %dma_wait3A_160 = arith.constant 96 : i32
        %dma_wait3A_161 = tpu.memref_slice %arg2[%add3A_139, %dma_wait3A_160] : memref<800000x128xf32, #tpu.memory_space<hbm>> -> memref<1000x16xf32, #tpu.memory_space<hbm>>
        %dma_wait3A_162 = arith.constant 96 : i32
        %dma_wait3A_163 = tpu.memref_slice %arg2[%add3A_139, %dma_wait3A_162] : memref<800000x128xf32, #tpu.memory_space<hbm>> -> memref<1000x16xf32, #tpu.memory_space<hbm>>
        tpu.wait_dma2 semaphore(%arg19 : memref<!tpu.dma_semaphore, #tpu.memory_space<semaphore_mem>>) src(%dma_wait3A_163 : memref<1000x16xf32, #tpu.memory_space<hbm>>) dst(%arg12 : memref<1000x16xf32, #tpu.memory_space<vmem>>)
        "tpu.region"() ({
          %run_scoped3A = tpu.sem_alloc : memref<!tpu.dma_semaphore, #tpu.memory_space<semaphore_mem>>
          %dma_start3A_164 = arith.constant 0 : i32
          %dma_start3A_165 = arith.constant 0 : i32
          %dma_start3A_166 = tpu.memref_slice %arg16[%dma_start3A_164, %dma_start3A_165] : memref<50000x16xf32, #tpu.memory_space<vmem_shared>> -> memref<50000x16xf32, #tpu.memory_space<vmem_shared>>
          tpu.enqueue_indirect_dma source(%arg12 : memref<1000x16xf32, #tpu.memory_space<vmem>>) target(%dma_start3A_166 : memref<50000x16xf32, #tpu.memory_space<vmem_shared>>) offsets(%arg11 : memref<1000xi32, #tpu.memory_space<vmem>>) semaphore(%run_scoped3A : memref<!tpu.dma_semaphore, #tpu.memory_space<semaphore_mem>>) {add = true}
          %dma_wait3A_167 = arith.constant 0 : i32
          %dma_wait3A_168 = arith.constant 0 : i32
          %dma_wait3A_169 = tpu.memref_slice %arg16[%dma_wait3A_167, %dma_wait3A_168] : memref<50000x16xf32, #tpu.memory_space<vmem_shared>> -> memref<50000x16xf32, #tpu.memory_space<vmem_shared>>
          tpu.wait_indirect_dma semaphore(%run_scoped3A : memref<!tpu.dma_semaphore, #tpu.memory_space<semaphore_mem>>) src(%arg12 : memref<1000x16xf32, #tpu.memory_space<vmem>>) dst(%dma_wait3A_169 : memref<50000x16xf32, #tpu.memory_space<vmem_shared>>)
          tpu.yield
        }) : () -> ()
      }
      %scan3A_88 = arith.constant 25 : i32
      %barrier3A_89 = arith.constant 0 : index
      tpu.barrier barrier_id(%barrier3A_89)
      %add3A_90 = arith.constant 0 : i32
      %add3A_91 = arith.addi %mul3A_0, %add3A_90 : i32
      "tpu.region"() ({
        %run_scoped3A = tpu.sem_alloc : memref<!tpu.dma_semaphore, #tpu.memory_space<semaphore_mem>>
        %dma_start3A_132 = arith.constant 0 : i32
        %dma_start3A_133 = tpu.memref_slice %arg16[%add3A_91, %dma_start3A_132] : memref<50000x16xf32, #tpu.memory_space<vmem_shared>> -> memref<625x16xf32, #tpu.memory_space<vmem_shared>>
        %dma_start3A_134 = arith.constant 0 : i32
        %dma_start3A_135 = tpu.memref_slice %arg16[%add3A_91, %dma_start3A_134] : memref<50000x16xf32, #tpu.memory_space<vmem_shared>> -> memref<625x16xf32, #tpu.memory_space<vmem_shared>>
        tpu.enqueue_dma source(%dma_start3A_135 : memref<625x16xf32, #tpu.memory_space<vmem_shared>>) target(%arg14 : memref<625x16xf32, #tpu.memory_space<vmem>>) target_semaphore(%run_scoped3A : memref<!tpu.dma_semaphore, #tpu.memory_space<semaphore_mem>>)
        %dma_wait3A = arith.constant 0 : i32
        %dma_wait3A_136 = tpu.memref_slice %arg16[%add3A_91, %dma_wait3A] : memref<50000x16xf32, #tpu.memory_space<vmem_shared>> -> memref<625x16xf32, #tpu.memory_space<vmem_shared>>
        %dma_wait3A_137 = arith.constant 0 : i32
        %dma_wait3A_138 = tpu.memref_slice %arg16[%add3A_91, %dma_wait3A_137] : memref<50000x16xf32, #tpu.memory_space<vmem_shared>> -> memref<625x16xf32, #tpu.memory_space<vmem_shared>>
        tpu.wait_dma2 semaphore(%run_scoped3A : memref<!tpu.dma_semaphore, #tpu.memory_space<semaphore_mem>>) src(%dma_wait3A_138 : memref<625x16xf32, #tpu.memory_space<vmem_shared>>) dst(%arg14 : memref<625x16xf32, #tpu.memory_space<vmem>>)
        tpu.yield
      }) : () -> ()
      "tpu.region"() ({
        %run_scoped3A = tpu.sem_alloc : memref<!tpu.dma_semaphore, #tpu.memory_space<semaphore_mem>>
        %dma_start3A_132 = arith.constant 96 : i32
        %dma_start3A_133 = tpu.memref_slice %arg7[%add3A_91, %dma_start3A_132] : memref<50000x128xf32, #tpu.memory_space<hbm>> -> memref<625x16xf32, #tpu.memory_space<hbm>>
        %dma_start3A_134 = arith.constant 96 : i32
        %dma_start3A_135 = tpu.memref_slice %arg7[%add3A_91, %dma_start3A_134] : memref<50000x128xf32, #tpu.memory_space<hbm>> -> memref<625x16xf32, #tpu.memory_space<hbm>>
        tpu.enqueue_dma source(%arg14 : memref<625x16xf32, #tpu.memory_space<vmem>>) target(%dma_start3A_135 : memref<625x16xf32, #tpu.memory_space<hbm>>) target_semaphore(%run_scoped3A : memref<!tpu.dma_semaphore, #tpu.memory_space<semaphore_mem>>)
        %dma_wait3A = arith.constant 96 : i32
        %dma_wait3A_136 = tpu.memref_slice %arg7[%add3A_91, %dma_wait3A] : memref<50000x128xf32, #tpu.memory_space<hbm>> -> memref<625x16xf32, #tpu.memory_space<hbm>>
        %dma_wait3A_137 = arith.constant 96 : i32
        %dma_wait3A_138 = tpu.memref_slice %arg7[%add3A_91, %dma_wait3A_137] : memref<50000x128xf32, #tpu.memory_space<hbm>> -> memref<625x16xf32, #tpu.memory_space<hbm>>
        tpu.wait_dma2 semaphore(%run_scoped3A : memref<!tpu.dma_semaphore, #tpu.memory_space<semaphore_mem>>) src(%arg14 : memref<625x16xf32, #tpu.memory_space<vmem>>) dst(%dma_wait3A_138 : memref<625x16xf32, #tpu.memory_space<hbm>>)
        tpu.yield
      }) : () -> ()
      %add3A_92 = arith.constant 625 : i32
      %add3A_93 = arith.addi %mul3A_0, %add3A_92 : i32
      "tpu.region"() ({
        %run_scoped3A = tpu.sem_alloc : memref<!tpu.dma_semaphore, #tpu.memory_space<semaphore_mem>>
        %dma_start3A_132 = arith.constant 0 : i32
        %dma_start3A_133 = tpu.memref_slice %arg16[%add3A_93, %dma_start3A_132] : memref<50000x16xf32, #tpu.memory_space<vmem_shared>> -> memref<625x16xf32, #tpu.memory_space<vmem_shared>>
        %dma_start3A_134 = arith.constant 0 : i32
        %dma_start3A_135 = tpu.memref_slice %arg16[%add3A_93, %dma_start3A_134] : memref<50000x16xf32, #tpu.memory_space<vmem_shared>> -> memref<625x16xf32, #tpu.memory_space<vmem_shared>>
        tpu.enqueue_dma source(%dma_start3A_135 : memref<625x16xf32, #tpu.memory_space<vmem_shared>>) target(%arg14 : memref<625x16xf32, #tpu.memory_space<vmem>>) target_semaphore(%run_scoped3A : memref<!tpu.dma_semaphore, #tpu.memory_space<semaphore_mem>>)
        %dma_wait3A = arith.constant 0 : i32
        %dma_wait3A_136 = tpu.memref_slice %arg16[%add3A_93, %dma_wait3A] : memref<50000x16xf32, #tpu.memory_space<vmem_shared>> -> memref<625x16xf32, #tpu.memory_space<vmem_shared>>
        %dma_wait3A_137 = arith.constant 0 : i32
        %dma_wait3A_138 = tpu.memref_slice %arg16[%add3A_93, %dma_wait3A_137] : memref<50000x16xf32, #tpu.memory_space<vmem_shared>> -> memref<625x16xf32, #tpu.memory_space<vmem_shared>>
        tpu.wait_dma2 semaphore(%run_scoped3A : memref<!tpu.dma_semaphore, #tpu.memory_space<semaphore_mem>>) src(%dma_wait3A_138 : memref<625x16xf32, #tpu.memory_space<vmem_shared>>) dst(%arg14 : memref<625x16xf32, #tpu.memory_space<vmem>>)
        tpu.yield
      }) : () -> ()
      "tpu.region"() ({
        %run_scoped3A = tpu.sem_alloc : memref<!tpu.dma_semaphore, #tpu.memory_space<semaphore_mem>>
        %dma_start3A_132 = arith.constant 96 : i32
        %dma_start3A_133 = tpu.memref_slice %arg7[%add3A_93, %dma_start3A_132] : memref<50000x128xf32, #tpu.memory_space<hbm>> -> memref<625x16xf32, #tpu.memory_space<hbm>>
        %dma_start3A_134 = arith.constant 96 : i32
        %dma_start3A_135 = tpu.memref_slice %arg7[%add3A_93, %dma_start3A_134] : memref<50000x128xf32, #tpu.memory_space<hbm>> -> memref<625x16xf32, #tpu.memory_space<hbm>>
        tpu.enqueue_dma source(%arg14 : memref<625x16xf32, #tpu.memory_space<vmem>>) target(%dma_start3A_135 : memref<625x16xf32, #tpu.memory_space<hbm>>) target_semaphore(%run_scoped3A : memref<!tpu.dma_semaphore, #tpu.memory_space<semaphore_mem>>)
        %dma_wait3A = arith.constant 96 : i32
        %dma_wait3A_136 = tpu.memref_slice %arg7[%add3A_93, %dma_wait3A] : memref<50000x128xf32, #tpu.memory_space<hbm>> -> memref<625x16xf32, #tpu.memory_space<hbm>>
        %dma_wait3A_137 = arith.constant 96 : i32
        %dma_wait3A_138 = tpu.memref_slice %arg7[%add3A_93, %dma_wait3A_137] : memref<50000x128xf32, #tpu.memory_space<hbm>> -> memref<625x16xf32, #tpu.memory_space<hbm>>
        tpu.wait_dma2 semaphore(%run_scoped3A : memref<!tpu.dma_semaphore, #tpu.memory_space<semaphore_mem>>) src(%arg14 : memref<625x16xf32, #tpu.memory_space<vmem>>) dst(%dma_wait3A_138 : memref<625x16xf32, #tpu.memory_space<hbm>>)
        tpu.yield
      }) : () -> ()
      %add3A_94 = arith.constant 1250 : i32
      %add3A_95 = arith.addi %mul3A_0, %add3A_94 : i32
      "tpu.region"() ({
        %run_scoped3A = tpu.sem_alloc : memref<!tpu.dma_semaphore, #tpu.memory_space<semaphore_mem>>
        %dma_start3A_132 = arith.constant 0 : i32
        %dma_start3A_133 = tpu.memref_slice %arg16[%add3A_95, %dma_start3A_132] : memref<50000x16xf32, #tpu.memory_space<vmem_shared>> -> memref<625x16xf32, #tpu.memory_space<vmem_shared>>
        %dma_start3A_134 = arith.constant 0 : i32
        %dma_start3A_135 = tpu.memref_slice %arg16[%add3A_95, %dma_start3A_134] : memref<50000x16xf32, #tpu.memory_space<vmem_shared>> -> memref<625x16xf32, #tpu.memory_space<vmem_shared>>
        tpu.enqueue_dma source(%dma_start3A_135 : memref<625x16xf32, #tpu.memory_space<vmem_shared>>) target(%arg14 : memref<625x16xf32, #tpu.memory_space<vmem>>) target_semaphore(%run_scoped3A : memref<!tpu.dma_semaphore, #tpu.memory_space<semaphore_mem>>)
        %dma_wait3A = arith.constant 0 : i32
        %dma_wait3A_136 = tpu.memref_slice %arg16[%add3A_95, %dma_wait3A] : memref<50000x16xf32, #tpu.memory_space<vmem_shared>> -> memref<625x16xf32, #tpu.memory_space<vmem_shared>>
        %dma_wait3A_137 = arith.constant 0 : i32
        %dma_wait3A_138 = tpu.memref_slice %arg16[%add3A_95, %dma_wait3A_137] : memref<50000x16xf32, #tpu.memory_space<vmem_shared>> -> memref<625x16xf32, #tpu.memory_space<vmem_shared>>
        tpu.wait_dma2 semaphore(%run_scoped3A : memref<!tpu.dma_semaphore, #tpu.memory_space<semaphore_mem>>) src(%dma_wait3A_138 : memref<625x16xf32, #tpu.memory_space<vmem_shared>>) dst(%arg14 : memref<625x16xf32, #tpu.memory_space<vmem>>)
        tpu.yield
      }) : () -> ()
      "tpu.region"() ({
        %run_scoped3A = tpu.sem_alloc : memref<!tpu.dma_semaphore, #tpu.memory_space<semaphore_mem>>
        %dma_start3A_132 = arith.constant 96 : i32
        %dma_start3A_133 = tpu.memref_slice %arg7[%add3A_95, %dma_start3A_132] : memref<50000x128xf32, #tpu.memory_space<hbm>> -> memref<625x16xf32, #tpu.memory_space<hbm>>
        %dma_start3A_134 = arith.constant 96 : i32
        %dma_start3A_135 = tpu.memref_slice %arg7[%add3A_95, %dma_start3A_134] : memref<50000x128xf32, #tpu.memory_space<hbm>> -> memref<625x16xf32, #tpu.memory_space<hbm>>
        tpu.enqueue_dma source(%arg14 : memref<625x16xf32, #tpu.memory_space<vmem>>) target(%dma_start3A_135 : memref<625x16xf32, #tpu.memory_space<hbm>>) target_semaphore(%run_scoped3A : memref<!tpu.dma_semaphore, #tpu.memory_space<semaphore_mem>>)
        %dma_wait3A = arith.constant 96 : i32
        %dma_wait3A_136 = tpu.memref_slice %arg7[%add3A_95, %dma_wait3A] : memref<50000x128xf32, #tpu.memory_space<hbm>> -> memref<625x16xf32, #tpu.memory_space<hbm>>
        %dma_wait3A_137 = arith.constant 96 : i32
        %dma_wait3A_138 = tpu.memref_slice %arg7[%add3A_95, %dma_wait3A_137] : memref<50000x128xf32, #tpu.memory_space<hbm>> -> memref<625x16xf32, #tpu.memory_space<hbm>>
        tpu.wait_dma2 semaphore(%run_scoped3A : memref<!tpu.dma_semaphore, #tpu.memory_space<semaphore_mem>>) src(%arg14 : memref<625x16xf32, #tpu.memory_space<vmem>>) dst(%dma_wait3A_138 : memref<625x16xf32, #tpu.memory_space<hbm>>)
        tpu.yield
      }) : () -> ()
      %add3A_96 = arith.constant 1875 : i32
      %add3A_97 = arith.addi %mul3A_0, %add3A_96 : i32
      "tpu.region"() ({
        %run_scoped3A = tpu.sem_alloc : memref<!tpu.dma_semaphore, #tpu.memory_space<semaphore_mem>>
        %dma_start3A_132 = arith.constant 0 : i32
        %dma_start3A_133 = tpu.memref_slice %arg16[%add3A_97, %dma_start3A_132] : memref<50000x16xf32, #tpu.memory_space<vmem_shared>> -> memref<625x16xf32, #tpu.memory_space<vmem_shared>>
        %dma_start3A_134 = arith.constant 0 : i32
        %dma_start3A_135 = tpu.memref_slice %arg16[%add3A_97, %dma_start3A_134] : memref<50000x16xf32, #tpu.memory_space<vmem_shared>> -> memref<625x16xf32, #tpu.memory_space<vmem_shared>>
        tpu.enqueue_dma source(%dma_start3A_135 : memref<625x16xf32, #tpu.memory_space<vmem_shared>>) target(%arg14 : memref<625x16xf32, #tpu.memory_space<vmem>>) target_semaphore(%run_scoped3A : memref<!tpu.dma_semaphore, #tpu.memory_space<semaphore_mem>>)
        %dma_wait3A = arith.constant 0 : i32
        %dma_wait3A_136 = tpu.memref_slice %arg16[%add3A_97, %dma_wait3A] : memref<50000x16xf32, #tpu.memory_space<vmem_shared>> -> memref<625x16xf32, #tpu.memory_space<vmem_shared>>
        %dma_wait3A_137 = arith.constant 0 : i32
        %dma_wait3A_138 = tpu.memref_slice %arg16[%add3A_97, %dma_wait3A_137] : memref<50000x16xf32, #tpu.memory_space<vmem_shared>> -> memref<625x16xf32, #tpu.memory_space<vmem_shared>>
        tpu.wait_dma2 semaphore(%run_scoped3A : memref<!tpu.dma_semaphore, #tpu.memory_space<semaphore_mem>>) src(%dma_wait3A_138 : memref<625x16xf32, #tpu.memory_space<vmem_shared>>) dst(%arg14 : memref<625x16xf32, #tpu.memory_space<vmem>>)
        tpu.yield
      }) : () -> ()
      "tpu.region"() ({
        %run_scoped3A = tpu.sem_alloc : memref<!tpu.dma_semaphore, #tpu.memory_space<semaphore_mem>>
        %dma_start3A_132 = arith.constant 96 : i32
        %dma_start3A_133 = tpu.memref_slice %arg7[%add3A_97, %dma_start3A_132] : memref<50000x128xf32, #tpu.memory_space<hbm>> -> memref<625x16xf32, #tpu.memory_space<hbm>>
        %dma_start3A_134 = arith.constant 96 : i32
        %dma_start3A_135 = tpu.memref_slice %arg7[%add3A_97, %dma_start3A_134] : memref<50000x128xf32, #tpu.memory_space<hbm>> -> memref<625x16xf32, #tpu.memory_space<hbm>>
        tpu.enqueue_dma source(%arg14 : memref<625x16xf32, #tpu.memory_space<vmem>>) target(%dma_start3A_135 : memref<625x16xf32, #tpu.memory_space<hbm>>) target_semaphore(%run_scoped3A : memref<!tpu.dma_semaphore, #tpu.memory_space<semaphore_mem>>)
        %dma_wait3A = arith.constant 96 : i32
        %dma_wait3A_136 = tpu.memref_slice %arg7[%add3A_97, %dma_wait3A] : memref<50000x128xf32, #tpu.memory_space<hbm>> -> memref<625x16xf32, #tpu.memory_space<hbm>>
        %dma_wait3A_137 = arith.constant 96 : i32
        %dma_wait3A_138 = tpu.memref_slice %arg7[%add3A_97, %dma_wait3A_137] : memref<50000x128xf32, #tpu.memory_space<hbm>> -> memref<625x16xf32, #tpu.memory_space<hbm>>
        tpu.wait_dma2 semaphore(%run_scoped3A : memref<!tpu.dma_semaphore, #tpu.memory_space<semaphore_mem>>) src(%arg14 : memref<625x16xf32, #tpu.memory_space<vmem>>) dst(%dma_wait3A_138 : memref<625x16xf32, #tpu.memory_space<hbm>>)
        tpu.yield
      }) : () -> ()
      %add3A_98 = arith.constant 2500 : i32
      %add3A_99 = arith.addi %mul3A_0, %add3A_98 : i32
      "tpu.region"() ({
        %run_scoped3A = tpu.sem_alloc : memref<!tpu.dma_semaphore, #tpu.memory_space<semaphore_mem>>
        %dma_start3A_132 = arith.constant 0 : i32
        %dma_start3A_133 = tpu.memref_slice %arg16[%add3A_99, %dma_start3A_132] : memref<50000x16xf32, #tpu.memory_space<vmem_shared>> -> memref<625x16xf32, #tpu.memory_space<vmem_shared>>
        %dma_start3A_134 = arith.constant 0 : i32
        %dma_start3A_135 = tpu.memref_slice %arg16[%add3A_99, %dma_start3A_134] : memref<50000x16xf32, #tpu.memory_space<vmem_shared>> -> memref<625x16xf32, #tpu.memory_space<vmem_shared>>
        tpu.enqueue_dma source(%dma_start3A_135 : memref<625x16xf32, #tpu.memory_space<vmem_shared>>) target(%arg14 : memref<625x16xf32, #tpu.memory_space<vmem>>) target_semaphore(%run_scoped3A : memref<!tpu.dma_semaphore, #tpu.memory_space<semaphore_mem>>)
        %dma_wait3A = arith.constant 0 : i32
        %dma_wait3A_136 = tpu.memref_slice %arg16[%add3A_99, %dma_wait3A] : memref<50000x16xf32, #tpu.memory_space<vmem_shared>> -> memref<625x16xf32, #tpu.memory_space<vmem_shared>>
        %dma_wait3A_137 = arith.constant 0 : i32
        %dma_wait3A_138 = tpu.memref_slice %arg16[%add3A_99, %dma_wait3A_137] : memref<50000x16xf32, #tpu.memory_space<vmem_shared>> -> memref<625x16xf32, #tpu.memory_space<vmem_shared>>
        tpu.wait_dma2 semaphore(%run_scoped3A : memref<!tpu.dma_semaphore, #tpu.memory_space<semaphore_mem>>) src(%dma_wait3A_138 : memref<625x16xf32, #tpu.memory_space<vmem_shared>>) dst(%arg14 : memref<625x16xf32, #tpu.memory_space<vmem>>)
        tpu.yield
      }) : () -> ()
      "tpu.region"() ({
        %run_scoped3A = tpu.sem_alloc : memref<!tpu.dma_semaphore, #tpu.memory_space<semaphore_mem>>
        %dma_start3A_132 = arith.constant 96 : i32
        %dma_start3A_133 = tpu.memref_slice %arg7[%add3A_99, %dma_start3A_132] : memref<50000x128xf32, #tpu.memory_space<hbm>> -> memref<625x16xf32, #tpu.memory_space<hbm>>
        %dma_start3A_134 = arith.constant 96 : i32
        %dma_start3A_135 = tpu.memref_slice %arg7[%add3A_99, %dma_start3A_134] : memref<50000x128xf32, #tpu.memory_space<hbm>> -> memref<625x16xf32, #tpu.memory_space<hbm>>
        tpu.enqueue_dma source(%arg14 : memref<625x16xf32, #tpu.memory_space<vmem>>) target(%dma_start3A_135 : memref<625x16xf32, #tpu.memory_space<hbm>>) target_semaphore(%run_scoped3A : memref<!tpu.dma_semaphore, #tpu.memory_space<semaphore_mem>>)
        %dma_wait3A = arith.constant 96 : i32
        %dma_wait3A_136 = tpu.memref_slice %arg7[%add3A_99, %dma_wait3A] : memref<50000x128xf32, #tpu.memory_space<hbm>> -> memref<625x16xf32, #tpu.memory_space<hbm>>
        %dma_wait3A_137 = arith.constant 96 : i32
        %dma_wait3A_138 = tpu.memref_slice %arg7[%add3A_99, %dma_wait3A_137] : memref<50000x128xf32, #tpu.memory_space<hbm>> -> memref<625x16xf32, #tpu.memory_space<hbm>>
        tpu.wait_dma2 semaphore(%run_scoped3A : memref<!tpu.dma_semaphore, #tpu.memory_space<semaphore_mem>>) src(%arg14 : memref<625x16xf32, #tpu.memory_space<vmem>>) dst(%dma_wait3A_138 : memref<625x16xf32, #tpu.memory_space<hbm>>)
        tpu.yield
      }) : () -> ()
      %mul3A_100 = arith.constant 50000 : i32
      %mul3A_101 = arith.muli %arg1, %mul3A_100 : i32
      %barrier3A_102 = arith.constant 0 : index
      tpu.barrier barrier_id(%barrier3A_102)
      %eq3A_103 = arith.constant 0 : i32
      %eq3A_104 = arith.cmpi eq, %arg1, %eq3A_103 : i32
      %convert_element_type3A_105 = arith.extui %eq3A_104 : i1 to i32
      %cond3A_106 = arith.constant 0 : i32
      %cond3A_107 = arith.cmpi ne, %convert_element_type3A_105, %cond3A_106 : i32
      scf.if %cond3A_107 {
        "tpu.region"() ({
          %run_scoped3A = tpu.sem_alloc : memref<!tpu.dma_semaphore, #tpu.memory_space<semaphore_mem>>
          tpu.enqueue_dma source(%arg4 : memref<50000x16xf32, #tpu.memory_space<hbm>>) target(%arg16 : memref<50000x16xf32, #tpu.memory_space<vmem_shared>>) target_semaphore(%run_scoped3A : memref<!tpu.dma_semaphore, #tpu.memory_space<semaphore_mem>>)
          tpu.wait_dma2 semaphore(%run_scoped3A : memref<!tpu.dma_semaphore, #tpu.memory_space<semaphore_mem>>) src(%arg4 : memref<50000x16xf32, #tpu.memory_space<hbm>>) dst(%arg16 : memref<50000x16xf32, #tpu.memory_space<vmem_shared>>)
          tpu.yield
        }) : () -> ()
      } else {
      }
      %dma_start3A_108 = tpu.memref_slice %arg3[%mul3A_101] : memref<800000xi32, #tpu.memory_space<hbm>> -> memref<1000xi32, #tpu.memory_space<hbm>>
      %dma_start3A_109 = tpu.memref_slice %arg3[%mul3A_101] : memref<800000xi32, #tpu.memory_space<hbm>> -> memref<1000xi32, #tpu.memory_space<hbm>>
      tpu.enqueue_dma source(%dma_start3A_109 : memref<1000xi32, #tpu.memory_space<hbm>>) target(%arg9 : memref<1000xi32, #tpu.memory_space<vmem>>) target_semaphore(%arg18 : memref<!tpu.dma_semaphore, #tpu.memory_space<semaphore_mem>>)
      %dma_start3A_110 = arith.constant 112 : i32
      %dma_start3A_111 = tpu.memref_slice %arg2[%mul3A_101, %dma_start3A_110] : memref<800000x128xf32, #tpu.memory_space<hbm>> -> memref<1000x16xf32, #tpu.memory_space<hbm>>
      %dma_start3A_112 = arith.constant 112 : i32
      %dma_start3A_113 = tpu.memref_slice %arg2[%mul3A_101, %dma_start3A_112] : memref<800000x128xf32, #tpu.memory_space<hbm>> -> memref<1000x16xf32, #tpu.memory_space<hbm>>
      tpu.enqueue_dma source(%dma_start3A_113 : memref<1000x16xf32, #tpu.memory_space<hbm>>) target(%arg10 : memref<1000x16xf32, #tpu.memory_space<vmem>>) target_semaphore(%arg18 : memref<!tpu.dma_semaphore, #tpu.memory_space<semaphore_mem>>)
      %barrier3A_114 = arith.constant 0 : index
      tpu.barrier barrier_id(%barrier3A_114)
      %scan3A_115 = arith.constant 0 : i32
      %scan3A_116 = arith.constant 0 : i32
      %scan3A_117 = arith.constant 25 : i32
      %scan3A_118 = arith.addi %scan3A_116, %scan3A_117 : i32
      %scan3A_119 = arith.constant 1 : i32
      scf.for %scan3A_132 = %scan3A_116 to %scan3A_118 step %scan3A_119  : i32 {
        %mul3A_133 = arith.constant 2 : i32
        %mul3A_134 = arith.muli %mul3A_133, %scan3A_132 : i32
        %mul3A_135 = arith.constant 1000 : i32
        %mul3A_136 = arith.muli %mul3A_134, %mul3A_135 : i32
        %add3A_137 = arith.addi %mul3A_101, %mul3A_136 : i32
        %add3A_138 = arith.constant 1000 : i32
        %add3A_139 = arith.addi %add3A_137, %add3A_138 : i32
        %dma_wait3A = tpu.memref_slice %arg3[%add3A_137] : memref<800000xi32, #tpu.memory_space<hbm>> -> memref<1000xi32, #tpu.memory_space<hbm>>
        %dma_wait3A_140 = tpu.memref_slice %arg3[%add3A_137] : memref<800000xi32, #tpu.memory_space<hbm>> -> memref<1000xi32, #tpu.memory_space<hbm>>
        tpu.wait_dma2 semaphore(%arg18 : memref<!tpu.dma_semaphore, #tpu.memory_space<semaphore_mem>>) src(%dma_wait3A_140 : memref<1000xi32, #tpu.memory_space<hbm>>) dst(%arg9 : memref<1000xi32, #tpu.memory_space<vmem>>)
        %dma_wait3A_141 = arith.constant 112 : i32
        %dma_wait3A_142 = tpu.memref_slice %arg2[%add3A_137, %dma_wait3A_141] : memref<800000x128xf32, #tpu.memory_space<hbm>> -> memref<1000x16xf32, #tpu.memory_space<hbm>>
        %dma_wait3A_143 = arith.constant 112 : i32
        %dma_wait3A_144 = tpu.memref_slice %arg2[%add3A_137, %dma_wait3A_143] : memref<800000x128xf32, #tpu.memory_space<hbm>> -> memref<1000x16xf32, #tpu.memory_space<hbm>>
        tpu.wait_dma2 semaphore(%arg18 : memref<!tpu.dma_semaphore, #tpu.memory_space<semaphore_mem>>) src(%dma_wait3A_144 : memref<1000x16xf32, #tpu.memory_space<hbm>>) dst(%arg10 : memref<1000x16xf32, #tpu.memory_space<vmem>>)
        %dma_start3A_145 = tpu.memref_slice %arg3[%add3A_139] : memref<800000xi32, #tpu.memory_space<hbm>> -> memref<1000xi32, #tpu.memory_space<hbm>>
        %dma_start3A_146 = tpu.memref_slice %arg3[%add3A_139] : memref<800000xi32, #tpu.memory_space<hbm>> -> memref<1000xi32, #tpu.memory_space<hbm>>
        tpu.enqueue_dma source(%dma_start3A_146 : memref<1000xi32, #tpu.memory_space<hbm>>) target(%arg11 : memref<1000xi32, #tpu.memory_space<vmem>>) target_semaphore(%arg19 : memref<!tpu.dma_semaphore, #tpu.memory_space<semaphore_mem>>)
        %dma_start3A_147 = arith.constant 112 : i32
        %dma_start3A_148 = tpu.memref_slice %arg2[%add3A_139, %dma_start3A_147] : memref<800000x128xf32, #tpu.memory_space<hbm>> -> memref<1000x16xf32, #tpu.memory_space<hbm>>
        %dma_start3A_149 = arith.constant 112 : i32
        %dma_start3A_150 = tpu.memref_slice %arg2[%add3A_139, %dma_start3A_149] : memref<800000x128xf32, #tpu.memory_space<hbm>> -> memref<1000x16xf32, #tpu.memory_space<hbm>>
        tpu.enqueue_dma source(%dma_start3A_150 : memref<1000x16xf32, #tpu.memory_space<hbm>>) target(%arg12 : memref<1000x16xf32, #tpu.memory_space<vmem>>) target_semaphore(%arg19 : memref<!tpu.dma_semaphore, #tpu.memory_space<semaphore_mem>>)
        "tpu.region"() ({
          %run_scoped3A = tpu.sem_alloc : memref<!tpu.dma_semaphore, #tpu.memory_space<semaphore_mem>>
          %dma_start3A_164 = arith.constant 0 : i32
          %dma_start3A_165 = arith.constant 0 : i32
          %dma_start3A_166 = tpu.memref_slice %arg16[%dma_start3A_164, %dma_start3A_165] : memref<50000x16xf32, #tpu.memory_space<vmem_shared>> -> memref<50000x16xf32, #tpu.memory_space<vmem_shared>>
          tpu.enqueue_indirect_dma source(%arg10 : memref<1000x16xf32, #tpu.memory_space<vmem>>) target(%dma_start3A_166 : memref<50000x16xf32, #tpu.memory_space<vmem_shared>>) offsets(%arg9 : memref<1000xi32, #tpu.memory_space<vmem>>) semaphore(%run_scoped3A : memref<!tpu.dma_semaphore, #tpu.memory_space<semaphore_mem>>) {add = true}
          %dma_wait3A_167 = arith.constant 0 : i32
          %dma_wait3A_168 = arith.constant 0 : i32
          %dma_wait3A_169 = tpu.memref_slice %arg16[%dma_wait3A_167, %dma_wait3A_168] : memref<50000x16xf32, #tpu.memory_space<vmem_shared>> -> memref<50000x16xf32, #tpu.memory_space<vmem_shared>>
          tpu.wait_indirect_dma semaphore(%run_scoped3A : memref<!tpu.dma_semaphore, #tpu.memory_space<semaphore_mem>>) src(%arg10 : memref<1000x16xf32, #tpu.memory_space<vmem>>) dst(%dma_wait3A_169 : memref<50000x16xf32, #tpu.memory_space<vmem_shared>>)
          tpu.yield
        }) : () -> ()
        %add3A_151 = arith.constant 1 : i32
        %add3A_152 = arith.addi %scan3A_132, %add3A_151 : i32
        %lt3A = arith.constant 25 : i32
        %lt3A_153 = arith.cmpi slt, %add3A_152, %lt3A : i32
        %or3A = arith.constant false
        %or3A_154 = arith.ori %lt3A_153, %or3A : i1
        %convert_element_type3A_155 = arith.extui %or3A_154 : i1 to i32
        %cond3A_156 = arith.constant 0 : i32
        %cond3A_157 = arith.cmpi ne, %convert_element_type3A_155, %cond3A_156 : i32
        scf.if %cond3A_157 {
          %add3A_164 = arith.constant 2000 : i32
          %add3A_165 = arith.addi %add3A_137, %add3A_164 : i32
          %dma_start3A_166 = tpu.memref_slice %arg3[%add3A_165] : memref<800000xi32, #tpu.memory_space<hbm>> -> memref<1000xi32, #tpu.memory_space<hbm>>
          %dma_start3A_167 = tpu.memref_slice %arg3[%add3A_165] : memref<800000xi32, #tpu.memory_space<hbm>> -> memref<1000xi32, #tpu.memory_space<hbm>>
          tpu.enqueue_dma source(%dma_start3A_167 : memref<1000xi32, #tpu.memory_space<hbm>>) target(%arg9 : memref<1000xi32, #tpu.memory_space<vmem>>) target_semaphore(%arg18 : memref<!tpu.dma_semaphore, #tpu.memory_space<semaphore_mem>>)
          %dma_start3A_168 = arith.constant 112 : i32
          %dma_start3A_169 = tpu.memref_slice %arg2[%add3A_165, %dma_start3A_168] : memref<800000x128xf32, #tpu.memory_space<hbm>> -> memref<1000x16xf32, #tpu.memory_space<hbm>>
          %dma_start3A_170 = arith.constant 112 : i32
          %dma_start3A_171 = tpu.memref_slice %arg2[%add3A_165, %dma_start3A_170] : memref<800000x128xf32, #tpu.memory_space<hbm>> -> memref<1000x16xf32, #tpu.memory_space<hbm>>
          tpu.enqueue_dma source(%dma_start3A_171 : memref<1000x16xf32, #tpu.memory_space<hbm>>) target(%arg10 : memref<1000x16xf32, #tpu.memory_space<vmem>>) target_semaphore(%arg18 : memref<!tpu.dma_semaphore, #tpu.memory_space<semaphore_mem>>)
        } else {
        }
        %dma_wait3A_158 = tpu.memref_slice %arg3[%add3A_139] : memref<800000xi32, #tpu.memory_space<hbm>> -> memref<1000xi32, #tpu.memory_space<hbm>>
        %dma_wait3A_159 = tpu.memref_slice %arg3[%add3A_139] : memref<800000xi32, #tpu.memory_space<hbm>> -> memref<1000xi32, #tpu.memory_space<hbm>>
        tpu.wait_dma2 semaphore(%arg19 : memref<!tpu.dma_semaphore, #tpu.memory_space<semaphore_mem>>) src(%dma_wait3A_159 : memref<1000xi32, #tpu.memory_space<hbm>>) dst(%arg11 : memref<1000xi32, #tpu.memory_space<vmem>>)
        %dma_wait3A_160 = arith.constant 112 : i32
        %dma_wait3A_161 = tpu.memref_slice %arg2[%add3A_139, %dma_wait3A_160] : memref<800000x128xf32, #tpu.memory_space<hbm>> -> memref<1000x16xf32, #tpu.memory_space<hbm>>
        %dma_wait3A_162 = arith.constant 112 : i32
        %dma_wait3A_163 = tpu.memref_slice %arg2[%add3A_139, %dma_wait3A_162] : memref<800000x128xf32, #tpu.memory_space<hbm>> -> memref<1000x16xf32, #tpu.memory_space<hbm>>
        tpu.wait_dma2 semaphore(%arg19 : memref<!tpu.dma_semaphore, #tpu.memory_space<semaphore_mem>>) src(%dma_wait3A_163 : memref<1000x16xf32, #tpu.memory_space<hbm>>) dst(%arg12 : memref<1000x16xf32, #tpu.memory_space<vmem>>)
        "tpu.region"() ({
          %run_scoped3A = tpu.sem_alloc : memref<!tpu.dma_semaphore, #tpu.memory_space<semaphore_mem>>
          %dma_start3A_164 = arith.constant 0 : i32
          %dma_start3A_165 = arith.constant 0 : i32
          %dma_start3A_166 = tpu.memref_slice %arg16[%dma_start3A_164, %dma_start3A_165] : memref<50000x16xf32, #tpu.memory_space<vmem_shared>> -> memref<50000x16xf32, #tpu.memory_space<vmem_shared>>
          tpu.enqueue_indirect_dma source(%arg12 : memref<1000x16xf32, #tpu.memory_space<vmem>>) target(%dma_start3A_166 : memref<50000x16xf32, #tpu.memory_space<vmem_shared>>) offsets(%arg11 : memref<1000xi32, #tpu.memory_space<vmem>>) semaphore(%run_scoped3A : memref<!tpu.dma_semaphore, #tpu.memory_space<semaphore_mem>>) {add = true}
          %dma_wait3A_167 = arith.constant 0 : i32
          %dma_wait3A_168 = arith.constant 0 : i32
          %dma_wait3A_169 = tpu.memref_slice %arg16[%dma_wait3A_167, %dma_wait3A_168] : memref<50000x16xf32, #tpu.memory_space<vmem_shared>> -> memref<50000x16xf32, #tpu.memory_space<vmem_shared>>
          tpu.wait_indirect_dma semaphore(%run_scoped3A : memref<!tpu.dma_semaphore, #tpu.memory_space<semaphore_mem>>) src(%arg12 : memref<1000x16xf32, #tpu.memory_space<vmem>>) dst(%dma_wait3A_169 : memref<50000x16xf32, #tpu.memory_space<vmem_shared>>)
          tpu.yield
        }) : () -> ()
      }
      %scan3A_120 = arith.constant 25 : i32
      %barrier3A_121 = arith.constant 0 : index
      tpu.barrier barrier_id(%barrier3A_121)
      %add3A_122 = arith.constant 0 : i32
      %add3A_123 = arith.addi %mul3A_0, %add3A_122 : i32
      "tpu.region"() ({
        %run_scoped3A = tpu.sem_alloc : memref<!tpu.dma_semaphore, #tpu.memory_space<semaphore_mem>>
        %dma_start3A_132 = arith.constant 0 : i32
        %dma_start3A_133 = tpu.memref_slice %arg16[%add3A_123, %dma_start3A_132] : memref<50000x16xf32, #tpu.memory_space<vmem_shared>> -> memref<625x16xf32, #tpu.memory_space<vmem_shared>>
        %dma_start3A_134 = arith.constant 0 : i32
        %dma_start3A_135 = tpu.memref_slice %arg16[%add3A_123, %dma_start3A_134] : memref<50000x16xf32, #tpu.memory_space<vmem_shared>> -> memref<625x16xf32, #tpu.memory_space<vmem_shared>>
        tpu.enqueue_dma source(%dma_start3A_135 : memref<625x16xf32, #tpu.memory_space<vmem_shared>>) target(%arg14 : memref<625x16xf32, #tpu.memory_space<vmem>>) target_semaphore(%run_scoped3A : memref<!tpu.dma_semaphore, #tpu.memory_space<semaphore_mem>>)
        %dma_wait3A = arith.constant 0 : i32
        %dma_wait3A_136 = tpu.memref_slice %arg16[%add3A_123, %dma_wait3A] : memref<50000x16xf32, #tpu.memory_space<vmem_shared>> -> memref<625x16xf32, #tpu.memory_space<vmem_shared>>
        %dma_wait3A_137 = arith.constant 0 : i32
        %dma_wait3A_138 = tpu.memref_slice %arg16[%add3A_123, %dma_wait3A_137] : memref<50000x16xf32, #tpu.memory_space<vmem_shared>> -> memref<625x16xf32, #tpu.memory_space<vmem_shared>>
        tpu.wait_dma2 semaphore(%run_scoped3A : memref<!tpu.dma_semaphore, #tpu.memory_space<semaphore_mem>>) src(%dma_wait3A_138 : memref<625x16xf32, #tpu.memory_space<vmem_shared>>) dst(%arg14 : memref<625x16xf32, #tpu.memory_space<vmem>>)
        tpu.yield
      }) : () -> ()
      "tpu.region"() ({
        %run_scoped3A = tpu.sem_alloc : memref<!tpu.dma_semaphore, #tpu.memory_space<semaphore_mem>>
        %dma_start3A_132 = arith.constant 112 : i32
        %dma_start3A_133 = tpu.memref_slice %arg7[%add3A_123, %dma_start3A_132] : memref<50000x128xf32, #tpu.memory_space<hbm>> -> memref<625x16xf32, #tpu.memory_space<hbm>>
        %dma_start3A_134 = arith.constant 112 : i32
        %dma_start3A_135 = tpu.memref_slice %arg7[%add3A_123, %dma_start3A_134] : memref<50000x128xf32, #tpu.memory_space<hbm>> -> memref<625x16xf32, #tpu.memory_space<hbm>>
        tpu.enqueue_dma source(%arg14 : memref<625x16xf32, #tpu.memory_space<vmem>>) target(%dma_start3A_135 : memref<625x16xf32, #tpu.memory_space<hbm>>) target_semaphore(%run_scoped3A : memref<!tpu.dma_semaphore, #tpu.memory_space<semaphore_mem>>)
        %dma_wait3A = arith.constant 112 : i32
        %dma_wait3A_136 = tpu.memref_slice %arg7[%add3A_123, %dma_wait3A] : memref<50000x128xf32, #tpu.memory_space<hbm>> -> memref<625x16xf32, #tpu.memory_space<hbm>>
        %dma_wait3A_137 = arith.constant 112 : i32
        %dma_wait3A_138 = tpu.memref_slice %arg7[%add3A_123, %dma_wait3A_137] : memref<50000x128xf32, #tpu.memory_space<hbm>> -> memref<625x16xf32, #tpu.memory_space<hbm>>
        tpu.wait_dma2 semaphore(%run_scoped3A : memref<!tpu.dma_semaphore, #tpu.memory_space<semaphore_mem>>) src(%arg14 : memref<625x16xf32, #tpu.memory_space<vmem>>) dst(%dma_wait3A_138 : memref<625x16xf32, #tpu.memory_space<hbm>>)
        tpu.yield
      }) : () -> ()
      %add3A_124 = arith.constant 625 : i32
      %add3A_125 = arith.addi %mul3A_0, %add3A_124 : i32
      "tpu.region"() ({
        %run_scoped3A = tpu.sem_alloc : memref<!tpu.dma_semaphore, #tpu.memory_space<semaphore_mem>>
        %dma_start3A_132 = arith.constant 0 : i32
        %dma_start3A_133 = tpu.memref_slice %arg16[%add3A_125, %dma_start3A_132] : memref<50000x16xf32, #tpu.memory_space<vmem_shared>> -> memref<625x16xf32, #tpu.memory_space<vmem_shared>>
        %dma_start3A_134 = arith.constant 0 : i32
        %dma_start3A_135 = tpu.memref_slice %arg16[%add3A_125, %dma_start3A_134] : memref<50000x16xf32, #tpu.memory_space<vmem_shared>> -> memref<625x16xf32, #tpu.memory_space<vmem_shared>>
        tpu.enqueue_dma source(%dma_start3A_135 : memref<625x16xf32, #tpu.memory_space<vmem_shared>>) target(%arg14 : memref<625x16xf32, #tpu.memory_space<vmem>>) target_semaphore(%run_scoped3A : memref<!tpu.dma_semaphore, #tpu.memory_space<semaphore_mem>>)
        %dma_wait3A = arith.constant 0 : i32
        %dma_wait3A_136 = tpu.memref_slice %arg16[%add3A_125, %dma_wait3A] : memref<50000x16xf32, #tpu.memory_space<vmem_shared>> -> memref<625x16xf32, #tpu.memory_space<vmem_shared>>
        %dma_wait3A_137 = arith.constant 0 : i32
        %dma_wait3A_138 = tpu.memref_slice %arg16[%add3A_125, %dma_wait3A_137] : memref<50000x16xf32, #tpu.memory_space<vmem_shared>> -> memref<625x16xf32, #tpu.memory_space<vmem_shared>>
        tpu.wait_dma2 semaphore(%run_scoped3A : memref<!tpu.dma_semaphore, #tpu.memory_space<semaphore_mem>>) src(%dma_wait3A_138 : memref<625x16xf32, #tpu.memory_space<vmem_shared>>) dst(%arg14 : memref<625x16xf32, #tpu.memory_space<vmem>>)
        tpu.yield
      }) : () -> ()
      "tpu.region"() ({
        %run_scoped3A = tpu.sem_alloc : memref<!tpu.dma_semaphore, #tpu.memory_space<semaphore_mem>>
        %dma_start3A_132 = arith.constant 112 : i32
        %dma_start3A_133 = tpu.memref_slice %arg7[%add3A_125, %dma_start3A_132] : memref<50000x128xf32, #tpu.memory_space<hbm>> -> memref<625x16xf32, #tpu.memory_space<hbm>>
        %dma_start3A_134 = arith.constant 112 : i32
        %dma_start3A_135 = tpu.memref_slice %arg7[%add3A_125, %dma_start3A_134] : memref<50000x128xf32, #tpu.memory_space<hbm>> -> memref<625x16xf32, #tpu.memory_space<hbm>>
        tpu.enqueue_dma source(%arg14 : memref<625x16xf32, #tpu.memory_space<vmem>>) target(%dma_start3A_135 : memref<625x16xf32, #tpu.memory_space<hbm>>) target_semaphore(%run_scoped3A : memref<!tpu.dma_semaphore, #tpu.memory_space<semaphore_mem>>)
        %dma_wait3A = arith.constant 112 : i32
        %dma_wait3A_136 = tpu.memref_slice %arg7[%add3A_125, %dma_wait3A] : memref<50000x128xf32, #tpu.memory_space<hbm>> -> memref<625x16xf32, #tpu.memory_space<hbm>>
        %dma_wait3A_137 = arith.constant 112 : i32
        %dma_wait3A_138 = tpu.memref_slice %arg7[%add3A_125, %dma_wait3A_137] : memref<50000x128xf32, #tpu.memory_space<hbm>> -> memref<625x16xf32, #tpu.memory_space<hbm>>
        tpu.wait_dma2 semaphore(%run_scoped3A : memref<!tpu.dma_semaphore, #tpu.memory_space<semaphore_mem>>) src(%arg14 : memref<625x16xf32, #tpu.memory_space<vmem>>) dst(%dma_wait3A_138 : memref<625x16xf32, #tpu.memory_space<hbm>>)
        tpu.yield
      }) : () -> ()
      %add3A_126 = arith.constant 1250 : i32
      %add3A_127 = arith.addi %mul3A_0, %add3A_126 : i32
      "tpu.region"() ({
        %run_scoped3A = tpu.sem_alloc : memref<!tpu.dma_semaphore, #tpu.memory_space<semaphore_mem>>
        %dma_start3A_132 = arith.constant 0 : i32
        %dma_start3A_133 = tpu.memref_slice %arg16[%add3A_127, %dma_start3A_132] : memref<50000x16xf32, #tpu.memory_space<vmem_shared>> -> memref<625x16xf32, #tpu.memory_space<vmem_shared>>
        %dma_start3A_134 = arith.constant 0 : i32
        %dma_start3A_135 = tpu.memref_slice %arg16[%add3A_127, %dma_start3A_134] : memref<50000x16xf32, #tpu.memory_space<vmem_shared>> -> memref<625x16xf32, #tpu.memory_space<vmem_shared>>
        tpu.enqueue_dma source(%dma_start3A_135 : memref<625x16xf32, #tpu.memory_space<vmem_shared>>) target(%arg14 : memref<625x16xf32, #tpu.memory_space<vmem>>) target_semaphore(%run_scoped3A : memref<!tpu.dma_semaphore, #tpu.memory_space<semaphore_mem>>)
        %dma_wait3A = arith.constant 0 : i32
        %dma_wait3A_136 = tpu.memref_slice %arg16[%add3A_127, %dma_wait3A] : memref<50000x16xf32, #tpu.memory_space<vmem_shared>> -> memref<625x16xf32, #tpu.memory_space<vmem_shared>>
        %dma_wait3A_137 = arith.constant 0 : i32
        %dma_wait3A_138 = tpu.memref_slice %arg16[%add3A_127, %dma_wait3A_137] : memref<50000x16xf32, #tpu.memory_space<vmem_shared>> -> memref<625x16xf32, #tpu.memory_space<vmem_shared>>
        tpu.wait_dma2 semaphore(%run_scoped3A : memref<!tpu.dma_semaphore, #tpu.memory_space<semaphore_mem>>) src(%dma_wait3A_138 : memref<625x16xf32, #tpu.memory_space<vmem_shared>>) dst(%arg14 : memref<625x16xf32, #tpu.memory_space<vmem>>)
        tpu.yield
      }) : () -> ()
      "tpu.region"() ({
        %run_scoped3A = tpu.sem_alloc : memref<!tpu.dma_semaphore, #tpu.memory_space<semaphore_mem>>
        %dma_start3A_132 = arith.constant 112 : i32
        %dma_start3A_133 = tpu.memref_slice %arg7[%add3A_127, %dma_start3A_132] : memref<50000x128xf32, #tpu.memory_space<hbm>> -> memref<625x16xf32, #tpu.memory_space<hbm>>
        %dma_start3A_134 = arith.constant 112 : i32
        %dma_start3A_135 = tpu.memref_slice %arg7[%add3A_127, %dma_start3A_134] : memref<50000x128xf32, #tpu.memory_space<hbm>> -> memref<625x16xf32, #tpu.memory_space<hbm>>
        tpu.enqueue_dma source(%arg14 : memref<625x16xf32, #tpu.memory_space<vmem>>) target(%dma_start3A_135 : memref<625x16xf32, #tpu.memory_space<hbm>>) target_semaphore(%run_scoped3A : memref<!tpu.dma_semaphore, #tpu.memory_space<semaphore_mem>>)
        %dma_wait3A = arith.constant 112 : i32
        %dma_wait3A_136 = tpu.memref_slice %arg7[%add3A_127, %dma_wait3A] : memref<50000x128xf32, #tpu.memory_space<hbm>> -> memref<625x16xf32, #tpu.memory_space<hbm>>
        %dma_wait3A_137 = arith.constant 112 : i32
        %dma_wait3A_138 = tpu.memref_slice %arg7[%add3A_127, %dma_wait3A_137] : memref<50000x128xf32, #tpu.memory_space<hbm>> -> memref<625x16xf32, #tpu.memory_space<hbm>>
        tpu.wait_dma2 semaphore(%run_scoped3A : memref<!tpu.dma_semaphore, #tpu.memory_space<semaphore_mem>>) src(%arg14 : memref<625x16xf32, #tpu.memory_space<vmem>>) dst(%dma_wait3A_138 : memref<625x16xf32, #tpu.memory_space<hbm>>)
        tpu.yield
      }) : () -> ()
      %add3A_128 = arith.constant 1875 : i32
      %add3A_129 = arith.addi %mul3A_0, %add3A_128 : i32
      "tpu.region"() ({
        %run_scoped3A = tpu.sem_alloc : memref<!tpu.dma_semaphore, #tpu.memory_space<semaphore_mem>>
        %dma_start3A_132 = arith.constant 0 : i32
        %dma_start3A_133 = tpu.memref_slice %arg16[%add3A_129, %dma_start3A_132] : memref<50000x16xf32, #tpu.memory_space<vmem_shared>> -> memref<625x16xf32, #tpu.memory_space<vmem_shared>>
        %dma_start3A_134 = arith.constant 0 : i32
        %dma_start3A_135 = tpu.memref_slice %arg16[%add3A_129, %dma_start3A_134] : memref<50000x16xf32, #tpu.memory_space<vmem_shared>> -> memref<625x16xf32, #tpu.memory_space<vmem_shared>>
        tpu.enqueue_dma source(%dma_start3A_135 : memref<625x16xf32, #tpu.memory_space<vmem_shared>>) target(%arg14 : memref<625x16xf32, #tpu.memory_space<vmem>>) target_semaphore(%run_scoped3A : memref<!tpu.dma_semaphore, #tpu.memory_space<semaphore_mem>>)
        %dma_wait3A = arith.constant 0 : i32
        %dma_wait3A_136 = tpu.memref_slice %arg16[%add3A_129, %dma_wait3A] : memref<50000x16xf32, #tpu.memory_space<vmem_shared>> -> memref<625x16xf32, #tpu.memory_space<vmem_shared>>
        %dma_wait3A_137 = arith.constant 0 : i32
        %dma_wait3A_138 = tpu.memref_slice %arg16[%add3A_129, %dma_wait3A_137] : memref<50000x16xf32, #tpu.memory_space<vmem_shared>> -> memref<625x16xf32, #tpu.memory_space<vmem_shared>>
        tpu.wait_dma2 semaphore(%run_scoped3A : memref<!tpu.dma_semaphore, #tpu.memory_space<semaphore_mem>>) src(%dma_wait3A_138 : memref<625x16xf32, #tpu.memory_space<vmem_shared>>) dst(%arg14 : memref<625x16xf32, #tpu.memory_space<vmem>>)
        tpu.yield
      }) : () -> ()
      "tpu.region"() ({
        %run_scoped3A = tpu.sem_alloc : memref<!tpu.dma_semaphore, #tpu.memory_space<semaphore_mem>>
        %dma_start3A_132 = arith.constant 112 : i32
        %dma_start3A_133 = tpu.memref_slice %arg7[%add3A_129, %dma_start3A_132] : memref<50000x128xf32, #tpu.memory_space<hbm>> -> memref<625x16xf32, #tpu.memory_space<hbm>>
        %dma_start3A_134 = arith.constant 112 : i32
        %dma_start3A_135 = tpu.memref_slice %arg7[%add3A_129, %dma_start3A_134] : memref<50000x128xf32, #tpu.memory_space<hbm>> -> memref<625x16xf32, #tpu.memory_space<hbm>>
        tpu.enqueue_dma source(%arg14 : memref<625x16xf32, #tpu.memory_space<vmem>>) target(%dma_start3A_135 : memref<625x16xf32, #tpu.memory_space<hbm>>) target_semaphore(%run_scoped3A : memref<!tpu.dma_semaphore, #tpu.memory_space<semaphore_mem>>)
        %dma_wait3A = arith.constant 112 : i32
        %dma_wait3A_136 = tpu.memref_slice %arg7[%add3A_129, %dma_wait3A] : memref<50000x128xf32, #tpu.memory_space<hbm>> -> memref<625x16xf32, #tpu.memory_space<hbm>>
        %dma_wait3A_137 = arith.constant 112 : i32
        %dma_wait3A_138 = tpu.memref_slice %arg7[%add3A_129, %dma_wait3A_137] : memref<50000x128xf32, #tpu.memory_space<hbm>> -> memref<625x16xf32, #tpu.memory_space<hbm>>
        tpu.wait_dma2 semaphore(%run_scoped3A : memref<!tpu.dma_semaphore, #tpu.memory_space<semaphore_mem>>) src(%arg14 : memref<625x16xf32, #tpu.memory_space<vmem>>) dst(%dma_wait3A_138 : memref<625x16xf32, #tpu.memory_space<hbm>>)
        tpu.yield
      }) : () -> ()
      %add3A_130 = arith.constant 2500 : i32
      %add3A_131 = arith.addi %mul3A_0, %add3A_130 : i32
      "tpu.region"() ({
        %run_scoped3A = tpu.sem_alloc : memref<!tpu.dma_semaphore, #tpu.memory_space<semaphore_mem>>
        %dma_start3A_132 = arith.constant 0 : i32
        %dma_start3A_133 = tpu.memref_slice %arg16[%add3A_131, %dma_start3A_132] : memref<50000x16xf32, #tpu.memory_space<vmem_shared>> -> memref<625x16xf32, #tpu.memory_space<vmem_shared>>
        %dma_start3A_134 = arith.constant 0 : i32
        %dma_start3A_135 = tpu.memref_slice %arg16[%add3A_131, %dma_start3A_134] : memref<50000x16xf32, #tpu.memory_space<vmem_shared>> -> memref<625x16xf32, #tpu.memory_space<vmem_shared>>
        tpu.enqueue_dma source(%dma_start3A_135 : memref<625x16xf32, #tpu.memory_space<vmem_shared>>) target(%arg14 : memref<625x16xf32, #tpu.memory_space<vmem>>) target_semaphore(%run_scoped3A : memref<!tpu.dma_semaphore, #tpu.memory_space<semaphore_mem>>)
        %dma_wait3A = arith.constant 0 : i32
        %dma_wait3A_136 = tpu.memref_slice %arg16[%add3A_131, %dma_wait3A] : memref<50000x16xf32, #tpu.memory_space<vmem_shared>> -> memref<625x16xf32, #tpu.memory_space<vmem_shared>>
        %dma_wait3A_137 = arith.constant 0 : i32
        %dma_wait3A_138 = tpu.memref_slice %arg16[%add3A_131, %dma_wait3A_137] : memref<50000x16xf32, #tpu.memory_space<vmem_shared>> -> memref<625x16xf32, #tpu.memory_space<vmem_shared>>
        tpu.wait_dma2 semaphore(%run_scoped3A : memref<!tpu.dma_semaphore, #tpu.memory_space<semaphore_mem>>) src(%dma_wait3A_138 : memref<625x16xf32, #tpu.memory_space<vmem_shared>>) dst(%arg14 : memref<625x16xf32, #tpu.memory_space<vmem>>)
        tpu.yield
      }) : () -> ()
      "tpu.region"() ({
        %run_scoped3A = tpu.sem_alloc : memref<!tpu.dma_semaphore, #tpu.memory_space<semaphore_mem>>
        %dma_start3A_132 = arith.constant 112 : i32
        %dma_start3A_133 = tpu.memref_slice %arg7[%add3A_131, %dma_start3A_132] : memref<50000x128xf32, #tpu.memory_space<hbm>> -> memref<625x16xf32, #tpu.memory_space<hbm>>
        %dma_start3A_134 = arith.constant 112 : i32
        %dma_start3A_135 = tpu.memref_slice %arg7[%add3A_131, %dma_start3A_134] : memref<50000x128xf32, #tpu.memory_space<hbm>> -> memref<625x16xf32, #tpu.memory_space<hbm>>
        tpu.enqueue_dma source(%arg14 : memref<625x16xf32, #tpu.memory_space<vmem>>) target(%dma_start3A_135 : memref<625x16xf32, #tpu.memory_space<hbm>>) target_semaphore(%run_scoped3A : memref<!tpu.dma_semaphore, #tpu.memory_space<semaphore_mem>>)
        %dma_wait3A = arith.constant 112 : i32
        %dma_wait3A_136 = tpu.memref_slice %arg7[%add3A_131, %dma_wait3A] : memref<50000x128xf32, #tpu.memory_space<hbm>> -> memref<625x16xf32, #tpu.memory_space<hbm>>
        %dma_wait3A_137 = arith.constant 112 : i32
        %dma_wait3A_138 = tpu.memref_slice %arg7[%add3A_131, %dma_wait3A_137] : memref<50000x128xf32, #tpu.memory_space<hbm>> -> memref<625x16xf32, #tpu.memory_space<hbm>>
        tpu.wait_dma2 semaphore(%run_scoped3A : memref<!tpu.dma_semaphore, #tpu.memory_space<semaphore_mem>>) src(%arg14 : memref<625x16xf32, #tpu.memory_space<vmem>>) dst(%dma_wait3A_138 : memref<625x16xf32, #tpu.memory_space<hbm>>)
        tpu.yield
      }) : () -> ()
    } else {
    }
    return
  }
}

#map = affine_map<(d0, d1) -> (0, 0)>
#map1 = affine_map<(d0, d1) -> (0)>
module attributes {stable_mosaic.version = 14 : i64} {
  func.func @gather_k(%arg0: i32, %arg1: i32, %arg2: memref<50000x48xf32, #tpu.memory_space<hbm>>, %arg3: memref<800000xi32, #tpu.memory_space<hbm>>, %arg4: memref<800000xi32, #tpu.memory_space<hbm>>, %arg5: memref<800000x128xf32, #tpu.memory_space<hbm>>, %arg6: memref<1000xi32, #tpu.memory_space<vmem>>, %arg7: memref<1000xi32, #tpu.memory_space<vmem>>, %arg8: memref<1000x48xf32, #tpu.memory_space<vmem>>, %arg9: memref<1000x48xf32, #tpu.memory_space<vmem>>, %arg10: memref<!tpu.dma_semaphore, #tpu.memory_space<semaphore_mem>>, %arg11: memref<!tpu.dma_semaphore, #tpu.memory_space<semaphore_mem>>, %arg12: memref<!tpu.dma_semaphore, #tpu.memory_space<semaphore_mem>>) attributes {dimension_semantics = [#tpu.dimension_semantics<core_parallel>, #tpu.dimension_semantics<subcore_parallel>], iteration_bounds = array<i64: 2, 16>, scalar_prefetch = 0 : i64, scratch_operands = 7 : i64, tpu.core_type = #tpu.core_type<sc_vector_subcore>, window_params = [{transform_indices = #map}, {transform_indices = #map1}, {transform_indices = #map1}, {transform_indices = #map}]} {
    %mul3A = arith.constant 2 : i32
    %mul3A_0 = arith.muli %arg1, %mul3A : i32
    %add3A = arith.addi %mul3A_0, %arg0 : i32
    %mul3A_1 = arith.constant 25000 : i32
    %mul3A_2 = arith.muli %add3A, %mul3A_1 : i32
    %dma_start3A = tpu.memref_slice %arg3[%mul3A_2] : memref<800000xi32, #tpu.memory_space<hbm>> -> memref<1000xi32, #tpu.memory_space<hbm>>
    %dma_start3A_3 = tpu.memref_slice %arg3[%mul3A_2] : memref<800000xi32, #tpu.memory_space<hbm>> -> memref<1000xi32, #tpu.memory_space<hbm>>
    tpu.enqueue_dma source(%dma_start3A_3 : memref<1000xi32, #tpu.memory_space<hbm>>) target(%arg6 : memref<1000xi32, #tpu.memory_space<vmem>>) target_semaphore(%arg10 : memref<!tpu.dma_semaphore, #tpu.memory_space<semaphore_mem>>)
    %dma_start3A_4 = tpu.memref_slice %arg4[%mul3A_2] : memref<800000xi32, #tpu.memory_space<hbm>> -> memref<1000xi32, #tpu.memory_space<hbm>>
    %dma_start3A_5 = tpu.memref_slice %arg4[%mul3A_2] : memref<800000xi32, #tpu.memory_space<hbm>> -> memref<1000xi32, #tpu.memory_space<hbm>>
    tpu.enqueue_dma source(%dma_start3A_5 : memref<1000xi32, #tpu.memory_space<hbm>>) target(%arg7 : memref<1000xi32, #tpu.memory_space<vmem>>) target_semaphore(%arg10 : memref<!tpu.dma_semaphore, #tpu.memory_space<semaphore_mem>>)
    %scan3A = arith.constant 0 : i32
    %scan3A_6 = arith.constant 0 : i32
    %scan3A_7 = arith.constant 25 : i32
    %scan3A_8 = arith.addi %scan3A_6, %scan3A_7 : i32
    %scan3A_9 = arith.constant 1 : i32
    scf.for %scan3A_20 = %scan3A_6 to %scan3A_8 step %scan3A_9  : i32 {
      %mul3A_21 = arith.constant 1000 : i32
      %mul3A_22 = arith.muli %scan3A_20, %mul3A_21 : i32
      %add3A_23 = arith.addi %mul3A_2, %mul3A_22 : i32
      %gt3A = arith.constant 0 : i32
      %gt3A_24 = arith.cmpi sgt, %scan3A_20, %gt3A : i32
      %convert_element_type3A = arith.extui %gt3A_24 : i1 to i32
      %cond3A = arith.constant 0 : i32
      %cond3A_25 = arith.cmpi ne, %convert_element_type3A, %cond3A : i32
      scf.if %cond3A_25 {
        %sub3A = arith.constant 1000 : i32
        %sub3A_56 = arith.subi %add3A_23, %sub3A : i32
        %dma_wait3A_57 = arith.constant 0 : i32
        %dma_wait3A_58 = tpu.memref_slice %arg5[%sub3A_56, %dma_wait3A_57] : memref<800000x128xf32, #tpu.memory_space<hbm>> -> memref<1000x48xf32, #tpu.memory_space<hbm>>
        %dma_wait3A_59 = arith.constant 0 : i32
        %dma_wait3A_60 = tpu.memref_slice %arg5[%sub3A_56, %dma_wait3A_59] : memref<800000x128xf32, #tpu.memory_space<hbm>> -> memref<1000x48xf32, #tpu.memory_space<hbm>>
        tpu.wait_dma2 semaphore(%arg12 : memref<!tpu.dma_semaphore, #tpu.memory_space<semaphore_mem>>) src(%arg8 : memref<1000x48xf32, #tpu.memory_space<vmem>>) dst(%dma_wait3A_60 : memref<1000x48xf32, #tpu.memory_space<hbm>>)
        %dma_wait3A_61 = arith.constant 48 : i32
        %dma_wait3A_62 = tpu.memref_slice %arg5[%sub3A_56, %dma_wait3A_61] : memref<800000x128xf32, #tpu.memory_space<hbm>> -> memref<1000x48xf32, #tpu.memory_space<hbm>>
        %dma_wait3A_63 = arith.constant 48 : i32
        %dma_wait3A_64 = tpu.memref_slice %arg5[%sub3A_56, %dma_wait3A_63] : memref<800000x128xf32, #tpu.memory_space<hbm>> -> memref<1000x48xf32, #tpu.memory_space<hbm>>
        tpu.wait_dma2 semaphore(%arg12 : memref<!tpu.dma_semaphore, #tpu.memory_space<semaphore_mem>>) src(%arg9 : memref<1000x48xf32, #tpu.memory_space<vmem>>) dst(%dma_wait3A_64 : memref<1000x48xf32, #tpu.memory_space<hbm>>)
      } else {
      }
      %dma_wait3A_26 = tpu.memref_slice %arg3[%add3A_23] : memref<800000xi32, #tpu.memory_space<hbm>> -> memref<1000xi32, #tpu.memory_space<hbm>>
      %dma_wait3A_27 = tpu.memref_slice %arg3[%add3A_23] : memref<800000xi32, #tpu.memory_space<hbm>> -> memref<1000xi32, #tpu.memory_space<hbm>>
      tpu.wait_dma2 semaphore(%arg10 : memref<!tpu.dma_semaphore, #tpu.memory_space<semaphore_mem>>) src(%dma_wait3A_27 : memref<1000xi32, #tpu.memory_space<hbm>>) dst(%arg6 : memref<1000xi32, #tpu.memory_space<vmem>>)
      %dma_wait3A_28 = tpu.memref_slice %arg4[%add3A_23] : memref<800000xi32, #tpu.memory_space<hbm>> -> memref<1000xi32, #tpu.memory_space<hbm>>
      %dma_wait3A_29 = tpu.memref_slice %arg4[%add3A_23] : memref<800000xi32, #tpu.memory_space<hbm>> -> memref<1000xi32, #tpu.memory_space<hbm>>
      tpu.wait_dma2 semaphore(%arg10 : memref<!tpu.dma_semaphore, #tpu.memory_space<semaphore_mem>>) src(%dma_wait3A_29 : memref<1000xi32, #tpu.memory_space<hbm>>) dst(%arg7 : memref<1000xi32, #tpu.memory_space<vmem>>)
      %dma_start3A_30 = arith.constant 0 : i32
      %dma_start3A_31 = arith.constant 0 : i32
      %dma_start3A_32 = tpu.memref_slice %arg2[%dma_start3A_30, %dma_start3A_31] : memref<50000x48xf32, #tpu.memory_space<hbm>> -> memref<50000x48xf32, #tpu.memory_space<hbm>>
      tpu.enqueue_indirect_dma source(%dma_start3A_32 : memref<50000x48xf32, #tpu.memory_space<hbm>>) target(%arg8 : memref<1000x48xf32, #tpu.memory_space<vmem>>) offsets(%arg6 : memref<1000xi32, #tpu.memory_space<vmem>>) semaphore(%arg11 : memref<!tpu.dma_semaphore, #tpu.memory_space<semaphore_mem>>)
      %dma_start3A_33 = arith.constant 0 : i32
      %dma_start3A_34 = arith.constant 0 : i32
      %dma_start3A_35 = tpu.memref_slice %arg2[%dma_start3A_33, %dma_start3A_34] : memref<50000x48xf32, #tpu.memory_space<hbm>> -> memref<50000x48xf32, #tpu.memory_space<hbm>>
      tpu.enqueue_indirect_dma source(%dma_start3A_35 : memref<50000x48xf32, #tpu.memory_space<hbm>>) target(%arg9 : memref<1000x48xf32, #tpu.memory_space<vmem>>) offsets(%arg7 : memref<1000xi32, #tpu.memory_space<vmem>>) semaphore(%arg11 : memref<!tpu.dma_semaphore, #tpu.memory_space<semaphore_mem>>)
      %dma_wait3A_36 = arith.constant 0 : i32
      %dma_wait3A_37 = arith.constant 0 : i32
      %dma_wait3A_38 = tpu.memref_slice %arg2[%dma_wait3A_36, %dma_wait3A_37] : memref<50000x48xf32, #tpu.memory_space<hbm>> -> memref<50000x48xf32, #tpu.memory_space<hbm>>
      tpu.wait_indirect_dma semaphore(%arg11 : memref<!tpu.dma_semaphore, #tpu.memory_space<semaphore_mem>>) src(%dma_wait3A_38 : memref<50000x48xf32, #tpu.memory_space<hbm>>) dst(%arg8 : memref<1000x48xf32, #tpu.memory_space<vmem>>)
      %dma_wait3A_39 = arith.constant 0 : i32
      %dma_wait3A_40 = arith.constant 0 : i32
      %dma_wait3A_41 = tpu.memref_slice %arg2[%dma_wait3A_39, %dma_wait3A_40] : memref<50000x48xf32, #tpu.memory_space<hbm>> -> memref<50000x48xf32, #tpu.memory_space<hbm>>
      tpu.wait_indirect_dma semaphore(%arg11 : memref<!tpu.dma_semaphore, #tpu.memory_space<semaphore_mem>>) src(%dma_wait3A_41 : memref<50000x48xf32, #tpu.memory_space<hbm>>) dst(%arg9 : memref<1000x48xf32, #tpu.memory_space<vmem>>)
      %add3A_42 = arith.constant 1 : i32
      %add3A_43 = arith.addi %scan3A_20, %add3A_42 : i32
      %lt3A = arith.constant 25 : i32
      %lt3A_44 = arith.cmpi slt, %add3A_43, %lt3A : i32
      %convert_element_type3A_45 = arith.extui %lt3A_44 : i1 to i32
      %cond3A_46 = arith.constant 0 : i32
      %cond3A_47 = arith.cmpi ne, %convert_element_type3A_45, %cond3A_46 : i32
      scf.if %cond3A_47 {
        %add3A_56 = arith.constant 1000 : i32
        %add3A_57 = arith.addi %add3A_23, %add3A_56 : i32
        %dma_start3A_58 = tpu.memref_slice %arg3[%add3A_57] : memref<800000xi32, #tpu.memory_space<hbm>> -> memref<1000xi32, #tpu.memory_space<hbm>>
        %dma_start3A_59 = tpu.memref_slice %arg3[%add3A_57] : memref<800000xi32, #tpu.memory_space<hbm>> -> memref<1000xi32, #tpu.memory_space<hbm>>
        tpu.enqueue_dma source(%dma_start3A_59 : memref<1000xi32, #tpu.memory_space<hbm>>) target(%arg6 : memref<1000xi32, #tpu.memory_space<vmem>>) target_semaphore(%arg10 : memref<!tpu.dma_semaphore, #tpu.memory_space<semaphore_mem>>)
        %dma_start3A_60 = tpu.memref_slice %arg4[%add3A_57] : memref<800000xi32, #tpu.memory_space<hbm>> -> memref<1000xi32, #tpu.memory_space<hbm>>
        %dma_start3A_61 = tpu.memref_slice %arg4[%add3A_57] : memref<800000xi32, #tpu.memory_space<hbm>> -> memref<1000xi32, #tpu.memory_space<hbm>>
        tpu.enqueue_dma source(%dma_start3A_61 : memref<1000xi32, #tpu.memory_space<hbm>>) target(%arg7 : memref<1000xi32, #tpu.memory_space<vmem>>) target_semaphore(%arg10 : memref<!tpu.dma_semaphore, #tpu.memory_space<semaphore_mem>>)
      } else {
      }
      %dma_start3A_48 = arith.constant 0 : i32
      %dma_start3A_49 = tpu.memref_slice %arg5[%add3A_23, %dma_start3A_48] : memref<800000x128xf32, #tpu.memory_space<hbm>> -> memref<1000x48xf32, #tpu.memory_space<hbm>>
      %dma_start3A_50 = arith.constant 0 : i32
      %dma_start3A_51 = tpu.memref_slice %arg5[%add3A_23, %dma_start3A_50] : memref<800000x128xf32, #tpu.memory_space<hbm>> -> memref<1000x48xf32, #tpu.memory_space<hbm>>
      tpu.enqueue_dma source(%arg8 : memref<1000x48xf32, #tpu.memory_space<vmem>>) target(%dma_start3A_51 : memref<1000x48xf32, #tpu.memory_space<hbm>>) target_semaphore(%arg12 : memref<!tpu.dma_semaphore, #tpu.memory_space<semaphore_mem>>)
      %dma_start3A_52 = arith.constant 48 : i32
      %dma_start3A_53 = tpu.memref_slice %arg5[%add3A_23, %dma_start3A_52] : memref<800000x128xf32, #tpu.memory_space<hbm>> -> memref<1000x48xf32, #tpu.memory_space<hbm>>
      %dma_start3A_54 = arith.constant 48 : i32
      %dma_start3A_55 = tpu.memref_slice %arg5[%add3A_23, %dma_start3A_54] : memref<800000x128xf32, #tpu.memory_space<hbm>> -> memref<1000x48xf32, #tpu.memory_space<hbm>>
      tpu.enqueue_dma source(%arg9 : memref<1000x48xf32, #tpu.memory_space<vmem>>) target(%dma_start3A_55 : memref<1000x48xf32, #tpu.memory_space<hbm>>) target_semaphore(%arg12 : memref<!tpu.dma_semaphore, #tpu.memory_space<semaphore_mem>>)
    }
    %scan3A_10 = arith.constant 25 : i32
    %add3A_11 = arith.constant 24000 : i32
    %add3A_12 = arith.addi %mul3A_2, %add3A_11 : i32
    %dma_wait3A = arith.constant 0 : i32
    %dma_wait3A_13 = tpu.memref_slice %arg5[%add3A_12, %dma_wait3A] : memref<800000x128xf32, #tpu.memory_space<hbm>> -> memref<1000x48xf32, #tpu.memory_space<hbm>>
    %dma_wait3A_14 = arith.constant 0 : i32
    %dma_wait3A_15 = tpu.memref_slice %arg5[%add3A_12, %dma_wait3A_14] : memref<800000x128xf32, #tpu.memory_space<hbm>> -> memref<1000x48xf32, #tpu.memory_space<hbm>>
    tpu.wait_dma2 semaphore(%arg12 : memref<!tpu.dma_semaphore, #tpu.memory_space<semaphore_mem>>) src(%arg8 : memref<1000x48xf32, #tpu.memory_space<vmem>>) dst(%dma_wait3A_15 : memref<1000x48xf32, #tpu.memory_space<hbm>>)
    %dma_wait3A_16 = arith.constant 48 : i32
    %dma_wait3A_17 = tpu.memref_slice %arg5[%add3A_12, %dma_wait3A_16] : memref<800000x128xf32, #tpu.memory_space<hbm>> -> memref<1000x48xf32, #tpu.memory_space<hbm>>
    %dma_wait3A_18 = arith.constant 48 : i32
    %dma_wait3A_19 = tpu.memref_slice %arg5[%add3A_12, %dma_wait3A_18] : memref<800000x128xf32, #tpu.memory_space<hbm>> -> memref<1000x48xf32, #tpu.memory_space<hbm>>
    tpu.wait_dma2 semaphore(%arg12 : memref<!tpu.dma_semaphore, #tpu.memory_space<semaphore_mem>>) src(%arg9 : memref<1000x48xf32, #tpu.memory_space<vmem>>) dst(%dma_wait3A_19 : memref<1000x48xf32, #tpu.memory_space<hbm>>)
    return
  }
}

module attributes {stable_mosaic.version = 14 : i64} {
  func.func @body(%arg0: i32, %arg1: memref<6400x48xf32, #tpu.memory_space<vmem>>, %arg2: memref<6400x128xf32, #tpu.memory_space<vmem>>, %arg3: memref<3x6400xf32, #tpu.memory_space<vmem>>, %arg4: memref<144x116xf32, #tpu.memory_space<vmem>>, %arg5: memref<48x68xf32, #tpu.memory_space<vmem>>, %arg6: memref<1x48xf32, #tpu.memory_space<vmem>>, %arg7: memref<1x68xf32, #tpu.memory_space<vmem>>, %arg8: memref<20x80xf32, #tpu.memory_space<vmem>>, %arg9: memref<8x80xf32, #tpu.memory_space<vmem>>, %arg10: memref<6400x128xf32, #tpu.memory_space<vmem>>) attributes {dimension_semantics = [#tpu.dimension_semantics<arbitrary>], iteration_bounds = array<i64: 125>, scalar_prefetch = 0 : i64, scratch_operands = 0 : i64, tpu.core_type = #tpu.core_type<tc>, window_params = [{transform_indices = @transform_0, window_bounds = array<i64: 6400, 48>}, {transform_indices = @transform_1, window_bounds = array<i64: 6400, 128>}, {transform_indices = @transform_2, window_bounds = array<i64: 3, 6400>}, {pipeline_mode = #tpu.pipeline_mode<synchronous>, transform_indices = @transform_3, window_bounds = array<i64: 144, 116>}, {pipeline_mode = #tpu.pipeline_mode<synchronous>, transform_indices = @transform_4, window_bounds = array<i64: 48, 68>}, {pipeline_mode = #tpu.pipeline_mode<synchronous>, transform_indices = @transform_5, window_bounds = array<i64: 1, 48>}, {pipeline_mode = #tpu.pipeline_mode<synchronous>, transform_indices = @transform_6, window_bounds = array<i64: 1, 68>}, {pipeline_mode = #tpu.pipeline_mode<synchronous>, transform_indices = @transform_7, window_bounds = array<i64: 20, 80>}, {pipeline_mode = #tpu.pipeline_mode<synchronous>, transform_indices = @transform_8, window_bounds = array<i64: 8, 80>}, {transform_indices = @transform_9, window_bounds = array<i64: 6400, 128>}]} {
    %get3A = arith.constant 0 : index
    %get3A_0 = arith.constant 0 : index
    %get3A_1 = vector.load %arg2[%get3A, %get3A_0] : memref<6400x128xf32, #tpu.memory_space<vmem>>, vector<6400x128xf32>
    %get3A_2 = arith.constant 0 : index
    %get3A_3 = arith.constant 0 : index
    %get3A_4 = vector.load %arg1[%get3A_2, %get3A_3] : memref<6400x48xf32, #tpu.memory_space<vmem>>, vector<6400x48xf32>
    %slice3A = vector.extract_strided_slice %get3A_1 {offsets = [0, 0], sizes = [6400, 48], strides = [1, 1]} : vector<6400x128xf32> to vector<6400x48xf32>
    %slice3A_5 = vector.extract_strided_slice %get3A_1 {offsets = [0, 48], sizes = [6400, 48], strides = [1, 1]} : vector<6400x128xf32> to vector<6400x48xf32>
    %concatenate3A = tpu.concatenate %get3A_4, %slice3A, %slice3A_5 in 1 : vector<6400x48xf32>, vector<6400x48xf32>, vector<6400x48xf32> -> vector<6400x144xf32>
    %get3A_6 = arith.constant 0 : index
    %get3A_7 = arith.constant 0 : index
    %get3A_8 = vector.load %arg4[%get3A_6, %get3A_7] : memref<144x116xf32, #tpu.memory_space<vmem>>, vector<144x116xf32>
    %dot_general3A = arith.constant dense<0.000000e+00> : vector<6400x116xf32>
    %dot_general3A_9 = tpu.matmul %concatenate3A, %get3A_8, %dot_general3A {dimension_numbers = #tpu.dot_dimension_numbers<[1], [0], [0], [1], [0, 0, 1, 1], [], []>, transpose_lhs_hint = false} : vector<6400x144xf32>, vector<144x116xf32>, vector<6400x116xf32> -> vector<6400x116xf32>
    %slice3A_10 = vector.extract_strided_slice %dot_general3A_9 {offsets = [0, 0], sizes = [6400, 48], strides = [1, 1]} : vector<6400x116xf32> to vector<6400x48xf32>
    %get3A_11 = arith.constant 0 : index
    %get3A_12 = arith.constant 0 : index
    %get3A_13 = vector.load %arg6[%get3A_11, %get3A_12] : memref<1x48xf32, #tpu.memory_space<vmem>>, vector<1x48xf32>
    %add3A = vector.broadcast %get3A_13 : vector<1x48xf32> to vector<6400x48xf32>
    %add3A_14 = arith.addf %slice3A_10, %add3A : vector<6400x48xf32>
    %max3A = arith.constant 0.000000e+00 : f32
    %max3A_15 = vector.broadcast %max3A : f32 to vector<6400x48xf32>
    %max3A_16 = arith.maximumf %add3A_14, %max3A_15 : vector<6400x48xf32>
    %slice3A_17 = vector.extract_strided_slice %dot_general3A_9 {offsets = [0, 48], sizes = [6400, 68], strides = [1, 1]} : vector<6400x116xf32> to vector<6400x68xf32>
    %get3A_18 = arith.constant 0 : index
    %get3A_19 = arith.constant 0 : index
    %get3A_20 = vector.load %arg5[%get3A_18, %get3A_19] : memref<48x68xf32, #tpu.memory_space<vmem>>, vector<48x68xf32>
    %dot_general3A_21 = arith.constant dense<0.000000e+00> : vector<6400x68xf32>
    %dot_general3A_22 = tpu.matmul %max3A_16, %get3A_20, %dot_general3A_21 {dimension_numbers = #tpu.dot_dimension_numbers<[1], [0], [0], [1], [0, 0, 1, 1], [], []>, transpose_lhs_hint = false} : vector<6400x48xf32>, vector<48x68xf32>, vector<6400x68xf32> -> vector<6400x68xf32>
    %get3A_23 = arith.constant 0 : index
    %get3A_24 = arith.constant 0 : index
    %get3A_25 = vector.load %arg7[%get3A_23, %get3A_24] : memref<1x68xf32, #tpu.memory_space<vmem>>, vector<1x68xf32>
    %add3A_26 = vector.broadcast %get3A_25 : vector<1x68xf32> to vector<6400x68xf32>
    %add3A_27 = arith.addf %dot_general3A_22, %add3A_26 : vector<6400x68xf32>
    %mul3A = arith.mulf %add3A_27, %slice3A_17 : vector<6400x68xf32>
    %slice3A_28 = vector.extract_strided_slice %mul3A {offsets = [0, 48], sizes = [6400, 20], strides = [1, 1]} : vector<6400x68xf32> to vector<6400x20xf32>
    %get3A_29 = arith.constant 0 : index
    %get3A_30 = arith.constant 0 : index
    %get3A_31 = vector.load %arg8[%get3A_29, %get3A_30] : memref<20x80xf32, #tpu.memory_space<vmem>>, vector<20x80xf32>
    %dot_general3A_32 = arith.constant dense<0.000000e+00> : vector<6400x80xf32>
    %dot_general3A_33 = tpu.matmul %slice3A_28, %get3A_31, %dot_general3A_32 {dimension_numbers = #tpu.dot_dimension_numbers<[1], [0], [0], [1], [0, 0, 1, 1], [], []>, transpose_lhs_hint = false} : vector<6400x20xf32>, vector<20x80xf32>, vector<6400x80xf32> -> vector<6400x80xf32>
    %get3A_34 = arith.constant 0 : index
    %get3A_35 = arith.constant 0 : index
    %get3A_36 = vector.load %arg3[%get3A_34, %get3A_35] : memref<3x6400xf32, #tpu.memory_space<vmem>>, vector<3x6400xf32>
    %slice3A_37 = vector.extract_strided_slice %get3A_36 {offsets = [0, 0], sizes = [1, 6400], strides = [1, 1]} : vector<3x6400xf32> to vector<1x6400xf32>
    %slice3A_38 = vector.extract_strided_slice %get3A_36 {offsets = [1, 0], sizes = [1, 6400], strides = [1, 1]} : vector<3x6400xf32> to vector<1x6400xf32>
    %slice3A_39 = vector.extract_strided_slice %get3A_36 {offsets = [2, 0], sizes = [1, 6400], strides = [1, 1]} : vector<3x6400xf32> to vector<1x6400xf32>
    %mul3A_40 = arith.mulf %slice3A_37, %slice3A_37 : vector<1x6400xf32>
    %mul3A_41 = arith.mulf %slice3A_38, %slice3A_38 : vector<1x6400xf32>
    %add3A_42 = arith.addf %mul3A_40, %mul3A_41 : vector<1x6400xf32>
    %mul3A_43 = arith.mulf %slice3A_39, %slice3A_39 : vector<1x6400xf32>
    %add3A_44 = arith.addf %add3A_42, %mul3A_43 : vector<1x6400xf32>
    %sqrt3A = math.sqrt %add3A_44 : vector<1x6400xf32>
    %add3A_45 = arith.constant 9.99999993E-9 : f32
    %add3A_46 = vector.broadcast %add3A_45 : f32 to vector<1x6400xf32>
    %add3A_47 = arith.addf %sqrt3A, %add3A_46 : vector<1x6400xf32>
    %div3A = arith.constant 1.000000e+00 : f32
    %div3A_48 = vector.broadcast %div3A : f32 to vector<1x6400xf32>
    %div3A_49 = arith.divf %div3A_48, %add3A_47 : vector<1x6400xf32>
    %mul3A_50 = arith.mulf %slice3A_37, %div3A_49 : vector<1x6400xf32>
    %mul3A_51 = arith.mulf %slice3A_38, %div3A_49 : vector<1x6400xf32>
    %mul3A_52 = arith.mulf %slice3A_39, %div3A_49 : vector<1x6400xf32>
    %mul3A_53 = arith.constant 1.73205078 : f32
    %mul3A_54 = vector.broadcast %mul3A_53 : f32 to vector<1x6400xf32>
    %mul3A_55 = arith.mulf %mul3A_50, %mul3A_54 : vector<1x6400xf32>
    %mul3A_56 = arith.constant 1.73205078 : f32
    %mul3A_57 = vector.broadcast %mul3A_56 : f32 to vector<1x6400xf32>
    %mul3A_58 = arith.mulf %mul3A_51, %mul3A_57 : vector<1x6400xf32>
    %mul3A_59 = arith.constant 1.73205078 : f32
    %mul3A_60 = vector.broadcast %mul3A_59 : f32 to vector<1x6400xf32>
    %mul3A_61 = arith.mulf %mul3A_52, %mul3A_60 : vector<1x6400xf32>
    %mul3A_62 = arith.mulf %mul3A_50, %mul3A_51 : vector<1x6400xf32>
    %mul3A_63 = arith.constant 3.87298346 : f32
    %mul3A_64 = vector.broadcast %mul3A_63 : f32 to vector<1x6400xf32>
    %mul3A_65 = arith.mulf %mul3A_62, %mul3A_64 : vector<1x6400xf32>
    %mul3A_66 = arith.mulf %mul3A_51, %mul3A_52 : vector<1x6400xf32>
    %mul3A_67 = arith.constant 3.87298346 : f32
    %mul3A_68 = vector.broadcast %mul3A_67 : f32 to vector<1x6400xf32>
    %mul3A_69 = arith.mulf %mul3A_66, %mul3A_68 : vector<1x6400xf32>
    %mul3A_70 = arith.constant 3.000000e+00 : f32
    %mul3A_71 = vector.broadcast %mul3A_70 : f32 to vector<1x6400xf32>
    %mul3A_72 = arith.mulf %mul3A_71, %mul3A_52 : vector<1x6400xf32>
    %mul3A_73 = arith.mulf %mul3A_72, %mul3A_52 : vector<1x6400xf32>
    %sub3A = arith.constant 1.000000e+00 : f32
    %sub3A_74 = vector.broadcast %sub3A : f32 to vector<1x6400xf32>
    %sub3A_75 = arith.subf %mul3A_73, %sub3A_74 : vector<1x6400xf32>
    %div3A_76 = arith.constant 3.46410155 : f32
    %div3A_77 = vector.broadcast %div3A_76 : f32 to vector<1x6400xf32>
    %div3A_78 = arith.divf %sub3A_75, %div3A_77 : vector<1x6400xf32>
    %mul3A_79 = arith.constant 3.87298346 : f32
    %mul3A_80 = vector.broadcast %mul3A_79 : f32 to vector<1x6400xf32>
    %mul3A_81 = arith.mulf %div3A_78, %mul3A_80 : vector<1x6400xf32>
    %mul3A_82 = arith.mulf %mul3A_52, %mul3A_50 : vector<1x6400xf32>
    %mul3A_83 = arith.constant 3.87298346 : f32
    %mul3A_84 = vector.broadcast %mul3A_83 : f32 to vector<1x6400xf32>
    %mul3A_85 = arith.mulf %mul3A_82, %mul3A_84 : vector<1x6400xf32>
    %mul3A_86 = arith.mulf %mul3A_50, %mul3A_50 : vector<1x6400xf32>
    %mul3A_87 = arith.mulf %mul3A_51, %mul3A_51 : vector<1x6400xf32>
    %sub3A_88 = arith.subf %mul3A_86, %mul3A_87 : vector<1x6400xf32>
    %div3A_89 = arith.constant 2.000000e+00 : f32
    %div3A_90 = vector.broadcast %div3A_89 : f32 to vector<1x6400xf32>
    %div3A_91 = arith.divf %sub3A_88, %div3A_90 : vector<1x6400xf32>
    %mul3A_92 = arith.constant 3.87298346 : f32
    %mul3A_93 = vector.broadcast %mul3A_92 : f32 to vector<1x6400xf32>
    %mul3A_94 = arith.mulf %div3A_91, %mul3A_93 : vector<1x6400xf32>
    %concatenate3A_95 = tpu.concatenate %mul3A_55, %mul3A_58, %mul3A_61, %mul3A_65, %mul3A_69, %mul3A_81, %mul3A_85, %mul3A_94 in 0 : vector<1x6400xf32>, vector<1x6400xf32>, vector<1x6400xf32>, vector<1x6400xf32>, vector<1x6400xf32>, vector<1x6400xf32>, vector<1x6400xf32>, vector<1x6400xf32> -> vector<8x6400xf32>
    %get3A_96 = arith.constant 0 : index
    %get3A_97 = arith.constant 0 : index
    %get3A_98 = vector.load %arg9[%get3A_96, %get3A_97] : memref<8x80xf32, #tpu.memory_space<vmem>>, vector<8x80xf32>
    %dot_general3A_99 = arith.constant dense<0.000000e+00> : vector<6400x80xf32>
    %dot_general3A_100 = tpu.matmul %concatenate3A_95, %get3A_98, %dot_general3A_99 {dimension_numbers = #tpu.dot_dimension_numbers<[0], [0], [1], [1], [0, 1, 1, 1], [], []>, transpose_lhs_hint = false} : vector<8x6400xf32>, vector<8x80xf32>, vector<6400x80xf32> -> vector<6400x80xf32>
    %slice3A_101 = vector.extract_strided_slice %mul3A {offsets = [0, 0], sizes = [6400, 48], strides = [1, 1]} : vector<6400x68xf32> to vector<6400x48xf32>
    %mul3A_102 = arith.mulf %dot_general3A_33, %dot_general3A_100 : vector<6400x80xf32>
    %concatenate3A_103 = tpu.concatenate %slice3A_101, %mul3A_102 in 1 : vector<6400x48xf32>, vector<6400x80xf32> -> vector<6400x128xf32>
    %swap3A = arith.constant 0 : index
    %swap3A_104 = arith.constant 0 : index
    %swap3A_105 = vector.load %arg10[%swap3A, %swap3A_104] : memref<6400x128xf32, #tpu.memory_space<vmem>>, vector<6400x128xf32>
    tpu.vector_store %arg10[%swap3A, %swap3A_104], %concatenate3A_103 {strides = array<i32>} : memref<6400x128xf32, #tpu.memory_space<vmem>>, vector<6400x128xf32>,
    return
  }
  func.func @transform_0(%arg0: i32) -> (i32, i32) {
    %c0_i32 = arith.constant 0 : i32
    %c0_i32_0 = arith.constant 0 : i32
    return %arg0, %c0_i32 : i32, i32
  }
  func.func @transform_1(%arg0: i32) -> (i32, i32) {
    %add3A = arith.constant 0 : i32
    %add3A_0 = arith.addi %arg0, %add3A : i32
    %c0_i32 = arith.constant 0 : i32
    %c0_i32_1 = arith.constant 0 : i32
    return %add3A_0, %c0_i32 : i32, i32
  }
  func.func @transform_2(%arg0: i32) -> (i32, i32) {
    %add3A = arith.constant 0 : i32
    %add3A_0 = arith.addi %arg0, %add3A : i32
    %c0_i32 = arith.constant 0 : i32
    %c0_i32_1 = arith.constant 0 : i32
    return %c0_i32, %add3A_0 : i32, i32
  }
  func.func @transform_3(%arg0: i32) -> (i32, i32) {
    %c0_i32 = arith.constant 0 : i32
    %c0_i32_0 = arith.constant 0 : i32
    %c0_i32_1 = arith.constant 0 : i32
    return %c0_i32, %c0_i32_0 : i32, i32
  }
  func.func @transform_4(%arg0: i32) -> (i32, i32) {
    %c0_i32 = arith.constant 0 : i32
    %c0_i32_0 = arith.constant 0 : i32
    %c0_i32_1 = arith.constant 0 : i32
    return %c0_i32, %c0_i32_0 : i32, i32
  }
  func.func @transform_5(%arg0: i32) -> (i32, i32) {
    %c0_i32 = arith.constant 0 : i32
    %c0_i32_0 = arith.constant 0 : i32
    %c0_i32_1 = arith.constant 0 : i32
    return %c0_i32, %c0_i32_0 : i32, i32
  }
  func.func @transform_6(%arg0: i32) -> (i32, i32) {
    %c0_i32 = arith.constant 0 : i32
    %c0_i32_0 = arith.constant 0 : i32
    %c0_i32_1 = arith.constant 0 : i32
    return %c0_i32, %c0_i32_0 : i32, i32
  }
  func.func @transform_7(%arg0: i32) -> (i32, i32) {
    %c0_i32 = arith.constant 0 : i32
    %c0_i32_0 = arith.constant 0 : i32
    %c0_i32_1 = arith.constant 0 : i32
    return %c0_i32, %c0_i32_0 : i32, i32
  }
  func.func @transform_8(%arg0: i32) -> (i32, i32) {
    %c0_i32 = arith.constant 0 : i32
    %c0_i32_0 = arith.constant 0 : i32
    %c0_i32_1 = arith.constant 0 : i32
    return %c0_i32, %c0_i32_0 : i32, i32
  }
  func.func @transform_9(%arg0: i32) -> (i32, i32) {
    %c0_i32 = arith.constant 0 : i32
    %c0_i32_0 = arith.constant 0 : i32
    return %arg0, %c0_i32 : i32, i32
  }
}

module attributes {stable_mosaic.version = 14 : i64} {
  func.func @body(%arg0: i32, %arg1: memref<2000x128xf32, #tpu.memory_space<vmem>>, %arg2: memref<2000x1xf32, #tpu.memory_space<vmem>>, %arg3: memref<2000x128xf32, #tpu.memory_space<vmem>>) attributes {dimension_semantics = [#tpu.dimension_semantics<arbitrary>], iteration_bounds = array<i64: 25>, scalar_prefetch = 0 : i64, scratch_operands = 0 : i64, tpu.core_type = #tpu.core_type<tc>, window_params = [{transform_indices = @transform_0, window_bounds = array<i64: 2000, 128>}, {transform_indices = @transform_1, window_bounds = array<i64: 2000, 1>}, {transform_indices = @transform_2, window_bounds = array<i64: 2000, 128>}]} {
    %get3A = arith.constant 0 : index
    %get3A_0 = arith.constant 0 : index
    %get3A_1 = vector.load %arg1[%get3A, %get3A_0] : memref<2000x128xf32, #tpu.memory_space<vmem>>, vector<2000x128xf32>
    %get3A_2 = arith.constant 0 : index
    %get3A_3 = arith.constant 0 : index
    %get3A_4 = vector.load %arg2[%get3A_2, %get3A_3] : memref<2000x1xf32, #tpu.memory_space<vmem>>, vector<2000x1xf32>
    %max3A = arith.constant 1.000000e+00 : f32
    %max3A_5 = vector.broadcast %max3A : f32 to vector<2000x1xf32>
    %max3A_6 = arith.maximumf %get3A_4, %max3A_5 : vector<2000x1xf32>
    %div3A = vector.broadcast %max3A_6 : vector<2000x1xf32> to vector<2000x128xf32>
    %div3A_7 = arith.divf %get3A_1, %div3A : vector<2000x128xf32>
    %swap3A = arith.constant 0 : index
    %swap3A_8 = arith.constant 0 : index
    %swap3A_9 = vector.load %arg3[%swap3A, %swap3A_8] : memref<2000x128xf32, #tpu.memory_space<vmem>>, vector<2000x128xf32>
    tpu.vector_store %arg3[%swap3A, %swap3A_8], %div3A_7 {strides = array<i32>} : memref<2000x128xf32, #tpu.memory_space<vmem>>, vector<2000x128xf32>,
    return
  }
  func.func @transform_0(%arg0: i32) -> (i32, i32) {
    %c0_i32 = arith.constant 0 : i32
    %c0_i32_0 = arith.constant 0 : i32
    return %arg0, %c0_i32 : i32, i32
  }
  func.func @transform_1(%arg0: i32) -> (i32, i32) {
    %c0_i32 = arith.constant 0 : i32
    %c0_i32_0 = arith.constant 0 : i32
    return %arg0, %c0_i32 : i32, i32
  }
  func.func @transform_2(%arg0: i32) -> (i32, i32) {
    %c0_i32 = arith.constant 0 : i32
    %c0_i32_0 = arith.constant 0 : i32
    return %arg0, %c0_i32 : i32, i32
  }
}

</mosaic_0001>

<sc_bundles>
// kernel: kernel.6.cloned.1.call-start
scs
__scs_entry_jumppad:
0x0: {  	(pc) =	sbr.rel $0x88, $3  }
0x1: {  	(tag) =	ssettag $0x0;
	lr =	simm.s32 $0x1  }
0x2: {  	[smem:$0x3F96] =	sst lr;
	_ =	strace $0xD0000000  }
0x3: {  	_ = 	snop  }
0x4: {  	_ = 	snop  }
0x5: {  	_ = 	snop  }
0x6: {  	_ = 	snop  }
0x7: {  	_ = 	snop  }
__scs_overlays_trampoline_lowered:
0x8: {  	[smem:$0x3FA5] =	sst s0  }
0x9: {  	[smem:$0x3FA6] =	sst s1  }
0xa: {  	[smem:$0x3FA7] =	sst s2  }
0xb: {  	[smem:$0x3FA8] =	sst s3  }
0xc: {  	[smem:$0x3FA9] =	sst s4  }
0xd: {  	[smem:$0x3FAA] =	sst s5  }
0xe: {  	[smem:$0x3FAB] =	sst s6  }
0xf: {  	[smem:$0x3FAC] =	sst s7  }
0x10: {  	[smem:$0x3FAD] =	sst s8  }
0x11: {  	[smem:$0x3FAE] =	sst s9;
	s0 =	simm.s32 @!p0 $0x0  }
0x12: {  	s1 =	sld [smem:$0x3F94];
	s0 =	simm.s32 @p0 $0x1  }
0x13: {  	[smem:$0x3FAF] =	sst s0;
	s0 =	simm.s32 @!p1 $0x0  }
0x14: {  	s2 =	sld [smem:$0x3F93];
	s0 =	simm.s32 @p1 $0x1  }
0x15: {  	[smem:$0x3FB0] =	sst s0;
	s0 =	simm.s32 @!p2 $0x0  }
0x16: {  	s3 =	sld [smem:$0x3FDB];
	s0 =	simm.s32 @p2 $0x1  }
0x17: {  	s4 =	simm.s32 $0x1BF5;
	[smem:$0x3FB2] =	sst s0  }
0x18: {  	s0 =	sld [smem:$0x3F95];
	_ =	swait.ge [sflag:s4], $0x0  }
0x19: {  	s7 =	sld [smem:$0x3F96]  }
0x1a: {  	s8 =	sadd.s32 $0xFFFFE003, lr  }
0x1b: {  	s9 =	sadd.s32 $0xFFFFFEF7, lr;
	s5 =	simm.s32 $0xFFFFFFFF;
	p2 =	slt.u32 s8, $0xFFFFF086  }
0x1c: {  	p1 =	slt.u32 s9, $0xF7A;
	s5 =	simm.s32 @!p2 $0x0  }
0x1d: {  	s5 =	simm.s32 @p1 $0x1;
	p0 =	seq.s32 s7, s2  }
0x1e: {  	s7 =	smul.u32 @!p0 $0xF7A, s2;
	p2 =	seq.s32 @!p0 s5, $0x0  }
0x1f: {  	s9 =	smul.u32 $0xF7A, s1;
	s8 =	simm.s32 @!p0 $0x1BF5;
	p2 =	por !p2, p0  }
0x20: {  	[sflag:s8] =	ssyncset.s32 @!p0 $0xFFFFF086;
	s6 =	sadd.s32 @!p0 s3, s7;
	s7 =	simm.s32 @!p0 $0x108  }
0x21: {  	s3 =	sadd.s32 s3, s9;
	s6 =	sadd.s32 @!p0 $0x88, s6;
	s7 =	simm.s32 @p2 $0x1082  }
0x22: {  	[simem:s7], [sflag:s8] =	dma.local @!p0 [hbm:s6], $0xF7A  }
0x23: {  	s9 =	sor.u32 $0xD0000000, s2;
	s6 =	simm.s32 $0x108;
	_ =	swait.ge @!p0 [sflag:s8], $0x0  }
0x24: {  	s3 =	sadd.s32 $0x88, s3;
	s6 =	simm.s32 @!p1 $0x1082;
	[sflag:s4] =	ssyncset.s32 $0xFFFFF086  }
0x25: {  	[simem:s6], [sflag:s4] =	dma.local [hbm:s3], $0xF7A  }
0x26: {  	[smem:$0x3F96] =	sst s1;
	(tag) =	ssettag s2;
	_ =	strace s9  }
0x27: {  	s1 =	sld [smem:$0x3FA6]  }
0x28: {  	s2 =	sld [smem:$0x3FA7]  }
0x29: {  	s4 =	sld [smem:$0x3FA9]  }
0x2a: {  	p0 =	seq.s32 s5, $0x0;
	s5 =	sld [smem:$0x3FAA]  }
0x2b: {  	s6 =	sld [smem:$0x3FAB]  }
0x2c: {  	s7 =	sld [smem:$0x3FAC]  }
0x2d: {  	s3 =	simm.s32 $0x108;
	s8 =	sld [smem:$0x3FAD]  }
0x2e: {  	s3 =	simm.s32 @!p0 $0x1082;
	s9 =	sld [smem:$0x3FAE]  }
0x2f: {  	lr =	sadd.s32 s0, s3;
	s0 =	sld [smem:$0x3FA5]  }
0x30: {  	s3 =	sld [smem:$0x3FA8]  }
0x31: {  	[smem:$0x3FB1] =	sst s10  }
0x32: {  	s10 =	sld [smem:$0x3FAF];
	_ =	sdelay $0x3  }
0x33: {  	p0 =	seq.s32 s10, $0x1;
	s10 =	sld [smem:$0x3FB1];
	_ =	sdelay $0x3  }
0x34: {  	[smem:$0x3FB1] =	sst s10  }
0x35: {  	s10 =	sld [smem:$0x3FB0];
	_ =	sdelay $0x3  }
0x36: {  	p1 =	seq.s32 s10, $0x1;
	s10 =	sld [smem:$0x3FB1];
	_ =	sdelay $0x3  }
0x37: {  	[smem:$0x3FB1] =	sst s10  }
0x38: {  	s10 =	sld [smem:$0x3FB2]  }
0x39: {  	_ = 	snop;
	(pc) =	sbr.ind lr, $3  }
0x3a: {  	_ = 	snop  }
0x3b: {  	_ = 	snop  }
0x3c: {  	p2 =	seq.s32 s10, $0x1;
	s10 =	sld [smem:$0x3FB1]  }
0x3d: {  	_ =	shalt  }
0x3e: {  	_ =	shalt  }
0x3f: {  	_ =	shalt  }
0x40: {  	_ =	shalt  }
0x41: {  	_ =	shalt  }
0x42: {  	_ =	shalt  }
0x43: {  	_ =	shalt  }
0x44: {  	_ =	shalt  }
0x45: {  	_ =	shalt  }
0x46: {  	_ =	shalt  }
0x47: {  	_ =	shalt  }
0x48: {  	_ =	shalt  }
0x49: {  	_ =	shalt  }
0x4a: {  	_ =	shalt  }
0x4b: {  	_ =	shalt  }
0x4c: {  	_ =	shalt  }
0x4d: {  	_ =	shalt  }
0x4e: {  	_ =	shalt  }
0x4f: {  	_ =	shalt  }
0x50: {  	_ =	shalt  }
0x51: {  	_ =	shalt  }
0x52: {  	_ =	shalt  }
0x53: {  	_ =	shalt  }
0x54: {  	_ =	shalt  }
0x55: {  	_ =	shalt  }
0x56: {  	_ =	shalt  }
0x57: {  	_ =	shalt  }
0x58: {  	_ =	shalt  }
0x59: {  	_ =	shalt  }
0x5a: {  	_ =	shalt  }
0x5b: {  	_ =	shalt  }
0x5c: {  	_ =	shalt  }
0x5d: {  	_ =	shalt  }
0x5e: {  	_ =	shalt  }
0x5f: {  	_ =	shalt  }
0x60: {  	_ =	shalt  }
0x61: {  	_ =	shalt  }
0x62: {  	_ =	shalt  }
0x63: {  	_ =	shalt  }
0x64: {  	_ =	shalt  }
0x65: {  	_ =	shalt  }
0x66: {  	_ =	shalt  }
0x67: {  	_ =	shalt  }
0x68: {  	_ =	shalt  }
0x69: {  	_ =	shalt  }
0x6a: {  	_ =	shalt  }
0x6b: {  	_ =	shalt  }
0x6c: {  	_ =	shalt  }
0x6d: {  	_ =	shalt  }
0x6e: {  	_ =	shalt  }
0x6f: {  	_ =	shalt  }
0x70: {  	_ =	shalt  }
0x71: {  	_ =	shalt  }
0x72: {  	_ =	shalt  }
0x73: {  	_ =	shalt  }
0x74: {  	_ =	shalt  }
0x75: {  	_ =	shalt  }
0x76: {  	_ =	shalt  }
0x77: {  	_ =	shalt  }
0x78: {  	_ =	shalt  }
0x79: {  	_ =	shalt  }
0x7a: {  	_ =	shalt  }
0x7b: {  	_ =	shalt  }
0x7c: {  	_ =	shalt  }
0x7d: {  	_ =	shalt  }
0x7e: {  	_ =	shalt  }
0x7f: {  	_ =	shalt  }
0x80: {  	_ =	shalt  }
0x81: {  	_ =	shalt  }
0x82: {  	_ =	shalt  }
0x83: {  	_ =	shalt  }
0x84: {  	_ =	shalt  }
0x85: {  	_ =	shalt  }
0x86: {  	_ =	shalt  }
0x87: {  	_ =	shalt  }
.Lfunc_end0:
.L_simem_size_0:
called_computation_lowered:
.L_overlay_start_0:
0x88: {  	s2 =	sld [smem:$0x3FD9]  }
0x89: {  	s3 =	sld [smem:$0x3FFE];
	_ =	sdelay $0x1  }
0x8a: {  	s1 =	srdreg.scid  }
0x8b: {  	s0 =	sand.u32 $0x1, s1  }
0x8c: {  	s17 =	sshll.u32 s0, $0xA;
	s2 =	sadd.s32 s3, s2  }
0x8d: {  	s2 =	sadd.s32 s2, s17  }
0x8e: {  	[smem:$0x3FBD] =	sst s2  }
0x8f: {  	_ = 	snop  }
0x90: {  	s2 =	sld [smem:$0x3FD0];
	(tm) =	ssettm $0x1  }
0x91: {  	s18 =	sld [smem:$0x3FFB];
	_ =	sdelay $0x3  }
0x92: {  	_ =	strace s18  }
0x93: {  	s3 =	sld [smem:$0x3FFC];
	_ =	sdelay $0x3  }
0x94: {  	_ =	strace s3  }
0x95: {  	s3 =	sld [smem:$0x3FFD];
	_ =	sdelay $0x3  }
0x96: {  	_ =	strace s3  }
0x97: {  	_ =	strace $0x8FFFFFFF  }
0x98: {  	s19 =	sld [smem:$0x3FDB];
	_ =	sdelay $0x1  }
0x99: {  	s4 =	simm.s32 $_scs_section_size  }
0x9a: {  	s5 =	simm.s32 $_size__tile_overlayer_lowered;
	s6 =	simm.s32 $_tile_overlayer_lowered  }
0x9b: {  	s22 =	simm.s32 $0x1BFF;
	s21 =	sshll.u32 s6, $0x1;
	s3 =	sadd.s32 s4, s19  }
0x9c: {  	s7 =	simm.s32 $0x0;
	s20 =	sshll.u32 s5, $0x1;
	s5 =	sadd.s32 s21, s3  }
0x9d: {  	[timem:s7], [sflag:s22] =	dma.local [hbm:s5], s20  }
0x9e: {  	_ =	swait.ge [sflag:s22], s20  }
0x9f: {  	s4 =	ssub.s32 $0x0, s20;
	[sflag:s22] =	ssyncset.done $0x0  }
0xa0: {  	[sflag:s22] =	ssyncadd.s32 s4;
	_ =	sdelay $0x1  }
0xa1: {  	s23 =	simm.s32 $0x1B8B  }
0xa2: {  	_ =	swait.ge [sflag:s23], $0x1  }
0xa3: {  	[sflag:s23] =	ssyncset.done $0x0  }
0xa4: {  	s25 =	simm.s32 $0x1B8E;
	s24 =	sld [smem:$0x3FFE];
	[sflag:s23] =	ssyncadd.s32 $0xFFFFFFFF  }
0xa5: {  	s26 =	simm.s32 $execute0_lowered;
	[smem:$0x3FD2] =	sst s25  }
0xa6: {  	s5 =	sshll.u32 s26, $0x1;
	_ =	strace $0x80000046;
	[dreg:$0x1] =	wrdreg $0xFFFFFFFF  }
0xa7: {  	s28 =	simm.s32 $_size_execute0_lowered;
	s3 =	sadd.s32 s3, s5;
	[dreg:$0x0] =	wrdreg $0x0  }
0xa8: {  	s5 =	sshll.u32 s28, $0x1;
	[dreg:$0x2] =	wrdreg s3  }
0xa9: {  	[dreg:$0x3] =	wrdreg s5  }
0xaa: {  	[dreg:$0x4] =	wrdreg $0xC0  }
0xab: {  	_ =	task [dreg:s7], $0x5FFFF  }
0xac: {  	[dreg:$0x1] =	wrdreg $0xFFFFFFFF  }
0xad: {  	[dreg:$0x0] =	wrdreg $0x60  }
0xae: {  	[dreg:$0x2] =	wrdreg s2  }
0xaf: {  	[dreg:$0x3] =	wrdreg s24  }
0xb0: {  	[dreg:$0x4] =	wrdreg $0x9  }
0xb1: {  	_ =	task.clear_ibuf [dreg:s7], $0x5FFFF;
	_ =	strace $0x90000046  }
0xb2: {  	s29 =	simm.s32 $0x9;
	_ =	strace $0x80000048  }
0xb3: {  	_ =	swait.ge [sflag:s29], $0x1  }
0xb4: {  	[sflag:s29] =	ssyncadd.s32 $0xFFFFFFFF  }
0xb5: {  	_ =	strace $0x90000048  }
0xb6: {  	_ =	sfence  }
0xb7: {  	s30 =	sld [smem:$0x0];
	_ =	sdelay $0x2  }
0xb8: {  	s31 =	sshll.u32 s1, $0xD;
	s1 =	sshrl.u32 s1, $0x2  }
0xb9: {  	s3 =	sand.u32 $0x4000, s31;
	s1 =	sadd.s32 s1, s30  }
0xba: {  	s0 =	sor.u32 s3, s0;
	s1 =	sshll.u32 s1, $0x11  }
0xbb: {  	s0 =	sor.u32 s1, s0  }
0xbc: {  	s0 =	sadd.s32 $0x8F2B, s0  }
0xbd: {  	[sflag:s0] =	ssyncadd.remote.s32 $0x1  }
0xbe: {  	_ =	sfence.sel $0xFFFF  }
0xbf: {  	[dreg:$0x0] =	wrdreg $0xFFFFFFFF;
	(pc) =	sbr.abs _section_cstart, $3  }
0xc0: {  	[dreg:$0x1] =	wrdreg $0xFFFFFFFF  }
0xc1: {  	_ =	task.clear_ibuf [dreg:s7], $0x2FFFF;
	_ =	strace $0x9FFFFFFF  }
0xc2: {  	(tm) =	ssettm $0x7FFFFFFF  }
0xc3: {  	_ =	shalt  }
tec
execute0_lowered:
.L_overlay_start_1:
0x0: {  	(tag) =	ssettag $0x1  }
0x1: {  	s2 =	rddreg [dreg:$0x0]  }
0x2: {  	s6 =	rddreg [dreg:$0x1]  }
0x3: {  	s0 =	rddreg [dreg:$0x2]  }
0x4: {  	s4 =	srdreg.scid;
	s1 =	stileid.u32;
	s3 =	simm.s32 $0x0  }
0x5: {  	s21 =	simm.s32 $0x30;
	s22 =	simm.s32 $0x80;
	s23 =	simm.s32 $0x3  }
0x6: {  	s24 =	simm.s32 $0x0;
	s11 =	sand.u32 $0x1, s4;
	s17 =	smul.u32 $0xC350, s1  }
0x7: {  	s26 =	sshll.u32 s1, $0x1;
	[smem:$0x7FF] =	sst s3;
	s19 =	smul.u32 $0xC3500, s1  }
0x8: {  	s15 =	sadd.s32 $0x2400, s6;
	s14 =	sadd.s32 $0x1AC00, s6;
	s18 =	smul.u32 $0x61A8, s11  }
0x9: {  	s12 =	sadd.s32 $0x33400, s6;
	s7 =	sor.u32 s11, s26;
	s20 =	smul.u32 $0x61A80, s11  }
0xa: {  	s13 =	sadd.s32 $0x33406, s6;
	s28 =	ssub.s32 $0x2, s11;
	s8 =	smul.u32 $0x61A8, s7  }
0xb: {  	_ =	strace $0x80000047;
	s5 =	sshrl.u32 s28, $0x1;
	s16 =	smul.u32 $0x61A80, s7  }
0xc: {  	s29 =	sadd.s32 s19, s12;
	s19 =	simm.s32 $0xC350;
	s10 =	ssub.s32 s28, s5  }
0xd: {  	s17 =	sadd.s32 s18, s17;
	s30 =	sadd.s32 s20, s29;
	s18 =	simm.s32 $0x7D0  }
0xe: {  	s20 =	simm.s32 $0x2;
	s9 =	sshrl.u32 s8, $0x3;
	s8 =	sadd.s32 $0x3E8, s8  }
0xf: {  	s6 =	smax.u32 s10, $0x1;
	s10 =	sadd.s32 s16, s13;
	s17 =	sadd.s32 $0x7D0, s17  }
0x10: {  	s4 =	sadd.s32 s15, s9;
	s5 =	sadd.s32 s14, s9;
	s8 =	sshrl.u32 s8, $0x3  }
0x11: {  	s9 =	sadd.s32 s12, s16;
	s16 =	sadd.s32 $0x5DC00, s16;
	s31 =	sshrl.u32 s17, $0x3  }
0x12: {  	s17 =	simm.s32 $0x1;
	s7 =	sadd.s32 s15, s8;
	s8 =	sadd.s32 s14, s8  }
0x13: {  	s11 =	sadd.s32 s12, s16;
	s12 =	sadd.s32 s16, s13;
	s13 =	sadd.s32 $0x3E86, s30  }
0x14: {  	s14 =	sadd.s32 s31, s14;
	s15 =	sadd.s32 s31, s15;
	s16 =	simm.s32 $0x3E8  }
.LBB2_1:
0x15: {  	[tilespmem:s3], [sflag:$0x1] =	stream.linear.gather [hbm4b:s4+s3], $0x3E8, $0x38;
	[tilespmem:$0x17ED0] =	vst v63  }
0x16: {  	_ = 	snop  }
0x17: {  	[tilespmem:s16], [sflag:$0x1] =	stream.linear.gather [hbm4b:s5+s3], $0x3E8, $0x38;
	[tilespmem:$0x17ED0] =	vst v63  }
0x18: {  	_ =	swait.ge [sflag:s17], $0x3E8  }
0x19: {  	[sflag:s17] =	ssyncset.done $0x0  }
0x1a: {  	[sflag:s17] =	ssyncadd.s32 $0xFFFFFC18  }
0x1b: {  	_ =	swait.ge [sflag:s17], $0x3E8  }
0x1c: {  	[sflag:s17] =	ssyncset.done $0x0  }
0x1d: {  	[sflag:s17] =	ssyncadd.s32 $0xFFFFFC18  }
0x1e: {  	[tilespmem:s18], [sflag:$0x2] =	stream.indirect.gather [hbm4b:s2+s16], $0x30, s3, s16, $0xb8;
	[tilespmem:$0x17ED0] =	vst v63  }
0x1f: {  	_ = 	snop  }
0x20: {  	[tilespmem:s19], [sflag:$0x2] =	stream.indirect.gather [hbm4b:s2+s16], $0x30, s16, s16, $0xb8;
	[tilespmem:$0x17ED0] =	vst v63  }
0x21: {  	_ =	swait.ge [sflag:s20], $0xBB80  }
0x22: {  	[sflag:s20] =	ssyncset.done $0x0  }
0x23: {  	[sflag:s20] =	ssyncadd.s32 $0xFFFF4480  }
0x24: {  	_ =	swait.ge [sflag:s20], $0xBB80  }
0x25: {  	[sflag:s20] =	ssyncset.done $0x0  }
0x26: {  	[sflag:s20] =	ssyncadd.s32 $0xFFFF4480  }
0x27: {  	[tilespmem:s3], [sflag:$0x1] =	stream.linear.gather [hbm4b:s7+s3], $0x3E8, $0x38;
	[tilespmem:$0x17ED0] =	vst v63  }
0x28: {  	_ = 	snop  }
0x29: {  	[tilespmem:s16], [sflag:$0x1] =	stream.linear.gather [hbm4b:s8+s3], $0x3E8, $0x38;
	[tilespmem:$0x17ED0] =	vst v63  }
0x2a: {  	_ = 	snop  }
0x2b: {  	[hbm4b:s9+s21] =	stream.strided.scatter [tilespmem:s18], [sflag:$0x3], $0xBB80, s22, s21, $0x38;
	[tilespmem:$0x17ED0] =	vst v63  }
0x2c: {  	_ = 	snop  }
0x2d: {  	[hbm4b:s10+s21] =	stream.strided.scatter [tilespmem:s19], [sflag:$0x3], $0xBB80, s22, s21, $0x38;
	[tilespmem:$0x17ED0] =	vst v63  }
0x2e: {  	_ =	swait.ge [sflag:s23], $0xBB80  }
0x2f: {  	[sflag:s23] =	ssyncset.done $0x0  }
0x30: {  	[sflag:s23] =	ssyncadd.s32 $0xFFFF4480  }
0x31: {  	_ =	swait.ge [sflag:s23], $0xBB80  }
0x32: {  	[sflag:s23] =	ssyncset.done $0x0  }
0x33: {  	[sflag:s23] =	ssyncadd.s32 $0xFFFF4480  }
0x34: {  	_ =	swait.ge [sflag:s17], $0x3E8  }
0x35: {  	[sflag:s17] =	ssyncset.done $0x0  }
0x36: {  	[sflag:s17] =	ssyncadd.s32 $0xFFFFFC18  }
0x37: {  	_ =	swait.ge [sflag:s17], $0x3E8  }
0x38: {  	[sflag:s17] =	ssyncset.done $0x0  }
0x39: {  	[sflag:s17] =	ssyncadd.s32 $0xFFFFFC18  }
0x3a: {  	[tilespmem:s18], [sflag:$0x2] =	stream.indirect.gather [hbm4b:s2+s16], $0x30, s3, s16, $0xb8;
	[tilespmem:$0x17ED0] =	vst v63  }
0x3b: {  	_ = 	snop  }
0x3c: {  	[tilespmem:s19], [sflag:$0x2] =	stream.indirect.gather [hbm4b:s2+s16], $0x30, s16, s16, $0xb8;
	[tilespmem:$0x17ED0] =	vst v63  }
0x3d: {  	_ =	swait.ge [sflag:s20], $0xBB80  }
0x3e: {  	[sflag:s20] =	ssyncset.done $0x0  }
0x3f: {  	[sflag:s20] =	ssyncadd.s32 $0xFFFF4480  }
0x40: {  	_ =	swait.ge [sflag:s20], $0xBB80  }
0x41: {  	[sflag:s20] =	ssyncset.done $0x0  }
0x42: {  	s25 =	sadd.s32 $0x0, s15;
	[sflag:s20] =	ssyncadd.s32 $0xFFFF4480  }
0x43: {  	[tilespmem:s3], [sflag:$0x1] =	stream.linear.gather [hbm4b:s25+s3], $0x3E8, $0x38;
	[tilespmem:$0x17ED0] =	vst v63  }
0x44: {  	s30 =	sadd.s32 $0x0, s14;
	s31 =	sadd.s32 $0xFFFFFFFA, s13  }
0x45: {  	[tilespmem:s16], [sflag:$0x1] =	stream.linear.gather [hbm4b:s30+s3], $0x3E8, $0x38;
	[tilespmem:$0x17ED0] =	vst v63  }
0x46: {  	s26 =	sadd.s32 $0x3E80, s13;
	s28 =	smov.u32 s13;
	s25 =	simm.s32 $0x7D  }
0x47: {  	[hbm4b:s31+s21] =	stream.strided.scatter [tilespmem:s18], [sflag:$0x3], $0xBB80, s22, s21, $0x38;
	[tilespmem:$0x17ED0] =	vst v63  }
.LBB2_2:
0x48: {  	[hbm4b:s28+s21] =	stream.strided.scatter [tilespmem:s19], [sflag:$0x3], $0xBB80, s22, s21, $0x38;
	[tilespmem:$0x17ED0] =	vst v63  }
0x49: {  	s29 =	smov.u32 s25;
	s28 =	smov.u32 s26  }
0x4a: {  	p0 =	sne.s32 s25, $0xABE;
	s25 =	sadd.s32 $0x7D, s25;
	_ =	swait.ge [sflag:s23], $0xBB80  }
0x4b: {  	[sflag:s23] =	ssyncset.done $0x0  }
0x4c: {  	[sflag:s23] =	ssyncadd.s32 $0xFFFF4480  }
0x4d: {  	_ =	swait.ge [sflag:s23], $0xBB80  }
0x4e: {  	[sflag:s23] =	ssyncset.done $0x0  }
0x4f: {  	[sflag:s23] =	ssyncadd.s32 $0xFFFF4480  }
0x50: {  	_ =	swait.ge [sflag:s17], $0x3E8  }
0x51: {  	[sflag:s17] =	ssyncset.done $0x0  }
0x52: {  	[sflag:s17] =	ssyncadd.s32 $0xFFFFFC18  }
0x53: {  	_ =	swait.ge [sflag:s17], $0x3E8  }
0x54: {  	[sflag:s17] =	ssyncset.done $0x0  }
0x55: {  	[sflag:s17] =	ssyncadd.s32 $0xFFFFFC18  }
0x56: {  	[tilespmem:s18], [sflag:$0x2] =	stream.indirect.gather [hbm4b:s2+s16], $0x30, s3, s16, $0xb8;
	[tilespmem:$0x17ED0] =	vst v63  }
0x57: {  	_ = 	snop  }
0x58: {  	[tilespmem:s19], [sflag:$0x2] =	stream.indirect.gather [hbm4b:s2+s16], $0x30, s16, s16, $0xb8;
	[tilespmem:$0x17ED0] =	vst v63  }
0x59: {  	_ =	swait.ge [sflag:s20], $0xBB80  }
0x5a: {  	[sflag:s20] =	ssyncset.done $0x0  }
0x5b: {  	[sflag:s20] =	ssyncadd.s32 $0xFFFF4480  }
0x5c: {  	_ =	swait.ge [sflag:s20], $0xBB80  }
0x5d: {  	[sflag:s20] =	ssyncset.done $0x0  }
0x5e: {  	s30 =	sadd.s32 s29, s15;
	[sflag:s20] =	ssyncadd.s32 $0xFFFF4480  }
0x5f: {  	[tilespmem:s3], [sflag:$0x1] =	stream.linear.gather [hbm4b:s30+s3], $0x3E8, $0x38;
	[tilespmem:$0x17ED0] =	vst v63  }
.Ltmp0:
0x60: {  	s29 =	sadd.s32 s29, s14;
	(pc) =	sbr.rel @p0 .LBB2_2-.Ltmp0, $4  }
0x61: {  	[tilespmem:s16], [sflag:$0x1] =	stream.linear.gather [hbm4b:s29+s3], $0x3E8, $0x38;
	[tilespmem:$0x17ED0] =	vst v63  }
0x62: {  	s29 =	sadd.s32 $0xFFFFFFFA, s26  }
0x63: {  	[hbm4b:s29+s21] =	stream.strided.scatter [tilespmem:s18], [sflag:$0x3], $0xBB80, s22, s21, $0x38;
	[tilespmem:$0x17ED0] =	vst v63  }
0x64: {  	s26 =	sadd.s32 $0x3E80, s26  }
0x65: {  	[hbm4b:s28+s21] =	stream.strided.scatter [tilespmem:s19], [sflag:$0x3], $0xBB80, s22, s21, $0x38;
	[tilespmem:$0x17ED0] =	vst v63  }
0x66: {  	_ =	swait.ge [sflag:s23], $0xBB80  }
0x67: {  	[sflag:s23] =	ssyncset.done $0x0  }
0x68: {  	[sflag:s23] =	ssyncadd.s32 $0xFFFF4480  }
0x69: {  	_ =	swait.ge [sflag:s23], $0xBB80  }
0x6a: {  	[sflag:s23] =	ssyncset.done $0x0  }
0x6b: {  	[sflag:s23] =	ssyncadd.s32 $0xFFFF4480  }
0x6c: {  	_ =	swait.ge [sflag:s17], $0x3E8  }
0x6d: {  	[sflag:s17] =	ssyncset.done $0x0  }
0x6e: {  	[sflag:s17] =	ssyncadd.s32 $0xFFFFFC18  }
0x6f: {  	_ =	swait.ge [sflag:s17], $0x3E8  }
0x70: {  	[sflag:s17] =	ssyncset.done $0x0  }
0x71: {  	[sflag:s17] =	ssyncadd.s32 $0xFFFFFC18  }
0x72: {  	[tilespmem:s18], [sflag:$0x2] =	stream.indirect.gather [hbm4b:s2+s16], $0x30, s3, s16, $0xb8;
	[tilespmem:$0x17ED0] =	vst v63  }
0x73: {  	_ = 	snop  }
0x74: {  	[tilespmem:s19], [sflag:$0x2] =	stream.indirect.gather [hbm4b:s2+s16], $0x30, s16, s16, $0xb8;
	[tilespmem:$0x17ED0] =	vst v63  }
0x75: {  	_ =	swait.ge [sflag:s20], $0xBB80  }
0x76: {  	[sflag:s20] =	ssyncset.done $0x0  }
0x77: {  	[sflag:s20] =	ssyncadd.s32 $0xFFFF4480  }
0x78: {  	_ =	swait.ge [sflag:s20], $0xBB80  }
0x79: {  	[sflag:s20] =	ssyncset.done $0x0  }
0x7a: {  	[sflag:s20] =	ssyncadd.s32 $0xFFFF4480  }
0x7b: {  	[hbm4b:s11+s21] =	stream.strided.scatter [tilespmem:s18], [sflag:$0x3], $0xBB80, s22, s21, $0x38;
	[tilespmem:$0x17ED0] =	vst v63  }
0x7c: {  	s24 =	sadd.s32 $0x1, s24  }
0x7d: {  	[hbm4b:s12+s21] =	stream.strided.scatter [tilespmem:s19], [sflag:$0x3], $0xBB80, s22, s21, $0x38;
	[tilespmem:$0x17ED0] =	vst v63  }
0x7e: {  	p0 =	sne.s32 s24, s6;
	_ =	swait.ge [sflag:s23], $0xBB80  }
.Ltmp1:
0x7f: {  	[sflag:s23] =	ssyncset.done $0x0;
	(pc) =	sbr.rel @p0 .LBB2_1-.Ltmp1, $4  }
0x80: {  	[sflag:s23] =	ssyncadd.s32 $0xFFFF4480  }
0x81: {  	_ =	swait.ge [sflag:s23], $0xBB80  }
0x82: {  	[sflag:s23] =	ssyncset.done $0x0  }
0x83: {  	[sflag:s23] =	ssyncadd.s32 $0xFFFF4480  }
0x84: {  	_ =	sfence.sel $0x180000  }
0x85: {  	[bflag:$0x0] =	sbarrier.arrive $0xFFFF  }
0x86: {  	p0 =	sne.s32 s1, $0x0;
	_ =	strace $0x90000047  }
0x87: {  	s0 =	sadd.s32 @!p0 $0x100000, s0;
	[bflag:$0x2] =	sbarrier.arrive $0xFFFF  }
0x88: {  	[sflag:s0] =	ssyncadd.tile.s32 @!p0 $0x1;
	_ =	shalt  }
.Lfunc_end2:
_tile_overlayer_lowered:
.L_overlay_start_2:
0x89: {  	(tag) =	ssettag $0x2  }
0x8a: {  	s0 =	rddreg [dreg:$0x0];
	s2 =	stileid.u32  }
0x8b: {  	s1 =	rddreg [dreg:$0x1];
	p0 =	sne.s32 s2, $0x0  }
0x8c: {  	s3 =	rddreg [dreg:$0x2];
	[bflag:$0x3] =	sbarrier.arrive $0xFFFF;
	s2 =	simm.s32 @!p0 $0x1C04  }
0x8d: {  	[timem:s3], [sflag:s2] =	dma.local @!p0 [hbm:s0], s1  }
0x8e: {  	s0 =	simm.s32 @!p0 $0x4  }
0x8f: {  	_ =	swait.ge @!p0 [sflag:s0], s1  }
0x90: {  	s1 =	ssub.s32 @!p0 $0x0, s1;
	[sflag:s0] =	ssyncset.done @!p0 $0x0  }
0x91: {  	[sflag:s0] =	ssyncadd.s32 @!p0 s1  }
0x92: {  	[bflag:$0x3] =	sbarrier.arrive $0xFFFF  }
0x93: {  	_ =	shalt  }

// kernel: kernel.9.cloned.1.call-start
scs
__scs_entry_jumppad:
0x0: {  	(pc) =	sbr.rel $0x88, $3  }
0x1: {  	(tag) =	ssettag $0x0;
	lr =	simm.s32 $0x1  }
0x2: {  	[smem:$0x3F96] =	sst lr;
	_ =	strace $0xD0000000  }
0x3: {  	_ = 	snop  }
0x4: {  	_ = 	snop  }
0x5: {  	_ = 	snop  }
0x6: {  	_ = 	snop  }
0x7: {  	_ = 	snop  }
__scs_overlays_trampoline_lowered:
0x8: {  	[smem:$0x3FA5] =	sst s0  }
0x9: {  	[smem:$0x3FA6] =	sst s1  }
0xa: {  	[smem:$0x3FA7] =	sst s2  }
0xb: {  	[smem:$0x3FA8] =	sst s3  }
0xc: {  	[smem:$0x3FA9] =	sst s4  }
0xd: {  	[smem:$0x3FAA] =	sst s5  }
0xe: {  	[smem:$0x3FAB] =	sst s6  }
0xf: {  	[smem:$0x3FAC] =	sst s7  }
0x10: {  	[smem:$0x3FAD] =	sst s8  }
0x11: {  	[smem:$0x3FAE] =	sst s9;
	s0 =	simm.s32 @!p0 $0x0  }
0x12: {  	s1 =	sld [smem:$0x3F94];
	s0 =	simm.s32 @p0 $0x1  }
0x13: {  	[smem:$0x3FAF] =	sst s0;
	s0 =	simm.s32 @!p1 $0x0  }
0x14: {  	s2 =	sld [smem:$0x3F93];
	s0 =	simm.s32 @p1 $0x1  }
0x15: {  	[smem:$0x3FB0] =	sst s0;
	s0 =	simm.s32 @!p2 $0x0  }
0x16: {  	s3 =	sld [smem:$0x3FDB];
	s0 =	simm.s32 @p2 $0x1  }
0x17: {  	s4 =	simm.s32 $0x1BF5;
	[smem:$0x3FB2] =	sst s0  }
0x18: {  	s0 =	sld [smem:$0x3F95];
	_ =	swait.ge [sflag:s4], $0x0  }
0x19: {  	s7 =	sld [smem:$0x3F96]  }
0x1a: {  	s8 =	sadd.s32 $0xFFFFE003, lr  }
0x1b: {  	s9 =	sadd.s32 $0xFFFFFEF7, lr;
	s5 =	simm.s32 $0xFFFFFFFF;
	p2 =	slt.u32 s8, $0xFFFFF086  }
0x1c: {  	p1 =	slt.u32 s9, $0xF7A;
	s5 =	simm.s32 @!p2 $0x0  }
0x1d: {  	s5 =	simm.s32 @p1 $0x1;
	p0 =	seq.s32 s7, s2  }
0x1e: {  	s7 =	smul.u32 @!p0 $0xF7A, s2;
	p2 =	seq.s32 @!p0 s5, $0x0  }
0x1f: {  	s9 =	smul.u32 $0xF7A, s1;
	s8 =	simm.s32 @!p0 $0x1BF5;
	p2 =	por !p2, p0  }
0x20: {  	[sflag:s8] =	ssyncset.s32 @!p0 $0xFFFFF086;
	s6 =	sadd.s32 @!p0 s3, s7;
	s7 =	simm.s32 @!p0 $0x108  }
0x21: {  	s3 =	sadd.s32 s3, s9;
	s6 =	sadd.s32 @!p0 $0x88, s6;
	s7 =	simm.s32 @p2 $0x1082  }
0x22: {  	[simem:s7], [sflag:s8] =	dma.local @!p0 [hbm:s6], $0xF7A  }
0x23: {  	s9 =	sor.u32 $0xD0000000, s2;
	s6 =	simm.s32 $0x108;
	_ =	swait.ge @!p0 [sflag:s8], $0x0  }
0x24: {  	s3 =	sadd.s32 $0x88, s3;
	s6 =	simm.s32 @!p1 $0x1082;
	[sflag:s4] =	ssyncset.s32 $0xFFFFF086  }
0x25: {  	[simem:s6], [sflag:s4] =	dma.local [hbm:s3], $0xF7A  }
0x26: {  	[smem:$0x3F96] =	sst s1;
	(tag) =	ssettag s2;
	_ =	strace s9  }
0x27: {  	s1 =	sld [smem:$0x3FA6]  }
0x28: {  	s2 =	sld [smem:$0x3FA7]  }
0x29: {  	s4 =	sld [smem:$0x3FA9]  }
0x2a: {  	p0 =	seq.s32 s5, $0x0;
	s5 =	sld [smem:$0x3FAA]  }
0x2b: {  	s6 =	sld [smem:$0x3FAB]  }
0x2c: {  	s7 =	sld [smem:$0x3FAC]  }
0x2d: {  	s3 =	simm.s32 $0x108;
	s8 =	sld [smem:$0x3FAD]  }
0x2e: {  	s3 =	simm.s32 @!p0 $0x1082;
	s9 =	sld [smem:$0x3FAE]  }
0x2f: {  	lr =	sadd.s32 s0, s3;
	s0 =	sld [smem:$0x3FA5]  }
0x30: {  	s3 =	sld [smem:$0x3FA8]  }
0x31: {  	[smem:$0x3FB1] =	sst s10  }
0x32: {  	s10 =	sld [smem:$0x3FAF];
	_ =	sdelay $0x3  }
0x33: {  	p0 =	seq.s32 s10, $0x1;
	s10 =	sld [smem:$0x3FB1];
	_ =	sdelay $0x3  }
0x34: {  	[smem:$0x3FB1] =	sst s10  }
0x35: {  	s10 =	sld [smem:$0x3FB0];
	_ =	sdelay $0x3  }
0x36: {  	p1 =	seq.s32 s10, $0x1;
	s10 =	sld [smem:$0x3FB1];
	_ =	sdelay $0x3  }
0x37: {  	[smem:$0x3FB1] =	sst s10  }
0x38: {  	s10 =	sld [smem:$0x3FB2]  }
0x39: {  	_ = 	snop;
	(pc) =	sbr.ind lr, $3  }
0x3a: {  	_ = 	snop  }
0x3b: {  	_ = 	snop  }
0x3c: {  	p2 =	seq.s32 s10, $0x1;
	s10 =	sld [smem:$0x3FB1]  }
0x3d: {  	_ =	shalt  }
0x3e: {  	_ =	shalt  }
0x3f: {  	_ =	shalt  }
0x40: {  	_ =	shalt  }
0x41: {  	_ =	shalt  }
0x42: {  	_ =	shalt  }
0x43: {  	_ =	shalt  }
0x44: {  	_ =	shalt  }
0x45: {  	_ =	shalt  }
0x46: {  	_ =	shalt  }
0x47: {  	_ =	shalt  }
0x48: {  	_ =	shalt  }
0x49: {  	_ =	shalt  }
0x4a: {  	_ =	shalt  }
0x4b: {  	_ =	shalt  }
0x4c: {  	_ =	shalt  }
0x4d: {  	_ =	shalt  }
0x4e: {  	_ =	shalt  }
0x4f: {  	_ =	shalt  }
0x50: {  	_ =	shalt  }
0x51: {  	_ =	shalt  }
0x52: {  	_ =	shalt  }
0x53: {  	_ =	shalt  }
0x54: {  	_ =	shalt  }
0x55: {  	_ =	shalt  }
0x56: {  	_ =	shalt  }
0x57: {  	_ =	shalt  }
0x58: {  	_ =	shalt  }
0x59: {  	_ =	shalt  }
0x5a: {  	_ =	shalt  }
0x5b: {  	_ =	shalt  }
0x5c: {  	_ =	shalt  }
0x5d: {  	_ =	shalt  }
0x5e: {  	_ =	shalt  }
0x5f: {  	_ =	shalt  }
0x60: {  	_ =	shalt  }
0x61: {  	_ =	shalt  }
0x62: {  	_ =	shalt  }
0x63: {  	_ =	shalt  }
0x64: {  	_ =	shalt  }
0x65: {  	_ =	shalt  }
0x66: {  	_ =	shalt  }
0x67: {  	_ =	shalt  }
0x68: {  	_ =	shalt  }
0x69: {  	_ =	shalt  }
0x6a: {  	_ =	shalt  }
0x6b: {  	_ =	shalt  }
0x6c: {  	_ =	shalt  }
0x6d: {  	_ =	shalt  }
0x6e: {  	_ =	shalt  }
0x6f: {  	_ =	shalt  }
0x70: {  	_ =	shalt  }
0x71: {  	_ =	shalt  }
0x72: {  	_ =	shalt  }
0x73: {  	_ =	shalt  }
0x74: {  	_ =	shalt  }
0x75: {  	_ =	shalt  }
0x76: {  	_ =	shalt  }
0x77: {  	_ =	shalt  }
0x78: {  	_ =	shalt  }
0x79: {  	_ =	shalt  }
0x7a: {  	_ =	shalt  }
0x7b: {  	_ =	shalt  }
0x7c: {  	_ =	shalt  }
0x7d: {  	_ =	shalt  }
0x7e: {  	_ =	shalt  }
0x7f: {  	_ =	shalt  }
0x80: {  	_ =	shalt  }
0x81: {  	_ =	shalt  }
0x82: {  	_ =	shalt  }
0x83: {  	_ =	shalt  }
0x84: {  	_ =	shalt  }
0x85: {  	_ =	shalt  }
0x86: {  	_ =	shalt  }
0x87: {  	_ =	shalt  }
.Lfunc_end0:
.L_simem_size_0:
called_computation.1_lowered:
.L_overlay_start_0:
0x88: {  	s2 =	sld [smem:$0x3FD9]  }
0x89: {  	s3 =	sld [smem:$0x3FFE];
	_ =	sdelay $0x1  }
0x8a: {  	s1 =	srdreg.scid  }
0x8b: {  	s0 =	sand.u32 $0x1, s1  }
0x8c: {  	s17 =	sshll.u32 s0, $0xA;
	s2 =	sadd.s32 s3, s2  }
0x8d: {  	s2 =	sadd.s32 s2, s17  }
0x8e: {  	[smem:$0x3FBD] =	sst s2  }
0x8f: {  	_ = 	snop  }
0x90: {  	s2 =	sld [smem:$0x3FD0];
	(tm) =	ssettm $0x1  }
0x91: {  	s18 =	sld [smem:$0x3FFB];
	_ =	sdelay $0x3  }
0x92: {  	_ =	strace s18  }
0x93: {  	s3 =	sld [smem:$0x3FFC];
	_ =	sdelay $0x3  }
0x94: {  	_ =	strace s3  }
0x95: {  	s3 =	sld [smem:$0x3FFD];
	_ =	sdelay $0x3  }
0x96: {  	_ =	strace s3  }
0x97: {  	_ =	strace $0x8FFFFFFF  }
0x98: {  	s19 =	sld [smem:$0x3FDB];
	_ =	sdelay $0x1  }
0x99: {  	s4 =	simm.s32 $_scs_section_size  }
0x9a: {  	s5 =	simm.s32 $_size__tile_overlayer_lowered;
	s6 =	simm.s32 $_tile_overlayer_lowered  }
0x9b: {  	s22 =	simm.s32 $0x1BFF;
	s21 =	sshll.u32 s6, $0x1;
	s3 =	sadd.s32 s4, s19  }
0x9c: {  	s7 =	simm.s32 $0x0;
	s20 =	sshll.u32 s5, $0x1;
	s5 =	sadd.s32 s21, s3  }
0x9d: {  	[timem:s7], [sflag:s22] =	dma.local [hbm:s5], s20  }
0x9e: {  	_ =	swait.ge [sflag:s22], s20  }
0x9f: {  	s4 =	ssub.s32 $0x0, s20;
	[sflag:s22] =	ssyncset.done $0x0  }
0xa0: {  	[sflag:s22] =	ssyncadd.s32 s4;
	_ =	sdelay $0x1  }
0xa1: {  	s23 =	simm.s32 $0x1B8B  }
0xa2: {  	_ =	swait.ge [sflag:s23], $0x1  }
0xa3: {  	[sflag:s23] =	ssyncset.done $0x0  }
0xa4: {  	s25 =	simm.s32 $0x1B8E;
	s24 =	sld [smem:$0x3FFE];
	[sflag:s23] =	ssyncadd.s32 $0xFFFFFFFF  }
0xa5: {  	s26 =	simm.s32 $execute0_lowered;
	[smem:$0x3FD2] =	sst s25  }
0xa6: {  	s5 =	sshll.u32 s26, $0x1;
	_ =	strace $0x80000049;
	[dreg:$0x1] =	wrdreg $0xFFFFFFFF  }
0xa7: {  	s28 =	simm.s32 $_size_execute0_lowered;
	s3 =	sadd.s32 s3, s5;
	[dreg:$0x0] =	wrdreg $0x0  }
0xa8: {  	s5 =	sshll.u32 s28, $0x1;
	[dreg:$0x2] =	wrdreg s3  }
0xa9: {  	[dreg:$0x3] =	wrdreg s5  }
0xaa: {  	[dreg:$0x4] =	wrdreg $0xC0  }
0xab: {  	_ =	task [dreg:s7], $0x5FFFF  }
0xac: {  	[dreg:$0x1] =	wrdreg $0xFFFFFFFF  }
0xad: {  	[dreg:$0x0] =	wrdreg $0x60  }
0xae: {  	[dreg:$0x2] =	wrdreg s24  }
0xaf: {  	[dreg:$0x3] =	wrdreg s2  }
0xb0: {  	[dreg:$0x4] =	wrdreg $0xC3500  }
0xb1: {  	[dreg:$0x5] =	wrdreg $0x186A00  }
0xb2: {  	[dreg:$0x6] =	wrdreg $0x9  }
0xb3: {  	_ =	task.clear_ibuf [dreg:s7], $0x7FFFF;
	_ =	strace $0x90000049  }
0xb4: {  	s29 =	simm.s32 $0x9;
	_ =	strace $0x8000004B  }
0xb5: {  	_ =	swait.ge [sflag:s29], $0x1  }
0xb6: {  	[sflag:s29] =	ssyncadd.s32 $0xFFFFFFFF  }
0xb7: {  	_ =	strace $0x9000004B  }
0xb8: {  	_ =	sfence  }
0xb9: {  	s30 =	sld [smem:$0x0];
	_ =	sdelay $0x2  }
0xba: {  	s31 =	sshll.u32 s1, $0xD;
	s1 =	sshrl.u32 s1, $0x2  }
0xbb: {  	s3 =	sand.u32 $0x4000, s31;
	s1 =	sadd.s32 s1, s30  }
0xbc: {  	s0 =	sor.u32 s3, s0;
	s1 =	sshll.u32 s1, $0x11  }
0xbd: {  	s0 =	sor.u32 s1, s0  }
0xbe: {  	s0 =	sadd.s32 $0x8F2B, s0  }
0xbf: {  	[sflag:s0] =	ssyncadd.remote.s32 $0x1  }
0xc0: {  	_ =	sfence.sel $0xFFFF  }
0xc1: {  	[dreg:$0x0] =	wrdreg $0xFFFFFFFF;
	(pc) =	sbr.abs _section_cstart, $3  }
0xc2: {  	[dreg:$0x1] =	wrdreg $0xFFFFFFFF  }
0xc3: {  	_ =	task.clear_ibuf [dreg:s7], $0x2FFFF;
	_ =	strace $0x9FFFFFFF  }
0xc4: {  	(tm) =	ssettm $0x7FFFFFFF  }
0xc5: {  	_ =	shalt  }
tec
execute0_lowered:
.L_overlay_start_1:
0x0: {  	(tag) =	ssettag $0x1  }
0x1: {  	s0 =	rddreg [dreg:$0x0]  }
0x2: {  	s1 =	rddreg [dreg:$0x1]  }
0x3: {  	s2 =	rddreg [dreg:$0x2]  }
0x4: {  	s3 =	rddreg [dreg:$0x3]  }
0x5: {  	s5 =	srdreg.scid;
	s11 =	stileid.u32  }
0x6: {  	s4 =	simm.s32 $0x0;
	s6 =	sand.u32 $0x1, s5;
	s5 =	smul.u32 $0xC350, s11  }
0x7: {  	[smem:$0x7FF] =	sst s4;
	s12 =	sadd.s32 $0x33400, s0;
	s18 =	sadd.s32 $0x33402, s0  }
0x8: {  	_ =	strace $0x8000004A;
	s14 =	sadd.s32 s12, s5;
	[dreg:$0x5] =	wrdreg s5  }
0x9: {  	s8 =	sadd.s32 $0x1AC00, s0;
	s19 =	sadd.s32 s5, s18;
	[dreg:$0x6] =	wrdreg s14  }
0xa: {  	s13 =	smul.u32 $0x30D40, s11;
	s20 =	sadd.s32 $0x2710, s5;
	[dreg:$0xf] =	wrdreg s19  }
0xb: {  	p2 =	seq.s32 s11, $0x1;
	s21 =	sadd.s32 $0x4E20, s5;
	[dreg:$0x7] =	wrdreg s20  }
0xc: {  	p1 =	sne.s32 s11, $0x0;
	s22 =	sadd.s32 $0x7530, s5;
	[dreg:$0x9] =	wrdreg s21  }
0xd: {  	s30 =	sadd.s32 $0x33404, s0;
	s23 =	sadd.s32 $0x9C40, s5;
	[dreg:$0xa] =	wrdreg s22  }
0xe: {  	s7 =	ssub.s32 $0x2, s6;
	s15 =	sadd.s32 s12, s20;
	[dreg:$0xd] =	wrdreg s23  }
0xf: {  	p0 =	seq.s32 s6, $0x1;
	s16 =	sadd.s32 s12, s21;
	[dreg:$0x8] =	wrdreg s15  }
0x10: {  	p3 =	sne.s32 @!p2 s11, $0x0;
	s17 =	sadd.s32 s12, s22;
	[dreg:$0xb] =	wrdreg s16  }
0x11: {  	s9 =	sshrl.u32 s7, $0x1;
	s12 =	sadd.s32 s12, s23;
	[dreg:$0xc] =	wrdreg s17  }
0x12: {  	s10 =	sshrl.u32 s5, $0x3;
	s24 =	sadd.s32 s20, s18;
	[dreg:$0xe] =	wrdreg s12  }
0x13: {  	s13 =	sshrl.u32 s13, $0x2;
	s25 =	sadd.s32 s21, s18;
	[dreg:$0x10] =	wrdreg s24  }
0x14: {  	s9 =	ssub.s32 s7, s9;
	s26 =	sadd.s32 s22, s18;
	[dreg:$0x11] =	wrdreg s25  }
0x15: {  	s6 =	sadd.s32 s8, s10;
	[dreg:$0x12] =	wrdreg s26;
	s12 =	sadd.s32 s23, s18  }
0x16: {  	s10 =	smul.u32 $0xC3500, s11;
	s16 =	sadd.s32 s21, s30;
	[dreg:$0x13] =	wrdreg s12  }
0x17: {  	s19 =	sadd.s32 $0x33408, s0;
	s18 =	sadd.s32 s22, s30;
	[dreg:$0x16] =	wrdreg s16  }
0x18: {  	s15 =	smul.u32 $0x186A, s11;
	s11 =	sadd.s32 s23, s30;
	[dreg:$0x17] =	wrdreg s18  }
0x19: {  	s7 =	sadd.s32 s13, s2;
	s24 =	sadd.s32 s5, s19;
	[dreg:$0x18] =	wrdreg s11  }
0x1a: {  	s13 =	sadd.s32 $0xBF68, s5;
	s25 =	sadd.s32 s20, s19;
	[dreg:$0x19] =	wrdreg s24  }
0x1b: {  	s14 =	sshrl.u32 s13, $0x3;
	s26 =	sadd.s32 s21, s19;
	[dreg:$0x1a] =	wrdreg s25  }
0x1c: {  	s17 =	sadd.s32 s8, s14;
	s14 =	sadd.s32 s5, s30;
	[dreg:$0x1b] =	wrdreg s26  }
0x1d: {  	s12 =	sadd.s32 s23, s19;
	[dreg:$0x14] =	wrdreg s14  }
0x1e: {  	s8 =	sadd.s32 s15, s8;
	s15 =	sadd.s32 s20, s30;
	[dreg:$0x1d] =	wrdreg s12  }
0x1f: {  	s24 =	sadd.s32 $0x3340C, s0;
	s30 =	sadd.s32 s22, s19;
	[dreg:$0x15] =	wrdreg s15  }
0x20: {  	s25 =	sadd.s32 s20, s24;
	[dreg:$0x1c] =	wrdreg s30  }
0x21: {  	s14 =	sadd.s32 $0x3340A, s0;
	s26 =	sadd.s32 s21, s24;
	[smem:$0x7D2] =	sst s25  }
0x22: {  	s15 =	sadd.s32 s5, s14;
	[smem:$0x7D3] =	sst s26  }
0x23: {  	s16 =	sadd.s32 s20, s14;
	[dreg:$0x1e] =	wrdreg s15  }
0x24: {  	s18 =	sadd.s32 s21, s14;
	[dreg:$0x1f] =	wrdreg s16  }
0x25: {  	s19 =	sadd.s32 s22, s14;
	[smem:$0x7CE] =	sst s18  }
0x26: {  	s11 =	sadd.s32 s23, s14;
	[smem:$0x7CF] =	sst s19  }
0x27: {  	s5 =	sadd.s32 s5, s24;
	[smem:$0x7D0] =	sst s11  }
0x28: {  	s30 =	sadd.s32 s22, s24;
	[smem:$0x7D1] =	sst s5  }
0x29: {  	s31 =	sadd.s32 s20, s2;
	s14 =	sadd.s32 s23, s24;
	[smem:$0x7D4] =	sst s30  }
0x2a: {  	s12 =	sadd.s32 $0x189E802, s0;
	s20 =	sadd.s32 $0x3A98, s3;
	[smem:$0x7D5] =	sst s14  }
0x2b: {  	s15 =	sadd.s32 s10, s12;
	[smem:$0x7F7] =	sst s20  }
0x2c: {  	s16 =	sadd.s32 $0x189E806, s0;
	[smem:$0x7D6] =	sst s15  }
0x2d: {  	s30 =	sadd.s32 $0x189E80E, s0;
	[smem:$0x7D8] =	sst s16  }
0x2e: {  	s14 =	sadd.s32 $0x2400, s0;
	[smem:$0x7DD] =	sst s30  }
0x2f: {  	s5 =	sadd.s32 s10, s16;
	[smem:$0x7E1] =	sst s14  }
0x30: {  	s15 =	sadd.s32 $0x189E804, s0;
	s14 =	sadd.s32 $0x4753, s0;
	[smem:$0x7D9] =	sst s5  }
0x31: {  	s16 =	sadd.s32 $0x189E808, s0;
	s18 =	sadd.s32 s10, s15;
	[smem:$0x7E8] =	sst s14  }
0x32: {  	s19 =	sadd.s32 s10, s16;
	[smem:$0x7D7] =	sst s18  }
0x33: {  	s5 =	sadd.s32 s10, s30;
	[smem:$0x7DA] =	sst s19  }
0x34: {  	s30 =	sadd.s32 $0x33406, s0;
	[smem:$0x7DE] =	sst s5  }
0x35: {  	[smem:$0x7E4] =	sst s30;
	s30 =	sadd.s32 $0x4EA6, s0  }
0x36: {  	s18 =	sadd.s32 $0x189E80A, s0;
	s5 =	sshll.u32 s13, $0x4;
	[smem:$0x7EB] =	sst s30  }
0x37: {  	s19 =	sadd.s32 $0x189E80C, s0;
	s25 =	sadd.s32 s10, s18;
	[smem:$0x7F3] =	sst s5  }
0x38: {  	s11 =	sadd.s32 $0x189E800, s0;
	s26 =	sadd.s32 s10, s19;
	[smem:$0x7DB] =	sst s25  }
0x39: {  	s24 =	sadd.s32 s11, s10;
	s10 =	smax.u32 s9, $0x1;
	[smem:$0x7DC] =	sst s26  }
0x3a: {  	s13 =	sadd.s32 s11, s5;
	[smem:$0x7DF] =	sst s10  }
0x3b: {  	s11 =	sadd.s32 $0x4271, s0;
	[smem:$0x7E0] =	sst s13  }
0x3c: {  	s12 =	sadd.s32 s5, s12;
	[smem:$0x7E6] =	sst s11  }
0x3d: {  	s14 =	sadd.s32 s5, s16;
	[smem:$0x7EF] =	sst s12  }
0x3e: {  	s16 =	sadd.s32 s5, s19;
	[smem:$0x7F1] =	sst s14  }
0x3f: {  	s19 =	sadd.s32 $0x2710, s3;
	[smem:$0x7F4] =	sst s16  }
0x40: {  	s30 =	sadd.s32 $0xAFC8, s3;
	[smem:$0x7F6] =	sst s19  }
0x41: {  	s25 =	sadd.s32 $0x3E00, s0;
	[smem:$0x7FD] =	sst s30  }
0x42: {  	s26 =	sadd.s32 $0x4000, s0;
	[smem:$0x7E2] =	sst s25  }
0x43: {  	s10 =	sadd.s32 $0x3340E, s0;
	[smem:$0x7E3] =	sst s26  }
0x44: {  	s13 =	sadd.s32 $0x44E2, s0;
	[smem:$0x7E5] =	sst s10  }
0x45: {  	s28 =	simm.s32 $0x4650;
	s11 =	sadd.s32 $0x5388, s0;
	[smem:$0x7E7] =	sst s13  }
0x46: {  	s16 =	sadd.s32 s23, s2;
	s23 =	sadd.s32 $0x7530, s3;
	[smem:$0x7ED] =	sst s11  }
0x47: {  	s29 =	simm.s32 $0x2;
	s25 =	sadd.s32 $0x49C4, s0;
	[smem:$0x7FA] =	sst s23  }
0x48: {  	p3 =	por p3, p2;
	s26 =	sadd.s32 $0x4C35, s0;
	[smem:$0x7E9] =	sst s25  }
0x49: {  	s20 =	simm.s32 $0x3;
	s10 =	sadd.s32 $0x5117, s0;
	[smem:$0x7EA] =	sst s26  }
0x4a: {  	s19 =	simm.s32 $0x80;
	s0 =	sadd.s32 $0x55F9, s0;
	[smem:$0x7EC] =	sst s10  }
0x4b: {  	s13 =	sadd.s32 s5, s15;
	s15 =	sadd.s32 s5, s18;
	[smem:$0x7EE] =	sst s0  }
0x4c: {  	s18 =	sadd.s32 $0x1388, s3;
	s23 =	simm.s32 $0x1;
	[smem:$0x7F0] =	sst s13  }
0x4d: {  	[smem:$0x7F2] =	sst s15;
	s15 =	sadd.s32 $0xFA, s8;
	s0 =	sadd.s32 s21, s2  }
0x4e: {  	s10 =	sadd.s32 s22, s2;
	[smem:$0x7F5] =	sst s18;
	s21 =	sadd.s32 $0x4E20, s3  }
.Ltmp0:
0x4f: {  	s22 =	sadd.s32 $0x61A8, s3;
	[smem:$0x7F8] =	sst s21;
	(pc) =	sbr.rel .LBB2_1-.Ltmp0, $4  }
0x50: {  	s25 =	sadd.s32 $0x88B8, s3;
	s26 =	sadd.s32 $0x9C40, s3;
	[smem:$0x7F9] =	sst s22  }
0x51: {  	s18 =	simm.s32 $0x10;
	s8 =	simm.s32 $0xAFC8;
	[smem:$0x7FB] =	sst s25  }
0x52: {  	s13 =	simm.s32 $0x0;
	[smem:$0x7FC] =	sst s26;
	s22 =	simm.s32 $0x3E8  }
0x53: {  	s25 =	simm.s32 $0x4268;
	s21 =	simm.s32 $0x88B8;
	s26 =	simm.s32 $0x84D0  }
.LBB2_22:
0x54: {  	s11 =	sld [smem:$0x7DD]  }
0x55: {  	[sflag:s20] =	ssyncadd.s32 $0xFFFFC180;
	s9 =	sld [smem:$0x7E5]  }
.LBB2_23:
0x56: {  	_ =	swait.ge [sflag:s23], $0x3E8  }
0x57: {  	[sflag:s23] =	ssyncset.done $0x0  }
0x58: {  	[sflag:s23] =	ssyncadd.s32 $0xFFFFFC18  }
0x59: {  	_ =	swait.ge [sflag:s23], $0x3E80  }
0x5a: {  	[sflag:s23] =	ssyncset.done $0x0;
	s5 =	sld [smem:$0x7F3]  }
0x5b: {  	[sflag:s23] =	ssyncadd.s32 $0xFFFFC180  }
0x5c: {  	[tilespmem:s25], [sflag:$0x2] =	stream.linear.gather [hbm4b:s17+s4], $0x3E8, $0x38;
	[tilespmem:$0x192D8] =	vst v63  }
0x5d: {  	s5 =	sadd.s32 s5, s11  }
0x5e: {  	[tilespmem:s28], [sflag:$0x2] =	stream.strided.gather [hbm4b:s5+s18], $0x3E80, s19, s18, $0x38;
	[tilespmem:$0x192D8] =	vst v63  }
0x5f: {  	_ = 	snop  }
0x60: {  	[spmem:s2] =	stream.indirect.scatter.add.f32 [tilespmem:s22], [sflag:$0x3], $0x10, s4, s22, $0xb8;
	[tilespmem:$0x192D8] =	vst v63  }
0x61: {  	_ =	swait.ge [sflag:s20], $0x3E80  }
0x62: {  	[sflag:s20] =	ssyncset.done $0x0  }
0x63: {  	[sflag:s20] =	ssyncadd.s32 $0xFFFFC180  }
0x64: {  	_ =	swait.ge [sflag:s29], $0x3E8  }
0x65: {  	[sflag:s29] =	ssyncset.done $0x0  }
0x66: {  	[sflag:s29] =	ssyncadd.s32 $0xFFFFFC18  }
0x67: {  	_ =	swait.ge [sflag:s29], $0x3E80  }
0x68: {  	[sflag:s29] =	ssyncset.done $0x0  }
0x69: {  	[sflag:s29] =	ssyncadd.s32 $0xFFFFC180  }
0x6a: {  	[spmem:s2] =	stream.indirect.scatter.add.f32 [tilespmem:s28], [sflag:$0x3], $0x10, s25, s22, $0xb8;
	[tilespmem:$0x192D8] =	vst v63  }
0x6b: {  	_ =	swait.ge [sflag:s20], $0x3E80  }
0x6c: {  	[sflag:s20] =	ssyncset.done $0x0  }
0x6d: {  	[sflag:s20] =	ssyncadd.s32 $0xFFFFC180  }
0x6e: {  	[bflag:$0x0] =	sbarrier.arrive $0xFFFF  }
0x6f: {  	[tilespmem:s21], [sflag:$0x3] =	stream.linear.gather [spmem:s7], $0x2710, $0x38;
	[tilespmem:$0x192D8] =	vst v63  }
0x70: {  	_ =	swait.ge [sflag:s20], $0x2710  }
0x71: {  	[sflag:s20] =	ssyncset.done $0x0;
	s14 =	rddreg [dreg:$0x5]  }
0x72: {  	s5 =	sadd.s32 s14, s9;
	[sflag:s20] =	ssyncadd.s32 $0xFFFFD8F0  }
0x73: {  	[hbm4b:s5+s18] =	stream.strided.scatter [tilespmem:s21], [sflag:$0x3], $0x2710, s19, s18, $0x38;
	[tilespmem:$0x192D8] =	vst v63  }
0x74: {  	_ =	swait.ge [sflag:s20], $0x2710  }
0x75: {  	[sflag:s20] =	ssyncset.done $0x0  }
0x76: {  	[sflag:s20] =	ssyncadd.s32 $0xFFFFD8F0  }
0x77: {  	[tilespmem:s21], [sflag:$0x3] =	stream.linear.gather [spmem:s31], $0x2710, $0x38;
	[tilespmem:$0x192D8] =	vst v63  }
0x78: {  	_ =	swait.ge [sflag:s20], $0x2710  }
0x79: {  	[sflag:s20] =	ssyncset.done $0x0;
	s30 =	rddreg [dreg:$0x7]  }
0x7a: {  	s5 =	sadd.s32 s30, s9;
	[sflag:s20] =	ssyncadd.s32 $0xFFFFD8F0  }
0x7b: {  	[hbm4b:s5+s18] =	stream.strided.scatter [tilespmem:s21], [sflag:$0x3], $0x2710, s19, s18, $0x38;
	[tilespmem:$0x192D8] =	vst v63  }
0x7c: {  	_ =	swait.ge [sflag:s20], $0x2710  }
0x7d: {  	[sflag:s20] =	ssyncset.done $0x0  }
0x7e: {  	[sflag:s20] =	ssyncadd.s32 $0xFFFFD8F0  }
0x7f: {  	[tilespmem:s21], [sflag:$0x3] =	stream.linear.gather [spmem:s0], $0x2710, $0x38;
	[tilespmem:$0x192D8] =	vst v63  }
0x80: {  	_ =	swait.ge [sflag:s20], $0x2710  }
0x81: {  	[sflag:s20] =	ssyncset.done $0x0;
	s11 =	rddreg [dreg:$0x9]  }
0x82: {  	s5 =	sadd.s32 s11, s9;
	[sflag:s20] =	ssyncadd.s32 $0xFFFFD8F0  }
0x83: {  	[hbm4b:s5+s18] =	stream.strided.scatter [tilespmem:s21], [sflag:$0x3], $0x2710, s19, s18, $0x38;
	[tilespmem:$0x192D8] =	vst v63  }
0x84: {  	_ =	swait.ge [sflag:s20], $0x2710  }
0x85: {  	[sflag:s20] =	ssyncset.done $0x0  }
0x86: {  	[sflag:s20] =	ssyncadd.s32 $0xFFFFD8F0  }
0x87: {  	[tilespmem:s21], [sflag:$0x3] =	stream.linear.gather [spmem:s10], $0x2710, $0x38;
	[tilespmem:$0x192D8] =	vst v63  }
0x88: {  	_ =	swait.ge [sflag:s20], $0x2710  }
0x89: {  	[sflag:s20] =	ssyncset.done $0x0;
	s12 =	rddreg [dreg:$0xa]  }
0x8a: {  	s5 =	sadd.s32 s12, s9;
	[sflag:s20] =	ssyncadd.s32 $0xFFFFD8F0  }
0x8b: {  	[hbm4b:s5+s18] =	stream.strided.scatter [tilespmem:s21], [sflag:$0x3], $0x2710, s19, s18, $0x38;
	[tilespmem:$0x192D8] =	vst v63  }
0x8c: {  	_ =	swait.ge [sflag:s20], $0x2710  }
0x8d: {  	[sflag:s20] =	ssyncset.done $0x0  }
0x8e: {  	[sflag:s20] =	ssyncadd.s32 $0xFFFFD8F0  }
0x8f: {  	[tilespmem:s21], [sflag:$0x3] =	stream.linear.gather [spmem:s16], $0x2710, $0x38;
	[tilespmem:$0x192D8] =	vst v63  }
0x90: {  	_ =	swait.ge [sflag:s20], $0x2710  }
0x91: {  	[sflag:s20] =	ssyncset.done $0x0;
	s14 =	rddreg [dreg:$0xd]  }
0x92: {  	s5 =	sadd.s32 s14, s9;
	[sflag:s20] =	ssyncadd.s32 $0xFFFFD8F0  }
0x93: {  	[hbm4b:s5+s18] =	stream.strided.scatter [tilespmem:s21], [sflag:$0x3], $0x2710, s19, s18, $0x38;
	[tilespmem:$0x192D8] =	vst v63  }
0x94: {  	_ =	swait.ge [sflag:s20], $0x2710  }
0x95: {  	s30 =	sld [smem:$0x7DF];
	_ =	sdelay $0x1  }
0x96: {  	s13 =	sadd.s32 $0x1, s13  }
0x97: {  	p4 =	sne.s32 s13, s30  }
.Ltmp1:
0x98: {  	_ = 	snop;
	(pc) =	sbr.rel @!p4 .LBB2_24-.Ltmp1, $3  }
0x99: {  	_ =	sdelay $0x1  }
0x9a: {  	[sflag:s20] =	ssyncset.done $0x0  }
0x9b: {  	[sflag:s20] =	ssyncadd.s32 $0xFFFFD8F0  }
.LBB2_1:
.Ltmp2:
0x9c: {  	(pc) =	sbr.rel @!p0 .LBB2_2-.Ltmp2, $3  }
0x9d: {  	_ =	sdelay $0x1  }
0x9e: {  	[bflag:$0x0] =	sbarrier.arrive $0xFFFF  }
0x9f: {  	s9 =	sshrl.u32 @!p1 s2, $0x3  }
0xa0: {  	s5 =	simm.s32 @!p1 $0x1C03  }
0xa1: {  	[spmem:s9], [sflag:s5] =	dma.local @!p1 [hbm:s1], $0x186A0  }
0xa2: {  	s5 =	simm.s32 @!p1 $0x3  }
0xa3: {  	_ =	swait.ge @!p1 [sflag:s5], $0x186A0  }
0xa4: {  	[sflag:s5] =	ssyncset.done @!p1 $0x0  }
0xa5: {  	s11 =	simm.s32 $0x0;
	s12 =	sld [smem:$0x7DA];
	[sflag:s5] =	ssyncadd.s32 @!p1 $0xFFFE7960  }
0xa6: {  	[tilespmem:s11], [sflag:$0x1] =	stream.linear.gather [hbm4b:s6+s11], $0x3E8, $0x38;
	[tilespmem:$0x192D8] =	vst v63  }
0xa7: {  	_ = 	snop  }
0xa8: {  	[tilespmem:s22], [sflag:$0x1] =	stream.strided.gather [hbm4b:s12+s18], $0x3E80, s19, s18, $0x38;
	[tilespmem:$0x192D8] =	vst v63  }
0xa9: {  	[bflag:$0x0] =	sbarrier.arrive $0xFFFF  }
0xaa: {  	_ =	swait.ge [sflag:s23], $0x3E8  }
0xab: {  	[sflag:s23] =	ssyncset.done $0x0  }
0xac: {  	[sflag:s23] =	ssyncadd.s32 $0xFFFFFC18  }
0xad: {  	_ =	swait.ge [sflag:s23], $0x3E80  }
0xae: {  	[sflag:s23] =	ssyncset.done $0x0  }
0xaf: {  	s14 =	sadd.s32 $0x0, s24;
	s11 =	sadd.s32 $0xFFFFFF83, s15;
	[sflag:s23] =	ssyncadd.s32 $0xFFFFC180  }
0xb0: {  	[tilespmem:s25], [sflag:$0x2] =	stream.linear.gather [hbm4b:s11+s4], $0x3E8, $0x38;
	[tilespmem:$0x192D8] =	vst v63  }
0xb1: {  	s12 =	sadd.s32 $0x3E88, s14  }
0xb2: {  	[tilespmem:s28], [sflag:$0x2] =	stream.strided.gather [hbm4b:s12+s18], $0x3E80, s19, s18, $0x38;
	[tilespmem:$0x192D8] =	vst v63  }
0xb3: {  	_ = 	snop  }
0xb4: {  	[spmem:s2] =	stream.indirect.scatter.add.f32 [tilespmem:s22], [sflag:$0x3], $0x10, s4, s22, $0xb8;
	[tilespmem:$0x192D8] =	vst v63  }
0xb5: {  	_ =	swait.ge [sflag:s20], $0x3E80  }
0xb6: {  	[sflag:s20] =	ssyncset.done $0x0  }
0xb7: {  	[sflag:s20] =	ssyncadd.s32 $0xFFFFC180  }
0xb8: {  	[tilespmem:s4], [sflag:$0x1] =	stream.linear.gather [hbm4b:s15+s4], $0x3E8, $0x38;
	[tilespmem:$0x192D8] =	vst v63  }
0xb9: {  	s5 =	sadd.s32 $0x7D08, s14  }
0xba: {  	[tilespmem:s22], [sflag:$0x1] =	stream.strided.gather [hbm4b:s5+s18], $0x3E80, s19, s18, $0x38;
	[tilespmem:$0x192D8] =	vst v63  }
0xbb: {  	_ =	swait.ge [sflag:s29], $0x3E8  }
0xbc: {  	[sflag:s29] =	ssyncset.done $0x0  }
0xbd: {  	[sflag:s29] =	ssyncadd.s32 $0xFFFFFC18  }
0xbe: {  	_ =	swait.ge [sflag:s29], $0x3E80  }
0xbf: {  	[sflag:s29] =	ssyncset.done $0x0  }
0xc0: {  	[sflag:s29] =	ssyncadd.s32 $0xFFFFC180  }
0xc1: {  	[spmem:s2] =	stream.indirect.scatter.add.f32 [tilespmem:s28], [sflag:$0x3], $0x10, s25, s22, $0xb8;
	[tilespmem:$0x192D8] =	vst v63  }
0xc2: {  	_ =	swait.ge [sflag:s20], $0x3E80  }
0xc3: {  	s30 =	smov.u32 s15;
	s12 =	simm.s32 $0x7D00;
	[sflag:s20] =	ssyncset.done $0x0  }
.LBB2_15:
0xc4: {  	p4 =	sne.s32 s12, $0xB3B00;
	[sflag:s20] =	ssyncadd.s32 $0xFFFFC180;
	s30 =	sadd.s32 $0xFA, s30  }
0xc5: {  	s5 =	smov.u32 s12;
	s12 =	sadd.s32 $0x7D00, s12;
	_ =	swait.ge [sflag:s23], $0x3E8  }
0xc6: {  	[sflag:s23] =	ssyncset.done $0x0  }
0xc7: {  	[sflag:s23] =	ssyncadd.s32 $0xFFFFFC18  }
0xc8: {  	_ =	swait.ge [sflag:s23], $0x3E80  }
0xc9: {  	[sflag:s23] =	ssyncset.done $0x0  }
0xca: {  	s14 =	sadd.s32 $0xFFFFFF83, s30;
	s5 =	sadd.s32 s5, s24;
	[sflag:s23] =	ssyncadd.s32 $0xFFFFC180  }
0xcb: {  	[tilespmem:s25], [sflag:$0x2] =	stream.linear.gather [hbm4b:s14+s4], $0x3E8, $0x38;
	[tilespmem:$0x192D8] =	vst v63  }
0xcc: {  	s14 =	sadd.s32 $0x3E88, s5  }
0xcd: {  	[tilespmem:s28], [sflag:$0x2] =	stream.strided.gather [hbm4b:s14+s18], $0x3E80, s19, s18, $0x38;
	[tilespmem:$0x192D8] =	vst v63  }
0xce: {  	_ = 	snop  }
0xcf: {  	[spmem:s2] =	stream.indirect.scatter.add.f32 [tilespmem:s22], [sflag:$0x3], $0x10, s4, s22, $0xb8;
	[tilespmem:$0x192D8] =	vst v63  }
0xd0: {  	_ =	swait.ge [sflag:s20], $0x3E80  }
0xd1: {  	[sflag:s20] =	ssyncset.done $0x0  }
0xd2: {  	[sflag:s20] =	ssyncadd.s32 $0xFFFFC180  }
0xd3: {  	[tilespmem:s4], [sflag:$0x1] =	stream.linear.gather [hbm4b:s30+s4], $0x3E8, $0x38;
	[tilespmem:$0x192D8] =	vst v63  }
0xd4: {  	s5 =	sadd.s32 $0x7D08, s5  }
0xd5: {  	[tilespmem:s22], [sflag:$0x1] =	stream.strided.gather [hbm4b:s5+s18], $0x3E80, s19, s18, $0x38;
	[tilespmem:$0x192D8] =	vst v63  }
0xd6: {  	_ =	swait.ge [sflag:s29], $0x3E8  }
0xd7: {  	[sflag:s29] =	ssyncset.done $0x0  }
0xd8: {  	[sflag:s29] =	ssyncadd.s32 $0xFFFFFC18  }
0xd9: {  	_ =	swait.ge [sflag:s29], $0x3E80  }
.Ltmp3:
0xda: {  	[sflag:s29] =	ssyncset.done $0x0;
	(pc) =	sbr.rel @p4 .LBB2_15-.Ltmp3, $4  }
0xdb: {  	[sflag:s29] =	ssyncadd.s32 $0xFFFFC180  }
0xdc: {  	[spmem:s2] =	stream.indirect.scatter.add.f32 [tilespmem:s28], [sflag:$0x3], $0x10, s25, s22, $0xb8;
	[tilespmem:$0x192D8] =	vst v63  }
0xdd: {  	_ =	swait.ge [sflag:s20], $0x3E80  }
0xde: {  	[sflag:s20] =	ssyncset.done $0x0  }
0xdf: {  	[sflag:s20] =	ssyncadd.s32 $0xFFFFC180  }
0xe0: {  	_ =	swait.ge [sflag:s23], $0x3E8  }
0xe1: {  	[sflag:s23] =	ssyncset.done $0x0  }
0xe2: {  	[sflag:s23] =	ssyncadd.s32 $0xFFFFFC18  }
0xe3: {  	_ =	swait.ge [sflag:s23], $0x3E80  }
0xe4: {  	[sflag:s23] =	ssyncset.done $0x0  }
0xe5: {  	s5 =	sld [smem:$0x7F1];
	[sflag:s23] =	ssyncadd.s32 $0xFFFFC180  }
0xe6: {  	[tilespmem:s25], [sflag:$0x2] =	stream.linear.gather [hbm4b:s17+s4], $0x3E8, $0x38;
	[tilespmem:$0x192D8] =	vst v63  }
0xe7: {  	_ = 	snop  }
0xe8: {  	[tilespmem:s28], [sflag:$0x2] =	stream.strided.gather [hbm4b:s5+s18], $0x3E80, s19, s18, $0x38;
	[tilespmem:$0x192D8] =	vst v63  }
0xe9: {  	_ = 	snop  }
0xea: {  	[spmem:s2] =	stream.indirect.scatter.add.f32 [tilespmem:s22], [sflag:$0x3], $0x10, s4, s22, $0xb8;
	[tilespmem:$0x192D8] =	vst v63  }
0xeb: {  	_ =	swait.ge [sflag:s20], $0x3E80  }
0xec: {  	[sflag:s20] =	ssyncset.done $0x0  }
0xed: {  	[sflag:s20] =	ssyncadd.s32 $0xFFFFC180  }
0xee: {  	_ =	swait.ge [sflag:s29], $0x3E8  }
0xef: {  	[sflag:s29] =	ssyncset.done $0x0  }
0xf0: {  	[sflag:s29] =	ssyncadd.s32 $0xFFFFFC18  }
0xf1: {  	_ =	swait.ge [sflag:s29], $0x3E80  }
0xf2: {  	[sflag:s29] =	ssyncset.done $0x0  }
0xf3: {  	[sflag:s29] =	ssyncadd.s32 $0xFFFFC180  }
0xf4: {  	[spmem:s2] =	stream.indirect.scatter.add.f32 [tilespmem:s28], [sflag:$0x3], $0x10, s25, s22, $0xb8;
	[tilespmem:$0x192D8] =	vst v63  }
0xf5: {  	_ =	swait.ge [sflag:s20], $0x3E80  }
0xf6: {  	[sflag:s20] =	ssyncset.done $0x0  }
0xf7: {  	[sflag:s20] =	ssyncadd.s32 $0xFFFFC180  }
0xf8: {  	[bflag:$0x0] =	sbarrier.arrive $0xFFFF  }
0xf9: {  	[tilespmem:s21], [sflag:$0x3] =	stream.linear.gather [spmem:s7], $0x2710, $0x38;
	[tilespmem:$0x192D8] =	vst v63  }
0xfa: {  	_ =	swait.ge [sflag:s20], $0x2710  }
0xfb: {  	[sflag:s20] =	ssyncset.done $0x0  }
0xfc: {  	s12 =	rddreg [dreg:$0x19];
	[sflag:s20] =	ssyncadd.s32 $0xFFFFD8F0  }
0xfd: {  	[hbm4b:s12+s18] =	stream.strided.scatter [tilespmem:s21], [sflag:$0x3], $0x2710, s19, s18, $0x38;
	[tilespmem:$0x192D8] =	vst v63  }
0xfe: {  	_ =	swait.ge [sflag:s20], $0x2710  }
0xff: {  	[sflag:s20] =	ssyncset.done $0x0  }
0x100: {  	[sflag:s20] =	ssyncadd.s32 $0xFFFFD8F0  }
0x101: {  	[tilespmem:s21], [sflag:$0x3] =	stream.linear.gather [spmem:s31], $0x2710, $0x38;
	[tilespmem:$0x192D8] =	vst v63  }
0x102: {  	_ =	swait.ge [sflag:s20], $0x2710  }
0x103: {  	[sflag:s20] =	ssyncset.done $0x0  }
0x104: {  	s14 =	rddreg [dreg:$0x1a];
	[sflag:s20] =	ssyncadd.s32 $0xFFFFD8F0  }
0x105: {  	[hbm4b:s14+s18] =	stream.strided.scatter [tilespmem:s21], [sflag:$0x3], $0x2710, s19, s18, $0x38;
	[tilespmem:$0x192D8] =	vst v63  }
0x106: {  	_ =	swait.ge [sflag:s20], $0x2710  }
0x107: {  	[sflag:s20] =	ssyncset.done $0x0  }
0x108: {  	[sflag:s20] =	ssyncadd.s32 $0xFFFFD8F0  }
0x109: {  	[tilespmem:s21], [sflag:$0x3] =	stream.linear.gather [spmem:s0], $0x2710, $0x38;
	[tilespmem:$0x192D8] =	vst v63  }
0x10a: {  	_ =	swait.ge [sflag:s20], $0x2710  }
0x10b: {  	[sflag:s20] =	ssyncset.done $0x0  }
0x10c: {  	s12 =	rddreg [dreg:$0x1b];
	[sflag:s20] =	ssyncadd.s32 $0xFFFFD8F0  }
0x10d: {  	[hbm4b:s12+s18] =	stream.strided.scatter [tilespmem:s21], [sflag:$0x3], $0x2710, s19, s18, $0x38;
	[tilespmem:$0x192D8] =	vst v63  }
0x10e: {  	_ =	swait.ge [sflag:s20], $0x2710  }
0x10f: {  	[sflag:s20] =	ssyncset.done $0x0  }
0x110: {  	[sflag:s20] =	ssyncadd.s32 $0xFFFFD8F0  }
0x111: {  	[tilespmem:s21], [sflag:$0x3] =	stream.linear.gather [spmem:s10], $0x2710, $0x38;
	[tilespmem:$0x192D8] =	vst v63  }
0x112: {  	_ =	swait.ge [sflag:s20], $0x2710  }
0x113: {  	[sflag:s20] =	ssyncset.done $0x0  }
0x114: {  	s14 =	rddreg [dreg:$0x1c];
	[sflag:s20] =	ssyncadd.s32 $0xFFFFD8F0  }
0x115: {  	[hbm4b:s14+s18] =	stream.strided.scatter [tilespmem:s21], [sflag:$0x3], $0x2710, s19, s18, $0x38;
	[tilespmem:$0x192D8] =	vst v63  }
0x116: {  	_ =	swait.ge [sflag:s20], $0x2710  }
0x117: {  	[sflag:s20] =	ssyncset.done $0x0  }
0x118: {  	[sflag:s20] =	ssyncadd.s32 $0xFFFFD8F0  }
0x119: {  	[tilespmem:s21], [sflag:$0x3] =	stream.linear.gather [spmem:s16], $0x2710, $0x38;
	[tilespmem:$0x192D8] =	vst v63  }
0x11a: {  	_ =	swait.ge [sflag:s20], $0x2710  }
0x11b: {  	[sflag:s20] =	ssyncset.done $0x0  }
0x11c: {  	s12 =	rddreg [dreg:$0x1d];
	[sflag:s20] =	ssyncadd.s32 $0xFFFFD8F0  }
0x11d: {  	[hbm4b:s12+s18] =	stream.strided.scatter [tilespmem:s21], [sflag:$0x3], $0x2710, s19, s18, $0x38;
	[tilespmem:$0x192D8] =	vst v63  }
0x11e: {  	_ =	swait.ge [sflag:s20], $0x2710  }
0x11f: {  	[sflag:s20] =	ssyncset.done $0x0  }
0x120: {  	[sflag:s20] =	ssyncadd.s32 $0xFFFFD8F0  }
0x121: {  	s5 =	simm.s32 @!p1 $0x1C03;
	[bflag:$0x0] =	sbarrier.arrive $0xFFFF  }
0x122: {  	[spmem:s9], [sflag:s5] =	dma.local @!p1 [hbm:s1], $0x186A0  }
0x123: {  	s5 =	simm.s32 @!p1 $0x3  }
0x124: {  	_ =	swait.ge @!p1 [sflag:s5], $0x186A0  }
0x125: {  	[sflag:s5] =	ssyncset.done @!p1 $0x0  }
0x126: {  	s14 =	simm.s32 $0x0;
	s12 =	sld [smem:$0x7DB];
	[sflag:s5] =	ssyncadd.s32 @!p1 $0xFFFE7960  }
0x127: {  	[tilespmem:s14], [sflag:$0x1] =	stream.linear.gather [hbm4b:s6+s14], $0x3E8, $0x38;
	[tilespmem:$0x192D8] =	vst v63  }
0x128: {  	_ = 	snop  }
0x129: {  	[tilespmem:s22], [sflag:$0x1] =	stream.strided.gather [hbm4b:s12+s18], $0x3E80, s19, s18, $0x38;
	[tilespmem:$0x192D8] =	vst v63  }
0x12a: {  	[bflag:$0x0] =	sbarrier.arrive $0xFFFF  }
0x12b: {  	_ =	swait.ge [sflag:s23], $0x3E8  }
0x12c: {  	[sflag:s23] =	ssyncset.done $0x0  }
0x12d: {  	[sflag:s23] =	ssyncadd.s32 $0xFFFFFC18  }
0x12e: {  	_ =	swait.ge [sflag:s23], $0x3E80  }
0x12f: {  	[sflag:s23] =	ssyncset.done $0x0  }
0x130: {  	s14 =	sadd.s32 $0x0, s24;
	[sflag:s23] =	ssyncadd.s32 $0xFFFFC180  }
0x131: {  	[tilespmem:s25], [sflag:$0x2] =	stream.linear.gather [hbm4b:s11+s4], $0x3E8, $0x38;
	[tilespmem:$0x192D8] =	vst v63  }
0x132: {  	s12 =	sadd.s32 $0x3E8A, s14  }
0x133: {  	[tilespmem:s28], [sflag:$0x2] =	stream.strided.gather [hbm4b:s12+s18], $0x3E80, s19, s18, $0x38;
	[tilespmem:$0x192D8] =	vst v63  }
0x134: {  	_ = 	snop  }
0x135: {  	[spmem:s2] =	stream.indirect.scatter.add.f32 [tilespmem:s22], [sflag:$0x3], $0x10, s4, s22, $0xb8;
	[tilespmem:$0x192D8] =	vst v63  }
0x136: {  	_ =	swait.ge [sflag:s20], $0x3E80  }
0x137: {  	[sflag:s20] =	ssyncset.done $0x0  }
0x138: {  	[sflag:s20] =	ssyncadd.s32 $0xFFFFC180  }
0x139: {  	[tilespmem:s4], [sflag:$0x1] =	stream.linear.gather [hbm4b:s15+s4], $0x3E8, $0x38;
	[tilespmem:$0x192D8] =	vst v63  }
0x13a: {  	s5 =	sadd.s32 $0x7D0A, s14  }
0x13b: {  	[tilespmem:s22], [sflag:$0x1] =	stream.strided.gather [hbm4b:s5+s18], $0x3E80, s19, s18, $0x38;
	[tilespmem:$0x192D8] =	vst v63  }
0x13c: {  	_ =	swait.ge [sflag:s29], $0x3E8  }
0x13d: {  	[sflag:s29] =	ssyncset.done $0x0  }
0x13e: {  	[sflag:s29] =	ssyncadd.s32 $0xFFFFFC18  }
0x13f: {  	_ =	swait.ge [sflag:s29], $0x3E80  }
0x140: {  	[sflag:s29] =	ssyncset.done $0x0  }
0x141: {  	[sflag:s29] =	ssyncadd.s32 $0xFFFFC180  }
0x142: {  	[spmem:s2] =	stream.indirect.scatter.add.f32 [tilespmem:s28], [sflag:$0x3], $0x10, s25, s22, $0xb8;
	[tilespmem:$0x192D8] =	vst v63  }
0x143: {  	_ =	swait.ge [sflag:s20], $0x3E80  }
0x144: {  	s30 =	smov.u32 s15;
	s12 =	simm.s32 $0x7D00;
	[sflag:s20] =	ssyncset.done $0x0  }
.LBB2_17:
0x145: {  	p4 =	sne.s32 s12, $0xB3B00;
	[sflag:s20] =	ssyncadd.s32 $0xFFFFC180;
	s30 =	sadd.s32 $0xFA, s30  }
0x146: {  	s5 =	smov.u32 s12;
	s12 =	sadd.s32 $0x7D00, s12;
	_ =	swait.ge [sflag:s23], $0x3E8  }
0x147: {  	[sflag:s23] =	ssyncset.done $0x0  }
0x148: {  	[sflag:s23] =	ssyncadd.s32 $0xFFFFFC18  }
0x149: {  	_ =	swait.ge [sflag:s23], $0x3E80  }
0x14a: {  	[sflag:s23] =	ssyncset.done $0x0  }
0x14b: {  	s14 =	sadd.s32 $0xFFFFFF83, s30;
	s5 =	sadd.s32 s5, s24;
	[sflag:s23] =	ssyncadd.s32 $0xFFFFC180  }
0x14c: {  	[tilespmem:s25], [sflag:$0x2] =	stream.linear.gather [hbm4b:s14+s4], $0x3E8, $0x38;
	[tilespmem:$0x192D8] =	vst v63  }
0x14d: {  	s14 =	sadd.s32 $0x3E8A, s5  }
0x14e: {  	[tilespmem:s28], [sflag:$0x2] =	stream.strided.gather [hbm4b:s14+s18], $0x3E80, s19, s18, $0x38;
	[tilespmem:$0x192D8] =	vst v63  }
0x14f: {  	_ = 	snop  }
0x150: {  	[spmem:s2] =	stream.indirect.scatter.add.f32 [tilespmem:s22], [sflag:$0x3], $0x10, s4, s22, $0xb8;
	[tilespmem:$0x192D8] =	vst v63  }
0x151: {  	_ =	swait.ge [sflag:s20], $0x3E80  }
0x152: {  	[sflag:s20] =	ssyncset.done $0x0  }
0x153: {  	[sflag:s20] =	ssyncadd.s32 $0xFFFFC180  }
0x154: {  	[tilespmem:s4], [sflag:$0x1] =	stream.linear.gather [hbm4b:s30+s4], $0x3E8, $0x38;
	[tilespmem:$0x192D8] =	vst v63  }
0x155: {  	s5 =	sadd.s32 $0x7D0A, s5  }
0x156: {  	[tilespmem:s22], [sflag:$0x1] =	stream.strided.gather [hbm4b:s5+s18], $0x3E80, s19, s18, $0x38;
	[tilespmem:$0x192D8] =	vst v63  }
0x157: {  	_ =	swait.ge [sflag:s29], $0x3E8  }
0x158: {  	[sflag:s29] =	ssyncset.done $0x0  }
0x159: {  	[sflag:s29] =	ssyncadd.s32 $0xFFFFFC18  }
0x15a: {  	_ =	swait.ge [sflag:s29], $0x3E80  }
.Ltmp4:
0x15b: {  	[sflag:s29] =	ssyncset.done $0x0;
	(pc) =	sbr.rel @p4 .LBB2_17-.Ltmp4, $4  }
0x15c: {  	[sflag:s29] =	ssyncadd.s32 $0xFFFFC180  }
0x15d: {  	[spmem:s2] =	stream.indirect.scatter.add.f32 [tilespmem:s28], [sflag:$0x3], $0x10, s25, s22, $0xb8;
	[tilespmem:$0x192D8] =	vst v63  }
0x15e: {  	_ =	swait.ge [sflag:s20], $0x3E80  }
0x15f: {  	[sflag:s20] =	ssyncset.done $0x0  }
0x160: {  	[sflag:s20] =	ssyncadd.s32 $0xFFFFC180  }
0x161: {  	_ =	swait.ge [sflag:s23], $0x3E8  }
0x162: {  	[sflag:s23] =	ssyncset.done $0x0  }
0x163: {  	[sflag:s23] =	ssyncadd.s32 $0xFFFFFC18  }
0x164: {  	_ =	swait.ge [sflag:s23], $0x3E80  }
0x165: {  	[sflag:s23] =	ssyncset.done $0x0  }
0x166: {  	s5 =	sld [smem:$0x7F2];
	[sflag:s23] =	ssyncadd.s32 $0xFFFFC180  }
0x167: {  	[tilespmem:s25], [sflag:$0x2] =	stream.linear.gather [hbm4b:s17+s4], $0x3E8, $0x38;
	[tilespmem:$0x192D8] =	vst v63  }
0x168: {  	_ = 	snop  }
0x169: {  	[tilespmem:s28], [sflag:$0x2] =	stream.strided.gather [hbm4b:s5+s18], $0x3E80, s19, s18, $0x38;
	[tilespmem:$0x192D8] =	vst v63  }
0x16a: {  	_ = 	snop  }
0x16b: {  	[spmem:s2] =	stream.indirect.scatter.add.f32 [tilespmem:s22], [sflag:$0x3], $0x10, s4, s22, $0xb8;
	[tilespmem:$0x192D8] =	vst v63  }
0x16c: {  	_ =	swait.ge [sflag:s20], $0x3E80  }
0x16d: {  	[sflag:s20] =	ssyncset.done $0x0  }
0x16e: {  	[sflag:s20] =	ssyncadd.s32 $0xFFFFC180  }
0x16f: {  	_ =	swait.ge [sflag:s29], $0x3E8  }
0x170: {  	[sflag:s29] =	ssyncset.done $0x0  }
0x171: {  	[sflag:s29] =	ssyncadd.s32 $0xFFFFFC18  }
0x172: {  	_ =	swait.ge [sflag:s29], $0x3E80  }
0x173: {  	[sflag:s29] =	ssyncset.done $0x0  }
0x174: {  	[sflag:s29] =	ssyncadd.s32 $0xFFFFC180  }
0x175: {  	[spmem:s2] =	stream.indirect.scatter.add.f32 [tilespmem:s28], [sflag:$0x3], $0x10, s25, s22, $0xb8;
	[tilespmem:$0x192D8] =	vst v63  }
0x176: {  	_ =	swait.ge [sflag:s20], $0x3E80  }
0x177: {  	[sflag:s20] =	ssyncset.done $0x0  }
0x178: {  	[sflag:s20] =	ssyncadd.s32 $0xFFFFC180  }
0x179: {  	[bflag:$0x0] =	sbarrier.arrive $0xFFFF  }
0x17a: {  	[tilespmem:s21], [sflag:$0x3] =	stream.linear.gather [spmem:s7], $0x2710, $0x38;
	[tilespmem:$0x192D8] =	vst v63  }
0x17b: {  	_ =	swait.ge [sflag:s20], $0x2710  }
0x17c: {  	[sflag:s20] =	ssyncset.done $0x0  }
0x17d: {  	s12 =	rddreg [dreg:$0x1e];
	[sflag:s20] =	ssyncadd.s32 $0xFFFFD8F0  }
0x17e: {  	[hbm4b:s12+s18] =	stream.strided.scatter [tilespmem:s21], [sflag:$0x3], $0x2710, s19, s18, $0x38;
	[tilespmem:$0x192D8] =	vst v63  }
0x17f: {  	_ =	swait.ge [sflag:s20], $0x2710  }
0x180: {  	[sflag:s20] =	ssyncset.done $0x0  }
0x181: {  	[sflag:s20] =	ssyncadd.s32 $0xFFFFD8F0  }
0x182: {  	[tilespmem:s21], [sflag:$0x3] =	stream.linear.gather [spmem:s31], $0x2710, $0x38;
	[tilespmem:$0x192D8] =	vst v63  }
0x183: {  	_ =	swait.ge [sflag:s20], $0x2710  }
0x184: {  	[sflag:s20] =	ssyncset.done $0x0  }
0x185: {  	s14 =	rddreg [dreg:$0x1f];
	[sflag:s20] =	ssyncadd.s32 $0xFFFFD8F0  }
0x186: {  	[hbm4b:s14+s18] =	stream.strided.scatter [tilespmem:s21], [sflag:$0x3], $0x2710, s19, s18, $0x38;
	[tilespmem:$0x192D8] =	vst v63  }
0x187: {  	_ =	swait.ge [sflag:s20], $0x2710  }
0x188: {  	[sflag:s20] =	ssyncset.done $0x0  }
0x189: {  	[sflag:s20] =	ssyncadd.s32 $0xFFFFD8F0  }
0x18a: {  	[tilespmem:s21], [sflag:$0x3] =	stream.linear.gather [spmem:s0], $0x2710, $0x38;
	[tilespmem:$0x192D8] =	vst v63  }
0x18b: {  	_ =	swait.ge [sflag:s20], $0x2710  }
0x18c: {  	s12 =	sld [smem:$0x7CE]  }
0x18d: {  	[sflag:s20] =	ssyncset.done $0x0  }
0x18e: {  	[sflag:s20] =	ssyncadd.s32 $0xFFFFD8F0  }
0x18f: {  	[hbm4b:s12+s18] =	stream.strided.scatter [tilespmem:s21], [sflag:$0x3], $0x2710, s19, s18, $0x38;
	[tilespmem:$0x192D8] =	vst v63  }
0x190: {  	_ =	swait.ge [sflag:s20], $0x2710  }
0x191: {  	[sflag:s20] =	ssyncset.done $0x0  }
0x192: {  	[sflag:s20] =	ssyncadd.s32 $0xFFFFD8F0  }
0x193: {  	[tilespmem:s21], [sflag:$0x3] =	stream.linear.gather [spmem:s10], $0x2710, $0x38;
	[tilespmem:$0x192D8] =	vst v63  }
0x194: {  	_ =	swait.ge [sflag:s20], $0x2710  }
0x195: {  	s14 =	sld [smem:$0x7CF]  }
0x196: {  	[sflag:s20] =	ssyncset.done $0x0  }
0x197: {  	[sflag:s20] =	ssyncadd.s32 $0xFFFFD8F0  }
0x198: {  	[hbm4b:s14+s18] =	stream.strided.scatter [tilespmem:s21], [sflag:$0x3], $0x2710, s19, s18, $0x38;
	[tilespmem:$0x192D8] =	vst v63  }
0x199: {  	_ =	swait.ge [sflag:s20], $0x2710  }
0x19a: {  	[sflag:s20] =	ssyncset.done $0x0  }
0x19b: {  	[sflag:s20] =	ssyncadd.s32 $0xFFFFD8F0  }
0x19c: {  	[tilespmem:s21], [sflag:$0x3] =	stream.linear.gather [spmem:s16], $0x2710, $0x38;
	[tilespmem:$0x192D8] =	vst v63  }
0x19d: {  	_ =	swait.ge [sflag:s20], $0x2710  }
0x19e: {  	s12 =	sld [smem:$0x7D0]  }
0x19f: {  	[sflag:s20] =	ssyncset.done $0x0  }
0x1a0: {  	[sflag:s20] =	ssyncadd.s32 $0xFFFFD8F0  }
0x1a1: {  	[hbm4b:s12+s18] =	stream.strided.scatter [tilespmem:s21], [sflag:$0x3], $0x2710, s19, s18, $0x38;
	[tilespmem:$0x192D8] =	vst v63  }
0x1a2: {  	_ =	swait.ge [sflag:s20], $0x2710  }
0x1a3: {  	[sflag:s20] =	ssyncset.done $0x0  }
0x1a4: {  	[sflag:s20] =	ssyncadd.s32 $0xFFFFD8F0  }
0x1a5: {  	s5 =	simm.s32 @!p1 $0x1C03;
	[bflag:$0x0] =	sbarrier.arrive $0xFFFF  }
0x1a6: {  	[spmem:s9], [sflag:s5] =	dma.local @!p1 [hbm:s1], $0x186A0  }
0x1a7: {  	s5 =	simm.s32 @!p1 $0x3  }
0x1a8: {  	_ =	swait.ge @!p1 [sflag:s5], $0x186A0  }
0x1a9: {  	[sflag:s5] =	ssyncset.done @!p1 $0x0  }
0x1aa: {  	s14 =	simm.s32 $0x0;
	s12 =	sld [smem:$0x7DC];
	[sflag:s5] =	ssyncadd.s32 @!p1 $0xFFFE7960  }
0x1ab: {  	[tilespmem:s14], [sflag:$0x1] =	stream.linear.gather [hbm4b:s6+s14], $0x3E8, $0x38;
	[tilespmem:$0x192D8] =	vst v63  }
0x1ac: {  	_ = 	snop  }
0x1ad: {  	[tilespmem:s22], [sflag:$0x1] =	stream.strided.gather [hbm4b:s12+s18], $0x3E80, s19, s18, $0x38;
	[tilespmem:$0x192D8] =	vst v63  }
0x1ae: {  	[bflag:$0x0] =	sbarrier.arrive $0xFFFF  }
0x1af: {  	_ =	swait.ge [sflag:s23], $0x3E8  }
0x1b0: {  	[sflag:s23] =	ssyncset.done $0x0  }
0x1b1: {  	[sflag:s23] =	ssyncadd.s32 $0xFFFFFC18  }
0x1b2: {  	_ =	swait.ge [sflag:s23], $0x3E80  }
0x1b3: {  	[sflag:s23] =	ssyncset.done $0x0  }
0x1b4: {  	s14 =	sadd.s32 $0x0, s24;
	[sflag:s23] =	ssyncadd.s32 $0xFFFFC180  }
0x1b5: {  	[tilespmem:s25], [sflag:$0x2] =	stream.linear.gather [hbm4b:s11+s4], $0x3E8, $0x38;
	[tilespmem:$0x192D8] =	vst v63  }
0x1b6: {  	s12 =	sadd.s32 $0x3E8C, s14  }
0x1b7: {  	[tilespmem:s28], [sflag:$0x2] =	stream.strided.gather [hbm4b:s12+s18], $0x3E80, s19, s18, $0x38;
	[tilespmem:$0x192D8] =	vst v63  }
0x1b8: {  	_ = 	snop  }
0x1b9: {  	[spmem:s2] =	stream.indirect.scatter.add.f32 [tilespmem:s22], [sflag:$0x3], $0x10, s4, s22, $0xb8;
	[tilespmem:$0x192D8] =	vst v63  }
0x1ba: {  	_ =	swait.ge [sflag:s20], $0x3E80  }
0x1bb: {  	[sflag:s20] =	ssyncset.done $0x0  }
0x1bc: {  	[sflag:s20] =	ssyncadd.s32 $0xFFFFC180  }
0x1bd: {  	[tilespmem:s4], [sflag:$0x1] =	stream.linear.gather [hbm4b:s15+s4], $0x3E8, $0x38;
	[tilespmem:$0x192D8] =	vst v63  }
0x1be: {  	s5 =	sadd.s32 $0x7D0C, s14  }
0x1bf: {  	[tilespmem:s22], [sflag:$0x1] =	stream.strided.gather [hbm4b:s5+s18], $0x3E80, s19, s18, $0x38;
	[tilespmem:$0x192D8] =	vst v63  }
0x1c0: {  	_ =	swait.ge [sflag:s29], $0x3E8  }
0x1c1: {  	[sflag:s29] =	ssyncset.done $0x0  }
0x1c2: {  	[sflag:s29] =	ssyncadd.s32 $0xFFFFFC18  }
0x1c3: {  	_ =	swait.ge [sflag:s29], $0x3E80  }
0x1c4: {  	[sflag:s29] =	ssyncset.done $0x0  }
0x1c5: {  	[sflag:s29] =	ssyncadd.s32 $0xFFFFC180  }
0x1c6: {  	[spmem:s2] =	stream.indirect.scatter.add.f32 [tilespmem:s28], [sflag:$0x3], $0x10, s25, s22, $0xb8;
	[tilespmem:$0x192D8] =	vst v63  }
0x1c7: {  	_ =	swait.ge [sflag:s20], $0x3E80  }
0x1c8: {  	s30 =	smov.u32 s15;
	s12 =	simm.s32 $0x7D00;
	[sflag:s20] =	ssyncset.done $0x0  }
.LBB2_19:
0x1c9: {  	p4 =	sne.s32 s12, $0xB3B00;
	[sflag:s20] =	ssyncadd.s32 $0xFFFFC180;
	s30 =	sadd.s32 $0xFA, s30  }
0x1ca: {  	s5 =	smov.u32 s12;
	s12 =	sadd.s32 $0x7D00, s12;
	_ =	swait.ge [sflag:s23], $0x3E8  }
0x1cb: {  	[sflag:s23] =	ssyncset.done $0x0  }
0x1cc: {  	[sflag:s23] =	ssyncadd.s32 $0xFFFFFC18  }
0x1cd: {  	_ =	swait.ge [sflag:s23], $0x3E80  }
0x1ce: {  	[sflag:s23] =	ssyncset.done $0x0  }
0x1cf: {  	s14 =	sadd.s32 $0xFFFFFF83, s30;
	s5 =	sadd.s32 s5, s24;
	[sflag:s23] =	ssyncadd.s32 $0xFFFFC180  }
0x1d0: {  	[tilespmem:s25], [sflag:$0x2] =	stream.linear.gather [hbm4b:s14+s4], $0x3E8, $0x38;
	[tilespmem:$0x192D8] =	vst v63  }
0x1d1: {  	s14 =	sadd.s32 $0x3E8C, s5  }
0x1d2: {  	[tilespmem:s28], [sflag:$0x2] =	stream.strided.gather [hbm4b:s14+s18], $0x3E80, s19, s18, $0x38;
	[tilespmem:$0x192D8] =	vst v63  }
0x1d3: {  	_ = 	snop  }
0x1d4: {  	[spmem:s2] =	stream.indirect.scatter.add.f32 [tilespmem:s22], [sflag:$0x3], $0x10, s4, s22, $0xb8;
	[tilespmem:$0x192D8] =	vst v63  }
0x1d5: {  	_ =	swait.ge [sflag:s20], $0x3E80  }
0x1d6: {  	[sflag:s20] =	ssyncset.done $0x0  }
0x1d7: {  	[sflag:s20] =	ssyncadd.s32 $0xFFFFC180  }
0x1d8: {  	[tilespmem:s4], [sflag:$0x1] =	stream.linear.gather [hbm4b:s30+s4], $0x3E8, $0x38;
	[tilespmem:$0x192D8] =	vst v63  }
0x1d9: {  	s5 =	sadd.s32 $0x7D0C, s5  }
0x1da: {  	[tilespmem:s22], [sflag:$0x1] =	stream.strided.gather [hbm4b:s5+s18], $0x3E80, s19, s18, $0x38;
	[tilespmem:$0x192D8] =	vst v63  }
0x1db: {  	_ =	swait.ge [sflag:s29], $0x3E8  }
0x1dc: {  	[sflag:s29] =	ssyncset.done $0x0  }
0x1dd: {  	[sflag:s29] =	ssyncadd.s32 $0xFFFFFC18  }
0x1de: {  	_ =	swait.ge [sflag:s29], $0x3E80  }
.Ltmp5:
0x1df: {  	[sflag:s29] =	ssyncset.done $0x0;
	(pc) =	sbr.rel @p4 .LBB2_19-.Ltmp5, $4  }
0x1e0: {  	[sflag:s29] =	ssyncadd.s32 $0xFFFFC180  }
0x1e1: {  	[spmem:s2] =	stream.indirect.scatter.add.f32 [tilespmem:s28], [sflag:$0x3], $0x10, s25, s22, $0xb8;
	[tilespmem:$0x192D8] =	vst v63  }
0x1e2: {  	_ =	swait.ge [sflag:s20], $0x3E80  }
0x1e3: {  	[sflag:s20] =	ssyncset.done $0x0  }
0x1e4: {  	[sflag:s20] =	ssyncadd.s32 $0xFFFFC180  }
0x1e5: {  	_ =	swait.ge [sflag:s23], $0x3E8  }
0x1e6: {  	[sflag:s23] =	ssyncset.done $0x0  }
0x1e7: {  	[sflag:s23] =	ssyncadd.s32 $0xFFFFFC18  }
0x1e8: {  	_ =	swait.ge [sflag:s23], $0x3E80  }
0x1e9: {  	[sflag:s23] =	ssyncset.done $0x0  }
0x1ea: {  	s5 =	sld [smem:$0x7F4];
	[sflag:s23] =	ssyncadd.s32 $0xFFFFC180  }
0x1eb: {  	[tilespmem:s25], [sflag:$0x2] =	stream.linear.gather [hbm4b:s17+s4], $0x3E8, $0x38;
	[tilespmem:$0x192D8] =	vst v63  }
0x1ec: {  	_ = 	snop  }
0x1ed: {  	[tilespmem:s28], [sflag:$0x2] =	stream.strided.gather [hbm4b:s5+s18], $0x3E80, s19, s18, $0x38;
	[tilespmem:$0x192D8] =	vst v63  }
0x1ee: {  	_ = 	snop  }
0x1ef: {  	[spmem:s2] =	stream.indirect.scatter.add.f32 [tilespmem:s22], [sflag:$0x3], $0x10, s4, s22, $0xb8;
	[tilespmem:$0x192D8] =	vst v63  }
0x1f0: {  	_ =	swait.ge [sflag:s20], $0x3E80  }
0x1f1: {  	[sflag:s20] =	ssyncset.done $0x0  }
0x1f2: {  	[sflag:s20] =	ssyncadd.s32 $0xFFFFC180  }
0x1f3: {  	_ =	swait.ge [sflag:s29], $0x3E8  }
0x1f4: {  	[sflag:s29] =	ssyncset.done $0x0  }
0x1f5: {  	[sflag:s29] =	ssyncadd.s32 $0xFFFFFC18  }
0x1f6: {  	_ =	swait.ge [sflag:s29], $0x3E80  }
0x1f7: {  	[sflag:s29] =	ssyncset.done $0x0  }
0x1f8: {  	[sflag:s29] =	ssyncadd.s32 $0xFFFFC180  }
0x1f9: {  	[spmem:s2] =	stream.indirect.scatter.add.f32 [tilespmem:s28], [sflag:$0x3], $0x10, s25, s22, $0xb8;
	[tilespmem:$0x192D8] =	vst v63  }
0x1fa: {  	_ =	swait.ge [sflag:s20], $0x3E80  }
0x1fb: {  	[sflag:s20] =	ssyncset.done $0x0  }
0x1fc: {  	[sflag:s20] =	ssyncadd.s32 $0xFFFFC180  }
0x1fd: {  	[bflag:$0x0] =	sbarrier.arrive $0xFFFF  }
0x1fe: {  	[tilespmem:s21], [sflag:$0x3] =	stream.linear.gather [spmem:s7], $0x2710, $0x38;
	[tilespmem:$0x192D8] =	vst v63  }
0x1ff: {  	_ =	swait.ge [sflag:s20], $0x2710  }
0x200: {  	s14 =	sld [smem:$0x7D1]  }
0x201: {  	[sflag:s20] =	ssyncset.done $0x0  }
0x202: {  	[sflag:s20] =	ssyncadd.s32 $0xFFFFD8F0  }
0x203: {  	[hbm4b:s14+s18] =	stream.strided.scatter [tilespmem:s21], [sflag:$0x3], $0x2710, s19, s18, $0x38;
	[tilespmem:$0x192D8] =	vst v63  }
0x204: {  	_ =	swait.ge [sflag:s20], $0x2710  }
0x205: {  	[sflag:s20] =	ssyncset.done $0x0  }
0x206: {  	[sflag:s20] =	ssyncadd.s32 $0xFFFFD8F0  }
0x207: {  	[tilespmem:s21], [sflag:$0x3] =	stream.linear.gather [spmem:s31], $0x2710, $0x38;
	[tilespmem:$0x192D8] =	vst v63  }
0x208: {  	_ =	swait.ge [sflag:s20], $0x2710  }
0x209: {  	s30 =	sld [smem:$0x7D2]  }
0x20a: {  	[sflag:s20] =	ssyncset.done $0x0  }
0x20b: {  	[sflag:s20] =	ssyncadd.s32 $0xFFFFD8F0  }
0x20c: {  	[hbm4b:s30+s18] =	stream.strided.scatter [tilespmem:s21], [sflag:$0x3], $0x2710, s19, s18, $0x38;
	[tilespmem:$0x192D8] =	vst v63  }
0x20d: {  	_ =	swait.ge [sflag:s20], $0x2710  }
0x20e: {  	[sflag:s20] =	ssyncset.done $0x0  }
0x20f: {  	[sflag:s20] =	ssyncadd.s32 $0xFFFFD8F0  }
0x210: {  	[tilespmem:s21], [sflag:$0x3] =	stream.linear.gather [spmem:s0], $0x2710, $0x38;
	[tilespmem:$0x192D8] =	vst v63  }
0x211: {  	_ =	swait.ge [sflag:s20], $0x2710  }
0x212: {  	s12 =	sld [smem:$0x7D3]  }
0x213: {  	[sflag:s20] =	ssyncset.done $0x0  }
0x214: {  	[sflag:s20] =	ssyncadd.s32 $0xFFFFD8F0  }
0x215: {  	[hbm4b:s12+s18] =	stream.strided.scatter [tilespmem:s21], [sflag:$0x3], $0x2710, s19, s18, $0x38;
	[tilespmem:$0x192D8] =	vst v63  }
0x216: {  	_ =	swait.ge [sflag:s20], $0x2710  }
0x217: {  	[sflag:s20] =	ssyncset.done $0x0  }
0x218: {  	[sflag:s20] =	ssyncadd.s32 $0xFFFFD8F0  }
0x219: {  	[tilespmem:s21], [sflag:$0x3] =	stream.linear.gather [spmem:s10], $0x2710, $0x38;
	[tilespmem:$0x192D8] =	vst v63  }
0x21a: {  	_ =	swait.ge [sflag:s20], $0x2710  }
0x21b: {  	s14 =	sld [smem:$0x7D4]  }
0x21c: {  	[sflag:s20] =	ssyncset.done $0x0  }
0x21d: {  	[sflag:s20] =	ssyncadd.s32 $0xFFFFD8F0  }
0x21e: {  	[hbm4b:s14+s18] =	stream.strided.scatter [tilespmem:s21], [sflag:$0x3], $0x2710, s19, s18, $0x38;
	[tilespmem:$0x192D8] =	vst v63  }
0x21f: {  	_ =	swait.ge [sflag:s20], $0x2710  }
0x220: {  	[sflag:s20] =	ssyncset.done $0x0  }
0x221: {  	[sflag:s20] =	ssyncadd.s32 $0xFFFFD8F0  }
0x222: {  	[tilespmem:s21], [sflag:$0x3] =	stream.linear.gather [spmem:s16], $0x2710, $0x38;
	[tilespmem:$0x192D8] =	vst v63  }
0x223: {  	_ =	swait.ge [sflag:s20], $0x2710  }
0x224: {  	s30 =	sld [smem:$0x7D5]  }
0x225: {  	[sflag:s20] =	ssyncset.done $0x0  }
0x226: {  	[sflag:s20] =	ssyncadd.s32 $0xFFFFD8F0  }
0x227: {  	[hbm4b:s30+s18] =	stream.strided.scatter [tilespmem:s21], [sflag:$0x3], $0x2710, s19, s18, $0x38;
	[tilespmem:$0x192D8] =	vst v63  }
0x228: {  	_ =	swait.ge [sflag:s20], $0x2710  }
0x229: {  	[sflag:s20] =	ssyncset.done $0x0  }
0x22a: {  	[sflag:s20] =	ssyncadd.s32 $0xFFFFD8F0  }
0x22b: {  	s5 =	simm.s32 @!p1 $0x1C03;
	[bflag:$0x0] =	sbarrier.arrive $0xFFFF  }
0x22c: {  	[spmem:s9], [sflag:s5] =	dma.local @!p1 [hbm:s1], $0x186A0  }
0x22d: {  	s5 =	simm.s32 @!p1 $0x3  }
0x22e: {  	_ =	swait.ge @!p1 [sflag:s5], $0x186A0  }
0x22f: {  	[sflag:s5] =	ssyncset.done @!p1 $0x0  }
0x230: {  	s9 =	simm.s32 $0x0;
	s12 =	sld [smem:$0x7DE];
	[sflag:s5] =	ssyncadd.s32 @!p1 $0xFFFE7960  }
0x231: {  	[tilespmem:s9], [sflag:$0x1] =	stream.linear.gather [hbm4b:s6+s9], $0x3E8, $0x38;
	[tilespmem:$0x192D8] =	vst v63  }
0x232: {  	_ = 	snop  }
0x233: {  	[tilespmem:s22], [sflag:$0x1] =	stream.strided.gather [hbm4b:s12+s18], $0x3E80, s19, s18, $0x38;
	[tilespmem:$0x192D8] =	vst v63  }
0x234: {  	[bflag:$0x0] =	sbarrier.arrive $0xFFFF  }
0x235: {  	_ =	swait.ge [sflag:s23], $0x3E8  }
0x236: {  	[sflag:s23] =	ssyncset.done $0x0  }
0x237: {  	[sflag:s23] =	ssyncadd.s32 $0xFFFFFC18  }
0x238: {  	_ =	swait.ge [sflag:s23], $0x3E80  }
0x239: {  	[sflag:s23] =	ssyncset.done $0x0  }
0x23a: {  	s14 =	sadd.s32 $0x0, s24;
	[sflag:s23] =	ssyncadd.s32 $0xFFFFC180  }
0x23b: {  	[tilespmem:s25], [sflag:$0x2] =	stream.linear.gather [hbm4b:s11+s4], $0x3E8, $0x38;
	[tilespmem:$0x192D8] =	vst v63  }
0x23c: {  	s30 =	sadd.s32 $0x3E8E, s14  }
0x23d: {  	[tilespmem:s28], [sflag:$0x2] =	stream.strided.gather [hbm4b:s30+s18], $0x3E80, s19, s18, $0x38;
	[tilespmem:$0x192D8] =	vst v63  }
0x23e: {  	_ = 	snop  }
0x23f: {  	[spmem:s2] =	stream.indirect.scatter.add.f32 [tilespmem:s22], [sflag:$0x3], $0x10, s4, s22, $0xb8;
	[tilespmem:$0x192D8] =	vst v63  }
0x240: {  	_ =	swait.ge [sflag:s20], $0x3E80  }
0x241: {  	[sflag:s20] =	ssyncset.done $0x0  }
0x242: {  	[sflag:s20] =	ssyncadd.s32 $0xFFFFC180  }
0x243: {  	[tilespmem:s4], [sflag:$0x1] =	stream.linear.gather [hbm4b:s15+s4], $0x3E8, $0x38;
	[tilespmem:$0x192D8] =	vst v63  }
0x244: {  	s5 =	sadd.s32 $0x7D0E, s14  }
0x245: {  	[tilespmem:s22], [sflag:$0x1] =	stream.strided.gather [hbm4b:s5+s18], $0x3E80, s19, s18, $0x38;
	[tilespmem:$0x192D8] =	vst v63  }
0x246: {  	_ =	swait.ge [sflag:s29], $0x3E8  }
0x247: {  	[sflag:s29] =	ssyncset.done $0x0  }
0x248: {  	[sflag:s29] =	ssyncadd.s32 $0xFFFFFC18  }
0x249: {  	_ =	swait.ge [sflag:s29], $0x3E80  }
0x24a: {  	[sflag:s29] =	ssyncset.done $0x0  }
0x24b: {  	[sflag:s29] =	ssyncadd.s32 $0xFFFFC180  }
0x24c: {  	[spmem:s2] =	stream.indirect.scatter.add.f32 [tilespmem:s28], [sflag:$0x3], $0x10, s25, s22, $0xb8;
	[tilespmem:$0x192D8] =	vst v63  }
0x24d: {  	_ =	swait.ge [sflag:s20], $0x3E80  }
0x24e: {  	s9 =	simm.s32 $0x7D00;
	s11 =	smov.u32 s15;
	[sflag:s20] =	ssyncset.done $0x0  }
.LBB2_21:
0x24f: {  	p4 =	sne.s32 s9, $0xB3B00;
	[sflag:s20] =	ssyncadd.s32 $0xFFFFC180;
	s11 =	sadd.s32 $0xFA, s11  }
0x250: {  	s5 =	smov.u32 s9;
	s9 =	sadd.s32 $0x7D00, s9;
	_ =	swait.ge [sflag:s23], $0x3E8  }
0x251: {  	[sflag:s23] =	ssyncset.done $0x0  }
0x252: {  	[sflag:s23] =	ssyncadd.s32 $0xFFFFFC18  }
0x253: {  	_ =	swait.ge [sflag:s23], $0x3E80  }
0x254: {  	[sflag:s23] =	ssyncset.done $0x0  }
0x255: {  	s12 =	sadd.s32 $0xFFFFFF83, s11;
	s5 =	sadd.s32 s5, s24;
	[sflag:s23] =	ssyncadd.s32 $0xFFFFC180  }
0x256: {  	[tilespmem:s25], [sflag:$0x2] =	stream.linear.gather [hbm4b:s12+s4], $0x3E8, $0x38;
	[tilespmem:$0x192D8] =	vst v63  }
0x257: {  	s12 =	sadd.s32 $0x3E8E, s5  }
0x258: {  	[tilespmem:s28], [sflag:$0x2] =	stream.strided.gather [hbm4b:s12+s18], $0x3E80, s19, s18, $0x38;
	[tilespmem:$0x192D8] =	vst v63  }
0x259: {  	_ = 	snop  }
0x25a: {  	[spmem:s2] =	stream.indirect.scatter.add.f32 [tilespmem:s22], [sflag:$0x3], $0x10, s4, s22, $0xb8;
	[tilespmem:$0x192D8] =	vst v63  }
0x25b: {  	_ =	swait.ge [sflag:s20], $0x3E80  }
0x25c: {  	[sflag:s20] =	ssyncset.done $0x0  }
0x25d: {  	[sflag:s20] =	ssyncadd.s32 $0xFFFFC180  }
0x25e: {  	[tilespmem:s4], [sflag:$0x1] =	stream.linear.gather [hbm4b:s11+s4], $0x3E8, $0x38;
	[tilespmem:$0x192D8] =	vst v63  }
0x25f: {  	s5 =	sadd.s32 $0x7D0E, s5  }
0x260: {  	[tilespmem:s22], [sflag:$0x1] =	stream.strided.gather [hbm4b:s5+s18], $0x3E80, s19, s18, $0x38;
	[tilespmem:$0x192D8] =	vst v63  }
0x261: {  	_ =	swait.ge [sflag:s29], $0x3E8  }
0x262: {  	[sflag:s29] =	ssyncset.done $0x0  }
0x263: {  	[sflag:s29] =	ssyncadd.s32 $0xFFFFFC18  }
0x264: {  	_ =	swait.ge [sflag:s29], $0x3E80  }
.Ltmp6:
0x265: {  	[sflag:s29] =	ssyncset.done $0x0;
	(pc) =	sbr.rel @p4 .LBB2_21-.Ltmp6, $4  }
0x266: {  	[sflag:s29] =	ssyncadd.s32 $0xFFFFC180  }
0x267: {  	[spmem:s2] =	stream.indirect.scatter.add.f32 [tilespmem:s28], [sflag:$0x3], $0x10, s25, s22, $0xb8;
	[tilespmem:$0x192D8] =	vst v63  }
0x268: {  	_ =	swait.ge [sflag:s20], $0x3E80  }
0x269: {  	[sflag:s20] =	ssyncset.done $0x0  }
.Ltmp7:
0x26a: {  	_ = 	snop;
	(pc) =	sbr.rel .LBB2_22-.Ltmp7, $1  }
0x26b: {  	_ =	sdelay $0x3  }
.LBB2_2:
0x26c: {  	s5 =	sld [smem:$0x7E1];
	_ =	sdelay $0x1  }
0x26d: {  	s11 =	sshrl.u32 @p2 s3, $0x3;
	s12 =	simm.s32 @p2 $0x1C43  }
0x26e: {  	[spmem:s11], [sflag:s12] =	dma.local @p2 [hbm:s5], $0x186A  }
0x26f: {  	s11 =	simm.s32 @p2 $0x3  }
0x270: {  	_ =	swait.ge @p2 [sflag:s11], $0x186A  }
0x271: {  	[sflag:s11] =	ssyncset.done @p2 $0x0  }
0x272: {  	s12 =	simm.s32 @!p3 $0x1C03;
	[sflag:s11] =	ssyncadd.s32 @p2 $0xFFFFE796;
	s11 =	sshrl.u32 @!p3 s2, $0x3  }
0x273: {  	[spmem:s11], [sflag:s12] =	dma.local @!p3 [hbm:s1], $0x186A0  }
0x274: {  	s11 =	simm.s32 @!p3 $0x3  }
0x275: {  	_ =	swait.ge @!p3 [sflag:s11], $0x186A0  }
0x276: {  	s12 =	sld [smem:$0x7E2]  }
0x277: {  	[sflag:s11] =	ssyncset.done @!p3 $0x0  }
0x278: {  	s14 =	simm.s32 $0x0;
	[sflag:s11] =	ssyncadd.s32 @!p3 $0xFFFE7960  }
0x279: {  	[tilespmem:s26], [sflag:$0x3] =	stream.linear.gather [hbm4b:s12+s14], $0x3E8, $0x38;
	[tilespmem:$0x192D8] =	vst v63  }
0x27a: {  	_ =	swait.ge [sflag:s20], $0x3E8  }
0x27b: {  	[sflag:s20] =	ssyncset.done $0x0  }
0x27c: {  	[sflag:s20] =	ssyncadd.s32 $0xFFFFFC18  }
0x27d: {  	[tilespmem:s14], [sflag:$0x1] =	stream.linear.gather [hbm4b:s6+s14], $0x3E8, $0x38;
	[tilespmem:$0x192D8] =	vst v63  }
0x27e: {  	_ = 	snop  }
0x27f: {  	[tilespmem:s22], [sflag:$0x1] =	stream.strided.gather [hbm4b:s24+s18], $0x3E80, s19, s18, $0x38;
	[tilespmem:$0x192D8] =	vst v63  }
0x280: {  	[bflag:$0x0] =	sbarrier.arrive $0xFFFF  }
0x281: {  	_ =	swait.ge [sflag:s23], $0x3E8  }
0x282: {  	[sflag:s23] =	ssyncset.done $0x0  }
0x283: {  	[sflag:s23] =	ssyncadd.s32 $0xFFFFFC18  }
0x284: {  	_ =	swait.ge [sflag:s23], $0x3E80  }
0x285: {  	[sflag:s23] =	ssyncset.done $0x0  }
0x286: {  	s11 =	sadd.s32 $0xFFFFFF83, s15;
	s14 =	sadd.s32 $0x0, s24;
	[sflag:s23] =	ssyncadd.s32 $0xFFFFC180  }
0x287: {  	[tilespmem:s25], [sflag:$0x2] =	stream.linear.gather [hbm4b:s11+s4], $0x3E8, $0x38;
	[tilespmem:$0x192D8] =	vst v63  }
0x288: {  	s30 =	sadd.s32 $0x3E80, s14  }
0x289: {  	[tilespmem:s28], [sflag:$0x2] =	stream.strided.gather [hbm4b:s30+s18], $0x3E80, s19, s18, $0x38;
	[tilespmem:$0x192D8] =	vst v63  }
0x28a: {  	_ = 	snop  }
0x28b: {  	[spmem:s2] =	stream.indirect.scatter.add.f32 [tilespmem:s22], [sflag:$0x3], $0x10, s4, s22, $0xb8;
	[tilespmem:$0x192D8] =	vst v63  }
0x28c: {  	_ =	swait.ge [sflag:s20], $0x3E80  }
0x28d: {  	[sflag:s20] =	ssyncset.done $0x0  }
0x28e: {  	[sflag:s20] =	ssyncadd.s32 $0xFFFFC180  }
0x28f: {  	[spmem:s3] =	stream.indirect.scatter.add.f32 [tilespmem:s26], [sflag:$0x3], $0x1, s4, s22, $0xb8;
	[tilespmem:$0x192D8] =	vst v63  }
0x290: {  	_ =	swait.ge [sflag:s20], $0x3E8  }
0x291: {  	[sflag:s20] =	ssyncset.done $0x0  }
0x292: {  	[sflag:s20] =	ssyncadd.s32 $0xFFFFFC18  }
0x293: {  	[tilespmem:s4], [sflag:$0x1] =	stream.linear.gather [hbm4b:s15+s4], $0x3E8, $0x38;
	[tilespmem:$0x192D8] =	vst v63  }
0x294: {  	s12 =	sadd.s32 $0x7D00, s14  }
0x295: {  	[tilespmem:s22], [sflag:$0x1] =	stream.strided.gather [hbm4b:s12+s18], $0x3E80, s19, s18, $0x38;
	[tilespmem:$0x192D8] =	vst v63  }
0x296: {  	_ =	swait.ge [sflag:s29], $0x3E8  }
0x297: {  	[sflag:s29] =	ssyncset.done $0x0  }
0x298: {  	[sflag:s29] =	ssyncadd.s32 $0xFFFFFC18  }
0x299: {  	_ =	swait.ge [sflag:s29], $0x3E80  }
0x29a: {  	[sflag:s29] =	ssyncset.done $0x0  }
0x29b: {  	[sflag:s29] =	ssyncadd.s32 $0xFFFFC180  }
0x29c: {  	[spmem:s2] =	stream.indirect.scatter.add.f32 [tilespmem:s28], [sflag:$0x3], $0x10, s25, s22, $0xb8;
	[tilespmem:$0x192D8] =	vst v63  }
0x29d: {  	_ =	swait.ge [sflag:s20], $0x3E80  }
0x29e: {  	[sflag:s20] =	ssyncset.done $0x0  }
0x29f: {  	[sflag:s20] =	ssyncadd.s32 $0xFFFFC180  }
0x2a0: {  	[spmem:s3] =	stream.indirect.scatter.add.f32 [tilespmem:s26], [sflag:$0x3], $0x1, s25, s22, $0xb8;
	[tilespmem:$0x192D8] =	vst v63  }
0x2a1: {  	_ =	swait.ge [sflag:s20], $0x3E8  }
0x2a2: {  	s30 =	smov.u32 s15;
	s12 =	simm.s32 $0x7D00;
	[sflag:s20] =	ssyncset.done $0x0  }
.LBB2_3:
0x2a3: {  	p4 =	sne.s32 s12, $0xB3B00;
	[sflag:s20] =	ssyncadd.s32 $0xFFFFFC18;
	s30 =	sadd.s32 $0xFA, s30  }
0x2a4: {  	s14 =	smov.u32 s12;
	s12 =	sadd.s32 $0x7D00, s12;
	_ =	swait.ge [sflag:s23], $0x3E8  }
0x2a5: {  	[sflag:s23] =	ssyncset.done $0x0  }
0x2a6: {  	[sflag:s23] =	ssyncadd.s32 $0xFFFFFC18  }
0x2a7: {  	_ =	swait.ge [sflag:s23], $0x3E80  }
0x2a8: {  	[sflag:s23] =	ssyncset.done $0x0  }
0x2a9: {  	s5 =	sadd.s32 $0xFFFFFF83, s30;
	s14 =	sadd.s32 s14, s24;
	[sflag:s23] =	ssyncadd.s32 $0xFFFFC180  }
0x2aa: {  	[tilespmem:s25], [sflag:$0x2] =	stream.linear.gather [hbm4b:s5+s4], $0x3E8, $0x38;
	[tilespmem:$0x192D8] =	vst v63  }
0x2ab: {  	s5 =	sadd.s32 $0x3E80, s14  }
0x2ac: {  	[tilespmem:s28], [sflag:$0x2] =	stream.strided.gather [hbm4b:s5+s18], $0x3E80, s19, s18, $0x38;
	[tilespmem:$0x192D8] =	vst v63  }
0x2ad: {  	_ = 	snop  }
0x2ae: {  	[spmem:s2] =	stream.indirect.scatter.add.f32 [tilespmem:s22], [sflag:$0x3], $0x10, s4, s22, $0xb8;
	[tilespmem:$0x192D8] =	vst v63  }
0x2af: {  	_ =	swait.ge [sflag:s20], $0x3E80  }
0x2b0: {  	[sflag:s20] =	ssyncset.done $0x0  }
0x2b1: {  	[sflag:s20] =	ssyncadd.s32 $0xFFFFC180  }
0x2b2: {  	[spmem:s3] =	stream.indirect.scatter.add.f32 [tilespmem:s26], [sflag:$0x3], $0x1, s4, s22, $0xb8;
	[tilespmem:$0x192D8] =	vst v63  }
0x2b3: {  	_ =	swait.ge [sflag:s20], $0x3E8  }
0x2b4: {  	[sflag:s20] =	ssyncset.done $0x0  }
0x2b5: {  	[sflag:s20] =	ssyncadd.s32 $0xFFFFFC18  }
0x2b6: {  	[tilespmem:s4], [sflag:$0x1] =	stream.linear.gather [hbm4b:s30+s4], $0x3E8, $0x38;
	[tilespmem:$0x192D8] =	vst v63  }
0x2b7: {  	s5 =	sadd.s32 $0x7D00, s14  }
0x2b8: {  	[tilespmem:s22], [sflag:$0x1] =	stream.strided.gather [hbm4b:s5+s18], $0x3E80, s19, s18, $0x38;
	[tilespmem:$0x192D8] =	vst v63  }
0x2b9: {  	_ =	swait.ge [sflag:s29], $0x3E8  }
0x2ba: {  	[sflag:s29] =	ssyncset.done $0x0  }
0x2bb: {  	[sflag:s29] =	ssyncadd.s32 $0xFFFFFC18  }
0x2bc: {  	_ =	swait.ge [sflag:s29], $0x3E80  }
0x2bd: {  	[sflag:s29] =	ssyncset.done $0x0  }
0x2be: {  	[sflag:s29] =	ssyncadd.s32 $0xFFFFC180  }
0x2bf: {  	[spmem:s2] =	stream.indirect.scatter.add.f32 [tilespmem:s28], [sflag:$0x3], $0x10, s25, s22, $0xb8;
	[tilespmem:$0x192D8] =	vst v63  }
0x2c0: {  	_ =	swait.ge [sflag:s20], $0x3E80  }
.Ltmp8:
0x2c1: {  	[sflag:s20] =	ssyncset.done $0x0;
	(pc) =	sbr.rel @p4 .LBB2_3-.Ltmp8, $4  }
0x2c2: {  	[sflag:s20] =	ssyncadd.s32 $0xFFFFC180  }
0x2c3: {  	[spmem:s3] =	stream.indirect.scatter.add.f32 [tilespmem:s26], [sflag:$0x3], $0x1, s25, s22, $0xb8;
	[tilespmem:$0x192D8] =	vst v63  }
0x2c4: {  	_ =	swait.ge [sflag:s20], $0x3E8  }
0x2c5: {  	[sflag:s20] =	ssyncset.done $0x0  }
0x2c6: {  	[sflag:s20] =	ssyncadd.s32 $0xFFFFFC18  }
0x2c7: {  	_ =	swait.ge [sflag:s23], $0x3E8  }
0x2c8: {  	[sflag:s23] =	ssyncset.done $0x0  }
0x2c9: {  	[sflag:s23] =	ssyncadd.s32 $0xFFFFFC18  }
0x2ca: {  	_ =	swait.ge [sflag:s23], $0x3E80  }
0x2cb: {  	[sflag:s23] =	ssyncset.done $0x0  }
0x2cc: {  	s5 =	sld [smem:$0x7E0];
	[sflag:s23] =	ssyncadd.s32 $0xFFFFC180  }
0x2cd: {  	[tilespmem:s25], [sflag:$0x2] =	stream.linear.gather [hbm4b:s17+s4], $0x3E8, $0x38;
	[tilespmem:$0x192D8] =	vst v63  }
0x2ce: {  	_ = 	snop  }
0x2cf: {  	[tilespmem:s28], [sflag:$0x2] =	stream.strided.gather [hbm4b:s5+s18], $0x3E80, s19, s18, $0x38;
	[tilespmem:$0x192D8] =	vst v63  }
0x2d0: {  	_ = 	snop  }
0x2d1: {  	[spmem:s2] =	stream.indirect.scatter.add.f32 [tilespmem:s22], [sflag:$0x3], $0x10, s4, s22, $0xb8;
	[tilespmem:$0x192D8] =	vst v63  }
0x2d2: {  	_ =	swait.ge [sflag:s20], $0x3E80  }
0x2d3: {  	[sflag:s20] =	ssyncset.done $0x0  }
0x2d4: {  	[sflag:s20] =	ssyncadd.s32 $0xFFFFC180  }
0x2d5: {  	[spmem:s3] =	stream.indirect.scatter.add.f32 [tilespmem:s26], [sflag:$0x3], $0x1, s4, s22, $0xb8;
	[tilespmem:$0x192D8] =	vst v63  }
0x2d6: {  	_ =	swait.ge [sflag:s20], $0x3E8  }
0x2d7: {  	[sflag:s20] =	ssyncset.done $0x0  }
0x2d8: {  	[sflag:s20] =	ssyncadd.s32 $0xFFFFFC18  }
0x2d9: {  	_ =	swait.ge [sflag:s29], $0x3E8  }
0x2da: {  	[sflag:s29] =	ssyncset.done $0x0  }
0x2db: {  	[sflag:s29] =	ssyncadd.s32 $0xFFFFFC18  }
0x2dc: {  	_ =	swait.ge [sflag:s29], $0x3E80  }
0x2dd: {  	[sflag:s29] =	ssyncset.done $0x0  }
0x2de: {  	[sflag:s29] =	ssyncadd.s32 $0xFFFFC180  }
0x2df: {  	[spmem:s2] =	stream.indirect.scatter.add.f32 [tilespmem:s28], [sflag:$0x3], $0x10, s25, s22, $0xb8;
	[tilespmem:$0x192D8] =	vst v63  }
0x2e0: {  	_ =	swait.ge [sflag:s20], $0x3E80  }
0x2e1: {  	[sflag:s20] =	ssyncset.done $0x0  }
0x2e2: {  	[sflag:s20] =	ssyncadd.s32 $0xFFFFC180  }
0x2e3: {  	[spmem:s3] =	stream.indirect.scatter.add.f32 [tilespmem:s26], [sflag:$0x3], $0x1, s25, s22, $0xb8;
	[tilespmem:$0x192D8] =	vst v63  }
0x2e4: {  	_ =	swait.ge [sflag:s20], $0x3E8  }
0x2e5: {  	[sflag:s20] =	ssyncset.done $0x0  }
0x2e6: {  	[sflag:s20] =	ssyncadd.s32 $0xFFFFFC18  }
0x2e7: {  	[bflag:$0x0] =	sbarrier.arrive $0xFFFF  }
0x2e8: {  	[tilespmem:s21], [sflag:$0x3] =	stream.linear.gather [spmem:s7], $0x2710, $0x38;
	[tilespmem:$0x192D8] =	vst v63  }
0x2e9: {  	_ =	swait.ge [sflag:s20], $0x2710  }
0x2ea: {  	[sflag:s20] =	ssyncset.done $0x0  }
0x2eb: {  	s14 =	rddreg [dreg:$0x6];
	[sflag:s20] =	ssyncadd.s32 $0xFFFFD8F0  }
0x2ec: {  	[hbm4b:s14+s18] =	stream.strided.scatter [tilespmem:s21], [sflag:$0x3], $0x2710, s19, s18, $0x38;
	[tilespmem:$0x192D8] =	vst v63  }
0x2ed: {  	_ =	swait.ge [sflag:s20], $0x2710  }
0x2ee: {  	[sflag:s20] =	ssyncset.done $0x0  }
0x2ef: {  	[sflag:s20] =	ssyncadd.s32 $0xFFFFD8F0  }
0x2f0: {  	[tilespmem:s21], [sflag:$0x3] =	stream.linear.gather [spmem:s31], $0x2710, $0x38;
	[tilespmem:$0x192D8] =	vst v63  }
0x2f1: {  	_ =	swait.ge [sflag:s20], $0x2710  }
0x2f2: {  	[sflag:s20] =	ssyncset.done $0x0  }
0x2f3: {  	s30 =	rddreg [dreg:$0x8];
	[sflag:s20] =	ssyncadd.s32 $0xFFFFD8F0  }
0x2f4: {  	[hbm4b:s30+s18] =	stream.strided.scatter [tilespmem:s21], [sflag:$0x3], $0x2710, s19, s18, $0x38;
	[tilespmem:$0x192D8] =	vst v63  }
0x2f5: {  	_ =	swait.ge [sflag:s20], $0x2710  }
0x2f6: {  	[sflag:s20] =	ssyncset.done $0x0  }
0x2f7: {  	[sflag:s20] =	ssyncadd.s32 $0xFFFFD8F0  }
0x2f8: {  	[tilespmem:s21], [sflag:$0x3] =	stream.linear.gather [spmem:s0], $0x2710, $0x38;
	[tilespmem:$0x192D8] =	vst v63  }
0x2f9: {  	_ =	swait.ge [sflag:s20], $0x2710  }
0x2fa: {  	[sflag:s20] =	ssyncset.done $0x0  }
0x2fb: {  	s12 =	rddreg [dreg:$0xb];
	[sflag:s20] =	ssyncadd.s32 $0xFFFFD8F0  }
0x2fc: {  	[hbm4b:s12+s18] =	stream.strided.scatter [tilespmem:s21], [sflag:$0x3], $0x2710, s19, s18, $0x38;
	[tilespmem:$0x192D8] =	vst v63  }
0x2fd: {  	_ =	swait.ge [sflag:s20], $0x2710  }
0x2fe: {  	[sflag:s20] =	ssyncset.done $0x0  }
0x2ff: {  	[sflag:s20] =	ssyncadd.s32 $0xFFFFD8F0  }
0x300: {  	[tilespmem:s21], [sflag:$0x3] =	stream.linear.gather [spmem:s10], $0x2710, $0x38;
	[tilespmem:$0x192D8] =	vst v63  }
0x301: {  	_ =	swait.ge [sflag:s20], $0x2710  }
0x302: {  	[sflag:s20] =	ssyncset.done $0x0  }
0x303: {  	s14 =	rddreg [dreg:$0xc];
	[sflag:s20] =	ssyncadd.s32 $0xFFFFD8F0  }
0x304: {  	[hbm4b:s14+s18] =	stream.strided.scatter [tilespmem:s21], [sflag:$0x3], $0x2710, s19, s18, $0x38;
	[tilespmem:$0x192D8] =	vst v63  }
0x305: {  	_ =	swait.ge [sflag:s20], $0x2710  }
0x306: {  	[sflag:s20] =	ssyncset.done $0x0  }
0x307: {  	[sflag:s20] =	ssyncadd.s32 $0xFFFFD8F0  }
0x308: {  	[tilespmem:s21], [sflag:$0x3] =	stream.linear.gather [spmem:s16], $0x2710, $0x38;
	[tilespmem:$0x192D8] =	vst v63  }
0x309: {  	_ =	swait.ge [sflag:s20], $0x2710  }
0x30a: {  	[sflag:s20] =	ssyncset.done $0x0  }
.Ltmp9:
0x30b: {  	s30 =	rddreg [dreg:$0xe];
	[sflag:s20] =	ssyncadd.s32 $0xFFFFD8F0;
	(pc) =	sbr.rel @!p1 .LBB2_5-.Ltmp9, $4  }
0x30c: {  	[hbm4b:s30+s18] =	stream.strided.scatter [tilespmem:s21], [sflag:$0x3], $0x2710, s19, s18, $0x38;
	[tilespmem:$0x192D8] =	vst v63  }
0x30d: {  	_ =	swait.ge [sflag:s20], $0x2710  }
0x30e: {  	[sflag:s20] =	ssyncset.done $0x0  }
0x30f: {  	[sflag:s20] =	ssyncadd.s32 $0xFFFFD8F0  }
.Ltmp10:
0x310: {  	(pc) =	sbr.rel .LBB2_7-.Ltmp10, $2  }
0x311: {  	_ =	sdelay $0x1  }
0x312: {  	[bflag:$0x0] =	sbarrier.arrive $0xFFFF;
	_ =	sdelay $0x1  }
.LBB2_5:
0x313: {  	[tilespmem:s8], [sflag:$0x3] =	stream.linear.gather [spmem:s3], $0x1388, $0x38;
	[tilespmem:$0x192D8] =	vst v63  }
0x314: {  	_ =	swait.ge [sflag:s20], $0x1388  }
0x315: {  	s5 =	sld [smem:$0x7E3]  }
0x316: {  	[sflag:s20] =	ssyncset.done $0x0  }
0x317: {  	[sflag:s20] =	ssyncadd.s32 $0xFFFFEC78  }
0x318: {  	[hbm4b:s5+s4] =	stream.linear.scatter [tilespmem:s8], [sflag:$0x3], $0x1388, $0x38;
	[tilespmem:$0x192D8] =	vst v63  }
0x319: {  	_ =	swait.ge [sflag:s20], $0x1388  }
0x31a: {  	s30 =	sld [smem:$0x7F5]  }
0x31b: {  	[sflag:s20] =	ssyncset.done $0x0  }
0x31c: {  	[sflag:s20] =	ssyncadd.s32 $0xFFFFEC78  }
0x31d: {  	[tilespmem:s8], [sflag:$0x3] =	stream.linear.gather [spmem:s30], $0x1388, $0x38;
	[tilespmem:$0x192D8] =	vst v63  }
0x31e: {  	_ =	swait.ge [sflag:s20], $0x1388  }
0x31f: {  	s12 =	sld [smem:$0x7E6]  }
0x320: {  	[sflag:s20] =	ssyncset.done $0x0  }
0x321: {  	[sflag:s20] =	ssyncadd.s32 $0xFFFFEC78  }
0x322: {  	[hbm4b:s12+s4] =	stream.linear.scatter [tilespmem:s8], [sflag:$0x3], $0x1388, $0x38;
	[tilespmem:$0x192D8] =	vst v63  }
0x323: {  	_ =	swait.ge [sflag:s20], $0x1388  }
0x324: {  	s14 =	sld [smem:$0x7F6]  }
0x325: {  	[sflag:s20] =	ssyncset.done $0x0  }
0x326: {  	[sflag:s20] =	ssyncadd.s32 $0xFFFFEC78  }
0x327: {  	[tilespmem:s8], [sflag:$0x3] =	stream.linear.gather [spmem:s14], $0x1388, $0x38;
	[tilespmem:$0x192D8] =	vst v63  }
0x328: {  	_ =	swait.ge [sflag:s20], $0x1388  }
0x329: {  	s30 =	sld [smem:$0x7E7]  }
0x32a: {  	[sflag:s20] =	ssyncset.done $0x0  }
0x32b: {  	[sflag:s20] =	ssyncadd.s32 $0xFFFFEC78  }
0x32c: {  	[hbm4b:s30+s4] =	stream.linear.scatter [tilespmem:s8], [sflag:$0x3], $0x1388, $0x38;
	[tilespmem:$0x192D8] =	vst v63  }
0x32d: {  	_ =	swait.ge [sflag:s20], $0x1388  }
0x32e: {  	s12 =	sld [smem:$0x7F7]  }
0x32f: {  	[sflag:s20] =	ssyncset.done $0x0  }
0x330: {  	[sflag:s20] =	ssyncadd.s32 $0xFFFFEC78  }
0x331: {  	[tilespmem:s8], [sflag:$0x3] =	stream.linear.gather [spmem:s12], $0x1388, $0x38;
	[tilespmem:$0x192D8] =	vst v63  }
0x332: {  	_ =	swait.ge [sflag:s20], $0x1388  }
0x333: {  	s14 =	sld [smem:$0x7E8]  }
0x334: {  	[sflag:s20] =	ssyncset.done $0x0  }
0x335: {  	[sflag:s20] =	ssyncadd.s32 $0xFFFFEC78  }
0x336: {  	[hbm4b:s14+s4] =	stream.linear.scatter [tilespmem:s8], [sflag:$0x3], $0x1388, $0x38;
	[tilespmem:$0x192D8] =	vst v63  }
0x337: {  	_ =	swait.ge [sflag:s20], $0x1388  }
0x338: {  	s30 =	sld [smem:$0x7F8]  }
0x339: {  	[sflag:s20] =	ssyncset.done $0x0  }
0x33a: {  	[sflag:s20] =	ssyncadd.s32 $0xFFFFEC78  }
0x33b: {  	[tilespmem:s8], [sflag:$0x3] =	stream.linear.gather [spmem:s30], $0x1388, $0x38;
	[tilespmem:$0x192D8] =	vst v63  }
0x33c: {  	_ =	swait.ge [sflag:s20], $0x1388  }
0x33d: {  	s12 =	sld [smem:$0x7E9]  }
0x33e: {  	[sflag:s20] =	ssyncset.done $0x0  }
0x33f: {  	[sflag:s20] =	ssyncadd.s32 $0xFFFFEC78  }
0x340: {  	[hbm4b:s12+s4] =	stream.linear.scatter [tilespmem:s8], [sflag:$0x3], $0x1388, $0x38;
	[tilespmem:$0x192D8] =	vst v63  }
0x341: {  	_ =	swait.ge [sflag:s20], $0x1388  }
0x342: {  	s14 =	sld [smem:$0x7F9]  }
0x343: {  	[sflag:s20] =	ssyncset.done $0x0  }
0x344: {  	[sflag:s20] =	ssyncadd.s32 $0xFFFFEC78  }
0x345: {  	[tilespmem:s8], [sflag:$0x3] =	stream.linear.gather [spmem:s14], $0x1388, $0x38;
	[tilespmem:$0x192D8] =	vst v63  }
0x346: {  	_ =	swait.ge [sflag:s20], $0x1388  }
0x347: {  	s30 =	sld [smem:$0x7EA]  }
0x348: {  	[sflag:s20] =	ssyncset.done $0x0  }
0x349: {  	[sflag:s20] =	ssyncadd.s32 $0xFFFFEC78  }
0x34a: {  	[hbm4b:s30+s4] =	stream.linear.scatter [tilespmem:s8], [sflag:$0x3], $0x1388, $0x38;
	[tilespmem:$0x192D8] =	vst v63  }
0x34b: {  	_ =	swait.ge [sflag:s20], $0x1388  }
0x34c: {  	s12 =	sld [smem:$0x7FA]  }
0x34d: {  	[sflag:s20] =	ssyncset.done $0x0  }
0x34e: {  	[sflag:s20] =	ssyncadd.s32 $0xFFFFEC78  }
0x34f: {  	[tilespmem:s8], [sflag:$0x3] =	stream.linear.gather [spmem:s12], $0x1388, $0x38;
	[tilespmem:$0x192D8] =	vst v63  }
0x350: {  	_ =	swait.ge [sflag:s20], $0x1388  }
0x351: {  	s14 =	sld [smem:$0x7EB]  }
0x352: {  	[sflag:s20] =	ssyncset.done $0x0  }
0x353: {  	[sflag:s20] =	ssyncadd.s32 $0xFFFFEC78  }
0x354: {  	[hbm4b:s14+s4] =	stream.linear.scatter [tilespmem:s8], [sflag:$0x3], $0x1388, $0x38;
	[tilespmem:$0x192D8] =	vst v63  }
0x355: {  	_ =	swait.ge [sflag:s20], $0x1388  }
0x356: {  	s30 =	sld [smem:$0x7FB]  }
0x357: {  	[sflag:s20] =	ssyncset.done $0x0  }
0x358: {  	[sflag:s20] =	ssyncadd.s32 $0xFFFFEC78  }
0x359: {  	[tilespmem:s8], [sflag:$0x3] =	stream.linear.gather [spmem:s30], $0x1388, $0x38;
	[tilespmem:$0x192D8] =	vst v63  }
0x35a: {  	_ =	swait.ge [sflag:s20], $0x1388  }
0x35b: {  	s12 =	sld [smem:$0x7EC]  }
0x35c: {  	[sflag:s20] =	ssyncset.done $0x0  }
0x35d: {  	[sflag:s20] =	ssyncadd.s32 $0xFFFFEC78  }
0x35e: {  	[hbm4b:s12+s4] =	stream.linear.scatter [tilespmem:s8], [sflag:$0x3], $0x1388, $0x38;
	[tilespmem:$0x192D8] =	vst v63  }
0x35f: {  	_ =	swait.ge [sflag:s20], $0x1388  }
0x360: {  	s14 =	sld [smem:$0x7FC]  }
0x361: {  	[sflag:s20] =	ssyncset.done $0x0  }
0x362: {  	[sflag:s20] =	ssyncadd.s32 $0xFFFFEC78  }
0x363: {  	[tilespmem:s8], [sflag:$0x3] =	stream.linear.gather [spmem:s14], $0x1388, $0x38;
	[tilespmem:$0x192D8] =	vst v63  }
0x364: {  	_ =	swait.ge [sflag:s20], $0x1388  }
0x365: {  	s30 =	sld [smem:$0x7ED]  }
0x366: {  	[sflag:s20] =	ssyncset.done $0x0  }
0x367: {  	[sflag:s20] =	ssyncadd.s32 $0xFFFFEC78  }
0x368: {  	[hbm4b:s30+s4] =	stream.linear.scatter [tilespmem:s8], [sflag:$0x3], $0x1388, $0x38;
	[tilespmem:$0x192D8] =	vst v63  }
0x369: {  	_ =	swait.ge [sflag:s20], $0x1388  }
0x36a: {  	s12 =	sld [smem:$0x7FD]  }
0x36b: {  	[sflag:s20] =	ssyncset.done $0x0  }
0x36c: {  	[sflag:s20] =	ssyncadd.s32 $0xFFFFEC78  }
0x36d: {  	[tilespmem:s8], [sflag:$0x3] =	stream.linear.gather [spmem:s12], $0x1388, $0x38;
	[tilespmem:$0x192D8] =	vst v63  }
0x36e: {  	_ =	swait.ge [sflag:s20], $0x1388  }
0x36f: {  	s14 =	sld [smem:$0x7EE]  }
0x370: {  	[sflag:s20] =	ssyncset.done $0x0  }
0x371: {  	[sflag:s20] =	ssyncadd.s32 $0xFFFFEC78  }
0x372: {  	[hbm4b:s14+s4] =	stream.linear.scatter [tilespmem:s8], [sflag:$0x3], $0x1388, $0x38;
	[tilespmem:$0x192D8] =	vst v63  }
0x373: {  	_ =	swait.ge [sflag:s20], $0x1388  }
0x374: {  	[sflag:s20] =	ssyncset.done $0x0  }
0x375: {  	[sflag:s20] =	ssyncadd.s32 $0xFFFFEC78  }
0x376: {  	s30 =	sshrl.u32 s2, $0x3;
	s12 =	simm.s32 $0x1C03;
	[bflag:$0x0] =	sbarrier.arrive $0xFFFF  }
0x377: {  	[spmem:s30], [sflag:s12] =	dma.local [hbm:s1], $0x186A0  }
0x378: {  	_ =	swait.ge [sflag:s20], $0x186A0  }
0x379: {  	[sflag:s20] =	ssyncset.done $0x0  }
0x37a: {  	[sflag:s20] =	ssyncadd.s32 $0xFFFE7960  }
.LBB2_7:
0x37b: {  	s5 =	simm.s32 $0x0;
	s12 =	sld [smem:$0x7D6]  }
0x37c: {  	[tilespmem:s5], [sflag:$0x1] =	stream.linear.gather [hbm4b:s6+s5], $0x3E8, $0x38;
	[tilespmem:$0x192D8] =	vst v63  }
0x37d: {  	_ = 	snop  }
0x37e: {  	[tilespmem:s22], [sflag:$0x1] =	stream.strided.gather [hbm4b:s12+s18], $0x3E80, s19, s18, $0x38;
	[tilespmem:$0x192D8] =	vst v63  }
0x37f: {  	[bflag:$0x0] =	sbarrier.arrive $0xFFFF  }
0x380: {  	_ =	swait.ge [sflag:s23], $0x3E8  }
0x381: {  	[sflag:s23] =	ssyncset.done $0x0  }
0x382: {  	[sflag:s23] =	ssyncadd.s32 $0xFFFFFC18  }
0x383: {  	_ =	swait.ge [sflag:s23], $0x3E80  }
0x384: {  	[sflag:s23] =	ssyncset.done $0x0  }
0x385: {  	s14 =	sadd.s32 $0x0, s24;
	[sflag:s23] =	ssyncadd.s32 $0xFFFFC180  }
0x386: {  	[tilespmem:s25], [sflag:$0x2] =	stream.linear.gather [hbm4b:s11+s4], $0x3E8, $0x38;
	[tilespmem:$0x192D8] =	vst v63  }
0x387: {  	s12 =	sadd.s32 $0x3E82, s14  }
0x388: {  	[tilespmem:s28], [sflag:$0x2] =	stream.strided.gather [hbm4b:s12+s18], $0x3E80, s19, s18, $0x38;
	[tilespmem:$0x192D8] =	vst v63  }
0x389: {  	_ = 	snop  }
0x38a: {  	[spmem:s2] =	stream.indirect.scatter.add.f32 [tilespmem:s22], [sflag:$0x3], $0x10, s4, s22, $0xb8;
	[tilespmem:$0x192D8] =	vst v63  }
0x38b: {  	_ =	swait.ge [sflag:s20], $0x3E80  }
0x38c: {  	[sflag:s20] =	ssyncset.done $0x0  }
0x38d: {  	[sflag:s20] =	ssyncadd.s32 $0xFFFFC180  }
0x38e: {  	[tilespmem:s4], [sflag:$0x1] =	stream.linear.gather [hbm4b:s15+s4], $0x3E8, $0x38;
	[tilespmem:$0x192D8] =	vst v63  }
0x38f: {  	s5 =	sadd.s32 $0x7D02, s14  }
0x390: {  	[tilespmem:s22], [sflag:$0x1] =	stream.strided.gather [hbm4b:s5+s18], $0x3E80, s19, s18, $0x38;
	[tilespmem:$0x192D8] =	vst v63  }
0x391: {  	_ =	swait.ge [sflag:s29], $0x3E8  }
0x392: {  	[sflag:s29] =	ssyncset.done $0x0  }
0x393: {  	[sflag:s29] =	ssyncadd.s32 $0xFFFFFC18  }
0x394: {  	_ =	swait.ge [sflag:s29], $0x3E80  }
0x395: {  	[sflag:s29] =	ssyncset.done $0x0  }
0x396: {  	[sflag:s29] =	ssyncadd.s32 $0xFFFFC180  }
0x397: {  	[spmem:s2] =	stream.indirect.scatter.add.f32 [tilespmem:s28], [sflag:$0x3], $0x10, s25, s22, $0xb8;
	[tilespmem:$0x192D8] =	vst v63  }
0x398: {  	_ =	swait.ge [sflag:s20], $0x3E80  }
0x399: {  	s30 =	smov.u32 s15;
	s12 =	simm.s32 $0x7D00;
	[sflag:s20] =	ssyncset.done $0x0  }
.LBB2_8:
0x39a: {  	p4 =	sne.s32 s12, $0xB3B00;
	[sflag:s20] =	ssyncadd.s32 $0xFFFFC180;
	s30 =	sadd.s32 $0xFA, s30  }
0x39b: {  	s5 =	smov.u32 s12;
	s12 =	sadd.s32 $0x7D00, s12;
	_ =	swait.ge [sflag:s23], $0x3E8  }
0x39c: {  	[sflag:s23] =	ssyncset.done $0x0  }
0x39d: {  	[sflag:s23] =	ssyncadd.s32 $0xFFFFFC18  }
0x39e: {  	_ =	swait.ge [sflag:s23], $0x3E80  }
0x39f: {  	[sflag:s23] =	ssyncset.done $0x0  }
0x3a0: {  	s14 =	sadd.s32 $0xFFFFFF83, s30;
	s5 =	sadd.s32 s5, s24;
	[sflag:s23] =	ssyncadd.s32 $0xFFFFC180  }
0x3a1: {  	[tilespmem:s25], [sflag:$0x2] =	stream.linear.gather [hbm4b:s14+s4], $0x3E8, $0x38;
	[tilespmem:$0x192D8] =	vst v63  }
0x3a2: {  	s14 =	sadd.s32 $0x3E82, s5  }
0x3a3: {  	[tilespmem:s28], [sflag:$0x2] =	stream.strided.gather [hbm4b:s14+s18], $0x3E80, s19, s18, $0x38;
	[tilespmem:$0x192D8] =	vst v63  }
0x3a4: {  	_ = 	snop  }
0x3a5: {  	[spmem:s2] =	stream.indirect.scatter.add.f32 [tilespmem:s22], [sflag:$0x3], $0x10, s4, s22, $0xb8;
	[tilespmem:$0x192D8] =	vst v63  }
0x3a6: {  	_ =	swait.ge [sflag:s20], $0x3E80  }
0x3a7: {  	[sflag:s20] =	ssyncset.done $0x0  }
0x3a8: {  	[sflag:s20] =	ssyncadd.s32 $0xFFFFC180  }
0x3a9: {  	[tilespmem:s4], [sflag:$0x1] =	stream.linear.gather [hbm4b:s30+s4], $0x3E8, $0x38;
	[tilespmem:$0x192D8] =	vst v63  }
0x3aa: {  	s5 =	sadd.s32 $0x7D02, s5  }
0x3ab: {  	[tilespmem:s22], [sflag:$0x1] =	stream.strided.gather [hbm4b:s5+s18], $0x3E80, s19, s18, $0x38;
	[tilespmem:$0x192D8] =	vst v63  }
0x3ac: {  	_ =	swait.ge [sflag:s29], $0x3E8  }
0x3ad: {  	[sflag:s29] =	ssyncset.done $0x0  }
0x3ae: {  	[sflag:s29] =	ssyncadd.s32 $0xFFFFFC18  }
0x3af: {  	_ =	swait.ge [sflag:s29], $0x3E80  }
.Ltmp11:
0x3b0: {  	[sflag:s29] =	ssyncset.done $0x0;
	(pc) =	sbr.rel @p4 .LBB2_8-.Ltmp11, $4  }
0x3b1: {  	[sflag:s29] =	ssyncadd.s32 $0xFFFFC180  }
0x3b2: {  	[spmem:s2] =	stream.indirect.scatter.add.f32 [tilespmem:s28], [sflag:$0x3], $0x10, s25, s22, $0xb8;
	[tilespmem:$0x192D8] =	vst v63  }
0x3b3: {  	_ =	swait.ge [sflag:s20], $0x3E80  }
0x3b4: {  	[sflag:s20] =	ssyncset.done $0x0  }
0x3b5: {  	[sflag:s20] =	ssyncadd.s32 $0xFFFFC180  }
0x3b6: {  	_ =	swait.ge [sflag:s23], $0x3E8  }
0x3b7: {  	[sflag:s23] =	ssyncset.done $0x0  }
0x3b8: {  	[sflag:s23] =	ssyncadd.s32 $0xFFFFFC18  }
0x3b9: {  	_ =	swait.ge [sflag:s23], $0x3E80  }
0x3ba: {  	[sflag:s23] =	ssyncset.done $0x0  }
0x3bb: {  	s5 =	sld [smem:$0x7EF];
	[sflag:s23] =	ssyncadd.s32 $0xFFFFC180  }
0x3bc: {  	[tilespmem:s25], [sflag:$0x2] =	stream.linear.gather [hbm4b:s17+s4], $0x3E8, $0x38;
	[tilespmem:$0x192D8] =	vst v63  }
0x3bd: {  	_ = 	snop  }
0x3be: {  	[tilespmem:s28], [sflag:$0x2] =	stream.strided.gather [hbm4b:s5+s18], $0x3E80, s19, s18, $0x38;
	[tilespmem:$0x192D8] =	vst v63  }
0x3bf: {  	_ = 	snop  }
0x3c0: {  	[spmem:s2] =	stream.indirect.scatter.add.f32 [tilespmem:s22], [sflag:$0x3], $0x10, s4, s22, $0xb8;
	[tilespmem:$0x192D8] =	vst v63  }
0x3c1: {  	_ =	swait.ge [sflag:s20], $0x3E80  }
0x3c2: {  	[sflag:s20] =	ssyncset.done $0x0  }
0x3c3: {  	[sflag:s20] =	ssyncadd.s32 $0xFFFFC180  }
0x3c4: {  	_ =	swait.ge [sflag:s29], $0x3E8  }
0x3c5: {  	[sflag:s29] =	ssyncset.done $0x0  }
0x3c6: {  	[sflag:s29] =	ssyncadd.s32 $0xFFFFFC18  }
0x3c7: {  	_ =	swait.ge [sflag:s29], $0x3E80  }
0x3c8: {  	[sflag:s29] =	ssyncset.done $0x0  }
0x3c9: {  	[sflag:s29] =	ssyncadd.s32 $0xFFFFC180  }
0x3ca: {  	[spmem:s2] =	stream.indirect.scatter.add.f32 [tilespmem:s28], [sflag:$0x3], $0x10, s25, s22, $0xb8;
	[tilespmem:$0x192D8] =	vst v63  }
0x3cb: {  	_ =	swait.ge [sflag:s20], $0x3E80  }
0x3cc: {  	[sflag:s20] =	ssyncset.done $0x0  }
0x3cd: {  	[sflag:s20] =	ssyncadd.s32 $0xFFFFC180  }
0x3ce: {  	[bflag:$0x0] =	sbarrier.arrive $0xFFFF  }
0x3cf: {  	[tilespmem:s21], [sflag:$0x3] =	stream.linear.gather [spmem:s7], $0x2710, $0x38;
	[tilespmem:$0x192D8] =	vst v63  }
0x3d0: {  	_ =	swait.ge [sflag:s20], $0x2710  }
0x3d1: {  	[sflag:s20] =	ssyncset.done $0x0  }
0x3d2: {  	s12 =	rddreg [dreg:$0xf];
	[sflag:s20] =	ssyncadd.s32 $0xFFFFD8F0  }
0x3d3: {  	[hbm4b:s12+s18] =	stream.strided.scatter [tilespmem:s21], [sflag:$0x3], $0x2710, s19, s18, $0x38;
	[tilespmem:$0x192D8] =	vst v63  }
0x3d4: {  	_ =	swait.ge [sflag:s20], $0x2710  }
0x3d5: {  	[sflag:s20] =	ssyncset.done $0x0  }
0x3d6: {  	[sflag:s20] =	ssyncadd.s32 $0xFFFFD8F0  }
0x3d7: {  	[tilespmem:s21], [sflag:$0x3] =	stream.linear.gather [spmem:s31], $0x2710, $0x38;
	[tilespmem:$0x192D8] =	vst v63  }
0x3d8: {  	_ =	swait.ge [sflag:s20], $0x2710  }
0x3d9: {  	[sflag:s20] =	ssyncset.done $0x0  }
0x3da: {  	s14 =	rddreg [dreg:$0x10];
	[sflag:s20] =	ssyncadd.s32 $0xFFFFD8F0  }
0x3db: {  	[hbm4b:s14+s18] =	stream.strided.scatter [tilespmem:s21], [sflag:$0x3], $0x2710, s19, s18, $0x38;
	[tilespmem:$0x192D8] =	vst v63  }
0x3dc: {  	_ =	swait.ge [sflag:s20], $0x2710  }
0x3dd: {  	[sflag:s20] =	ssyncset.done $0x0  }
0x3de: {  	[sflag:s20] =	ssyncadd.s32 $0xFFFFD8F0  }
0x3df: {  	[tilespmem:s21], [sflag:$0x3] =	stream.linear.gather [spmem:s0], $0x2710, $0x38;
	[tilespmem:$0x192D8] =	vst v63  }
0x3e0: {  	_ =	swait.ge [sflag:s20], $0x2710  }
0x3e1: {  	[sflag:s20] =	ssyncset.done $0x0  }
0x3e2: {  	s12 =	rddreg [dreg:$0x11];
	[sflag:s20] =	ssyncadd.s32 $0xFFFFD8F0  }
0x3e3: {  	[hbm4b:s12+s18] =	stream.strided.scatter [tilespmem:s21], [sflag:$0x3], $0x2710, s19, s18, $0x38;
	[tilespmem:$0x192D8] =	vst v63  }
0x3e4: {  	_ =	swait.ge [sflag:s20], $0x2710  }
0x3e5: {  	[sflag:s20] =	ssyncset.done $0x0  }
0x3e6: {  	[sflag:s20] =	ssyncadd.s32 $0xFFFFD8F0  }
0x3e7: {  	[tilespmem:s21], [sflag:$0x3] =	stream.linear.gather [spmem:s10], $0x2710, $0x38;
	[tilespmem:$0x192D8] =	vst v63  }
0x3e8: {  	_ =	swait.ge [sflag:s20], $0x2710  }
0x3e9: {  	[sflag:s20] =	ssyncset.done $0x0  }
0x3ea: {  	s14 =	rddreg [dreg:$0x12];
	[sflag:s20] =	ssyncadd.s32 $0xFFFFD8F0  }
0x3eb: {  	[hbm4b:s14+s18] =	stream.strided.scatter [tilespmem:s21], [sflag:$0x3], $0x2710, s19, s18, $0x38;
	[tilespmem:$0x192D8] =	vst v63  }
0x3ec: {  	_ =	swait.ge [sflag:s20], $0x2710  }
0x3ed: {  	[sflag:s20] =	ssyncset.done $0x0  }
0x3ee: {  	[sflag:s20] =	ssyncadd.s32 $0xFFFFD8F0  }
0x3ef: {  	[tilespmem:s21], [sflag:$0x3] =	stream.linear.gather [spmem:s16], $0x2710, $0x38;
	[tilespmem:$0x192D8] =	vst v63  }
0x3f0: {  	_ =	swait.ge [sflag:s20], $0x2710  }
0x3f1: {  	[sflag:s20] =	ssyncset.done $0x0  }
0x3f2: {  	s12 =	rddreg [dreg:$0x13];
	[sflag:s20] =	ssyncadd.s32 $0xFFFFD8F0  }
0x3f3: {  	[hbm4b:s12+s18] =	stream.strided.scatter [tilespmem:s21], [sflag:$0x3], $0x2710, s19, s18, $0x38;
	[tilespmem:$0x192D8] =	vst v63  }
0x3f4: {  	_ =	swait.ge [sflag:s20], $0x2710  }
0x3f5: {  	[sflag:s20] =	ssyncset.done $0x0  }
0x3f6: {  	[sflag:s20] =	ssyncadd.s32 $0xFFFFD8F0  }
0x3f7: {  	s5 =	simm.s32 @!p1 $0x1C03;
	[bflag:$0x0] =	sbarrier.arrive $0xFFFF  }
0x3f8: {  	[spmem:s9], [sflag:s5] =	dma.local @!p1 [hbm:s1], $0x186A0  }
0x3f9: {  	s5 =	simm.s32 @!p1 $0x3  }
0x3fa: {  	_ =	swait.ge @!p1 [sflag:s5], $0x186A0  }
0x3fb: {  	[sflag:s5] =	ssyncset.done @!p1 $0x0  }
0x3fc: {  	s14 =	simm.s32 $0x0;
	s12 =	sld [smem:$0x7D7];
	[sflag:s5] =	ssyncadd.s32 @!p1 $0xFFFE7960  }
0x3fd: {  	[tilespmem:s14], [sflag:$0x1] =	stream.linear.gather [hbm4b:s6+s14], $0x3E8, $0x38;
	[tilespmem:$0x192D8] =	vst v63  }
0x3fe: {  	_ = 	snop  }
0x3ff: {  	[tilespmem:s22], [sflag:$0x1] =	stream.strided.gather [hbm4b:s12+s18], $0x3E80, s19, s18, $0x38;
	[tilespmem:$0x192D8] =	vst v63  }
0x400: {  	[bflag:$0x0] =	sbarrier.arrive $0xFFFF  }
0x401: {  	_ =	swait.ge [sflag:s23], $0x3E8  }
0x402: {  	[sflag:s23] =	ssyncset.done $0x0  }
0x403: {  	[sflag:s23] =	ssyncadd.s32 $0xFFFFFC18  }
0x404: {  	_ =	swait.ge [sflag:s23], $0x3E80  }
0x405: {  	[sflag:s23] =	ssyncset.done $0x0  }
0x406: {  	s14 =	sadd.s32 $0x0, s24;
	[sflag:s23] =	ssyncadd.s32 $0xFFFFC180  }
0x407: {  	[tilespmem:s25], [sflag:$0x2] =	stream.linear.gather [hbm4b:s11+s4], $0x3E8, $0x38;
	[tilespmem:$0x192D8] =	vst v63  }
0x408: {  	s12 =	sadd.s32 $0x3E84, s14  }
0x409: {  	[tilespmem:s28], [sflag:$0x2] =	stream.strided.gather [hbm4b:s12+s18], $0x3E80, s19, s18, $0x38;
	[tilespmem:$0x192D8] =	vst v63  }
0x40a: {  	_ = 	snop  }
0x40b: {  	[spmem:s2] =	stream.indirect.scatter.add.f32 [tilespmem:s22], [sflag:$0x3], $0x10, s4, s22, $0xb8;
	[tilespmem:$0x192D8] =	vst v63  }
0x40c: {  	_ =	swait.ge [sflag:s20], $0x3E80  }
0x40d: {  	[sflag:s20] =	ssyncset.done $0x0  }
0x40e: {  	[sflag:s20] =	ssyncadd.s32 $0xFFFFC180  }
0x40f: {  	[tilespmem:s4], [sflag:$0x1] =	stream.linear.gather [hbm4b:s15+s4], $0x3E8, $0x38;
	[tilespmem:$0x192D8] =	vst v63  }
0x410: {  	s5 =	sadd.s32 $0x7D04, s14  }
0x411: {  	[tilespmem:s22], [sflag:$0x1] =	stream.strided.gather [hbm4b:s5+s18], $0x3E80, s19, s18, $0x38;
	[tilespmem:$0x192D8] =	vst v63  }
0x412: {  	_ =	swait.ge [sflag:s29], $0x3E8  }
0x413: {  	[sflag:s29] =	ssyncset.done $0x0  }
0x414: {  	[sflag:s29] =	ssyncadd.s32 $0xFFFFFC18  }
0x415: {  	_ =	swait.ge [sflag:s29], $0x3E80  }
0x416: {  	[sflag:s29] =	ssyncset.done $0x0  }
0x417: {  	[sflag:s29] =	ssyncadd.s32 $0xFFFFC180  }
0x418: {  	[spmem:s2] =	stream.indirect.scatter.add.f32 [tilespmem:s28], [sflag:$0x3], $0x10, s25, s22, $0xb8;
	[tilespmem:$0x192D8] =	vst v63  }
0x419: {  	_ =	swait.ge [sflag:s20], $0x3E80  }
0x41a: {  	s30 =	smov.u32 s15;
	s12 =	simm.s32 $0x7D00;
	[sflag:s20] =	ssyncset.done $0x0  }
.LBB2_10:
0x41b: {  	p4 =	sne.s32 s12, $0xB3B00;
	[sflag:s20] =	ssyncadd.s32 $0xFFFFC180;
	s30 =	sadd.s32 $0xFA, s30  }
0x41c: {  	s5 =	smov.u32 s12;
	s12 =	sadd.s32 $0x7D00, s12;
	_ =	swait.ge [sflag:s23], $0x3E8  }
0x41d: {  	[sflag:s23] =	ssyncset.done $0x0  }
0x41e: {  	[sflag:s23] =	ssyncadd.s32 $0xFFFFFC18  }
0x41f: {  	_ =	swait.ge [sflag:s23], $0x3E80  }
0x420: {  	[sflag:s23] =	ssyncset.done $0x0  }
0x421: {  	s14 =	sadd.s32 $0xFFFFFF83, s30;
	s5 =	sadd.s32 s5, s24;
	[sflag:s23] =	ssyncadd.s32 $0xFFFFC180  }
0x422: {  	[tilespmem:s25], [sflag:$0x2] =	stream.linear.gather [hbm4b:s14+s4], $0x3E8, $0x38;
	[tilespmem:$0x192D8] =	vst v63  }
0x423: {  	s14 =	sadd.s32 $0x3E84, s5  }
0x424: {  	[tilespmem:s28], [sflag:$0x2] =	stream.strided.gather [hbm4b:s14+s18], $0x3E80, s19, s18, $0x38;
	[tilespmem:$0x192D8] =	vst v63  }
0x425: {  	_ = 	snop  }
0x426: {  	[spmem:s2] =	stream.indirect.scatter.add.f32 [tilespmem:s22], [sflag:$0x3], $0x10, s4, s22, $0xb8;
	[tilespmem:$0x192D8] =	vst v63  }
0x427: {  	_ =	swait.ge [sflag:s20], $0x3E80  }
0x428: {  	[sflag:s20] =	ssyncset.done $0x0  }
0x429: {  	[sflag:s20] =	ssyncadd.s32 $0xFFFFC180  }
0x42a: {  	[tilespmem:s4], [sflag:$0x1] =	stream.linear.gather [hbm4b:s30+s4], $0x3E8, $0x38;
	[tilespmem:$0x192D8] =	vst v63  }
0x42b: {  	s5 =	sadd.s32 $0x7D04, s5  }
0x42c: {  	[tilespmem:s22], [sflag:$0x1] =	stream.strided.gather [hbm4b:s5+s18], $0x3E80, s19, s18, $0x38;
	[tilespmem:$0x192D8] =	vst v63  }
0x42d: {  	_ =	swait.ge [sflag:s29], $0x3E8  }
0x42e: {  	[sflag:s29] =	ssyncset.done $0x0  }
0x42f: {  	[sflag:s29] =	ssyncadd.s32 $0xFFFFFC18  }
0x430: {  	_ =	swait.ge [sflag:s29], $0x3E80  }
.Ltmp12:
0x431: {  	[sflag:s29] =	ssyncset.done $0x0;
	(pc) =	sbr.rel @p4 .LBB2_10-.Ltmp12, $4  }
0x432: {  	[sflag:s29] =	ssyncadd.s32 $0xFFFFC180  }
0x433: {  	[spmem:s2] =	stream.indirect.scatter.add.f32 [tilespmem:s28], [sflag:$0x3], $0x10, s25, s22, $0xb8;
	[tilespmem:$0x192D8] =	vst v63  }
0x434: {  	_ =	swait.ge [sflag:s20], $0x3E80  }
0x435: {  	[sflag:s20] =	ssyncset.done $0x0  }
0x436: {  	[sflag:s20] =	ssyncadd.s32 $0xFFFFC180  }
0x437: {  	_ =	swait.ge [sflag:s23], $0x3E8  }
0x438: {  	[sflag:s23] =	ssyncset.done $0x0  }
0x439: {  	[sflag:s23] =	ssyncadd.s32 $0xFFFFFC18  }
0x43a: {  	_ =	swait.ge [sflag:s23], $0x3E80  }
0x43b: {  	[sflag:s23] =	ssyncset.done $0x0  }
0x43c: {  	s5 =	sld [smem:$0x7F0];
	[sflag:s23] =	ssyncadd.s32 $0xFFFFC180  }
0x43d: {  	[tilespmem:s25], [sflag:$0x2] =	stream.linear.gather [hbm4b:s17+s4], $0x3E8, $0x38;
	[tilespmem:$0x192D8] =	vst v63  }
0x43e: {  	_ = 	snop  }
0x43f: {  	[tilespmem:s28], [sflag:$0x2] =	stream.strided.gather [hbm4b:s5+s18], $0x3E80, s19, s18, $0x38;
	[tilespmem:$0x192D8] =	vst v63  }
0x440: {  	_ = 	snop  }
0x441: {  	[spmem:s2] =	stream.indirect.scatter.add.f32 [tilespmem:s22], [sflag:$0x3], $0x10, s4, s22, $0xb8;
	[tilespmem:$0x192D8] =	vst v63  }
0x442: {  	_ =	swait.ge [sflag:s20], $0x3E80  }
0x443: {  	[sflag:s20] =	ssyncset.done $0x0  }
0x444: {  	[sflag:s20] =	ssyncadd.s32 $0xFFFFC180  }
0x445: {  	_ =	swait.ge [sflag:s29], $0x3E8  }
0x446: {  	[sflag:s29] =	ssyncset.done $0x0  }
0x447: {  	[sflag:s29] =	ssyncadd.s32 $0xFFFFFC18  }
0x448: {  	_ =	swait.ge [sflag:s29], $0x3E80  }
0x449: {  	[sflag:s29] =	ssyncset.done $0x0  }
0x44a: {  	[sflag:s29] =	ssyncadd.s32 $0xFFFFC180  }
0x44b: {  	[spmem:s2] =	stream.indirect.scatter.add.f32 [tilespmem:s28], [sflag:$0x3], $0x10, s25, s22, $0xb8;
	[tilespmem:$0x192D8] =	vst v63  }
0x44c: {  	_ =	swait.ge [sflag:s20], $0x3E80  }
0x44d: {  	[sflag:s20] =	ssyncset.done $0x0  }
0x44e: {  	[sflag:s20] =	ssyncadd.s32 $0xFFFFC180  }
0x44f: {  	[bflag:$0x0] =	sbarrier.arrive $0xFFFF  }
0x450: {  	[tilespmem:s21], [sflag:$0x3] =	stream.linear.gather [spmem:s7], $0x2710, $0x38;
	[tilespmem:$0x192D8] =	vst v63  }
0x451: {  	_ =	swait.ge [sflag:s20], $0x2710  }
0x452: {  	[sflag:s20] =	ssyncset.done $0x0  }
0x453: {  	s14 =	rddreg [dreg:$0x14];
	[sflag:s20] =	ssyncadd.s32 $0xFFFFD8F0  }
0x454: {  	[hbm4b:s14+s18] =	stream.strided.scatter [tilespmem:s21], [sflag:$0x3], $0x2710, s19, s18, $0x38;
	[tilespmem:$0x192D8] =	vst v63  }
0x455: {  	_ =	swait.ge [sflag:s20], $0x2710  }
0x456: {  	[sflag:s20] =	ssyncset.done $0x0  }
0x457: {  	[sflag:s20] =	ssyncadd.s32 $0xFFFFD8F0  }
0x458: {  	[tilespmem:s21], [sflag:$0x3] =	stream.linear.gather [spmem:s31], $0x2710, $0x38;
	[tilespmem:$0x192D8] =	vst v63  }
0x459: {  	_ =	swait.ge [sflag:s20], $0x2710  }
0x45a: {  	[sflag:s20] =	ssyncset.done $0x0  }
0x45b: {  	s30 =	rddreg [dreg:$0x15];
	[sflag:s20] =	ssyncadd.s32 $0xFFFFD8F0  }
0x45c: {  	[hbm4b:s30+s18] =	stream.strided.scatter [tilespmem:s21], [sflag:$0x3], $0x2710, s19, s18, $0x38;
	[tilespmem:$0x192D8] =	vst v63  }
0x45d: {  	_ =	swait.ge [sflag:s20], $0x2710  }
0x45e: {  	[sflag:s20] =	ssyncset.done $0x0  }
0x45f: {  	[sflag:s20] =	ssyncadd.s32 $0xFFFFD8F0  }
0x460: {  	[tilespmem:s21], [sflag:$0x3] =	stream.linear.gather [spmem:s0], $0x2710, $0x38;
	[tilespmem:$0x192D8] =	vst v63  }
0x461: {  	_ =	swait.ge [sflag:s20], $0x2710  }
0x462: {  	[sflag:s20] =	ssyncset.done $0x0  }
0x463: {  	s12 =	rddreg [dreg:$0x16];
	[sflag:s20] =	ssyncadd.s32 $0xFFFFD8F0  }
0x464: {  	[hbm4b:s12+s18] =	stream.strided.scatter [tilespmem:s21], [sflag:$0x3], $0x2710, s19, s18, $0x38;
	[tilespmem:$0x192D8] =	vst v63  }
0x465: {  	_ =	swait.ge [sflag:s20], $0x2710  }
0x466: {  	[sflag:s20] =	ssyncset.done $0x0  }
0x467: {  	[sflag:s20] =	ssyncadd.s32 $0xFFFFD8F0  }
0x468: {  	[tilespmem:s21], [sflag:$0x3] =	stream.linear.gather [spmem:s10], $0x2710, $0x38;
	[tilespmem:$0x192D8] =	vst v63  }
0x469: {  	_ =	swait.ge [sflag:s20], $0x2710  }
0x46a: {  	[sflag:s20] =	ssyncset.done $0x0  }
0x46b: {  	s14 =	rddreg [dreg:$0x17];
	[sflag:s20] =	ssyncadd.s32 $0xFFFFD8F0  }
0x46c: {  	[hbm4b:s14+s18] =	stream.strided.scatter [tilespmem:s21], [sflag:$0x3], $0x2710, s19, s18, $0x38;
	[tilespmem:$0x192D8] =	vst v63  }
0x46d: {  	_ =	swait.ge [sflag:s20], $0x2710  }
0x46e: {  	[sflag:s20] =	ssyncset.done $0x0  }
0x46f: {  	[sflag:s20] =	ssyncadd.s32 $0xFFFFD8F0  }
0x470: {  	[tilespmem:s21], [sflag:$0x3] =	stream.linear.gather [spmem:s16], $0x2710, $0x38;
	[tilespmem:$0x192D8] =	vst v63  }
0x471: {  	_ =	swait.ge [sflag:s20], $0x2710  }
0x472: {  	[sflag:s20] =	ssyncset.done $0x0  }
0x473: {  	s30 =	rddreg [dreg:$0x18];
	[sflag:s20] =	ssyncadd.s32 $0xFFFFD8F0  }
0x474: {  	[hbm4b:s30+s18] =	stream.strided.scatter [tilespmem:s21], [sflag:$0x3], $0x2710, s19, s18, $0x38;
	[tilespmem:$0x192D8] =	vst v63  }
0x475: {  	_ =	swait.ge [sflag:s20], $0x2710  }
0x476: {  	[sflag:s20] =	ssyncset.done $0x0  }
0x477: {  	[sflag:s20] =	ssyncadd.s32 $0xFFFFD8F0  }
0x478: {  	s5 =	simm.s32 @!p1 $0x1C03;
	[bflag:$0x0] =	sbarrier.arrive $0xFFFF  }
0x479: {  	[spmem:s9], [sflag:s5] =	dma.local @!p1 [hbm:s1], $0x186A0  }
0x47a: {  	s5 =	simm.s32 @!p1 $0x3  }
0x47b: {  	_ =	swait.ge @!p1 [sflag:s5], $0x186A0  }
0x47c: {  	[sflag:s5] =	ssyncset.done @!p1 $0x0  }
0x47d: {  	s9 =	simm.s32 $0x0;
	s12 =	sld [smem:$0x7D9];
	[sflag:s5] =	ssyncadd.s32 @!p1 $0xFFFE7960  }
0x47e: {  	[tilespmem:s9], [sflag:$0x1] =	stream.linear.gather [hbm4b:s6+s9], $0x3E8, $0x38;
	[tilespmem:$0x192D8] =	vst v63  }
0x47f: {  	_ = 	snop  }
0x480: {  	[tilespmem:s22], [sflag:$0x1] =	stream.strided.gather [hbm4b:s12+s18], $0x3E80, s19, s18, $0x38;
	[tilespmem:$0x192D8] =	vst v63  }
0x481: {  	[bflag:$0x0] =	sbarrier.arrive $0xFFFF  }
0x482: {  	_ =	swait.ge [sflag:s23], $0x3E8  }
0x483: {  	[sflag:s23] =	ssyncset.done $0x0  }
0x484: {  	[sflag:s23] =	ssyncadd.s32 $0xFFFFFC18  }
0x485: {  	_ =	swait.ge [sflag:s23], $0x3E80  }
0x486: {  	[sflag:s23] =	ssyncset.done $0x0  }
0x487: {  	s14 =	sadd.s32 $0x0, s24;
	[sflag:s23] =	ssyncadd.s32 $0xFFFFC180  }
0x488: {  	[tilespmem:s25], [sflag:$0x2] =	stream.linear.gather [hbm4b:s11+s4], $0x3E8, $0x38;
	[tilespmem:$0x192D8] =	vst v63  }
0x489: {  	s30 =	sadd.s32 $0x3E86, s14  }
0x48a: {  	[tilespmem:s28], [sflag:$0x2] =	stream.strided.gather [hbm4b:s30+s18], $0x3E80, s19, s18, $0x38;
	[tilespmem:$0x192D8] =	vst v63  }
0x48b: {  	_ = 	snop  }
0x48c: {  	[spmem:s2] =	stream.indirect.scatter.add.f32 [tilespmem:s22], [sflag:$0x3], $0x10, s4, s22, $0xb8;
	[tilespmem:$0x192D8] =	vst v63  }
0x48d: {  	_ =	swait.ge [sflag:s20], $0x3E80  }
0x48e: {  	[sflag:s20] =	ssyncset.done $0x0  }
0x48f: {  	[sflag:s20] =	ssyncadd.s32 $0xFFFFC180  }
0x490: {  	[tilespmem:s4], [sflag:$0x1] =	stream.linear.gather [hbm4b:s15+s4], $0x3E8, $0x38;
	[tilespmem:$0x192D8] =	vst v63  }
0x491: {  	s5 =	sadd.s32 $0x7D06, s14  }
0x492: {  	[tilespmem:s22], [sflag:$0x1] =	stream.strided.gather [hbm4b:s5+s18], $0x3E80, s19, s18, $0x38;
	[tilespmem:$0x192D8] =	vst v63  }
0x493: {  	_ =	swait.ge [sflag:s29], $0x3E8  }
0x494: {  	[sflag:s29] =	ssyncset.done $0x0  }
0x495: {  	[sflag:s29] =	ssyncadd.s32 $0xFFFFFC18  }
0x496: {  	_ =	swait.ge [sflag:s29], $0x3E80  }
0x497: {  	[sflag:s29] =	ssyncset.done $0x0  }
0x498: {  	[sflag:s29] =	ssyncadd.s32 $0xFFFFC180  }
0x499: {  	[spmem:s2] =	stream.indirect.scatter.add.f32 [tilespmem:s28], [sflag:$0x3], $0x10, s25, s22, $0xb8;
	[tilespmem:$0x192D8] =	vst v63  }
0x49a: {  	_ =	swait.ge [sflag:s20], $0x3E80  }
0x49b: {  	s9 =	simm.s32 $0x7D00;
	s11 =	smov.u32 s15;
	[sflag:s20] =	ssyncset.done $0x0  }
.LBB2_12:
0x49c: {  	p4 =	seq.s32 s9, $0xB3B00;
	[sflag:s20] =	ssyncadd.s32 $0xFFFFC180;
	s11 =	sadd.s32 $0xFA, s11  }
0x49d: {  	s5 =	smov.u32 s9;
	s9 =	sadd.s32 $0x7D00, s9;
	_ =	swait.ge [sflag:s23], $0x3E8  }
0x49e: {  	[sflag:s23] =	ssyncset.done $0x0  }
0x49f: {  	[sflag:s23] =	ssyncadd.s32 $0xFFFFFC18  }
0x4a0: {  	_ =	swait.ge [sflag:s23], $0x3E80  }
0x4a1: {  	[sflag:s23] =	ssyncset.done $0x0  }
0x4a2: {  	s12 =	sadd.s32 $0xFFFFFF83, s11;
	s5 =	sadd.s32 s5, s24;
	[sflag:s23] =	ssyncadd.s32 $0xFFFFC180  }
0x4a3: {  	[tilespmem:s25], [sflag:$0x2] =	stream.linear.gather [hbm4b:s12+s4], $0x3E8, $0x38;
	[tilespmem:$0x192D8] =	vst v63  }
0x4a4: {  	s12 =	sadd.s32 $0x3E86, s5  }
0x4a5: {  	[tilespmem:s28], [sflag:$0x2] =	stream.strided.gather [hbm4b:s12+s18], $0x3E80, s19, s18, $0x38;
	[tilespmem:$0x192D8] =	vst v63  }
0x4a6: {  	_ = 	snop  }
0x4a7: {  	[spmem:s2] =	stream.indirect.scatter.add.f32 [tilespmem:s22], [sflag:$0x3], $0x10, s4, s22, $0xb8;
	[tilespmem:$0x192D8] =	vst v63  }
0x4a8: {  	_ =	swait.ge [sflag:s20], $0x3E80  }
0x4a9: {  	[sflag:s20] =	ssyncset.done $0x0  }
0x4aa: {  	[sflag:s20] =	ssyncadd.s32 $0xFFFFC180  }
0x4ab: {  	[tilespmem:s4], [sflag:$0x1] =	stream.linear.gather [hbm4b:s11+s4], $0x3E8, $0x38;
	[tilespmem:$0x192D8] =	vst v63  }
0x4ac: {  	s5 =	sadd.s32 $0x7D06, s5  }
0x4ad: {  	[tilespmem:s22], [sflag:$0x1] =	stream.strided.gather [hbm4b:s5+s18], $0x3E80, s19, s18, $0x38;
	[tilespmem:$0x192D8] =	vst v63  }
0x4ae: {  	_ =	swait.ge [sflag:s29], $0x3E8  }
0x4af: {  	[sflag:s29] =	ssyncset.done $0x0  }
0x4b0: {  	[sflag:s29] =	ssyncadd.s32 $0xFFFFFC18  }
0x4b1: {  	_ =	swait.ge [sflag:s29], $0x3E80  }
.Ltmp13:
0x4b2: {  	[sflag:s29] =	ssyncset.done $0x0;
	(pc) =	sbr.rel @!p4 .LBB2_12-.Ltmp13, $4  }
0x4b3: {  	[sflag:s29] =	ssyncadd.s32 $0xFFFFC180  }
0x4b4: {  	[spmem:s2] =	stream.indirect.scatter.add.f32 [tilespmem:s28], [sflag:$0x3], $0x10, s25, s22, $0xb8;
	[tilespmem:$0x192D8] =	vst v63  }
0x4b5: {  	_ =	swait.ge [sflag:s20], $0x3E80  }
0x4b6: {  	[sflag:s20] =	ssyncset.done $0x0  }
.Ltmp14:
0x4b7: {  	(pc) =	sbr.rel .LBB2_23-.Ltmp14, $3  }
0x4b8: {  	_ =	sdelay $0x1  }
0x4b9: {  	s11 =	sld [smem:$0x7D8]  }
0x4ba: {  	[sflag:s20] =	ssyncadd.s32 $0xFFFFC180;
	s9 =	sld [smem:$0x7E4]  }
.LBB2_24:
0x4bb: {  	_ =	sfence.sel $0x180000  }
0x4bc: {  	[bflag:$0x0] =	sbarrier.arrive $0xFFFF  }
0x4bd: {  	_ =	strace $0x9000004A  }
0x4be: {  	[bflag:$0x2] =	sbarrier.arrive $0xFFFF  }
0x4bf: {  	s0 =	rddreg [dreg:$0x4]  }
0x4c0: {  	s0 =	sadd.s32 @!p1 $0x100000, s0  }
0x4c1: {  	[sflag:s0] =	ssyncadd.tile.s32 @!p1 $0x1;
	_ =	shalt  }
.Lfunc_end2:
_tile_overlayer_lowered:
.L_overlay_start_2:
0x4c2: {  	(tag) =	ssettag $0x2  }
0x4c3: {  	s0 =	rddreg [dreg:$0x0];
	s2 =	stileid.u32  }
0x4c4: {  	s1 =	rddreg [dreg:$0x1];
	p0 =	sne.s32 s2, $0x0  }
0x4c5: {  	s3 =	rddreg [dreg:$0x2];
	[bflag:$0x3] =	sbarrier.arrive $0xFFFF;
	s2 =	simm.s32 @!p0 $0x1C03  }
0x4c6: {  	[timem:s3], [sflag:s2] =	dma.local @!p0 [hbm:s0], s1  }
0x4c7: {  	s0 =	simm.s32 @!p0 $0x3  }
0x4c8: {  	_ =	swait.ge @!p0 [sflag:s0], s1  }
0x4c9: {  	s1 =	ssub.s32 @!p0 $0x0, s1;
	[sflag:s0] =	ssyncset.done @!p0 $0x0  }
0x4ca: {  	[sflag:s0] =	ssyncadd.s32 @!p0 s1  }
0x4cb: {  	[bflag:$0x3] =	sbarrier.arrive $0xFFFF  }
0x4cc: {  	_ =	shalt  }

</sc_bundles>
